<compile_context>
chip_gen: v7x
topology: tpu7x:2x2x1
jax: 0.10.2.dev20260603
libtpu: 0.0.44.dev20260713+nightly
codegen_flags: <defaults>
</compile_context>

<pallas_src>
import jax
import jax.numpy as jnp
from jax import lax
from jax.experimental import pallas as pl
from jax.experimental.pallas import tpu as pltpu
from jax.experimental.pallas import tpu_sc as plsc

N_ENT = 10000
N_REL = 10000
NT = 320000
DIN = 128
DR = 16
H = 8
DH = 16

NC = 2
NS = 16
NW = NC * NS
EPW = NT // NW
CH = 80
NCHUNK = EPW // CH
N_PAD = 10240
RPT = N_PAD // NS
ZCH = 128

_mesh = plsc.VectorSubcoreMesh(core_axis_name="c", subcore_axis_name="s")


def _zero_vmem(buf, nrow, ncol):
    zv = jnp.zeros((16,), jnp.float32)

    def body(i, _):
        for k in range(ncol // 16):
            buf[i, pl.ds(16 * k, 16)] = zv
        return 0

    lax.fori_loop(0, nrow, body, 0)


def _k3_body(tt_hbm, hh_hbm, rw_hbm, idxcat_hbm, z_hbm,
             idxall, bt0, bh0, br0, bt1, bh1, br1, ob0, ob1,
             g0, g1, w0, w1):
    c = lax.axis_index("c")
    s = lax.axis_index("s")
    wid = s * NC + c

    pltpu.sync_copy(idxcat_hbm.at[pl.ds(wid * EPW * 3, EPW * 3)], idxall)

    bt = (bt0, bt1)
    bh = (bh0, bh1)
    br = (br0, br1)
    ob = (ob0, ob1)
    gsem = (g0, g1)
    wsem = (w0, w1)

    def gathers(ci, b):
        o = ci * 3 * CH
        pltpu.async_copy(hh_hbm.at[idxall.at[pl.ds(o, CH)]], bh[b], gsem[b])
        pltpu.async_copy(rw_hbm.at[idxall.at[pl.ds(o + CH, CH)]], br[b], gsem[b])
        pltpu.async_copy(tt_hbm.at[idxall.at[pl.ds(o + 2 * CH, CH)]], bt[b], gsem[b])

    def wait_gathers(b):
        sl = pl.ds(0, CH)
        pltpu.make_async_copy(tt_hbm.at[idxall.at[sl]], bt[b], gsem[b]).wait()
        pltpu.make_async_copy(hh_hbm.at[idxall.at[sl]], bh[b], gsem[b]).wait()
        pltpu.make_async_copy(rw_hbm.at[idxall.at[sl]], br[b], gsem[b]).wait()

    def compute(b):
        tb, hb, rb, o = bt[b], bh[b], br[b], ob[b]

        def row(e, _):
            for k in range(DIN // 16):
                sl = pl.ds(16 * k, 16)
                o[e, sl] = tb[e, sl] + hb[e, sl] + rb[e, sl]
            return 0

        lax.fori_loop(0, CH, row, 0)

    def write(ci, b):
        off = wid * EPW + ci * CH
        pltpu.async_copy(ob[b], z_hbm.at[pl.ds(off, CH)], wsem[b])

    def wait_write(b):
        pltpu.make_async_copy(ob[b], z_hbm.at[pl.ds(0, CH)], wsem[b]).wait()

    gathers(0, 0)

    def pair(k, _):
        ci0 = 2 * k
        gathers(ci0 + 1, 1)
        wait_gathers(0)

        @pl.when(ci0 > 0)
        def _():
            wait_write(0)

        compute(0)
        write(ci0, 0)
        gathers(ci0 + 2, 0)

        @pl.when(ci0 > 0)
        def _():
            wait_write(1)

        wait_gathers(1)
        compute(1)
        write(ci0 + 1, 1)
        return 0

    lax.fori_loop(0, (NCHUNK - 1) // 2, pair, 0)
    wait_gathers(0)
    wait_write(0)
    compute(0)
    write(NCHUNK - 1, 0)
    wait_write(0)
    wait_write(1)


_k3 = pl.kernel(
    _k3_body,
    out_type=jax.ShapeDtypeStruct((NT, DIN), jnp.float32),
    mesh=_mesh,
    scratch_types=[
        pltpu.VMEM((EPW * 3,), jnp.int32),
        pltpu.VMEM((CH, DIN), jnp.float32),
        pltpu.VMEM((CH, DIN), jnp.float32),
        pltpu.VMEM((CH, DIN), jnp.float32),
        pltpu.VMEM((CH, DIN), jnp.float32),
        pltpu.VMEM((CH, DIN), jnp.float32),
        pltpu.VMEM((CH, DIN), jnp.float32),
        pltpu.VMEM((CH, DIN), jnp.float32),
        pltpu.VMEM((CH, DIN), jnp.float32),
        pltpu.SemaphoreType.DMA,
        pltpu.SemaphoreType.DMA,
        pltpu.SemaphoreType.DMA,
        pltpu.SemaphoreType.DMA,
    ],
)


def _k7_body(aw_hbm, ar_hbm, augb_hbm, e_hbm, idxcat_hbm,
             o_hbm, ssum_hbm,
             acc, st0, st1, ih0, ih1, ir0, ir1, it0, it1,
             ba0, ba1, bb0, bb1, be0, be1, g0, g1, w0, w1):
    c = lax.axis_index("c")
    s = lax.axis_index("s")
    wid = s * NC + c

    st = (st0, st1)
    ih = (ih0, ih1)
    ir = (ir0, ir1)
    it = (it0, it1)
    ba = (ba0, ba1)
    bb = (bb0, bb1)
    be = (be0, be1)
    gsem = (g0, g1)
    wsem = (w0, w1)

    _zero_vmem(ba0, CH, DIN)
    for q in range(RPT // CH):
        pltpu.sync_copy(ba0, acc.at[pl.ds(s * RPT + q * CH, CH)])
    plsc.subcore_barrier()

    def sync_idx(ci, b):
        pltpu.sync_copy(idxcat_hbm.at[pl.ds((wid * NCHUNK + ci) * 3 * CH,
                                            3 * CH)], st[b])
        sb = st[b]
        for k in range(CH // 16):
            ih[b][pl.ds(16 * k, 16)] = sb[pl.ds(16 * k, 16)]
            ir[b][pl.ds(16 * k, 16)] = sb[pl.ds(CH + 16 * k, 16)]
            it[b][pl.ds(16 * k, 16)] = sb[pl.ds(2 * CH + 16 * k, 16)]

    def gathers(ci, b):
        off = wid * EPW + ci * CH
        pltpu.async_copy(aw_hbm.at[ih[b]], ba[b], gsem[b])
        pltpu.async_copy(ar_hbm.at[ir[b]], bb[b], gsem[b])
        pltpu.async_copy(e_hbm.at[pl.ds(off * 16, CH * 16)], be[b], gsem[b])

    def wait_gathers(b):
        pltpu.make_async_copy(aw_hbm.at[ih[b]], ba[b], gsem[b]).wait()
        pltpu.make_async_copy(ar_hbm.at[ir[b]], bb[b], gsem[b]).wait()
        pltpu.make_async_copy(e_hbm.at[pl.ds(0, CH * 16)], be[b], gsem[b]).wait()

    def compute(b):
        ab, rb, eb = ba[b], bb[b], be[b]

        def row(e, _):
            ev = eb[pl.ds(e * 16, 16)]
            for j in range(H):
                sl = pl.ds(16 * j, 16)
                ab[e, sl] = (ab[e, sl] + rb[e, sl]) * ev[j]
            return 0

        lax.fori_loop(0, CH, row, 0)

    def scatter(b):
        pltpu.async_copy(ba[b], acc.at[it[b]], wsem[b], add=True)

    def wait_scatter(b):
        pltpu.make_async_copy(ba[b], acc.at[it[b]], wsem[b]).wait()

    sync_idx(0, 0)
    gathers(0, 0)

    def pair(k, _):
        @pl.when(k > 0)
        def _():
            wait_scatter(1)

        sync_idx(2 * k + 1, 1)
        gathers(2 * k + 1, 1)
        wait_gathers(0)
        compute(0)
        scatter(0)
        wait_scatter(0)
        sync_idx(2 * k + 2, 0)
        gathers(2 * k + 2, 0)
        wait_gathers(1)
        compute(1)
        scatter(1)
        return 0

    lax.fori_loop(0, (NCHUNK - 1) // 2, pair, 0)
    wait_scatter(1)
    wait_gathers(0)
    compute(0)
    scatter(0)
    wait_scatter(0)

    plsc.subcore_barrier()
    for q in range(RPT // ZCH):
        r0 = s * RPT + q * ZCH
        pltpu.sync_copy(acc.at[pl.ds(r0, ZCH)], o_hbm.at[c, pl.ds(r0, ZCH)])
    plsc.subcore_barrier()

    _zero_vmem(bb0, CH, DIN)
    for q in range(RPT // CH):
        pltpu.sync_copy(bb0, acc.at[pl.ds(s * RPT + q * CH, CH)])
    plsc.subcore_barrier()

    def sync_idx_t(ci, b):
        sync_idx(ci, b)

    def load_e(ci, b):
        off = wid * EPW + ci * CH
        pltpu.async_copy(augb_hbm.at[ir[b]], ba[b], gsem[b])
        pltpu.async_copy(e_hbm.at[pl.ds(off * 16, CH * 16)], be[b], gsem[b])

    def wait_e(b):
        pltpu.make_async_copy(augb_hbm.at[ir[b]], ba[b], gsem[b]).wait()
        pltpu.make_async_copy(e_hbm.at[pl.ds(0, CH * 16)], be[b], gsem[b]).wait()

    def copy_e(b):
        eb, o = be[b], ba[b]

        def row(e, _):
            o[e, pl.ds(0, 16)] = eb[pl.ds(e * 16, 16)]
            return 0

        lax.fori_loop(0, CH, row, 0)

    sync_idx_t(0, 0)
    load_e(0, 0)

    def pair_b(k, _):
        @pl.when(k > 0)
        def _():
            wait_scatter(1)

        sync_idx_t(2 * k + 1, 1)
        load_e(2 * k + 1, 1)
        wait_e(0)
        copy_e(0)
        scatter(0)
        wait_scatter(0)
        sync_idx_t(2 * k + 2, 0)
        load_e(2 * k + 2, 0)
        wait_e(1)
        copy_e(1)
        scatter(1)
        return 0

    lax.fori_loop(0, (NCHUNK - 1) // 2, pair_b, 0)
    wait_scatter(1)
    wait_e(0)
    copy_e(0)
    scatter(0)
    wait_scatter(0)

    plsc.subcore_barrier()
    for q in range(RPT // ZCH):
        r0 = s * RPT + q * ZCH
        pltpu.sync_copy(acc.at[pl.ds(r0, ZCH)], ssum_hbm.at[c, pl.ds(r0, ZCH)])


_k7 = pl.kernel(
    _k7_body,
    out_type=[
        jax.ShapeDtypeStruct((NC, N_PAD, DIN), jnp.float32),
        jax.ShapeDtypeStruct((NC, N_PAD, DIN), jnp.float32),
    ],
    mesh=_mesh,
    scratch_types=[
        pltpu.VMEM_SHARED((N_PAD, DIN), jnp.float32),
        pltpu.VMEM((3 * CH,), jnp.int32),
        pltpu.VMEM((3 * CH,), jnp.int32),
        pltpu.VMEM((CH,), jnp.int32),
        pltpu.VMEM((CH,), jnp.int32),
        pltpu.VMEM((CH,), jnp.int32),
        pltpu.VMEM((CH,), jnp.int32),
        pltpu.VMEM((CH,), jnp.int32),
        pltpu.VMEM((CH,), jnp.int32),
        pltpu.VMEM((CH, DIN), jnp.float32),
        pltpu.VMEM((CH, DIN), jnp.float32),
        pltpu.VMEM((CH, DIN), jnp.float32),
        pltpu.VMEM((CH, DIN), jnp.float32),
        pltpu.VMEM((CH * 16,), jnp.float32),
        pltpu.VMEM((CH * 16,), jnp.float32),
        pltpu.SemaphoreType.DMA,
        pltpu.SemaphoreType.DMA,
        pltpu.SemaphoreType.DMA,
        pltpu.SemaphoreType.DMA,
    ],
)


def _attn_blockdiag(avf):
    di = lax.broadcasted_iota(jnp.int32, (DIN, 16), 0) // DH
    ji = lax.broadcasted_iota(jnp.int32, (DIN, 16), 1)
    m = jnp.where(di == ji, 1.0, 0.0)
    c16 = jnp.dot(jnp.abs(avf)[None, :], m,
                  preferred_element_type=jnp.float32)[0]
    return avf, m, c16


_K2B = 1000


def _k2_body(emb_ref, rel_ref, aw_ref, ab_ref, gw_ref, gb_ref,
             tt_o, hh_o, rw_o, ag_o, ar_o, augb_o):
    emb = emb_ref[...]
    rel = rel_ref[...]
    W = aw_ref[...]
    Wt, Wh, Wr = W[:, :DIN], W[:, DIN:2 * DIN], W[:, 2 * DIN:]
    GW = gw_ref[...]
    AhW, ArW = GW[:, :DIN], GW[:, DIN:]

    tt_o[...] = jnp.dot(emb, Wt.T, preferred_element_type=jnp.float32) + ab_ref[...]
    hh_o[...] = jnp.dot(emb, Wh.T, preferred_element_type=jnp.float32)
    rw_o[...] = jnp.dot(rel, Wr.T, preferred_element_type=jnp.float32)
    ag_o[...] = jnp.dot(emb, AhW.T, preferred_element_type=jnp.float32) + gb_ref[...]
    ar_o[...] = jnp.dot(rel, ArW.T, preferred_element_type=jnp.float32)

    ci = lax.broadcasted_iota(jnp.int32, (_K2B, DIN), 1)
    relpad = jnp.concatenate(
        [jnp.zeros((_K2B, DR), jnp.float32), rel,
         jnp.zeros((_K2B, DIN - 2 * DR), jnp.float32)], axis=1)
    augb_o[...] = jnp.where(ci == 2 * DR, 1.0, relpad)


def _k2(emb_ent, emb_rel, attn_W, attn_b, aggr_W, aggr_b):
    n = N_ENT // _K2B
    full = lambda shape: pl.BlockSpec(shape, lambda i: tuple(0 for _ in shape))
    row = lambda w: pl.BlockSpec((_K2B, w), lambda i: (i, 0))
    return pl.pallas_call(
        _k2_body,
        grid=(n,),
        in_specs=[
            row(DIN),
            row(DR),
            full((DIN, 2 * DIN + DR)),
            full((DIN,)),
            full((DIN, DIN + DR)),
            full((DIN,)),
        ],
        out_specs=[row(DIN)] * 6,
        out_shape=[
            jax.ShapeDtypeStruct((N_ENT, DIN), jnp.float32),
            jax.ShapeDtypeStruct((N_ENT, DIN), jnp.float32),
            jax.ShapeDtypeStruct((N_REL, DIN), jnp.float32),
            jax.ShapeDtypeStruct((N_ENT, DIN), jnp.float32),
            jax.ShapeDtypeStruct((N_REL, DIN), jnp.float32),
            jax.ShapeDtypeStruct((N_REL, DIN), jnp.float32),
        ],
    )(emb_ent, emb_rel, attn_W, attn_b, aggr_W, aggr_b)


_K4B = 2000


def _k4_body(z_ref, av_ref, e_o):
    avf, m, c16 = _attn_blockdiag(av_ref[...])
    u = jnp.tanh(z_ref[...])
    e_o[...] = jnp.exp(jnp.dot(u * avf, m, preferred_element_type=jnp.float32) - c16)


def _k4(z, attn_vec):
    n = NT // _K4B
    return pl.pallas_call(
        _k4_body,
        grid=(n,),
        in_specs=[
            pl.BlockSpec((_K4B, DIN), lambda i: (i, 0)),
            pl.BlockSpec((DIN,), lambda i: (0,)),
        ],
        out_specs=pl.BlockSpec((_K4B, 16), lambda i: (i, 0)),
        out_shape=jax.ShapeDtypeStruct((NT, 16), jnp.float32),
    )(z, attn_vec)


_K8B = 1000


def _k8_body(op_ref, sp_ref, tt_ref, hh_ref, ag_ref, aw_ref, gw_ref, av_ref,
             out_o):
    O = op_ref[0] + op_ref[1]
    S = sp_ref[0] + sp_ref[1]
    Ssum = S[:, :H]
    self_rel = S[:, DR:2 * DR] / (S[:, 2 * DR:2 * DR + 1] + 1e-16)

    Wr = aw_ref[...][:, 2 * DIN:]
    ArW = gw_ref[...][:, DIN:]
    avf, m, c16 = _attn_blockdiag(av_ref[...])

    zs = tt_ref[...] + hh_ref[...] + jnp.dot(self_rel, Wr.T,
                                             preferred_element_type=jnp.float32)
    es16 = jnp.exp(jnp.dot(jnp.tanh(zs) * avf, m,
                           preferred_element_type=jnp.float32) - c16)
    es = es16[:, :H]
    a_s = (ag_ref[...] + jnp.dot(self_rel, ArW.T,
                                 preferred_element_type=jnp.float32)
           ).reshape(_K8B, H, DH)

    num = O.reshape(_K8B, H, DH) + es[:, :, None] * a_s
    den = (Ssum + es + 1e-16)[:, :, None]
    out_o[...] = (num / den).reshape(_K8B, DIN)


def _k8(oparts, sparts, tt, hh, ag, attn_W, aggr_W, avf):
    n = N_ENT // _K8B
    full = lambda shape: pl.BlockSpec(shape, lambda i: tuple(0 for _ in shape))
    row = lambda w: pl.BlockSpec((_K8B, w), lambda i: (i, 0))
    return pl.pallas_call(
        _k8_body,
        grid=(n,),
        in_specs=[
            pl.BlockSpec((NC, _K8B, DIN), lambda i: (0, i, 0)),
            pl.BlockSpec((NC, _K8B, DIN), lambda i: (0, i, 0)),
            row(DIN),
            row(DIN),
            row(DIN),
            full((DIN, 2 * DIN + DR)),
            full((DIN, DIN + DR)),
            full((DIN,)),
        ],
        out_specs=row(DIN),
        out_shape=jax.ShapeDtypeStruct((N_ENT, DIN), jnp.float32),
    )(oparts, sparts, tt, hh, ag, attn_W, aggr_W, avf)


def kernel(emb_ent, emb_rel, triplets, attn_W, attn_b, attn_vec, aggr_W, aggr_b):
    avf = attn_vec.reshape(DIN)

    idxcat = jnp.swapaxes(triplets.reshape(NW, NCHUNK, CH, 3), 2, 3).reshape(-1)

    tt, hh, rw, ag, ar, augb = _k2(emb_ent, emb_rel, attn_W, attn_b,
                                   aggr_W, aggr_b)
    z = _k3(tt, hh, rw, idxcat)
    e = _k4(z, avf)
    oparts, sparts = _k7(ag, ar, augb, e.reshape(-1), idxcat)
    return _k8(oparts, sparts, tt, hh, ag, attn_W, aggr_W, avf)

# --- scband reference (transcript-rebuilt; emitter-appended) ---
"""Pipeline reference for scband-in-gram-entity-layer-52003464019982 (READ-ONLY COPY).

The authoritative reference and input builder live on the scoring server;
editing this copy changes nothing except your own understanding.
"""

import jax, jax.numpy as jnp
import numpy as np

NUM_ENT = 10000
NUM_REL = 10000
NUM_TRIP = 320000
DIM_IN = 128
DIM_OUT = 128
DIM_REL = 16
NUM_HEAD = 8
DIM_HID = DIM_OUT // NUM_HEAD


def _xavier(key, shape):
    fan_in, fan_out = shape[-1], shape[0] if len(shape) == 2 else shape[-1]
    std = float(np.sqrt(2.0 / (fan_in + fan_out)))
    return jax.random.normal(key, shape, dtype=jnp.float32) * std


def setup_inputs(seed: int = 0) -> dict:
    key = jax.random.key(seed)
    ks = jax.random.split(key, 8)
    emb_ent = jax.random.normal(ks[0], (NUM_ENT, DIM_IN), dtype=jnp.float32)
    emb_rel = jax.random.normal(ks[1], (NUM_REL, DIM_REL), dtype=jnp.float32)
    triplets = jax.random.randint(ks[2], (NUM_TRIP, 3), 0, NUM_ENT, dtype=jnp.int32)
    attn_W = _xavier(ks[3], (DIM_OUT, 2 * DIM_IN + DIM_REL))
    attn_b = jnp.zeros((DIM_OUT,), dtype=jnp.float32)
    attn_vec = _xavier(ks[4], (1, NUM_HEAD, DIM_HID))
    aggr_W = _xavier(ks[5], (DIM_OUT, DIM_IN + DIM_REL))
    aggr_b = jnp.zeros((DIM_OUT,), dtype=jnp.float32)
    return {"emb_ent": emb_ent, "emb_rel": emb_rel, "triplets": triplets,
            "attn_W": attn_W, "attn_b": attn_b, "attn_vec": attn_vec,
            "aggr_W": aggr_W, "aggr_b": aggr_b}


def reference(emb_ent, emb_rel, triplets, attn_W, attn_b, attn_vec, aggr_W, aggr_b):
    num_ent = emb_ent.shape[0]
    H = attn_vec.shape[1]
    dh = attn_vec.shape[2]
    head_idxs = triplets[:, 0]
    rel_idxs = triplets[:, 1]
    tail_idxs = triplets[:, 2]
    ones = jnp.ones((tail_idxs.shape[0],), dtype=jnp.float32)
    ent_freq = jax.ops.segment_sum(ones, tail_idxs, num_segments=num_ent)[:, None]
    ent_freq = ent_freq + 1e-16
    self_rel = jax.ops.segment_sum(emb_rel[rel_idxs], tail_idxs, num_segments=num_ent) / ent_freq
    emb_rels = jnp.concatenate([emb_rel[rel_idxs], self_rel], axis=0)
    ar = jnp.arange(num_ent, dtype=head_idxs.dtype)
    head2 = jnp.concatenate([head_idxs, ar], axis=0)
    tail2 = jnp.concatenate([tail_idxs, ar], axis=0)
    concat_mat_att = jnp.concatenate([emb_ent[tail2], emb_ent[head2], emb_rels], axis=-1)
    proj = jnp.tanh(concat_mat_att @ attn_W.T + attn_b).reshape(-1, H, dh)
    attn_val_raw = (proj * attn_vec).sum(axis=-1, keepdims=True)
    attn_val_max = jax.ops.segment_max(attn_val_raw, tail2, num_segments=num_ent)
    attn_val = jnp.exp(attn_val_raw - attn_val_max[tail2])
    attn_sums = jax.ops.segment_sum(attn_val, tail2, num_segments=num_ent)
    beta = attn_val / (attn_sums[tail2] + 1e-16)
    concat_mat = jnp.concatenate([emb_ent[head2], emb_rels], axis=-1)
    aggr_val = beta * (concat_mat @ aggr_W.T + aggr_b).reshape(-1, H, dh)
    output = jax.ops.segment_sum(aggr_val, tail2, num_segments=num_ent)
    return output.reshape(num_ent, -1)

if __name__ == "__main__":
    import jax
    _d = setup_inputs()
    print(jax.jit(kernel)(*tuple(_d.values())))

</pallas_src>

<mosaic_0001>
#map = affine_map<(d0, d1) -> (0, 0)>
#map1 = affine_map<(d0, d1) -> (0)>
module attributes {stable_mosaic.version = 14 : i64} {
  func.func @_k3_body(%arg0: i32, %arg1: i32, %arg2: memref<10000x128xf32, #tpu.memory_space<hbm>>, %arg3: memref<10000x128xf32, #tpu.memory_space<hbm>>, %arg4: memref<10000x128xf32, #tpu.memory_space<hbm>>, %arg5: memref<960000xi32, #tpu.memory_space<hbm>>, %arg6: memref<320000x128xf32, #tpu.memory_space<hbm>>, %arg7: memref<30000xi32, #tpu.memory_space<vmem>>, %arg8: memref<80x128xf32, #tpu.memory_space<vmem>>, %arg9: memref<80x128xf32, #tpu.memory_space<vmem>>, %arg10: memref<80x128xf32, #tpu.memory_space<vmem>>, %arg11: memref<80x128xf32, #tpu.memory_space<vmem>>, %arg12: memref<80x128xf32, #tpu.memory_space<vmem>>, %arg13: memref<80x128xf32, #tpu.memory_space<vmem>>, %arg14: memref<80x128xf32, #tpu.memory_space<vmem>>, %arg15: memref<80x128xf32, #tpu.memory_space<vmem>>, %arg16: memref<!tpu.dma_semaphore, #tpu.memory_space<semaphore_mem>>, %arg17: memref<!tpu.dma_semaphore, #tpu.memory_space<semaphore_mem>>, %arg18: memref<!tpu.dma_semaphore, #tpu.memory_space<semaphore_mem>>, %arg19: memref<!tpu.dma_semaphore, #tpu.memory_space<semaphore_mem>>) attributes {dimension_semantics = [#tpu.dimension_semantics<core_parallel>, #tpu.dimension_semantics<subcore_parallel>], iteration_bounds = array<i64: 2, 16>, scalar_prefetch = 0 : i64, scratch_operands = 13 : i64, tpu.core_type = #tpu.core_type<sc_vector_subcore>, window_params = [{transform_indices = #map}, {transform_indices = #map}, {transform_indices = #map}, {transform_indices = #map1}, {transform_indices = #map}]} {
    %mul3A = arith.constant 2 : i32
    %mul3A_0 = arith.muli %arg1, %mul3A : i32
    %add3A = arith.addi %mul3A_0, %arg0 : i32
    %mul3A_1 = arith.constant 10000 : i32
    %mul3A_2 = arith.muli %add3A, %mul3A_1 : i32
    %mul3A_3 = arith.constant 3 : i32
    %mul3A_4 = arith.muli %mul3A_2, %mul3A_3 : i32
    "tpu.region"() ({
      %run_scoped3A = tpu.sem_alloc : memref<!tpu.dma_semaphore, #tpu.memory_space<semaphore_mem>>
      %dma_start3A_72 = tpu.memref_slice %arg5[%mul3A_4] : memref<960000xi32, #tpu.memory_space<hbm>> -> memref<30000xi32, #tpu.memory_space<hbm>>
      %dma_start3A_73 = tpu.memref_slice %arg5[%mul3A_4] : memref<960000xi32, #tpu.memory_space<hbm>> -> memref<30000xi32, #tpu.memory_space<hbm>>
      tpu.enqueue_dma source(%dma_start3A_73 : memref<30000xi32, #tpu.memory_space<hbm>>) target(%arg7 : memref<30000xi32, #tpu.memory_space<vmem>>) target_semaphore(%run_scoped3A : memref<!tpu.dma_semaphore, #tpu.memory_space<semaphore_mem>>)
      %dma_wait3A_74 = tpu.memref_slice %arg5[%mul3A_4] : memref<960000xi32, #tpu.memory_space<hbm>> -> memref<30000xi32, #tpu.memory_space<hbm>>
      %dma_wait3A_75 = tpu.memref_slice %arg5[%mul3A_4] : memref<960000xi32, #tpu.memory_space<hbm>> -> memref<30000xi32, #tpu.memory_space<hbm>>
      tpu.wait_dma2 semaphore(%run_scoped3A : memref<!tpu.dma_semaphore, #tpu.memory_space<semaphore_mem>>) src(%dma_wait3A_75 : memref<30000xi32, #tpu.memory_space<hbm>>) dst(%arg7 : memref<30000xi32, #tpu.memory_space<vmem>>)
      tpu.yield
    }) : () -> ()
    %dma_start3A = arith.constant 0 : i32
    %dma_start3A_5 = tpu.memref_slice %arg7[%dma_start3A] : memref<30000xi32, #tpu.memory_space<vmem>> -> memref<80xi32, #tpu.memory_space<vmem>>
    %dma_start3A_6 = arith.constant 0 : i32
    %dma_start3A_7 = arith.constant 0 : i32
    %dma_start3A_8 = tpu.memref_slice %arg3[%dma_start3A_6, %dma_start3A_7] : memref<10000x128xf32, #tpu.memory_space<hbm>> -> memref<10000x128xf32, #tpu.memory_space<hbm>>
    tpu.enqueue_indirect_dma source(%dma_start3A_8 : memref<10000x128xf32, #tpu.memory_space<hbm>>) target(%arg9 : memref<80x128xf32, #tpu.memory_space<vmem>>) offsets(%dma_start3A_5 : memref<80xi32, #tpu.memory_space<vmem>>) semaphore(%arg16 : memref<!tpu.dma_semaphore, #tpu.memory_space<semaphore_mem>>)
    %dma_start3A_9 = arith.constant 80 : i32
    %dma_start3A_10 = tpu.memref_slice %arg7[%dma_start3A_9] : memref<30000xi32, #tpu.memory_space<vmem>> -> memref<80xi32, #tpu.memory_space<vmem>>
    %dma_start3A_11 = arith.constant 0 : i32
    %dma_start3A_12 = arith.constant 0 : i32
    %dma_start3A_13 = tpu.memref_slice %arg4[%dma_start3A_11, %dma_start3A_12] : memref<10000x128xf32, #tpu.memory_space<hbm>> -> memref<10000x128xf32, #tpu.memory_space<hbm>>
    tpu.enqueue_indirect_dma source(%dma_start3A_13 : memref<10000x128xf32, #tpu.memory_space<hbm>>) target(%arg10 : memref<80x128xf32, #tpu.memory_space<vmem>>) offsets(%dma_start3A_10 : memref<80xi32, #tpu.memory_space<vmem>>) semaphore(%arg16 : memref<!tpu.dma_semaphore, #tpu.memory_space<semaphore_mem>>)
    %dma_start3A_14 = arith.constant 160 : i32
    %dma_start3A_15 = tpu.memref_slice %arg7[%dma_start3A_14] : memref<30000xi32, #tpu.memory_space<vmem>> -> memref<80xi32, #tpu.memory_space<vmem>>
    %dma_start3A_16 = arith.constant 0 : i32
    %dma_start3A_17 = arith.constant 0 : i32
    %dma_start3A_18 = tpu.memref_slice %arg2[%dma_start3A_16, %dma_start3A_17] : memref<10000x128xf32, #tpu.memory_space<hbm>> -> memref<10000x128xf32, #tpu.memory_space<hbm>>
    tpu.enqueue_indirect_dma source(%dma_start3A_18 : memref<10000x128xf32, #tpu.memory_space<hbm>>) target(%arg8 : memref<80x128xf32, #tpu.memory_space<vmem>>) offsets(%dma_start3A_15 : memref<80xi32, #tpu.memory_space<vmem>>) semaphore(%arg16 : memref<!tpu.dma_semaphore, #tpu.memory_space<semaphore_mem>>)
    %scan3A = arith.constant 0 : i32
    %scan3A_19 = arith.constant 0 : i32
    %scan3A_20 = arith.constant 62 : i32
    %scan3A_21 = arith.addi %scan3A_19, %scan3A_20 : i32
    %scan3A_22 = arith.constant 1 : i32
    %scan3A_23 = scf.for %scan3A_72 = %scan3A_19 to %scan3A_21 step %scan3A_22 iter_args(%scan3A_73 = %scan3A) -> (i32)  : i32 {
      %mul3A_74 = arith.constant 2 : i32
      %mul3A_75 = arith.muli %mul3A_74, %scan3A_72 : i32
      %add3A_76 = arith.constant 1 : i32
      %add3A_77 = arith.addi %mul3A_75, %add3A_76 : i32
      %mul3A_78 = arith.constant 3 : i32
      %mul3A_79 = arith.muli %add3A_77, %mul3A_78 : i32
      %mul3A_80 = arith.constant 80 : i32
      %mul3A_81 = arith.muli %mul3A_79, %mul3A_80 : i32
      %dma_start3A_82 = tpu.memref_slice %arg7[%mul3A_81] : memref<30000xi32, #tpu.memory_space<vmem>> -> memref<80xi32, #tpu.memory_space<vmem>>
      %dma_start3A_83 = arith.constant 0 : i32
      %dma_start3A_84 = arith.constant 0 : i32
      %dma_start3A_85 = tpu.memref_slice %arg3[%dma_start3A_83, %dma_start3A_84] : memref<10000x128xf32, #tpu.memory_space<hbm>> -> memref<10000x128xf32, #tpu.memory_space<hbm>>
      tpu.enqueue_indirect_dma source(%dma_start3A_85 : memref<10000x128xf32, #tpu.memory_space<hbm>>) target(%arg12 : memref<80x128xf32, #tpu.memory_space<vmem>>) offsets(%dma_start3A_82 : memref<80xi32, #tpu.memory_space<vmem>>) semaphore(%arg17 : memref<!tpu.dma_semaphore, #tpu.memory_space<semaphore_mem>>)
      %add3A_86 = arith.constant 80 : i32
      %add3A_87 = arith.addi %mul3A_81, %add3A_86 : i32
      %dma_start3A_88 = tpu.memref_slice %arg7[%add3A_87] : memref<30000xi32, #tpu.memory_space<vmem>> -> memref<80xi32, #tpu.memory_space<vmem>>
      %dma_start3A_89 = arith.constant 0 : i32
      %dma_start3A_90 = arith.constant 0 : i32
      %dma_start3A_91 = tpu.memref_slice %arg4[%dma_start3A_89, %dma_start3A_90] : memref<10000x128xf32, #tpu.memory_space<hbm>> -> memref<10000x128xf32, #tpu.memory_space<hbm>>
      tpu.enqueue_indirect_dma source(%dma_start3A_91 : memref<10000x128xf32, #tpu.memory_space<hbm>>) target(%arg13 : memref<80x128xf32, #tpu.memory_space<vmem>>) offsets(%dma_start3A_88 : memref<80xi32, #tpu.memory_space<vmem>>) semaphore(%arg17 : memref<!tpu.dma_semaphore, #tpu.memory_space<semaphore_mem>>)
      %add3A_92 = arith.constant 160 : i32
      %add3A_93 = arith.addi %mul3A_81, %add3A_92 : i32
      %dma_start3A_94 = tpu.memref_slice %arg7[%add3A_93] : memref<30000xi32, #tpu.memory_space<vmem>> -> memref<80xi32, #tpu.memory_space<vmem>>
      %dma_start3A_95 = arith.constant 0 : i32
      %dma_start3A_96 = arith.constant 0 : i32
      %dma_start3A_97 = tpu.memref_slice %arg2[%dma_start3A_95, %dma_start3A_96] : memref<10000x128xf32, #tpu.memory_space<hbm>> -> memref<10000x128xf32, #tpu.memory_space<hbm>>
      tpu.enqueue_indirect_dma source(%dma_start3A_97 : memref<10000x128xf32, #tpu.memory_space<hbm>>) target(%arg11 : memref<80x128xf32, #tpu.memory_space<vmem>>) offsets(%dma_start3A_94 : memref<80xi32, #tpu.memory_space<vmem>>) semaphore(%arg17 : memref<!tpu.dma_semaphore, #tpu.memory_space<semaphore_mem>>)
      %dma_wait3A_98 = arith.constant 0 : i32
      %dma_wait3A_99 = tpu.memref_slice %arg7[%dma_wait3A_98] : memref<30000xi32, #tpu.memory_space<vmem>> -> memref<80xi32, #tpu.memory_space<vmem>>
      %dma_wait3A_100 = arith.constant 0 : i32
      %dma_wait3A_101 = arith.constant 0 : i32
      %dma_wait3A_102 = tpu.memref_slice %arg2[%dma_wait3A_100, %dma_wait3A_101] : memref<10000x128xf32, #tpu.memory_space<hbm>> -> memref<10000x128xf32, #tpu.memory_space<hbm>>
      tpu.wait_indirect_dma semaphore(%arg16 : memref<!tpu.dma_semaphore, #tpu.memory_space<semaphore_mem>>) src(%dma_wait3A_102 : memref<10000x128xf32, #tpu.memory_space<hbm>>) dst(%arg8 : memref<80x128xf32, #tpu.memory_space<vmem>>)
      %dma_wait3A_103 = arith.constant 0 : i32
      %dma_wait3A_104 = tpu.memref_slice %arg7[%dma_wait3A_103] : memref<30000xi32, #tpu.memory_space<vmem>> -> memref<80xi32, #tpu.memory_space<vmem>>
      %dma_wait3A_105 = arith.constant 0 : i32
      %dma_wait3A_106 = arith.constant 0 : i32
      %dma_wait3A_107 = tpu.memref_slice %arg3[%dma_wait3A_105, %dma_wait3A_106] : memref<10000x128xf32, #tpu.memory_space<hbm>> -> memref<10000x128xf32, #tpu.memory_space<hbm>>
      tpu.wait_indirect_dma semaphore(%arg16 : memref<!tpu.dma_semaphore, #tpu.memory_space<semaphore_mem>>) src(%dma_wait3A_107 : memref<10000x128xf32, #tpu.memory_space<hbm>>) dst(%arg9 : memref<80x128xf32, #tpu.memory_space<vmem>>)
      %dma_wait3A_108 = arith.constant 0 : i32
      %dma_wait3A_109 = tpu.memref_slice %arg7[%dma_wait3A_108] : memref<30000xi32, #tpu.memory_space<vmem>> -> memref<80xi32, #tpu.memory_space<vmem>>
      %dma_wait3A_110 = arith.constant 0 : i32
      %dma_wait3A_111 = arith.constant 0 : i32
      %dma_wait3A_112 = tpu.memref_slice %arg4[%dma_wait3A_110, %dma_wait3A_111] : memref<10000x128xf32, #tpu.memory_space<hbm>> -> memref<10000x128xf32, #tpu.memory_space<hbm>>
      tpu.wait_indirect_dma semaphore(%arg16 : memref<!tpu.dma_semaphore, #tpu.memory_space<semaphore_mem>>) src(%dma_wait3A_112 : memref<10000x128xf32, #tpu.memory_space<hbm>>) dst(%arg10 : memref<80x128xf32, #tpu.memory_space<vmem>>)
      %gt3A = arith.constant 0 : i32
      %gt3A_113 = arith.cmpi sgt, %mul3A_75, %gt3A : i32
      %convert_element_type3A = arith.extui %gt3A_113 : i1 to i32
      %cond3A = arith.constant 0 : i32
      %cond3A_114 = arith.cmpi ne, %convert_element_type3A, %cond3A : i32
      scf.if %cond3A_114 {
        %dma_wait3A_192 = arith.constant 0 : i32
        %dma_wait3A_193 = arith.constant 0 : i32
        %dma_wait3A_194 = tpu.memref_slice %arg6[%dma_wait3A_192, %dma_wait3A_193] : memref<320000x128xf32, #tpu.memory_space<hbm>> -> memref<80x128xf32, #tpu.memory_space<hbm>>
        %dma_wait3A_195 = arith.constant 0 : i32
        %dma_wait3A_196 = arith.constant 0 : i32
        %dma_wait3A_197 = tpu.memref_slice %arg6[%dma_wait3A_195, %dma_wait3A_196] : memref<320000x128xf32, #tpu.memory_space<hbm>> -> memref<80x128xf32, #tpu.memory_space<hbm>>
        tpu.wait_dma2 semaphore(%arg18 : memref<!tpu.dma_semaphore, #tpu.memory_space<semaphore_mem>>) src(%arg14 : memref<80x128xf32, #tpu.memory_space<vmem>>) dst(%dma_wait3A_197 : memref<80x128xf32, #tpu.memory_space<hbm>>)
      } else {
      }
      %scan3A_115 = arith.constant 0 : i32
      %scan3A_116 = arith.constant 0 : i32
      %scan3A_117 = arith.constant 80 : i32
      %scan3A_118 = arith.addi %scan3A_116, %scan3A_117 : i32
      %scan3A_119 = arith.constant 1 : i32
      %scan3A_120 = scf.for %scan3A_192 = %scan3A_116 to %scan3A_118 step %scan3A_119 iter_args(%scan3A_193 = %scan3A_115) -> (i32)  : i32 {
        %get3A = arith.index_cast %scan3A_192 : i32 to index
        %get3A_194 = arith.constant 0 : index
        %get3A_195 = tpu.vector_load %arg8[%get3A, %get3A_194] {strides = array<i32>} : memref<80x128xf32, #tpu.memory_space<vmem>>, vector<1x16xf32>,
        %get3A_196 = vector.shape_cast %get3A_195 : vector<1x16xf32> to vector<16xf32>
        %get3A_197 = arith.index_cast %scan3A_192 : i32 to index
        %get3A_198 = arith.constant 0 : index
        %get3A_199 = tpu.vector_load %arg9[%get3A_197, %get3A_198] {strides = array<i32>} : memref<80x128xf32, #tpu.memory_space<vmem>>, vector<1x16xf32>,
        %get3A_200 = vector.shape_cast %get3A_199 : vector<1x16xf32> to vector<16xf32>
        %add3A_201 = arith.addf %get3A_196, %get3A_200 : vector<16xf32>
        %get3A_202 = arith.index_cast %scan3A_192 : i32 to index
        %get3A_203 = arith.constant 0 : index
        %get3A_204 = tpu.vector_load %arg10[%get3A_202, %get3A_203] {strides = array<i32>} : memref<80x128xf32, #tpu.memory_space<vmem>>, vector<1x16xf32>,
        %get3A_205 = vector.shape_cast %get3A_204 : vector<1x16xf32> to vector<16xf32>
        %add3A_206 = arith.addf %add3A_201, %get3A_205 : vector<16xf32>
        %swap3A = arith.index_cast %scan3A_192 : i32 to index
        %swap3A_207 = arith.constant 0 : index
        %swap3A_208 = tpu.vector_load %arg14[%swap3A, %swap3A_207] {strides = array<i32>} : memref<80x128xf32, #tpu.memory_space<vmem>>, vector<1x16xf32>,
        %swap3A_209 = vector.shape_cast %swap3A_208 : vector<1x16xf32> to vector<16xf32>
        %swap3A_210 = vector.shape_cast %add3A_206 : vector<16xf32> to vector<1x16xf32>
        tpu.vector_store %arg14[%swap3A, %swap3A_207], %swap3A_210 {strides = array<i32>} : memref<80x128xf32, #tpu.memory_space<vmem>>, vector<1x16xf32>,
        %get3A_211 = arith.index_cast %scan3A_192 : i32 to index
        %get3A_212 = arith.constant 16 : index
        %get3A_213 = tpu.vector_load %arg8[%get3A_211, %get3A_212] {strides = array<i32>} : memref<80x128xf32, #tpu.memory_space<vmem>>, vector<1x16xf32>,
        %get3A_214 = vector.shape_cast %get3A_213 : vector<1x16xf32> to vector<16xf32>
        %get3A_215 = arith.index_cast %scan3A_192 : i32 to index
        %get3A_216 = arith.constant 16 : index
        %get3A_217 = tpu.vector_load %arg9[%get3A_215, %get3A_216] {strides = array<i32>} : memref<80x128xf32, #tpu.memory_space<vmem>>, vector<1x16xf32>,
        %get3A_218 = vector.shape_cast %get3A_217 : vector<1x16xf32> to vector<16xf32>
        %add3A_219 = arith.addf %get3A_214, %get3A_218 : vector<16xf32>
        %get3A_220 = arith.index_cast %scan3A_192 : i32 to index
        %get3A_221 = arith.constant 16 : index
        %get3A_222 = tpu.vector_load %arg10[%get3A_220, %get3A_221] {strides = array<i32>} : memref<80x128xf32, #tpu.memory_space<vmem>>, vector<1x16xf32>,
        %get3A_223 = vector.shape_cast %get3A_222 : vector<1x16xf32> to vector<16xf32>
        %add3A_224 = arith.addf %add3A_219, %get3A_223 : vector<16xf32>
        %swap3A_225 = arith.index_cast %scan3A_192 : i32 to index
        %swap3A_226 = arith.constant 16 : index
        %swap3A_227 = tpu.vector_load %arg14[%swap3A_225, %swap3A_226] {strides = array<i32>} : memref<80x128xf32, #tpu.memory_space<vmem>>, vector<1x16xf32>,
        %swap3A_228 = vector.shape_cast %swap3A_227 : vector<1x16xf32> to vector<16xf32>
        %swap3A_229 = vector.shape_cast %add3A_224 : vector<16xf32> to vector<1x16xf32>
        tpu.vector_store %arg14[%swap3A_225, %swap3A_226], %swap3A_229 {strides = array<i32>} : memref<80x128xf32, #tpu.memory_space<vmem>>, vector<1x16xf32>,
        %get3A_230 = arith.index_cast %scan3A_192 : i32 to index
        %get3A_231 = arith.constant 32 : index
        %get3A_232 = tpu.vector_load %arg8[%get3A_230, %get3A_231] {strides = array<i32>} : memref<80x128xf32, #tpu.memory_space<vmem>>, vector<1x16xf32>,
        %get3A_233 = vector.shape_cast %get3A_232 : vector<1x16xf32> to vector<16xf32>
        %get3A_234 = arith.index_cast %scan3A_192 : i32 to index
        %get3A_235 = arith.constant 32 : index
        %get3A_236 = tpu.vector_load %arg9[%get3A_234, %get3A_235] {strides = array<i32>} : memref<80x128xf32, #tpu.memory_space<vmem>>, vector<1x16xf32>,
        %get3A_237 = vector.shape_cast %get3A_236 : vector<1x16xf32> to vector<16xf32>
        %add3A_238 = arith.addf %get3A_233, %get3A_237 : vector<16xf32>
        %get3A_239 = arith.index_cast %scan3A_192 : i32 to index
        %get3A_240 = arith.constant 32 : index
        %get3A_241 = tpu.vector_load %arg10[%get3A_239, %get3A_240] {strides = array<i32>} : memref<80x128xf32, #tpu.memory_space<vmem>>, vector<1x16xf32>,
        %get3A_242 = vector.shape_cast %get3A_241 : vector<1x16xf32> to vector<16xf32>
        %add3A_243 = arith.addf %add3A_238, %get3A_242 : vector<16xf32>
        %swap3A_244 = arith.index_cast %scan3A_192 : i32 to index
        %swap3A_245 = arith.constant 32 : index
        %swap3A_246 = tpu.vector_load %arg14[%swap3A_244, %swap3A_245] {strides = array<i32>} : memref<80x128xf32, #tpu.memory_space<vmem>>, vector<1x16xf32>,
        %swap3A_247 = vector.shape_cast %swap3A_246 : vector<1x16xf32> to vector<16xf32>
        %swap3A_248 = vector.shape_cast %add3A_243 : vector<16xf32> to vector<1x16xf32>
        tpu.vector_store %arg14[%swap3A_244, %swap3A_245], %swap3A_248 {strides = array<i32>} : memref<80x128xf32, #tpu.memory_space<vmem>>, vector<1x16xf32>,
        %get3A_249 = arith.index_cast %scan3A_192 : i32 to index
        %get3A_250 = arith.constant 48 : index
        %get3A_251 = tpu.vector_load %arg8[%get3A_249, %get3A_250] {strides = array<i32>} : memref<80x128xf32, #tpu.memory_space<vmem>>, vector<1x16xf32>,
        %get3A_252 = vector.shape_cast %get3A_251 : vector<1x16xf32> to vector<16xf32>
        %get3A_253 = arith.index_cast %scan3A_192 : i32 to index
        %get3A_254 = arith.constant 48 : index
        %get3A_255 = tpu.vector_load %arg9[%get3A_253, %get3A_254] {strides = array<i32>} : memref<80x128xf32, #tpu.memory_space<vmem>>, vector<1x16xf32>,
        %get3A_256 = vector.shape_cast %get3A_255 : vector<1x16xf32> to vector<16xf32>
        %add3A_257 = arith.addf %get3A_252, %get3A_256 : vector<16xf32>
        %get3A_258 = arith.index_cast %scan3A_192 : i32 to index
        %get3A_259 = arith.constant 48 : index
        %get3A_260 = tpu.vector_load %arg10[%get3A_258, %get3A_259] {strides = array<i32>} : memref<80x128xf32, #tpu.memory_space<vmem>>, vector<1x16xf32>,
        %get3A_261 = vector.shape_cast %get3A_260 : vector<1x16xf32> to vector<16xf32>
        %add3A_262 = arith.addf %add3A_257, %get3A_261 : vector<16xf32>
        %swap3A_263 = arith.index_cast %scan3A_192 : i32 to index
        %swap3A_264 = arith.constant 48 : index
        %swap3A_265 = tpu.vector_load %arg14[%swap3A_263, %swap3A_264] {strides = array<i32>} : memref<80x128xf32, #tpu.memory_space<vmem>>, vector<1x16xf32>,
        %swap3A_266 = vector.shape_cast %swap3A_265 : vector<1x16xf32> to vector<16xf32>
        %swap3A_267 = vector.shape_cast %add3A_262 : vector<16xf32> to vector<1x16xf32>
        tpu.vector_store %arg14[%swap3A_263, %swap3A_264], %swap3A_267 {strides = array<i32>} : memref<80x128xf32, #tpu.memory_space<vmem>>, vector<1x16xf32>,
        %get3A_268 = arith.index_cast %scan3A_192 : i32 to index
        %get3A_269 = arith.constant 64 : index
        %get3A_270 = tpu.vector_load %arg8[%get3A_268, %get3A_269] {strides = array<i32>} : memref<80x128xf32, #tpu.memory_space<vmem>>, vector<1x16xf32>,
        %get3A_271 = vector.shape_cast %get3A_270 : vector<1x16xf32> to vector<16xf32>
        %get3A_272 = arith.index_cast %scan3A_192 : i32 to index
        %get3A_273 = arith.constant 64 : index
        %get3A_274 = tpu.vector_load %arg9[%get3A_272, %get3A_273] {strides = array<i32>} : memref<80x128xf32, #tpu.memory_space<vmem>>, vector<1x16xf32>,
        %get3A_275 = vector.shape_cast %get3A_274 : vector<1x16xf32> to vector<16xf32>
        %add3A_276 = arith.addf %get3A_271, %get3A_275 : vector<16xf32>
        %get3A_277 = arith.index_cast %scan3A_192 : i32 to index
        %get3A_278 = arith.constant 64 : index
        %get3A_279 = tpu.vector_load %arg10[%get3A_277, %get3A_278] {strides = array<i32>} : memref<80x128xf32, #tpu.memory_space<vmem>>, vector<1x16xf32>,
        %get3A_280 = vector.shape_cast %get3A_279 : vector<1x16xf32> to vector<16xf32>
        %add3A_281 = arith.addf %add3A_276, %get3A_280 : vector<16xf32>
        %swap3A_282 = arith.index_cast %scan3A_192 : i32 to index
        %swap3A_283 = arith.constant 64 : index
        %swap3A_284 = tpu.vector_load %arg14[%swap3A_282, %swap3A_283] {strides = array<i32>} : memref<80x128xf32, #tpu.memory_space<vmem>>, vector<1x16xf32>,
        %swap3A_285 = vector.shape_cast %swap3A_284 : vector<1x16xf32> to vector<16xf32>
        %swap3A_286 = vector.shape_cast %add3A_281 : vector<16xf32> to vector<1x16xf32>
        tpu.vector_store %arg14[%swap3A_282, %swap3A_283], %swap3A_286 {strides = array<i32>} : memref<80x128xf32, #tpu.memory_space<vmem>>, vector<1x16xf32>,
        %get3A_287 = arith.index_cast %scan3A_192 : i32 to index
        %get3A_288 = arith.constant 80 : index
        %get3A_289 = tpu.vector_load %arg8[%get3A_287, %get3A_288] {strides = array<i32>} : memref<80x128xf32, #tpu.memory_space<vmem>>, vector<1x16xf32>,
        %get3A_290 = vector.shape_cast %get3A_289 : vector<1x16xf32> to vector<16xf32>
        %get3A_291 = arith.index_cast %scan3A_192 : i32 to index
        %get3A_292 = arith.constant 80 : index
        %get3A_293 = tpu.vector_load %arg9[%get3A_291, %get3A_292] {strides = array<i32>} : memref<80x128xf32, #tpu.memory_space<vmem>>, vector<1x16xf32>,
        %get3A_294 = vector.shape_cast %get3A_293 : vector<1x16xf32> to vector<16xf32>
        %add3A_295 = arith.addf %get3A_290, %get3A_294 : vector<16xf32>
        %get3A_296 = arith.index_cast %scan3A_192 : i32 to index
        %get3A_297 = arith.constant 80 : index
        %get3A_298 = tpu.vector_load %arg10[%get3A_296, %get3A_297] {strides = array<i32>} : memref<80x128xf32, #tpu.memory_space<vmem>>, vector<1x16xf32>,
        %get3A_299 = vector.shape_cast %get3A_298 : vector<1x16xf32> to vector<16xf32>
        %add3A_300 = arith.addf %add3A_295, %get3A_299 : vector<16xf32>
        %swap3A_301 = arith.index_cast %scan3A_192 : i32 to index
        %swap3A_302 = arith.constant 80 : index
        %swap3A_303 = tpu.vector_load %arg14[%swap3A_301, %swap3A_302] {strides = array<i32>} : memref<80x128xf32, #tpu.memory_space<vmem>>, vector<1x16xf32>,
        %swap3A_304 = vector.shape_cast %swap3A_303 : vector<1x16xf32> to vector<16xf32>
        %swap3A_305 = vector.shape_cast %add3A_300 : vector<16xf32> to vector<1x16xf32>
        tpu.vector_store %arg14[%swap3A_301, %swap3A_302], %swap3A_305 {strides = array<i32>} : memref<80x128xf32, #tpu.memory_space<vmem>>, vector<1x16xf32>,
        %get3A_306 = arith.index_cast %scan3A_192 : i32 to index
        %get3A_307 = arith.constant 96 : index
        %get3A_308 = tpu.vector_load %arg8[%get3A_306, %get3A_307] {strides = array<i32>} : memref<80x128xf32, #tpu.memory_space<vmem>>, vector<1x16xf32>,
        %get3A_309 = vector.shape_cast %get3A_308 : vector<1x16xf32> to vector<16xf32>
        %get3A_310 = arith.index_cast %scan3A_192 : i32 to index
        %get3A_311 = arith.constant 96 : index
        %get3A_312 = tpu.vector_load %arg9[%get3A_310, %get3A_311] {strides = array<i32>} : memref<80x128xf32, #tpu.memory_space<vmem>>, vector<1x16xf32>,
        %get3A_313 = vector.shape_cast %get3A_312 : vector<1x16xf32> to vector<16xf32>
        %add3A_314 = arith.addf %get3A_309, %get3A_313 : vector<16xf32>
        %get3A_315 = arith.index_cast %scan3A_192 : i32 to index
        %get3A_316 = arith.constant 96 : index
        %get3A_317 = tpu.vector_load %arg10[%get3A_315, %get3A_316] {strides = array<i32>} : memref<80x128xf32, #tpu.memory_space<vmem>>, vector<1x16xf32>,
        %get3A_318 = vector.shape_cast %get3A_317 : vector<1x16xf32> to vector<16xf32>
        %add3A_319 = arith.addf %add3A_314, %get3A_318 : vector<16xf32>
        %swap3A_320 = arith.index_cast %scan3A_192 : i32 to index
        %swap3A_321 = arith.constant 96 : index
        %swap3A_322 = tpu.vector_load %arg14[%swap3A_320, %swap3A_321] {strides = array<i32>} : memref<80x128xf32, #tpu.memory_space<vmem>>, vector<1x16xf32>,
        %swap3A_323 = vector.shape_cast %swap3A_322 : vector<1x16xf32> to vector<16xf32>
        %swap3A_324 = vector.shape_cast %add3A_319 : vector<16xf32> to vector<1x16xf32>
        tpu.vector_store %arg14[%swap3A_320, %swap3A_321], %swap3A_324 {strides = array<i32>} : memref<80x128xf32, #tpu.memory_space<vmem>>, vector<1x16xf32>,
        %get3A_325 = arith.index_cast %scan3A_192 : i32 to index
        %get3A_326 = arith.constant 112 : index
        %get3A_327 = tpu.vector_load %arg8[%get3A_325, %get3A_326] {strides = array<i32>} : memref<80x128xf32, #tpu.memory_space<vmem>>, vector<1x16xf32>,
        %get3A_328 = vector.shape_cast %get3A_327 : vector<1x16xf32> to vector<16xf32>
        %get3A_329 = arith.index_cast %scan3A_192 : i32 to index
        %get3A_330 = arith.constant 112 : index
        %get3A_331 = tpu.vector_load %arg9[%get3A_329, %get3A_330] {strides = array<i32>} : memref<80x128xf32, #tpu.memory_space<vmem>>, vector<1x16xf32>,
        %get3A_332 = vector.shape_cast %get3A_331 : vector<1x16xf32> to vector<16xf32>
        %add3A_333 = arith.addf %get3A_328, %get3A_332 : vector<16xf32>
        %get3A_334 = arith.index_cast %scan3A_192 : i32 to index
        %get3A_335 = arith.constant 112 : index
        %get3A_336 = tpu.vector_load %arg10[%get3A_334, %get3A_335] {strides = array<i32>} : memref<80x128xf32, #tpu.memory_space<vmem>>, vector<1x16xf32>,
        %get3A_337 = vector.shape_cast %get3A_336 : vector<1x16xf32> to vector<16xf32>
        %add3A_338 = arith.addf %add3A_333, %get3A_337 : vector<16xf32>
        %swap3A_339 = arith.index_cast %scan3A_192 : i32 to index
        %swap3A_340 = arith.constant 112 : index
        %swap3A_341 = tpu.vector_load %arg14[%swap3A_339, %swap3A_340] {strides = array<i32>} : memref<80x128xf32, #tpu.memory_space<vmem>>, vector<1x16xf32>,
        %swap3A_342 = vector.shape_cast %swap3A_341 : vector<1x16xf32> to vector<16xf32>
        %swap3A_343 = vector.shape_cast %add3A_338 : vector<16xf32> to vector<1x16xf32>
        tpu.vector_store %arg14[%swap3A_339, %swap3A_340], %swap3A_343 {strides = array<i32>} : memref<80x128xf32, #tpu.memory_space<vmem>>, vector<1x16xf32>,
        %scan3A_344 = arith.constant 0 : i32
        scf.yield %scan3A_344 : i32
      }
      %scan3A_121 = arith.constant 80 : i32
      %mul3A_122 = arith.constant 10000 : i32
      %mul3A_123 = arith.muli %add3A, %mul3A_122 : i32
      %mul3A_124 = arith.constant 80 : i32
      %mul3A_125 = arith.muli %mul3A_75, %mul3A_124 : i32
      %add3A_126 = arith.addi %mul3A_123, %mul3A_125 : i32
      %dma_start3A_127 = arith.constant 0 : i32
      %dma_start3A_128 = tpu.memref_slice %arg6[%add3A_126, %dma_start3A_127] : memref<320000x128xf32, #tpu.memory_space<hbm>> -> memref<80x128xf32, #tpu.memory_space<hbm>>
      %dma_start3A_129 = arith.constant 0 : i32
      %dma_start3A_130 = tpu.memref_slice %arg6[%add3A_126, %dma_start3A_129] : memref<320000x128xf32, #tpu.memory_space<hbm>> -> memref<80x128xf32, #tpu.memory_space<hbm>>
      tpu.enqueue_dma source(%arg14 : memref<80x128xf32, #tpu.memory_space<vmem>>) target(%dma_start3A_130 : memref<80x128xf32, #tpu.memory_space<hbm>>) target_semaphore(%arg18 : memref<!tpu.dma_semaphore, #tpu.memory_space<semaphore_mem>>)
      %add3A_131 = arith.constant 2 : i32
      %add3A_132 = arith.addi %mul3A_75, %add3A_131 : i32
      %mul3A_133 = arith.constant 3 : i32
      %mul3A_134 = arith.muli %add3A_132, %mul3A_133 : i32
      %mul3A_135 = arith.constant 80 : i32
      %mul3A_136 = arith.muli %mul3A_134, %mul3A_135 : i32
      %dma_start3A_137 = tpu.memref_slice %arg7[%mul3A_136] : memref<30000xi32, #tpu.memory_space<vmem>> -> memref<80xi32, #tpu.memory_space<vmem>>
      %dma_start3A_138 = arith.constant 0 : i32
      %dma_start3A_139 = arith.constant 0 : i32
      %dma_start3A_140 = tpu.memref_slice %arg3[%dma_start3A_138, %dma_start3A_139] : memref<10000x128xf32, #tpu.memory_space<hbm>> -> memref<10000x128xf32, #tpu.memory_space<hbm>>
      tpu.enqueue_indirect_dma source(%dma_start3A_140 : memref<10000x128xf32, #tpu.memory_space<hbm>>) target(%arg9 : memref<80x128xf32, #tpu.memory_space<vmem>>) offsets(%dma_start3A_137 : memref<80xi32, #tpu.memory_space<vmem>>) semaphore(%arg16 : memref<!tpu.dma_semaphore, #tpu.memory_space<semaphore_mem>>)
      %add3A_141 = arith.constant 80 : i32
      %add3A_142 = arith.addi %mul3A_136, %add3A_141 : i32
      %dma_start3A_143 = tpu.memref_slice %arg7[%add3A_142] : memref<30000xi32, #tpu.memory_space<vmem>> -> memref<80xi32, #tpu.memory_space<vmem>>
      %dma_start3A_144 = arith.constant 0 : i32
      %dma_start3A_145 = arith.constant 0 : i32
      %dma_start3A_146 = tpu.memref_slice %arg4[%dma_start3A_144, %dma_start3A_145] : memref<10000x128xf32, #tpu.memory_space<hbm>> -> memref<10000x128xf32, #tpu.memory_space<hbm>>
      tpu.enqueue_indirect_dma source(%dma_start3A_146 : memref<10000x128xf32, #tpu.memory_space<hbm>>) target(%arg10 : memref<80x128xf32, #tpu.memory_space<vmem>>) offsets(%dma_start3A_143 : memref<80xi32, #tpu.memory_space<vmem>>) semaphore(%arg16 : memref<!tpu.dma_semaphore, #tpu.memory_space<semaphore_mem>>)
      %add3A_147 = arith.constant 160 : i32
      %add3A_148 = arith.addi %mul3A_136, %add3A_147 : i32
      %dma_start3A_149 = tpu.memref_slice %arg7[%add3A_148] : memref<30000xi32, #tpu.memory_space<vmem>> -> memref<80xi32, #tpu.memory_space<vmem>>
      %dma_start3A_150 = arith.constant 0 : i32
      %dma_start3A_151 = arith.constant 0 : i32
      %dma_start3A_152 = tpu.memref_slice %arg2[%dma_start3A_150, %dma_start3A_151] : memref<10000x128xf32, #tpu.memory_space<hbm>> -> memref<10000x128xf32, #tpu.memory_space<hbm>>
      tpu.enqueue_indirect_dma source(%dma_start3A_152 : memref<10000x128xf32, #tpu.memory_space<hbm>>) target(%arg8 : memref<80x128xf32, #tpu.memory_space<vmem>>) offsets(%dma_start3A_149 : memref<80xi32, #tpu.memory_space<vmem>>) semaphore(%arg16 : memref<!tpu.dma_semaphore, #tpu.memory_space<semaphore_mem>>)
      %gt3A_153 = arith.constant 0 : i32
      %gt3A_154 = arith.cmpi sgt, %mul3A_75, %gt3A_153 : i32
      %convert_element_type3A_155 = arith.extui %gt3A_154 : i1 to i32
      %cond3A_156 = arith.constant 0 : i32
      %cond3A_157 = arith.cmpi ne, %convert_element_type3A_155, %cond3A_156 : i32
      scf.if %cond3A_157 {
        %dma_wait3A_192 = arith.constant 0 : i32
        %dma_wait3A_193 = arith.constant 0 : i32
        %dma_wait3A_194 = tpu.memref_slice %arg6[%dma_wait3A_192, %dma_wait3A_193] : memref<320000x128xf32, #tpu.memory_space<hbm>> -> memref<80x128xf32, #tpu.memory_space<hbm>>
        %dma_wait3A_195 = arith.constant 0 : i32
        %dma_wait3A_196 = arith.constant 0 : i32
        %dma_wait3A_197 = tpu.memref_slice %arg6[%dma_wait3A_195, %dma_wait3A_196] : memref<320000x128xf32, #tpu.memory_space<hbm>> -> memref<80x128xf32, #tpu.memory_space<hbm>>
        tpu.wait_dma2 semaphore(%arg19 : memref<!tpu.dma_semaphore, #tpu.memory_space<semaphore_mem>>) src(%arg15 : memref<80x128xf32, #tpu.memory_space<vmem>>) dst(%dma_wait3A_197 : memref<80x128xf32, #tpu.memory_space<hbm>>)
      } else {
      }
      %dma_wait3A_158 = arith.constant 0 : i32
      %dma_wait3A_159 = tpu.memref_slice %arg7[%dma_wait3A_158] : memref<30000xi32, #tpu.memory_space<vmem>> -> memref<80xi32, #tpu.memory_space<vmem>>
      %dma_wait3A_160 = arith.constant 0 : i32
      %dma_wait3A_161 = arith.constant 0 : i32
      %dma_wait3A_162 = tpu.memref_slice %arg2[%dma_wait3A_160, %dma_wait3A_161] : memref<10000x128xf32, #tpu.memory_space<hbm>> -> memref<10000x128xf32, #tpu.memory_space<hbm>>
      tpu.wait_indirect_dma semaphore(%arg17 : memref<!tpu.dma_semaphore, #tpu.memory_space<semaphore_mem>>) src(%dma_wait3A_162 : memref<10000x128xf32, #tpu.memory_space<hbm>>) dst(%arg11 : memref<80x128xf32, #tpu.memory_space<vmem>>)
      %dma_wait3A_163 = arith.constant 0 : i32
      %dma_wait3A_164 = tpu.memref_slice %arg7[%dma_wait3A_163] : memref<30000xi32, #tpu.memory_space<vmem>> -> memref<80xi32, #tpu.memory_space<vmem>>
      %dma_wait3A_165 = arith.constant 0 : i32
      %dma_wait3A_166 = arith.constant 0 : i32
      %dma_wait3A_167 = tpu.memref_slice %arg3[%dma_wait3A_165, %dma_wait3A_166] : memref<10000x128xf32, #tpu.memory_space<hbm>> -> memref<10000x128xf32, #tpu.memory_space<hbm>>
      tpu.wait_indirect_dma semaphore(%arg17 : memref<!tpu.dma_semaphore, #tpu.memory_space<semaphore_mem>>) src(%dma_wait3A_167 : memref<10000x128xf32, #tpu.memory_space<hbm>>) dst(%arg12 : memref<80x128xf32, #tpu.memory_space<vmem>>)
      %dma_wait3A_168 = arith.constant 0 : i32
      %dma_wait3A_169 = tpu.memref_slice %arg7[%dma_wait3A_168] : memref<30000xi32, #tpu.memory_space<vmem>> -> memref<80xi32, #tpu.memory_space<vmem>>
      %dma_wait3A_170 = arith.constant 0 : i32
      %dma_wait3A_171 = arith.constant 0 : i32
      %dma_wait3A_172 = tpu.memref_slice %arg4[%dma_wait3A_170, %dma_wait3A_171] : memref<10000x128xf32, #tpu.memory_space<hbm>> -> memref<10000x128xf32, #tpu.memory_space<hbm>>
      tpu.wait_indirect_dma semaphore(%arg17 : memref<!tpu.dma_semaphore, #tpu.memory_space<semaphore_mem>>) src(%dma_wait3A_172 : memref<10000x128xf32, #tpu.memory_space<hbm>>) dst(%arg13 : memref<80x128xf32, #tpu.memory_space<vmem>>)
      %scan3A_173 = arith.constant 0 : i32
      %scan3A_174 = arith.constant 0 : i32
      %scan3A_175 = arith.constant 80 : i32
      %scan3A_176 = arith.addi %scan3A_174, %scan3A_175 : i32
      %scan3A_177 = arith.constant 1 : i32
      %scan3A_178 = scf.for %scan3A_192 = %scan3A_174 to %scan3A_176 step %scan3A_177 iter_args(%scan3A_193 = %scan3A_173) -> (i32)  : i32 {
        %get3A = arith.index_cast %scan3A_192 : i32 to index
        %get3A_194 = arith.constant 0 : index
        %get3A_195 = tpu.vector_load %arg11[%get3A, %get3A_194] {strides = array<i32>} : memref<80x128xf32, #tpu.memory_space<vmem>>, vector<1x16xf32>,
        %get3A_196 = vector.shape_cast %get3A_195 : vector<1x16xf32> to vector<16xf32>
        %get3A_197 = arith.index_cast %scan3A_192 : i32 to index
        %get3A_198 = arith.constant 0 : index
        %get3A_199 = tpu.vector_load %arg12[%get3A_197, %get3A_198] {strides = array<i32>} : memref<80x128xf32, #tpu.memory_space<vmem>>, vector<1x16xf32>,
        %get3A_200 = vector.shape_cast %get3A_199 : vector<1x16xf32> to vector<16xf32>
        %add3A_201 = arith.addf %get3A_196, %get3A_200 : vector<16xf32>
        %get3A_202 = arith.index_cast %scan3A_192 : i32 to index
        %get3A_203 = arith.constant 0 : index
        %get3A_204 = tpu.vector_load %arg13[%get3A_202, %get3A_203] {strides = array<i32>} : memref<80x128xf32, #tpu.memory_space<vmem>>, vector<1x16xf32>,
        %get3A_205 = vector.shape_cast %get3A_204 : vector<1x16xf32> to vector<16xf32>
        %add3A_206 = arith.addf %add3A_201, %get3A_205 : vector<16xf32>
        %swap3A = arith.index_cast %scan3A_192 : i32 to index
        %swap3A_207 = arith.constant 0 : index
        %swap3A_208 = tpu.vector_load %arg15[%swap3A, %swap3A_207] {strides = array<i32>} : memref<80x128xf32, #tpu.memory_space<vmem>>, vector<1x16xf32>,
        %swap3A_209 = vector.shape_cast %swap3A_208 : vector<1x16xf32> to vector<16xf32>
        %swap3A_210 = vector.shape_cast %add3A_206 : vector<16xf32> to vector<1x16xf32>
        tpu.vector_store %arg15[%swap3A, %swap3A_207], %swap3A_210 {strides = array<i32>} : memref<80x128xf32, #tpu.memory_space<vmem>>, vector<1x16xf32>,
        %get3A_211 = arith.index_cast %scan3A_192 : i32 to index
        %get3A_212 = arith.constant 16 : index
        %get3A_213 = tpu.vector_load %arg11[%get3A_211, %get3A_212] {strides = array<i32>} : memref<80x128xf32, #tpu.memory_space<vmem>>, vector<1x16xf32>,
        %get3A_214 = vector.shape_cast %get3A_213 : vector<1x16xf32> to vector<16xf32>
        %get3A_215 = arith.index_cast %scan3A_192 : i32 to index
        %get3A_216 = arith.constant 16 : index
        %get3A_217 = tpu.vector_load %arg12[%get3A_215, %get3A_216] {strides = array<i32>} : memref<80x128xf32, #tpu.memory_space<vmem>>, vector<1x16xf32>,
        %get3A_218 = vector.shape_cast %get3A_217 : vector<1x16xf32> to vector<16xf32>
        %add3A_219 = arith.addf %get3A_214, %get3A_218 : vector<16xf32>
        %get3A_220 = arith.index_cast %scan3A_192 : i32 to index
        %get3A_221 = arith.constant 16 : index
        %get3A_222 = tpu.vector_load %arg13[%get3A_220, %get3A_221] {strides = array<i32>} : memref<80x128xf32, #tpu.memory_space<vmem>>, vector<1x16xf32>,
        %get3A_223 = vector.shape_cast %get3A_222 : vector<1x16xf32> to vector<16xf32>
        %add3A_224 = arith.addf %add3A_219, %get3A_223 : vector<16xf32>
        %swap3A_225 = arith.index_cast %scan3A_192 : i32 to index
        %swap3A_226 = arith.constant 16 : index
        %swap3A_227 = tpu.vector_load %arg15[%swap3A_225, %swap3A_226] {strides = array<i32>} : memref<80x128xf32, #tpu.memory_space<vmem>>, vector<1x16xf32>,
        %swap3A_228 = vector.shape_cast %swap3A_227 : vector<1x16xf32> to vector<16xf32>
        %swap3A_229 = vector.shape_cast %add3A_224 : vector<16xf32> to vector<1x16xf32>
        tpu.vector_store %arg15[%swap3A_225, %swap3A_226], %swap3A_229 {strides = array<i32>} : memref<80x128xf32, #tpu.memory_space<vmem>>, vector<1x16xf32>,
        %get3A_230 = arith.index_cast %scan3A_192 : i32 to index
        %get3A_231 = arith.constant 32 : index
        %get3A_232 = tpu.vector_load %arg11[%get3A_230, %get3A_231] {strides = array<i32>} : memref<80x128xf32, #tpu.memory_space<vmem>>, vector<1x16xf32>,
        %get3A_233 = vector.shape_cast %get3A_232 : vector<1x16xf32> to vector<16xf32>
        %get3A_234 = arith.index_cast %scan3A_192 : i32 to index
        %get3A_235 = arith.constant 32 : index
        %get3A_236 = tpu.vector_load %arg12[%get3A_234, %get3A_235] {strides = array<i32>} : memref<80x128xf32, #tpu.memory_space<vmem>>, vector<1x16xf32>,
        %get3A_237 = vector.shape_cast %get3A_236 : vector<1x16xf32> to vector<16xf32>
        %add3A_238 = arith.addf %get3A_233, %get3A_237 : vector<16xf32>
        %get3A_239 = arith.index_cast %scan3A_192 : i32 to index
        %get3A_240 = arith.constant 32 : index
        %get3A_241 = tpu.vector_load %arg13[%get3A_239, %get3A_240] {strides = array<i32>} : memref<80x128xf32, #tpu.memory_space<vmem>>, vector<1x16xf32>,
        %get3A_242 = vector.shape_cast %get3A_241 : vector<1x16xf32> to vector<16xf32>
        %add3A_243 = arith.addf %add3A_238, %get3A_242 : vector<16xf32>
        %swap3A_244 = arith.index_cast %scan3A_192 : i32 to index
        %swap3A_245 = arith.constant 32 : index
        %swap3A_246 = tpu.vector_load %arg15[%swap3A_244, %swap3A_245] {strides = array<i32>} : memref<80x128xf32, #tpu.memory_space<vmem>>, vector<1x16xf32>,
        %swap3A_247 = vector.shape_cast %swap3A_246 : vector<1x16xf32> to vector<16xf32>
        %swap3A_248 = vector.shape_cast %add3A_243 : vector<16xf32> to vector<1x16xf32>
        tpu.vector_store %arg15[%swap3A_244, %swap3A_245], %swap3A_248 {strides = array<i32>} : memref<80x128xf32, #tpu.memory_space<vmem>>, vector<1x16xf32>,
        %get3A_249 = arith.index_cast %scan3A_192 : i32 to index
        %get3A_250 = arith.constant 48 : index
        %get3A_251 = tpu.vector_load %arg11[%get3A_249, %get3A_250] {strides = array<i32>} : memref<80x128xf32, #tpu.memory_space<vmem>>, vector<1x16xf32>,
        %get3A_252 = vector.shape_cast %get3A_251 : vector<1x16xf32> to vector<16xf32>
        %get3A_253 = arith.index_cast %scan3A_192 : i32 to index
        %get3A_254 = arith.constant 48 : index
        %get3A_255 = tpu.vector_load %arg12[%get3A_253, %get3A_254] {strides = array<i32>} : memref<80x128xf32, #tpu.memory_space<vmem>>, vector<1x16xf32>,
        %get3A_256 = vector.shape_cast %get3A_255 : vector<1x16xf32> to vector<16xf32>
        %add3A_257 = arith.addf %get3A_252, %get3A_256 : vector<16xf32>
        %get3A_258 = arith.index_cast %scan3A_192 : i32 to index
        %get3A_259 = arith.constant 48 : index
        %get3A_260 = tpu.vector_load %arg13[%get3A_258, %get3A_259] {strides = array<i32>} : memref<80x128xf32, #tpu.memory_space<vmem>>, vector<1x16xf32>,
        %get3A_261 = vector.shape_cast %get3A_260 : vector<1x16xf32> to vector<16xf32>
        %add3A_262 = arith.addf %add3A_257, %get3A_261 : vector<16xf32>
        %swap3A_263 = arith.index_cast %scan3A_192 : i32 to index
        %swap3A_264 = arith.constant 48 : index
        %swap3A_265 = tpu.vector_load %arg15[%swap3A_263, %swap3A_264] {strides = array<i32>} : memref<80x128xf32, #tpu.memory_space<vmem>>, vector<1x16xf32>,
        %swap3A_266 = vector.shape_cast %swap3A_265 : vector<1x16xf32> to vector<16xf32>
        %swap3A_267 = vector.shape_cast %add3A_262 : vector<16xf32> to vector<1x16xf32>
        tpu.vector_store %arg15[%swap3A_263, %swap3A_264], %swap3A_267 {strides = array<i32>} : memref<80x128xf32, #tpu.memory_space<vmem>>, vector<1x16xf32>,
        %get3A_268 = arith.index_cast %scan3A_192 : i32 to index
        %get3A_269 = arith.constant 64 : index
        %get3A_270 = tpu.vector_load %arg11[%get3A_268, %get3A_269] {strides = array<i32>} : memref<80x128xf32, #tpu.memory_space<vmem>>, vector<1x16xf32>,
        %get3A_271 = vector.shape_cast %get3A_270 : vector<1x16xf32> to vector<16xf32>
        %get3A_272 = arith.index_cast %scan3A_192 : i32 to index
        %get3A_273 = arith.constant 64 : index
        %get3A_274 = tpu.vector_load %arg12[%get3A_272, %get3A_273] {strides = array<i32>} : memref<80x128xf32, #tpu.memory_space<vmem>>, vector<1x16xf32>,
        %get3A_275 = vector.shape_cast %get3A_274 : vector<1x16xf32> to vector<16xf32>
        %add3A_276 = arith.addf %get3A_271, %get3A_275 : vector<16xf32>
        %get3A_277 = arith.index_cast %scan3A_192 : i32 to index
        %get3A_278 = arith.constant 64 : index
        %get3A_279 = tpu.vector_load %arg13[%get3A_277, %get3A_278] {strides = array<i32>} : memref<80x128xf32, #tpu.memory_space<vmem>>, vector<1x16xf32>,
        %get3A_280 = vector.shape_cast %get3A_279 : vector<1x16xf32> to vector<16xf32>
        %add3A_281 = arith.addf %add3A_276, %get3A_280 : vector<16xf32>
        %swap3A_282 = arith.index_cast %scan3A_192 : i32 to index
        %swap3A_283 = arith.constant 64 : index
        %swap3A_284 = tpu.vector_load %arg15[%swap3A_282, %swap3A_283] {strides = array<i32>} : memref<80x128xf32, #tpu.memory_space<vmem>>, vector<1x16xf32>,
        %swap3A_285 = vector.shape_cast %swap3A_284 : vector<1x16xf32> to vector<16xf32>
        %swap3A_286 = vector.shape_cast %add3A_281 : vector<16xf32> to vector<1x16xf32>
        tpu.vector_store %arg15[%swap3A_282, %swap3A_283], %swap3A_286 {strides = array<i32>} : memref<80x128xf32, #tpu.memory_space<vmem>>, vector<1x16xf32>,
        %get3A_287 = arith.index_cast %scan3A_192 : i32 to index
        %get3A_288 = arith.constant 80 : index
        %get3A_289 = tpu.vector_load %arg11[%get3A_287, %get3A_288] {strides = array<i32>} : memref<80x128xf32, #tpu.memory_space<vmem>>, vector<1x16xf32>,
        %get3A_290 = vector.shape_cast %get3A_289 : vector<1x16xf32> to vector<16xf32>
        %get3A_291 = arith.index_cast %scan3A_192 : i32 to index
        %get3A_292 = arith.constant 80 : index
        %get3A_293 = tpu.vector_load %arg12[%get3A_291, %get3A_292] {strides = array<i32>} : memref<80x128xf32, #tpu.memory_space<vmem>>, vector<1x16xf32>,
        %get3A_294 = vector.shape_cast %get3A_293 : vector<1x16xf32> to vector<16xf32>
        %add3A_295 = arith.addf %get3A_290, %get3A_294 : vector<16xf32>
        %get3A_296 = arith.index_cast %scan3A_192 : i32 to index
        %get3A_297 = arith.constant 80 : index
        %get3A_298 = tpu.vector_load %arg13[%get3A_296, %get3A_297] {strides = array<i32>} : memref<80x128xf32, #tpu.memory_space<vmem>>, vector<1x16xf32>,
        %get3A_299 = vector.shape_cast %get3A_298 : vector<1x16xf32> to vector<16xf32>
        %add3A_300 = arith.addf %add3A_295, %get3A_299 : vector<16xf32>
        %swap3A_301 = arith.index_cast %scan3A_192 : i32 to index
        %swap3A_302 = arith.constant 80 : index
        %swap3A_303 = tpu.vector_load %arg15[%swap3A_301, %swap3A_302] {strides = array<i32>} : memref<80x128xf32, #tpu.memory_space<vmem>>, vector<1x16xf32>,
        %swap3A_304 = vector.shape_cast %swap3A_303 : vector<1x16xf32> to vector<16xf32>
        %swap3A_305 = vector.shape_cast %add3A_300 : vector<16xf32> to vector<1x16xf32>
        tpu.vector_store %arg15[%swap3A_301, %swap3A_302], %swap3A_305 {strides = array<i32>} : memref<80x128xf32, #tpu.memory_space<vmem>>, vector<1x16xf32>,
        %get3A_306 = arith.index_cast %scan3A_192 : i32 to index
        %get3A_307 = arith.constant 96 : index
        %get3A_308 = tpu.vector_load %arg11[%get3A_306, %get3A_307] {strides = array<i32>} : memref<80x128xf32, #tpu.memory_space<vmem>>, vector<1x16xf32>,
        %get3A_309 = vector.shape_cast %get3A_308 : vector<1x16xf32> to vector<16xf32>
        %get3A_310 = arith.index_cast %scan3A_192 : i32 to index
        %get3A_311 = arith.constant 96 : index
        %get3A_312 = tpu.vector_load %arg12[%get3A_310, %get3A_311] {strides = array<i32>} : memref<80x128xf32, #tpu.memory_space<vmem>>, vector<1x16xf32>,
        %get3A_313 = vector.shape_cast %get3A_312 : vector<1x16xf32> to vector<16xf32>
        %add3A_314 = arith.addf %get3A_309, %get3A_313 : vector<16xf32>
        %get3A_315 = arith.index_cast %scan3A_192 : i32 to index
        %get3A_316 = arith.constant 96 : index
        %get3A_317 = tpu.vector_load %arg13[%get3A_315, %get3A_316] {strides = array<i32>} : memref<80x128xf32, #tpu.memory_space<vmem>>, vector<1x16xf32>,
        %get3A_318 = vector.shape_cast %get3A_317 : vector<1x16xf32> to vector<16xf32>
        %add3A_319 = arith.addf %add3A_314, %get3A_318 : vector<16xf32>
        %swap3A_320 = arith.index_cast %scan3A_192 : i32 to index
        %swap3A_321 = arith.constant 96 : index
        %swap3A_322 = tpu.vector_load %arg15[%swap3A_320, %swap3A_321] {strides = array<i32>} : memref<80x128xf32, #tpu.memory_space<vmem>>, vector<1x16xf32>,
        %swap3A_323 = vector.shape_cast %swap3A_322 : vector<1x16xf32> to vector<16xf32>
        %swap3A_324 = vector.shape_cast %add3A_319 : vector<16xf32> to vector<1x16xf32>
        tpu.vector_store %arg15[%swap3A_320, %swap3A_321], %swap3A_324 {strides = array<i32>} : memref<80x128xf32, #tpu.memory_space<vmem>>, vector<1x16xf32>,
        %get3A_325 = arith.index_cast %scan3A_192 : i32 to index
        %get3A_326 = arith.constant 112 : index
        %get3A_327 = tpu.vector_load %arg11[%get3A_325, %get3A_326] {strides = array<i32>} : memref<80x128xf32, #tpu.memory_space<vmem>>, vector<1x16xf32>,
        %get3A_328 = vector.shape_cast %get3A_327 : vector<1x16xf32> to vector<16xf32>
        %get3A_329 = arith.index_cast %scan3A_192 : i32 to index
        %get3A_330 = arith.constant 112 : index
        %get3A_331 = tpu.vector_load %arg12[%get3A_329, %get3A_330] {strides = array<i32>} : memref<80x128xf32, #tpu.memory_space<vmem>>, vector<1x16xf32>,
        %get3A_332 = vector.shape_cast %get3A_331 : vector<1x16xf32> to vector<16xf32>
        %add3A_333 = arith.addf %get3A_328, %get3A_332 : vector<16xf32>
        %get3A_334 = arith.index_cast %scan3A_192 : i32 to index
        %get3A_335 = arith.constant 112 : index
        %get3A_336 = tpu.vector_load %arg13[%get3A_334, %get3A_335] {strides = array<i32>} : memref<80x128xf32, #tpu.memory_space<vmem>>, vector<1x16xf32>,
        %get3A_337 = vector.shape_cast %get3A_336 : vector<1x16xf32> to vector<16xf32>
        %add3A_338 = arith.addf %add3A_333, %get3A_337 : vector<16xf32>
        %swap3A_339 = arith.index_cast %scan3A_192 : i32 to index
        %swap3A_340 = arith.constant 112 : index
        %swap3A_341 = tpu.vector_load %arg15[%swap3A_339, %swap3A_340] {strides = array<i32>} : memref<80x128xf32, #tpu.memory_space<vmem>>, vector<1x16xf32>,
        %swap3A_342 = vector.shape_cast %swap3A_341 : vector<1x16xf32> to vector<16xf32>
        %swap3A_343 = vector.shape_cast %add3A_338 : vector<16xf32> to vector<1x16xf32>
        tpu.vector_store %arg15[%swap3A_339, %swap3A_340], %swap3A_343 {strides = array<i32>} : memref<80x128xf32, #tpu.memory_space<vmem>>, vector<1x16xf32>,
        %scan3A_344 = arith.constant 0 : i32
        scf.yield %scan3A_344 : i32
      }
      %scan3A_179 = arith.constant 80 : i32
      %add3A_180 = arith.constant 1 : i32
      %add3A_181 = arith.addi %mul3A_75, %add3A_180 : i32
      %mul3A_182 = arith.constant 10000 : i32
      %mul3A_183 = arith.muli %add3A, %mul3A_182 : i32
      %mul3A_184 = arith.constant 80 : i32
      %mul3A_185 = arith.muli %add3A_181, %mul3A_184 : i32
      %add3A_186 = arith.addi %mul3A_183, %mul3A_185 : i32
      %dma_start3A_187 = arith.constant 0 : i32
      %dma_start3A_188 = tpu.memref_slice %arg6[%add3A_186, %dma_start3A_187] : memref<320000x128xf32, #tpu.memory_space<hbm>> -> memref<80x128xf32, #tpu.memory_space<hbm>>
      %dma_start3A_189 = arith.constant 0 : i32
      %dma_start3A_190 = tpu.memref_slice %arg6[%add3A_186, %dma_start3A_189] : memref<320000x128xf32, #tpu.memory_space<hbm>> -> memref<80x128xf32, #tpu.memory_space<hbm>>
      tpu.enqueue_dma source(%arg15 : memref<80x128xf32, #tpu.memory_space<vmem>>) target(%dma_start3A_190 : memref<80x128xf32, #tpu.memory_space<hbm>>) target_semaphore(%arg19 : memref<!tpu.dma_semaphore, #tpu.memory_space<semaphore_mem>>)
      %scan3A_191 = arith.constant 0 : i32
      scf.yield %scan3A_191 : i32
    }
    %scan3A_24 = arith.constant 62 : i32
    %dma_wait3A = arith.constant 0 : i32
    %dma_wait3A_25 = tpu.memref_slice %arg7[%dma_wait3A] : memref<30000xi32, #tpu.memory_space<vmem>> -> memref<80xi32, #tpu.memory_space<vmem>>
    %dma_wait3A_26 = arith.constant 0 : i32
    %dma_wait3A_27 = arith.constant 0 : i32
    %dma_wait3A_28 = tpu.memref_slice %arg2[%dma_wait3A_26, %dma_wait3A_27] : memref<10000x128xf32, #tpu.memory_space<hbm>> -> memref<10000x128xf32, #tpu.memory_space<hbm>>
    tpu.wait_indirect_dma semaphore(%arg16 : memref<!tpu.dma_semaphore, #tpu.memory_space<semaphore_mem>>) src(%dma_wait3A_28 : memref<10000x128xf32, #tpu.memory_space<hbm>>) dst(%arg8 : memref<80x128xf32, #tpu.memory_space<vmem>>)
    %dma_wait3A_29 = arith.constant 0 : i32
    %dma_wait3A_30 = tpu.memref_slice %arg7[%dma_wait3A_29] : memref<30000xi32, #tpu.memory_space<vmem>> -> memref<80xi32, #tpu.memory_space<vmem>>
    %dma_wait3A_31 = arith.constant 0 : i32
    %dma_wait3A_32 = arith.constant 0 : i32
    %dma_wait3A_33 = tpu.memref_slice %arg3[%dma_wait3A_31, %dma_wait3A_32] : memref<10000x128xf32, #tpu.memory_space<hbm>> -> memref<10000x128xf32, #tpu.memory_space<hbm>>
    tpu.wait_indirect_dma semaphore(%arg16 : memref<!tpu.dma_semaphore, #tpu.memory_space<semaphore_mem>>) src(%dma_wait3A_33 : memref<10000x128xf32, #tpu.memory_space<hbm>>) dst(%arg9 : memref<80x128xf32, #tpu.memory_space<vmem>>)
    %dma_wait3A_34 = arith.constant 0 : i32
    %dma_wait3A_35 = tpu.memref_slice %arg7[%dma_wait3A_34] : memref<30000xi32, #tpu.memory_space<vmem>> -> memref<80xi32, #tpu.memory_space<vmem>>
    %dma_wait3A_36 = arith.constant 0 : i32
    %dma_wait3A_37 = arith.constant 0 : i32
    %dma_wait3A_38 = tpu.memref_slice %arg4[%dma_wait3A_36, %dma_wait3A_37] : memref<10000x128xf32, #tpu.memory_space<hbm>> -> memref<10000x128xf32, #tpu.memory_space<hbm>>
    tpu.wait_indirect_dma semaphore(%arg16 : memref<!tpu.dma_semaphore, #tpu.memory_space<semaphore_mem>>) src(%dma_wait3A_38 : memref<10000x128xf32, #tpu.memory_space<hbm>>) dst(%arg10 : memref<80x128xf32, #tpu.memory_space<vmem>>)
    %dma_wait3A_39 = arith.constant 0 : i32
    %dma_wait3A_40 = arith.constant 0 : i32
    %dma_wait3A_41 = tpu.memref_slice %arg6[%dma_wait3A_39, %dma_wait3A_40] : memref<320000x128xf32, #tpu.memory_space<hbm>> -> memref<80x128xf32, #tpu.memory_space<hbm>>
    %dma_wait3A_42 = arith.constant 0 : i32
    %dma_wait3A_43 = arith.constant 0 : i32
    %dma_wait3A_44 = tpu.memref_slice %arg6[%dma_wait3A_42, %dma_wait3A_43] : memref<320000x128xf32, #tpu.memory_space<hbm>> -> memref<80x128xf32, #tpu.memory_space<hbm>>
    tpu.wait_dma2 semaphore(%arg18 : memref<!tpu.dma_semaphore, #tpu.memory_space<semaphore_mem>>) src(%arg14 : memref<80x128xf32, #tpu.memory_space<vmem>>) dst(%dma_wait3A_44 : memref<80x128xf32, #tpu.memory_space<hbm>>)
    %scan3A_45 = arith.constant 0 : i32
    %scan3A_46 = arith.constant 0 : i32
    %scan3A_47 = arith.constant 80 : i32
    %scan3A_48 = arith.addi %scan3A_46, %scan3A_47 : i32
    %scan3A_49 = arith.constant 1 : i32
    %scan3A_50 = scf.for %scan3A_72 = %scan3A_46 to %scan3A_48 step %scan3A_49 iter_args(%scan3A_73 = %scan3A_45) -> (i32)  : i32 {
      %get3A = arith.index_cast %scan3A_72 : i32 to index
      %get3A_74 = arith.constant 0 : index
      %get3A_75 = tpu.vector_load %arg8[%get3A, %get3A_74] {strides = array<i32>} : memref<80x128xf32, #tpu.memory_space<vmem>>, vector<1x16xf32>,
      %get3A_76 = vector.shape_cast %get3A_75 : vector<1x16xf32> to vector<16xf32>
      %get3A_77 = arith.index_cast %scan3A_72 : i32 to index
      %get3A_78 = arith.constant 0 : index
      %get3A_79 = tpu.vector_load %arg9[%get3A_77, %get3A_78] {strides = array<i32>} : memref<80x128xf32, #tpu.memory_space<vmem>>, vector<1x16xf32>,
      %get3A_80 = vector.shape_cast %get3A_79 : vector<1x16xf32> to vector<16xf32>
      %add3A_81 = arith.addf %get3A_76, %get3A_80 : vector<16xf32>
      %get3A_82 = arith.index_cast %scan3A_72 : i32 to index
      %get3A_83 = arith.constant 0 : index
      %get3A_84 = tpu.vector_load %arg10[%get3A_82, %get3A_83] {strides = array<i32>} : memref<80x128xf32, #tpu.memory_space<vmem>>, vector<1x16xf32>,
      %get3A_85 = vector.shape_cast %get3A_84 : vector<1x16xf32> to vector<16xf32>
      %add3A_86 = arith.addf %add3A_81, %get3A_85 : vector<16xf32>
      %swap3A = arith.index_cast %scan3A_72 : i32 to index
      %swap3A_87 = arith.constant 0 : index
      %swap3A_88 = tpu.vector_load %arg14[%swap3A, %swap3A_87] {strides = array<i32>} : memref<80x128xf32, #tpu.memory_space<vmem>>, vector<1x16xf32>,
      %swap3A_89 = vector.shape_cast %swap3A_88 : vector<1x16xf32> to vector<16xf32>
      %swap3A_90 = vector.shape_cast %add3A_86 : vector<16xf32> to vector<1x16xf32>
      tpu.vector_store %arg14[%swap3A, %swap3A_87], %swap3A_90 {strides = array<i32>} : memref<80x128xf32, #tpu.memory_space<vmem>>, vector<1x16xf32>,
      %get3A_91 = arith.index_cast %scan3A_72 : i32 to index
      %get3A_92 = arith.constant 16 : index
      %get3A_93 = tpu.vector_load %arg8[%get3A_91, %get3A_92] {strides = array<i32>} : memref<80x128xf32, #tpu.memory_space<vmem>>, vector<1x16xf32>,
      %get3A_94 = vector.shape_cast %get3A_93 : vector<1x16xf32> to vector<16xf32>
      %get3A_95 = arith.index_cast %scan3A_72 : i32 to index
      %get3A_96 = arith.constant 16 : index
      %get3A_97 = tpu.vector_load %arg9[%get3A_95, %get3A_96] {strides = array<i32>} : memref<80x128xf32, #tpu.memory_space<vmem>>, vector<1x16xf32>,
      %get3A_98 = vector.shape_cast %get3A_97 : vector<1x16xf32> to vector<16xf32>
      %add3A_99 = arith.addf %get3A_94, %get3A_98 : vector<16xf32>
      %get3A_100 = arith.index_cast %scan3A_72 : i32 to index
      %get3A_101 = arith.constant 16 : index
      %get3A_102 = tpu.vector_load %arg10[%get3A_100, %get3A_101] {strides = array<i32>} : memref<80x128xf32, #tpu.memory_space<vmem>>, vector<1x16xf32>,
      %get3A_103 = vector.shape_cast %get3A_102 : vector<1x16xf32> to vector<16xf32>
      %add3A_104 = arith.addf %add3A_99, %get3A_103 : vector<16xf32>
      %swap3A_105 = arith.index_cast %scan3A_72 : i32 to index
      %swap3A_106 = arith.constant 16 : index
      %swap3A_107 = tpu.vector_load %arg14[%swap3A_105, %swap3A_106] {strides = array<i32>} : memref<80x128xf32, #tpu.memory_space<vmem>>, vector<1x16xf32>,
      %swap3A_108 = vector.shape_cast %swap3A_107 : vector<1x16xf32> to vector<16xf32>
      %swap3A_109 = vector.shape_cast %add3A_104 : vector<16xf32> to vector<1x16xf32>
      tpu.vector_store %arg14[%swap3A_105, %swap3A_106], %swap3A_109 {strides = array<i32>} : memref<80x128xf32, #tpu.memory_space<vmem>>, vector<1x16xf32>,
      %get3A_110 = arith.index_cast %scan3A_72 : i32 to index
      %get3A_111 = arith.constant 32 : index
      %get3A_112 = tpu.vector_load %arg8[%get3A_110, %get3A_111] {strides = array<i32>} : memref<80x128xf32, #tpu.memory_space<vmem>>, vector<1x16xf32>,
      %get3A_113 = vector.shape_cast %get3A_112 : vector<1x16xf32> to vector<16xf32>
      %get3A_114 = arith.index_cast %scan3A_72 : i32 to index
      %get3A_115 = arith.constant 32 : index
      %get3A_116 = tpu.vector_load %arg9[%get3A_114, %get3A_115] {strides = array<i32>} : memref<80x128xf32, #tpu.memory_space<vmem>>, vector<1x16xf32>,
      %get3A_117 = vector.shape_cast %get3A_116 : vector<1x16xf32> to vector<16xf32>
      %add3A_118 = arith.addf %get3A_113, %get3A_117 : vector<16xf32>
      %get3A_119 = arith.index_cast %scan3A_72 : i32 to index
      %get3A_120 = arith.constant 32 : index
      %get3A_121 = tpu.vector_load %arg10[%get3A_119, %get3A_120] {strides = array<i32>} : memref<80x128xf32, #tpu.memory_space<vmem>>, vector<1x16xf32>,
      %get3A_122 = vector.shape_cast %get3A_121 : vector<1x16xf32> to vector<16xf32>
      %add3A_123 = arith.addf %add3A_118, %get3A_122 : vector<16xf32>
      %swap3A_124 = arith.index_cast %scan3A_72 : i32 to index
      %swap3A_125 = arith.constant 32 : index
      %swap3A_126 = tpu.vector_load %arg14[%swap3A_124, %swap3A_125] {strides = array<i32>} : memref<80x128xf32, #tpu.memory_space<vmem>>, vector<1x16xf32>,
      %swap3A_127 = vector.shape_cast %swap3A_126 : vector<1x16xf32> to vector<16xf32>
      %swap3A_128 = vector.shape_cast %add3A_123 : vector<16xf32> to vector<1x16xf32>
      tpu.vector_store %arg14[%swap3A_124, %swap3A_125], %swap3A_128 {strides = array<i32>} : memref<80x128xf32, #tpu.memory_space<vmem>>, vector<1x16xf32>,
      %get3A_129 = arith.index_cast %scan3A_72 : i32 to index
      %get3A_130 = arith.constant 48 : index
      %get3A_131 = tpu.vector_load %arg8[%get3A_129, %get3A_130] {strides = array<i32>} : memref<80x128xf32, #tpu.memory_space<vmem>>, vector<1x16xf32>,
      %get3A_132 = vector.shape_cast %get3A_131 : vector<1x16xf32> to vector<16xf32>
      %get3A_133 = arith.index_cast %scan3A_72 : i32 to index
      %get3A_134 = arith.constant 48 : index
      %get3A_135 = tpu.vector_load %arg9[%get3A_133, %get3A_134] {strides = array<i32>} : memref<80x128xf32, #tpu.memory_space<vmem>>, vector<1x16xf32>,
      %get3A_136 = vector.shape_cast %get3A_135 : vector<1x16xf32> to vector<16xf32>
      %add3A_137 = arith.addf %get3A_132, %get3A_136 : vector<16xf32>
      %get3A_138 = arith.index_cast %scan3A_72 : i32 to index
      %get3A_139 = arith.constant 48 : index
      %get3A_140 = tpu.vector_load %arg10[%get3A_138, %get3A_139] {strides = array<i32>} : memref<80x128xf32, #tpu.memory_space<vmem>>, vector<1x16xf32>,
      %get3A_141 = vector.shape_cast %get3A_140 : vector<1x16xf32> to vector<16xf32>
      %add3A_142 = arith.addf %add3A_137, %get3A_141 : vector<16xf32>
      %swap3A_143 = arith.index_cast %scan3A_72 : i32 to index
      %swap3A_144 = arith.constant 48 : index
      %swap3A_145 = tpu.vector_load %arg14[%swap3A_143, %swap3A_144] {strides = array<i32>} : memref<80x128xf32, #tpu.memory_space<vmem>>, vector<1x16xf32>,
      %swap3A_146 = vector.shape_cast %swap3A_145 : vector<1x16xf32> to vector<16xf32>
      %swap3A_147 = vector.shape_cast %add3A_142 : vector<16xf32> to vector<1x16xf32>
      tpu.vector_store %arg14[%swap3A_143, %swap3A_144], %swap3A_147 {strides = array<i32>} : memref<80x128xf32, #tpu.memory_space<vmem>>, vector<1x16xf32>,
      %get3A_148 = arith.index_cast %scan3A_72 : i32 to index
      %get3A_149 = arith.constant 64 : index
      %get3A_150 = tpu.vector_load %arg8[%get3A_148, %get3A_149] {strides = array<i32>} : memref<80x128xf32, #tpu.memory_space<vmem>>, vector<1x16xf32>,
      %get3A_151 = vector.shape_cast %get3A_150 : vector<1x16xf32> to vector<16xf32>
      %get3A_152 = arith.index_cast %scan3A_72 : i32 to index
      %get3A_153 = arith.constant 64 : index
      %get3A_154 = tpu.vector_load %arg9[%get3A_152, %get3A_153] {strides = array<i32>} : memref<80x128xf32, #tpu.memory_space<vmem>>, vector<1x16xf32>,
      %get3A_155 = vector.shape_cast %get3A_154 : vector<1x16xf32> to vector<16xf32>
      %add3A_156 = arith.addf %get3A_151, %get3A_155 : vector<16xf32>
      %get3A_157 = arith.index_cast %scan3A_72 : i32 to index
      %get3A_158 = arith.constant 64 : index
      %get3A_159 = tpu.vector_load %arg10[%get3A_157, %get3A_158] {strides = array<i32>} : memref<80x128xf32, #tpu.memory_space<vmem>>, vector<1x16xf32>,
      %get3A_160 = vector.shape_cast %get3A_159 : vector<1x16xf32> to vector<16xf32>
      %add3A_161 = arith.addf %add3A_156, %get3A_160 : vector<16xf32>
      %swap3A_162 = arith.index_cast %scan3A_72 : i32 to index
      %swap3A_163 = arith.constant 64 : index
      %swap3A_164 = tpu.vector_load %arg14[%swap3A_162, %swap3A_163] {strides = array<i32>} : memref<80x128xf32, #tpu.memory_space<vmem>>, vector<1x16xf32>,
      %swap3A_165 = vector.shape_cast %swap3A_164 : vector<1x16xf32> to vector<16xf32>
      %swap3A_166 = vector.shape_cast %add3A_161 : vector<16xf32> to vector<1x16xf32>
      tpu.vector_store %arg14[%swap3A_162, %swap3A_163], %swap3A_166 {strides = array<i32>} : memref<80x128xf32, #tpu.memory_space<vmem>>, vector<1x16xf32>,
      %get3A_167 = arith.index_cast %scan3A_72 : i32 to index
      %get3A_168 = arith.constant 80 : index
      %get3A_169 = tpu.vector_load %arg8[%get3A_167, %get3A_168] {strides = array<i32>} : memref<80x128xf32, #tpu.memory_space<vmem>>, vector<1x16xf32>,
      %get3A_170 = vector.shape_cast %get3A_169 : vector<1x16xf32> to vector<16xf32>
      %get3A_171 = arith.index_cast %scan3A_72 : i32 to index
      %get3A_172 = arith.constant 80 : index
      %get3A_173 = tpu.vector_load %arg9[%get3A_171, %get3A_172] {strides = array<i32>} : memref<80x128xf32, #tpu.memory_space<vmem>>, vector<1x16xf32>,
      %get3A_174 = vector.shape_cast %get3A_173 : vector<1x16xf32> to vector<16xf32>
      %add3A_175 = arith.addf %get3A_170, %get3A_174 : vector<16xf32>
      %get3A_176 = arith.index_cast %scan3A_72 : i32 to index
      %get3A_177 = arith.constant 80 : index
      %get3A_178 = tpu.vector_load %arg10[%get3A_176, %get3A_177] {strides = array<i32>} : memref<80x128xf32, #tpu.memory_space<vmem>>, vector<1x16xf32>,
      %get3A_179 = vector.shape_cast %get3A_178 : vector<1x16xf32> to vector<16xf32>
      %add3A_180 = arith.addf %add3A_175, %get3A_179 : vector<16xf32>
      %swap3A_181 = arith.index_cast %scan3A_72 : i32 to index
      %swap3A_182 = arith.constant 80 : index
      %swap3A_183 = tpu.vector_load %arg14[%swap3A_181, %swap3A_182] {strides = array<i32>} : memref<80x128xf32, #tpu.memory_space<vmem>>, vector<1x16xf32>,
      %swap3A_184 = vector.shape_cast %swap3A_183 : vector<1x16xf32> to vector<16xf32>
      %swap3A_185 = vector.shape_cast %add3A_180 : vector<16xf32> to vector<1x16xf32>
      tpu.vector_store %arg14[%swap3A_181, %swap3A_182], %swap3A_185 {strides = array<i32>} : memref<80x128xf32, #tpu.memory_space<vmem>>, vector<1x16xf32>,
      %get3A_186 = arith.index_cast %scan3A_72 : i32 to index
      %get3A_187 = arith.constant 96 : index
      %get3A_188 = tpu.vector_load %arg8[%get3A_186, %get3A_187] {strides = array<i32>} : memref<80x128xf32, #tpu.memory_space<vmem>>, vector<1x16xf32>,
      %get3A_189 = vector.shape_cast %get3A_188 : vector<1x16xf32> to vector<16xf32>
      %get3A_190 = arith.index_cast %scan3A_72 : i32 to index
      %get3A_191 = arith.constant 96 : index
      %get3A_192 = tpu.vector_load %arg9[%get3A_190, %get3A_191] {strides = array<i32>} : memref<80x128xf32, #tpu.memory_space<vmem>>, vector<1x16xf32>,
      %get3A_193 = vector.shape_cast %get3A_192 : vector<1x16xf32> to vector<16xf32>
      %add3A_194 = arith.addf %get3A_189, %get3A_193 : vector<16xf32>
      %get3A_195 = arith.index_cast %scan3A_72 : i32 to index
      %get3A_196 = arith.constant 96 : index
      %get3A_197 = tpu.vector_load %arg10[%get3A_195, %get3A_196] {strides = array<i32>} : memref<80x128xf32, #tpu.memory_space<vmem>>, vector<1x16xf32>,
      %get3A_198 = vector.shape_cast %get3A_197 : vector<1x16xf32> to vector<16xf32>
      %add3A_199 = arith.addf %add3A_194, %get3A_198 : vector<16xf32>
      %swap3A_200 = arith.index_cast %scan3A_72 : i32 to index
      %swap3A_201 = arith.constant 96 : index
      %swap3A_202 = tpu.vector_load %arg14[%swap3A_200, %swap3A_201] {strides = array<i32>} : memref<80x128xf32, #tpu.memory_space<vmem>>, vector<1x16xf32>,
      %swap3A_203 = vector.shape_cast %swap3A_202 : vector<1x16xf32> to vector<16xf32>
      %swap3A_204 = vector.shape_cast %add3A_199 : vector<16xf32> to vector<1x16xf32>
      tpu.vector_store %arg14[%swap3A_200, %swap3A_201], %swap3A_204 {strides = array<i32>} : memref<80x128xf32, #tpu.memory_space<vmem>>, vector<1x16xf32>,
      %get3A_205 = arith.index_cast %scan3A_72 : i32 to index
      %get3A_206 = arith.constant 112 : index
      %get3A_207 = tpu.vector_load %arg8[%get3A_205, %get3A_206] {strides = array<i32>} : memref<80x128xf32, #tpu.memory_space<vmem>>, vector<1x16xf32>,
      %get3A_208 = vector.shape_cast %get3A_207 : vector<1x16xf32> to vector<16xf32>
      %get3A_209 = arith.index_cast %scan3A_72 : i32 to index
      %get3A_210 = arith.constant 112 : index
      %get3A_211 = tpu.vector_load %arg9[%get3A_209, %get3A_210] {strides = array<i32>} : memref<80x128xf32, #tpu.memory_space<vmem>>, vector<1x16xf32>,
      %get3A_212 = vector.shape_cast %get3A_211 : vector<1x16xf32> to vector<16xf32>
      %add3A_213 = arith.addf %get3A_208, %get3A_212 : vector<16xf32>
      %get3A_214 = arith.index_cast %scan3A_72 : i32 to index
      %get3A_215 = arith.constant 112 : index
      %get3A_216 = tpu.vector_load %arg10[%get3A_214, %get3A_215] {strides = array<i32>} : memref<80x128xf32, #tpu.memory_space<vmem>>, vector<1x16xf32>,
      %get3A_217 = vector.shape_cast %get3A_216 : vector<1x16xf32> to vector<16xf32>
      %add3A_218 = arith.addf %add3A_213, %get3A_217 : vector<16xf32>
      %swap3A_219 = arith.index_cast %scan3A_72 : i32 to index
      %swap3A_220 = arith.constant 112 : index
      %swap3A_221 = tpu.vector_load %arg14[%swap3A_219, %swap3A_220] {strides = array<i32>} : memref<80x128xf32, #tpu.memory_space<vmem>>, vector<1x16xf32>,
      %swap3A_222 = vector.shape_cast %swap3A_221 : vector<1x16xf32> to vector<16xf32>
      %swap3A_223 = vector.shape_cast %add3A_218 : vector<16xf32> to vector<1x16xf32>
      tpu.vector_store %arg14[%swap3A_219, %swap3A_220], %swap3A_223 {strides = array<i32>} : memref<80x128xf32, #tpu.memory_space<vmem>>, vector<1x16xf32>,
      %scan3A_224 = arith.constant 0 : i32
      scf.yield %scan3A_224 : i32
    }
    %scan3A_51 = arith.constant 80 : i32
    %mul3A_52 = arith.constant 10000 : i32
    %mul3A_53 = arith.muli %add3A, %mul3A_52 : i32
    %add3A_54 = arith.constant 9920 : i32
    %add3A_55 = arith.addi %mul3A_53, %add3A_54 : i32
    %dma_start3A_56 = arith.constant 0 : i32
    %dma_start3A_57 = tpu.memref_slice %arg6[%add3A_55, %dma_start3A_56] : memref<320000x128xf32, #tpu.memory_space<hbm>> -> memref<80x128xf32, #tpu.memory_space<hbm>>
    %dma_start3A_58 = arith.constant 0 : i32
    %dma_start3A_59 = tpu.memref_slice %arg6[%add3A_55, %dma_start3A_58] : memref<320000x128xf32, #tpu.memory_space<hbm>> -> memref<80x128xf32, #tpu.memory_space<hbm>>
    tpu.enqueue_dma source(%arg14 : memref<80x128xf32, #tpu.memory_space<vmem>>) target(%dma_start3A_59 : memref<80x128xf32, #tpu.memory_space<hbm>>) target_semaphore(%arg18 : memref<!tpu.dma_semaphore, #tpu.memory_space<semaphore_mem>>)
    %dma_wait3A_60 = arith.constant 0 : i32
    %dma_wait3A_61 = arith.constant 0 : i32
    %dma_wait3A_62 = tpu.memref_slice %arg6[%dma_wait3A_60, %dma_wait3A_61] : memref<320000x128xf32, #tpu.memory_space<hbm>> -> memref<80x128xf32, #tpu.memory_space<hbm>>
    %dma_wait3A_63 = arith.constant 0 : i32
    %dma_wait3A_64 = arith.constant 0 : i32
    %dma_wait3A_65 = tpu.memref_slice %arg6[%dma_wait3A_63, %dma_wait3A_64] : memref<320000x128xf32, #tpu.memory_space<hbm>> -> memref<80x128xf32, #tpu.memory_space<hbm>>
    tpu.wait_dma2 semaphore(%arg18 : memref<!tpu.dma_semaphore, #tpu.memory_space<semaphore_mem>>) src(%arg14 : memref<80x128xf32, #tpu.memory_space<vmem>>) dst(%dma_wait3A_65 : memref<80x128xf32, #tpu.memory_space<hbm>>)
    %dma_wait3A_66 = arith.constant 0 : i32
    %dma_wait3A_67 = arith.constant 0 : i32
    %dma_wait3A_68 = tpu.memref_slice %arg6[%dma_wait3A_66, %dma_wait3A_67] : memref<320000x128xf32, #tpu.memory_space<hbm>> -> memref<80x128xf32, #tpu.memory_space<hbm>>
    %dma_wait3A_69 = arith.constant 0 : i32
    %dma_wait3A_70 = arith.constant 0 : i32
    %dma_wait3A_71 = tpu.memref_slice %arg6[%dma_wait3A_69, %dma_wait3A_70] : memref<320000x128xf32, #tpu.memory_space<hbm>> -> memref<80x128xf32, #tpu.memory_space<hbm>>
    tpu.wait_dma2 semaphore(%arg19 : memref<!tpu.dma_semaphore, #tpu.memory_space<semaphore_mem>>) src(%arg15 : memref<80x128xf32, #tpu.memory_space<vmem>>) dst(%dma_wait3A_71 : memref<80x128xf32, #tpu.memory_space<hbm>>)
    return
  }
}

#map = affine_map<(d0, d1) -> (0, 0)>
#map1 = affine_map<(d0, d1) -> (0)>
#map2 = affine_map<(d0, d1) -> (0, 0, 0)>
module attributes {stable_mosaic.version = 14 : i64} {
  func.func @_k7_body(%arg0: i32, %arg1: i32, %arg2: memref<10000x128xf32, #tpu.memory_space<hbm>>, %arg3: memref<10000x128xf32, #tpu.memory_space<hbm>>, %arg4: memref<10000x128xf32, #tpu.memory_space<hbm>>, %arg5: memref<5120000xf32, #tpu.memory_space<hbm>>, %arg6: memref<960000xi32, #tpu.memory_space<hbm>>, %arg7: memref<2x10240x128xf32, #tpu.memory_space<hbm>>, %arg8: memref<2x10240x128xf32, #tpu.memory_space<hbm>>, %arg9: memref<10240x128xf32, #tpu.memory_space<vmem_shared>>, %arg10: memref<240xi32, #tpu.memory_space<vmem>>, %arg11: memref<240xi32, #tpu.memory_space<vmem>>, %arg12: memref<80xi32, #tpu.memory_space<vmem>>, %arg13: memref<80xi32, #tpu.memory_space<vmem>>, %arg14: memref<80xi32, #tpu.memory_space<vmem>>, %arg15: memref<80xi32, #tpu.memory_space<vmem>>, %arg16: memref<80xi32, #tpu.memory_space<vmem>>, %arg17: memref<80xi32, #tpu.memory_space<vmem>>, %arg18: memref<80x128xf32, #tpu.memory_space<vmem>>, %arg19: memref<80x128xf32, #tpu.memory_space<vmem>>, %arg20: memref<80x128xf32, #tpu.memory_space<vmem>>, %arg21: memref<80x128xf32, #tpu.memory_space<vmem>>, %arg22: memref<1280xf32, #tpu.memory_space<vmem>>, %arg23: memref<1280xf32, #tpu.memory_space<vmem>>, %arg24: memref<!tpu.dma_semaphore, #tpu.memory_space<semaphore_mem>>, %arg25: memref<!tpu.dma_semaphore, #tpu.memory_space<semaphore_mem>>, %arg26: memref<!tpu.dma_semaphore, #tpu.memory_space<semaphore_mem>>, %arg27: memref<!tpu.dma_semaphore, #tpu.memory_space<semaphore_mem>>) attributes {dimension_semantics = [#tpu.dimension_semantics<core_parallel>, #tpu.dimension_semantics<subcore_parallel>], iteration_bounds = array<i64: 2, 16>, scalar_prefetch = 0 : i64, scratch_operands = 19 : i64, tpu.core_type = #tpu.core_type<sc_vector_subcore>, window_params = [{transform_indices = #map}, {transform_indices = #map}, {transform_indices = #map}, {transform_indices = #map1}, {transform_indices = #map1}, {transform_indices = #map2}, {transform_indices = #map2}]} {
    %mul3A = arith.constant 2 : i32
    %mul3A_0 = arith.muli %arg1, %mul3A : i32
    %add3A = arith.addi %mul3A_0, %arg0 : i32
    %broadcast_in_dim3A = arith.constant 0.000000e+00 : f32
    %broadcast_in_dim3A_1 = vector.broadcast %broadcast_in_dim3A : f32 to vector<16xf32>
    %scan3A = arith.constant 0 : i32
    %scan3A_2 = arith.constant 0 : i32
    %scan3A_3 = arith.constant 80 : i32
    %scan3A_4 = arith.addi %scan3A_2, %scan3A_3 : i32
    %scan3A_5 = arith.constant 1 : i32
    %scan3A_6 = scf.for %scan3A_435 = %scan3A_2 to %scan3A_4 step %scan3A_5 iter_args(%scan3A_436 = %scan3A) -> (i32)  : i32 {
      %swap3A_437 = arith.index_cast %scan3A_435 : i32 to index
      %swap3A_438 = arith.constant 0 : index
      %swap3A_439 = tpu.vector_load %arg18[%swap3A_437, %swap3A_438] {strides = array<i32>} : memref<80x128xf32, #tpu.memory_space<vmem>>, vector<1x16xf32>,
      %swap3A_440 = vector.shape_cast %swap3A_439 : vector<1x16xf32> to vector<16xf32>
      %swap3A_441 = vector.shape_cast %broadcast_in_dim3A_1 : vector<16xf32> to vector<1x16xf32>
      tpu.vector_store %arg18[%swap3A_437, %swap3A_438], %swap3A_441 {strides = array<i32>} : memref<80x128xf32, #tpu.memory_space<vmem>>, vector<1x16xf32>,
      %swap3A_442 = arith.index_cast %scan3A_435 : i32 to index
      %swap3A_443 = arith.constant 16 : index
      %swap3A_444 = tpu.vector_load %arg18[%swap3A_442, %swap3A_443] {strides = array<i32>} : memref<80x128xf32, #tpu.memory_space<vmem>>, vector<1x16xf32>,
      %swap3A_445 = vector.shape_cast %swap3A_444 : vector<1x16xf32> to vector<16xf32>
      %swap3A_446 = vector.shape_cast %broadcast_in_dim3A_1 : vector<16xf32> to vector<1x16xf32>
      tpu.vector_store %arg18[%swap3A_442, %swap3A_443], %swap3A_446 {strides = array<i32>} : memref<80x128xf32, #tpu.memory_space<vmem>>, vector<1x16xf32>,
      %swap3A_447 = arith.index_cast %scan3A_435 : i32 to index
      %swap3A_448 = arith.constant 32 : index
      %swap3A_449 = tpu.vector_load %arg18[%swap3A_447, %swap3A_448] {strides = array<i32>} : memref<80x128xf32, #tpu.memory_space<vmem>>, vector<1x16xf32>,
      %swap3A_450 = vector.shape_cast %swap3A_449 : vector<1x16xf32> to vector<16xf32>
      %swap3A_451 = vector.shape_cast %broadcast_in_dim3A_1 : vector<16xf32> to vector<1x16xf32>
      tpu.vector_store %arg18[%swap3A_447, %swap3A_448], %swap3A_451 {strides = array<i32>} : memref<80x128xf32, #tpu.memory_space<vmem>>, vector<1x16xf32>,
      %swap3A_452 = arith.index_cast %scan3A_435 : i32 to index
      %swap3A_453 = arith.constant 48 : index
      %swap3A_454 = tpu.vector_load %arg18[%swap3A_452, %swap3A_453] {strides = array<i32>} : memref<80x128xf32, #tpu.memory_space<vmem>>, vector<1x16xf32>,
      %swap3A_455 = vector.shape_cast %swap3A_454 : vector<1x16xf32> to vector<16xf32>
      %swap3A_456 = vector.shape_cast %broadcast_in_dim3A_1 : vector<16xf32> to vector<1x16xf32>
      tpu.vector_store %arg18[%swap3A_452, %swap3A_453], %swap3A_456 {strides = array<i32>} : memref<80x128xf32, #tpu.memory_space<vmem>>, vector<1x16xf32>,
      %swap3A_457 = arith.index_cast %scan3A_435 : i32 to index
      %swap3A_458 = arith.constant 64 : index
      %swap3A_459 = tpu.vector_load %arg18[%swap3A_457, %swap3A_458] {strides = array<i32>} : memref<80x128xf32, #tpu.memory_space<vmem>>, vector<1x16xf32>,
      %swap3A_460 = vector.shape_cast %swap3A_459 : vector<1x16xf32> to vector<16xf32>
      %swap3A_461 = vector.shape_cast %broadcast_in_dim3A_1 : vector<16xf32> to vector<1x16xf32>
      tpu.vector_store %arg18[%swap3A_457, %swap3A_458], %swap3A_461 {strides = array<i32>} : memref<80x128xf32, #tpu.memory_space<vmem>>, vector<1x16xf32>,
      %swap3A_462 = arith.index_cast %scan3A_435 : i32 to index
      %swap3A_463 = arith.constant 80 : index
      %swap3A_464 = tpu.vector_load %arg18[%swap3A_462, %swap3A_463] {strides = array<i32>} : memref<80x128xf32, #tpu.memory_space<vmem>>, vector<1x16xf32>,
      %swap3A_465 = vector.shape_cast %swap3A_464 : vector<1x16xf32> to vector<16xf32>
      %swap3A_466 = vector.shape_cast %broadcast_in_dim3A_1 : vector<16xf32> to vector<1x16xf32>
      tpu.vector_store %arg18[%swap3A_462, %swap3A_463], %swap3A_466 {strides = array<i32>} : memref<80x128xf32, #tpu.memory_space<vmem>>, vector<1x16xf32>,
      %swap3A_467 = arith.index_cast %scan3A_435 : i32 to index
      %swap3A_468 = arith.constant 96 : index
      %swap3A_469 = tpu.vector_load %arg18[%swap3A_467, %swap3A_468] {strides = array<i32>} : memref<80x128xf32, #tpu.memory_space<vmem>>, vector<1x16xf32>,
      %swap3A_470 = vector.shape_cast %swap3A_469 : vector<1x16xf32> to vector<16xf32>
      %swap3A_471 = vector.shape_cast %broadcast_in_dim3A_1 : vector<16xf32> to vector<1x16xf32>
      tpu.vector_store %arg18[%swap3A_467, %swap3A_468], %swap3A_471 {strides = array<i32>} : memref<80x128xf32, #tpu.memory_space<vmem>>, vector<1x16xf32>,
      %swap3A_472 = arith.index_cast %scan3A_435 : i32 to index
      %swap3A_473 = arith.constant 112 : index
      %swap3A_474 = tpu.vector_load %arg18[%swap3A_472, %swap3A_473] {strides = array<i32>} : memref<80x128xf32, #tpu.memory_space<vmem>>, vector<1x16xf32>,
      %swap3A_475 = vector.shape_cast %swap3A_474 : vector<1x16xf32> to vector<16xf32>
      %swap3A_476 = vector.shape_cast %broadcast_in_dim3A_1 : vector<16xf32> to vector<1x16xf32>
      tpu.vector_store %arg18[%swap3A_472, %swap3A_473], %swap3A_476 {strides = array<i32>} : memref<80x128xf32, #tpu.memory_space<vmem>>, vector<1x16xf32>,
      %scan3A_477 = arith.constant 0 : i32
      scf.yield %scan3A_477 : i32
    }
    %scan3A_7 = arith.constant 80 : i32
    %mul3A_8 = arith.constant 640 : i32
    %mul3A_9 = arith.muli %arg1, %mul3A_8 : i32
    %add3A_10 = arith.constant 0 : i32
    %add3A_11 = arith.addi %mul3A_9, %add3A_10 : i32
    "tpu.region"() ({
      %run_scoped3A = tpu.sem_alloc : memref<!tpu.dma_semaphore, #tpu.memory_space<semaphore_mem>>
      %dma_start3A_435 = arith.constant 0 : i32
      %dma_start3A_436 = tpu.memref_slice %arg9[%add3A_11, %dma_start3A_435] : memref<10240x128xf32, #tpu.memory_space<vmem_shared>> -> memref<80x128xf32, #tpu.memory_space<vmem_shared>>
      %dma_start3A_437 = arith.constant 0 : i32
      %dma_start3A_438 = tpu.memref_slice %arg9[%add3A_11, %dma_start3A_437] : memref<10240x128xf32, #tpu.memory_space<vmem_shared>> -> memref<80x128xf32, #tpu.memory_space<vmem_shared>>
      tpu.enqueue_dma source(%arg18 : memref<80x128xf32, #tpu.memory_space<vmem>>) target(%dma_start3A_438 : memref<80x128xf32, #tpu.memory_space<vmem_shared>>) target_semaphore(%run_scoped3A : memref<!tpu.dma_semaphore, #tpu.memory_space<semaphore_mem>>)
      %dma_wait3A_439 = arith.constant 0 : i32
      %dma_wait3A_440 = tpu.memref_slice %arg9[%add3A_11, %dma_wait3A_439] : memref<10240x128xf32, #tpu.memory_space<vmem_shared>> -> memref<80x128xf32, #tpu.memory_space<vmem_shared>>
      %dma_wait3A_441 = arith.constant 0 : i32
      %dma_wait3A_442 = tpu.memref_slice %arg9[%add3A_11, %dma_wait3A_441] : memref<10240x128xf32, #tpu.memory_space<vmem_shared>> -> memref<80x128xf32, #tpu.memory_space<vmem_shared>>
      tpu.wait_dma2 semaphore(%run_scoped3A : memref<!tpu.dma_semaphore, #tpu.memory_space<semaphore_mem>>) src(%arg18 : memref<80x128xf32, #tpu.memory_space<vmem>>) dst(%dma_wait3A_442 : memref<80x128xf32, #tpu.memory_space<vmem_shared>>)
      tpu.yield
    }) : () -> ()
    %mul3A_12 = arith.constant 640 : i32
    %mul3A_13 = arith.muli %arg1, %mul3A_12 : i32
    %add3A_14 = arith.constant 80 : i32
    %add3A_15 = arith.addi %mul3A_13, %add3A_14 : i32
    "tpu.region"() ({
      %run_scoped3A = tpu.sem_alloc : memref<!tpu.dma_semaphore, #tpu.memory_space<semaphore_mem>>
      %dma_start3A_435 = arith.constant 0 : i32
      %dma_start3A_436 = tpu.memref_slice %arg9[%add3A_15, %dma_start3A_435] : memref<10240x128xf32, #tpu.memory_space<vmem_shared>> -> memref<80x128xf32, #tpu.memory_space<vmem_shared>>
      %dma_start3A_437 = arith.constant 0 : i32
      %dma_start3A_438 = tpu.memref_slice %arg9[%add3A_15, %dma_start3A_437] : memref<10240x128xf32, #tpu.memory_space<vmem_shared>> -> memref<80x128xf32, #tpu.memory_space<vmem_shared>>
      tpu.enqueue_dma source(%arg18 : memref<80x128xf32, #tpu.memory_space<vmem>>) target(%dma_start3A_438 : memref<80x128xf32, #tpu.memory_space<vmem_shared>>) target_semaphore(%run_scoped3A : memref<!tpu.dma_semaphore, #tpu.memory_space<semaphore_mem>>)
      %dma_wait3A_439 = arith.constant 0 : i32
      %dma_wait3A_440 = tpu.memref_slice %arg9[%add3A_15, %dma_wait3A_439] : memref<10240x128xf32, #tpu.memory_space<vmem_shared>> -> memref<80x128xf32, #tpu.memory_space<vmem_shared>>
      %dma_wait3A_441 = arith.constant 0 : i32
      %dma_wait3A_442 = tpu.memref_slice %arg9[%add3A_15, %dma_wait3A_441] : memref<10240x128xf32, #tpu.memory_space<vmem_shared>> -> memref<80x128xf32, #tpu.memory_space<vmem_shared>>
      tpu.wait_dma2 semaphore(%run_scoped3A : memref<!tpu.dma_semaphore, #tpu.memory_space<semaphore_mem>>) src(%arg18 : memref<80x128xf32, #tpu.memory_space<vmem>>) dst(%dma_wait3A_442 : memref<80x128xf32, #tpu.memory_space<vmem_shared>>)
      tpu.yield
    }) : () -> ()
    %mul3A_16 = arith.constant 640 : i32
    %mul3A_17 = arith.muli %arg1, %mul3A_16 : i32
    %add3A_18 = arith.constant 160 : i32
    %add3A_19 = arith.addi %mul3A_17, %add3A_18 : i32
    "tpu.region"() ({
      %run_scoped3A = tpu.sem_alloc : memref<!tpu.dma_semaphore, #tpu.memory_space<semaphore_mem>>
      %dma_start3A_435 = arith.constant 0 : i32
      %dma_start3A_436 = tpu.memref_slice %arg9[%add3A_19, %dma_start3A_435] : memref<10240x128xf32, #tpu.memory_space<vmem_shared>> -> memref<80x128xf32, #tpu.memory_space<vmem_shared>>
      %dma_start3A_437 = arith.constant 0 : i32
      %dma_start3A_438 = tpu.memref_slice %arg9[%add3A_19, %dma_start3A_437] : memref<10240x128xf32, #tpu.memory_space<vmem_shared>> -> memref<80x128xf32, #tpu.memory_space<vmem_shared>>
      tpu.enqueue_dma source(%arg18 : memref<80x128xf32, #tpu.memory_space<vmem>>) target(%dma_start3A_438 : memref<80x128xf32, #tpu.memory_space<vmem_shared>>) target_semaphore(%run_scoped3A : memref<!tpu.dma_semaphore, #tpu.memory_space<semaphore_mem>>)
      %dma_wait3A_439 = arith.constant 0 : i32
      %dma_wait3A_440 = tpu.memref_slice %arg9[%add3A_19, %dma_wait3A_439] : memref<10240x128xf32, #tpu.memory_space<vmem_shared>> -> memref<80x128xf32, #tpu.memory_space<vmem_shared>>
      %dma_wait3A_441 = arith.constant 0 : i32
      %dma_wait3A_442 = tpu.memref_slice %arg9[%add3A_19, %dma_wait3A_441] : memref<10240x128xf32, #tpu.memory_space<vmem_shared>> -> memref<80x128xf32, #tpu.memory_space<vmem_shared>>
      tpu.wait_dma2 semaphore(%run_scoped3A : memref<!tpu.dma_semaphore, #tpu.memory_space<semaphore_mem>>) src(%arg18 : memref<80x128xf32, #tpu.memory_space<vmem>>) dst(%dma_wait3A_442 : memref<80x128xf32, #tpu.memory_space<vmem_shared>>)
      tpu.yield
    }) : () -> ()
    %mul3A_20 = arith.constant 640 : i32
    %mul3A_21 = arith.muli %arg1, %mul3A_20 : i32
    %add3A_22 = arith.constant 240 : i32
    %add3A_23 = arith.addi %mul3A_21, %add3A_22 : i32
    "tpu.region"() ({
      %run_scoped3A = tpu.sem_alloc : memref<!tpu.dma_semaphore, #tpu.memory_space<semaphore_mem>>
      %dma_start3A_435 = arith.constant 0 : i32
      %dma_start3A_436 = tpu.memref_slice %arg9[%add3A_23, %dma_start3A_435] : memref<10240x128xf32, #tpu.memory_space<vmem_shared>> -> memref<80x128xf32, #tpu.memory_space<vmem_shared>>
      %dma_start3A_437 = arith.constant 0 : i32
      %dma_start3A_438 = tpu.memref_slice %arg9[%add3A_23, %dma_start3A_437] : memref<10240x128xf32, #tpu.memory_space<vmem_shared>> -> memref<80x128xf32, #tpu.memory_space<vmem_shared>>
      tpu.enqueue_dma source(%arg18 : memref<80x128xf32, #tpu.memory_space<vmem>>) target(%dma_start3A_438 : memref<80x128xf32, #tpu.memory_space<vmem_shared>>) target_semaphore(%run_scoped3A : memref<!tpu.dma_semaphore, #tpu.memory_space<semaphore_mem>>)
      %dma_wait3A_439 = arith.constant 0 : i32
      %dma_wait3A_440 = tpu.memref_slice %arg9[%add3A_23, %dma_wait3A_439] : memref<10240x128xf32, #tpu.memory_space<vmem_shared>> -> memref<80x128xf32, #tpu.memory_space<vmem_shared>>
      %dma_wait3A_441 = arith.constant 0 : i32
      %dma_wait3A_442 = tpu.memref_slice %arg9[%add3A_23, %dma_wait3A_441] : memref<10240x128xf32, #tpu.memory_space<vmem_shared>> -> memref<80x128xf32, #tpu.memory_space<vmem_shared>>
      tpu.wait_dma2 semaphore(%run_scoped3A : memref<!tpu.dma_semaphore, #tpu.memory_space<semaphore_mem>>) src(%arg18 : memref<80x128xf32, #tpu.memory_space<vmem>>) dst(%dma_wait3A_442 : memref<80x128xf32, #tpu.memory_space<vmem_shared>>)
      tpu.yield
    }) : () -> ()
    %mul3A_24 = arith.constant 640 : i32
    %mul3A_25 = arith.muli %arg1, %mul3A_24 : i32
    %add3A_26 = arith.constant 320 : i32
    %add3A_27 = arith.addi %mul3A_25, %add3A_26 : i32
    "tpu.region"() ({
      %run_scoped3A = tpu.sem_alloc : memref<!tpu.dma_semaphore, #tpu.memory_space<semaphore_mem>>
      %dma_start3A_435 = arith.constant 0 : i32
      %dma_start3A_436 = tpu.memref_slice %arg9[%add3A_27, %dma_start3A_435] : memref<10240x128xf32, #tpu.memory_space<vmem_shared>> -> memref<80x128xf32, #tpu.memory_space<vmem_shared>>
      %dma_start3A_437 = arith.constant 0 : i32
      %dma_start3A_438 = tpu.memref_slice %arg9[%add3A_27, %dma_start3A_437] : memref<10240x128xf32, #tpu.memory_space<vmem_shared>> -> memref<80x128xf32, #tpu.memory_space<vmem_shared>>
      tpu.enqueue_dma source(%arg18 : memref<80x128xf32, #tpu.memory_space<vmem>>) target(%dma_start3A_438 : memref<80x128xf32, #tpu.memory_space<vmem_shared>>) target_semaphore(%run_scoped3A : memref<!tpu.dma_semaphore, #tpu.memory_space<semaphore_mem>>)
      %dma_wait3A_439 = arith.constant 0 : i32
      %dma_wait3A_440 = tpu.memref_slice %arg9[%add3A_27, %dma_wait3A_439] : memref<10240x128xf32, #tpu.memory_space<vmem_shared>> -> memref<80x128xf32, #tpu.memory_space<vmem_shared>>
      %dma_wait3A_441 = arith.constant 0 : i32
      %dma_wait3A_442 = tpu.memref_slice %arg9[%add3A_27, %dma_wait3A_441] : memref<10240x128xf32, #tpu.memory_space<vmem_shared>> -> memref<80x128xf32, #tpu.memory_space<vmem_shared>>
      tpu.wait_dma2 semaphore(%run_scoped3A : memref<!tpu.dma_semaphore, #tpu.memory_space<semaphore_mem>>) src(%arg18 : memref<80x128xf32, #tpu.memory_space<vmem>>) dst(%dma_wait3A_442 : memref<80x128xf32, #tpu.memory_space<vmem_shared>>)
      tpu.yield
    }) : () -> ()
    %mul3A_28 = arith.constant 640 : i32
    %mul3A_29 = arith.muli %arg1, %mul3A_28 : i32
    %add3A_30 = arith.constant 400 : i32
    %add3A_31 = arith.addi %mul3A_29, %add3A_30 : i32
    "tpu.region"() ({
      %run_scoped3A = tpu.sem_alloc : memref<!tpu.dma_semaphore, #tpu.memory_space<semaphore_mem>>
      %dma_start3A_435 = arith.constant 0 : i32
      %dma_start3A_436 = tpu.memref_slice %arg9[%add3A_31, %dma_start3A_435] : memref<10240x128xf32, #tpu.memory_space<vmem_shared>> -> memref<80x128xf32, #tpu.memory_space<vmem_shared>>
      %dma_start3A_437 = arith.constant 0 : i32
      %dma_start3A_438 = tpu.memref_slice %arg9[%add3A_31, %dma_start3A_437] : memref<10240x128xf32, #tpu.memory_space<vmem_shared>> -> memref<80x128xf32, #tpu.memory_space<vmem_shared>>
      tpu.enqueue_dma source(%arg18 : memref<80x128xf32, #tpu.memory_space<vmem>>) target(%dma_start3A_438 : memref<80x128xf32, #tpu.memory_space<vmem_shared>>) target_semaphore(%run_scoped3A : memref<!tpu.dma_semaphore, #tpu.memory_space<semaphore_mem>>)
      %dma_wait3A_439 = arith.constant 0 : i32
      %dma_wait3A_440 = tpu.memref_slice %arg9[%add3A_31, %dma_wait3A_439] : memref<10240x128xf32, #tpu.memory_space<vmem_shared>> -> memref<80x128xf32, #tpu.memory_space<vmem_shared>>
      %dma_wait3A_441 = arith.constant 0 : i32
      %dma_wait3A_442 = tpu.memref_slice %arg9[%add3A_31, %dma_wait3A_441] : memref<10240x128xf32, #tpu.memory_space<vmem_shared>> -> memref<80x128xf32, #tpu.memory_space<vmem_shared>>
      tpu.wait_dma2 semaphore(%run_scoped3A : memref<!tpu.dma_semaphore, #tpu.memory_space<semaphore_mem>>) src(%arg18 : memref<80x128xf32, #tpu.memory_space<vmem>>) dst(%dma_wait3A_442 : memref<80x128xf32, #tpu.memory_space<vmem_shared>>)
      tpu.yield
    }) : () -> ()
    %mul3A_32 = arith.constant 640 : i32
    %mul3A_33 = arith.muli %arg1, %mul3A_32 : i32
    %add3A_34 = arith.constant 480 : i32
    %add3A_35 = arith.addi %mul3A_33, %add3A_34 : i32
    "tpu.region"() ({
      %run_scoped3A = tpu.sem_alloc : memref<!tpu.dma_semaphore, #tpu.memory_space<semaphore_mem>>
      %dma_start3A_435 = arith.constant 0 : i32
      %dma_start3A_436 = tpu.memref_slice %arg9[%add3A_35, %dma_start3A_435] : memref<10240x128xf32, #tpu.memory_space<vmem_shared>> -> memref<80x128xf32, #tpu.memory_space<vmem_shared>>
      %dma_start3A_437 = arith.constant 0 : i32
      %dma_start3A_438 = tpu.memref_slice %arg9[%add3A_35, %dma_start3A_437] : memref<10240x128xf32, #tpu.memory_space<vmem_shared>> -> memref<80x128xf32, #tpu.memory_space<vmem_shared>>
      tpu.enqueue_dma source(%arg18 : memref<80x128xf32, #tpu.memory_space<vmem>>) target(%dma_start3A_438 : memref<80x128xf32, #tpu.memory_space<vmem_shared>>) target_semaphore(%run_scoped3A : memref<!tpu.dma_semaphore, #tpu.memory_space<semaphore_mem>>)
      %dma_wait3A_439 = arith.constant 0 : i32
      %dma_wait3A_440 = tpu.memref_slice %arg9[%add3A_35, %dma_wait3A_439] : memref<10240x128xf32, #tpu.memory_space<vmem_shared>> -> memref<80x128xf32, #tpu.memory_space<vmem_shared>>
      %dma_wait3A_441 = arith.constant 0 : i32
      %dma_wait3A_442 = tpu.memref_slice %arg9[%add3A_35, %dma_wait3A_441] : memref<10240x128xf32, #tpu.memory_space<vmem_shared>> -> memref<80x128xf32, #tpu.memory_space<vmem_shared>>
      tpu.wait_dma2 semaphore(%run_scoped3A : memref<!tpu.dma_semaphore, #tpu.memory_space<semaphore_mem>>) src(%arg18 : memref<80x128xf32, #tpu.memory_space<vmem>>) dst(%dma_wait3A_442 : memref<80x128xf32, #tpu.memory_space<vmem_shared>>)
      tpu.yield
    }) : () -> ()
    %mul3A_36 = arith.constant 640 : i32
    %mul3A_37 = arith.muli %arg1, %mul3A_36 : i32
    %add3A_38 = arith.constant 560 : i32
    %add3A_39 = arith.addi %mul3A_37, %add3A_38 : i32
    "tpu.region"() ({
      %run_scoped3A = tpu.sem_alloc : memref<!tpu.dma_semaphore, #tpu.memory_space<semaphore_mem>>
      %dma_start3A_435 = arith.constant 0 : i32
      %dma_start3A_436 = tpu.memref_slice %arg9[%add3A_39, %dma_start3A_435] : memref<10240x128xf32, #tpu.memory_space<vmem_shared>> -> memref<80x128xf32, #tpu.memory_space<vmem_shared>>
      %dma_start3A_437 = arith.constant 0 : i32
      %dma_start3A_438 = tpu.memref_slice %arg9[%add3A_39, %dma_start3A_437] : memref<10240x128xf32, #tpu.memory_space<vmem_shared>> -> memref<80x128xf32, #tpu.memory_space<vmem_shared>>
      tpu.enqueue_dma source(%arg18 : memref<80x128xf32, #tpu.memory_space<vmem>>) target(%dma_start3A_438 : memref<80x128xf32, #tpu.memory_space<vmem_shared>>) target_semaphore(%run_scoped3A : memref<!tpu.dma_semaphore, #tpu.memory_space<semaphore_mem>>)
      %dma_wait3A_439 = arith.constant 0 : i32
      %dma_wait3A_440 = tpu.memref_slice %arg9[%add3A_39, %dma_wait3A_439] : memref<10240x128xf32, #tpu.memory_space<vmem_shared>> -> memref<80x128xf32, #tpu.memory_space<vmem_shared>>
      %dma_wait3A_441 = arith.constant 0 : i32
      %dma_wait3A_442 = tpu.memref_slice %arg9[%add3A_39, %dma_wait3A_441] : memref<10240x128xf32, #tpu.memory_space<vmem_shared>> -> memref<80x128xf32, #tpu.memory_space<vmem_shared>>
      tpu.wait_dma2 semaphore(%run_scoped3A : memref<!tpu.dma_semaphore, #tpu.memory_space<semaphore_mem>>) src(%arg18 : memref<80x128xf32, #tpu.memory_space<vmem>>) dst(%dma_wait3A_442 : memref<80x128xf32, #tpu.memory_space<vmem_shared>>)
      tpu.yield
    }) : () -> ()
    %barrier3A = arith.constant 0 : index
    tpu.barrier barrier_id(%barrier3A)
    %mul3A_40 = arith.constant 125 : i32
    %mul3A_41 = arith.muli %add3A, %mul3A_40 : i32
    %add3A_42 = arith.constant 0 : i32
    %add3A_43 = arith.addi %mul3A_41, %add3A_42 : i32
    %mul3A_44 = arith.constant 3 : i32
    %mul3A_45 = arith.muli %add3A_43, %mul3A_44 : i32
    %mul3A_46 = arith.constant 80 : i32
    %mul3A_47 = arith.muli %mul3A_45, %mul3A_46 : i32
    "tpu.region"() ({
      %run_scoped3A = tpu.sem_alloc : memref<!tpu.dma_semaphore, #tpu.memory_space<semaphore_mem>>
      %dma_start3A_435 = tpu.memref_slice %arg6[%mul3A_47] : memref<960000xi32, #tpu.memory_space<hbm>> -> memref<240xi32, #tpu.memory_space<hbm>>
      %dma_start3A_436 = tpu.memref_slice %arg6[%mul3A_47] : memref<960000xi32, #tpu.memory_space<hbm>> -> memref<240xi32, #tpu.memory_space<hbm>>
      tpu.enqueue_dma source(%dma_start3A_436 : memref<240xi32, #tpu.memory_space<hbm>>) target(%arg10 : memref<240xi32, #tpu.memory_space<vmem>>) target_semaphore(%run_scoped3A : memref<!tpu.dma_semaphore, #tpu.memory_space<semaphore_mem>>)
      %dma_wait3A_437 = tpu.memref_slice %arg6[%mul3A_47] : memref<960000xi32, #tpu.memory_space<hbm>> -> memref<240xi32, #tpu.memory_space<hbm>>
      %dma_wait3A_438 = tpu.memref_slice %arg6[%mul3A_47] : memref<960000xi32, #tpu.memory_space<hbm>> -> memref<240xi32, #tpu.memory_space<hbm>>
      tpu.wait_dma2 semaphore(%run_scoped3A : memref<!tpu.dma_semaphore, #tpu.memory_space<semaphore_mem>>) src(%dma_wait3A_438 : memref<240xi32, #tpu.memory_space<hbm>>) dst(%arg10 : memref<240xi32, #tpu.memory_space<vmem>>)
      tpu.yield
    }) : () -> ()
    %get3A = arith.constant 0 : index
    %get3A_48 = tpu.vector_load %arg10[%get3A] {strides = array<i32>} : memref<240xi32, #tpu.memory_space<vmem>>, vector<16xi32>,
    %get3A_49 = vector.shape_cast %get3A_48 : vector<16xi32> to vector<16xi32>
    %swap3A = arith.constant 0 : index
    %swap3A_50 = tpu.vector_load %arg12[%swap3A] {strides = array<i32>} : memref<80xi32, #tpu.memory_space<vmem>>, vector<16xi32>,
    %swap3A_51 = vector.shape_cast %swap3A_50 : vector<16xi32> to vector<16xi32>
    %swap3A_52 = vector.shape_cast %get3A_49 : vector<16xi32> to vector<16xi32>
    tpu.vector_store %arg12[%swap3A], %swap3A_52 {strides = array<i32>} : memref<80xi32, #tpu.memory_space<vmem>>, vector<16xi32>,
    %get3A_53 = arith.constant 80 : index
    %get3A_54 = tpu.vector_load %arg10[%get3A_53] {strides = array<i32>} : memref<240xi32, #tpu.memory_space<vmem>>, vector<16xi32>,
    %get3A_55 = vector.shape_cast %get3A_54 : vector<16xi32> to vector<16xi32>
    %swap3A_56 = arith.constant 0 : index
    %swap3A_57 = tpu.vector_load %arg14[%swap3A_56] {strides = array<i32>} : memref<80xi32, #tpu.memory_space<vmem>>, vector<16xi32>,
    %swap3A_58 = vector.shape_cast %swap3A_57 : vector<16xi32> to vector<16xi32>
    %swap3A_59 = vector.shape_cast %get3A_55 : vector<16xi32> to vector<16xi32>
    tpu.vector_store %arg14[%swap3A_56], %swap3A_59 {strides = array<i32>} : memref<80xi32, #tpu.memory_space<vmem>>, vector<16xi32>,
    %get3A_60 = arith.constant 160 : index
    %get3A_61 = tpu.vector_load %arg10[%get3A_60] {strides = array<i32>} : memref<240xi32, #tpu.memory_space<vmem>>, vector<16xi32>,
    %get3A_62 = vector.shape_cast %get3A_61 : vector<16xi32> to vector<16xi32>
    %swap3A_63 = arith.constant 0 : index
    %swap3A_64 = tpu.vector_load %arg16[%swap3A_63] {strides = array<i32>} : memref<80xi32, #tpu.memory_space<vmem>>, vector<16xi32>,
    %swap3A_65 = vector.shape_cast %swap3A_64 : vector<16xi32> to vector<16xi32>
    %swap3A_66 = vector.shape_cast %get3A_62 : vector<16xi32> to vector<16xi32>
    tpu.vector_store %arg16[%swap3A_63], %swap3A_66 {strides = array<i32>} : memref<80xi32, #tpu.memory_space<vmem>>, vector<16xi32>,
    %get3A_67 = arith.constant 16 : index
    %get3A_68 = tpu.vector_load %arg10[%get3A_67] {strides = array<i32>} : memref<240xi32, #tpu.memory_space<vmem>>, vector<16xi32>,
    %get3A_69 = vector.shape_cast %get3A_68 : vector<16xi32> to vector<16xi32>
    %swap3A_70 = arith.constant 16 : index
    %swap3A_71 = tpu.vector_load %arg12[%swap3A_70] {strides = array<i32>} : memref<80xi32, #tpu.memory_space<vmem>>, vector<16xi32>,
    %swap3A_72 = vector.shape_cast %swap3A_71 : vector<16xi32> to vector<16xi32>
    %swap3A_73 = vector.shape_cast %get3A_69 : vector<16xi32> to vector<16xi32>
    tpu.vector_store %arg12[%swap3A_70], %swap3A_73 {strides = array<i32>} : memref<80xi32, #tpu.memory_space<vmem>>, vector<16xi32>,
    %get3A_74 = arith.constant 96 : index
    %get3A_75 = tpu.vector_load %arg10[%get3A_74] {strides = array<i32>} : memref<240xi32, #tpu.memory_space<vmem>>, vector<16xi32>,
    %get3A_76 = vector.shape_cast %get3A_75 : vector<16xi32> to vector<16xi32>
    %swap3A_77 = arith.constant 16 : index
    %swap3A_78 = tpu.vector_load %arg14[%swap3A_77] {strides = array<i32>} : memref<80xi32, #tpu.memory_space<vmem>>, vector<16xi32>,
    %swap3A_79 = vector.shape_cast %swap3A_78 : vector<16xi32> to vector<16xi32>
    %swap3A_80 = vector.shape_cast %get3A_76 : vector<16xi32> to vector<16xi32>
    tpu.vector_store %arg14[%swap3A_77], %swap3A_80 {strides = array<i32>} : memref<80xi32, #tpu.memory_space<vmem>>, vector<16xi32>,
    %get3A_81 = arith.constant 176 : index
    %get3A_82 = tpu.vector_load %arg10[%get3A_81] {strides = array<i32>} : memref<240xi32, #tpu.memory_space<vmem>>, vector<16xi32>,
    %get3A_83 = vector.shape_cast %get3A_82 : vector<16xi32> to vector<16xi32>
    %swap3A_84 = arith.constant 16 : index
    %swap3A_85 = tpu.vector_load %arg16[%swap3A_84] {strides = array<i32>} : memref<80xi32, #tpu.memory_space<vmem>>, vector<16xi32>,
    %swap3A_86 = vector.shape_cast %swap3A_85 : vector<16xi32> to vector<16xi32>
    %swap3A_87 = vector.shape_cast %get3A_83 : vector<16xi32> to vector<16xi32>
    tpu.vector_store %arg16[%swap3A_84], %swap3A_87 {strides = array<i32>} : memref<80xi32, #tpu.memory_space<vmem>>, vector<16xi32>,
    %get3A_88 = arith.constant 32 : index
    %get3A_89 = tpu.vector_load %arg10[%get3A_88] {strides = array<i32>} : memref<240xi32, #tpu.memory_space<vmem>>, vector<16xi32>,
    %get3A_90 = vector.shape_cast %get3A_89 : vector<16xi32> to vector<16xi32>
    %swap3A_91 = arith.constant 32 : index
    %swap3A_92 = tpu.vector_load %arg12[%swap3A_91] {strides = array<i32>} : memref<80xi32, #tpu.memory_space<vmem>>, vector<16xi32>,
    %swap3A_93 = vector.shape_cast %swap3A_92 : vector<16xi32> to vector<16xi32>
    %swap3A_94 = vector.shape_cast %get3A_90 : vector<16xi32> to vector<16xi32>
    tpu.vector_store %arg12[%swap3A_91], %swap3A_94 {strides = array<i32>} : memref<80xi32, #tpu.memory_space<vmem>>, vector<16xi32>,
    %get3A_95 = arith.constant 112 : index
    %get3A_96 = tpu.vector_load %arg10[%get3A_95] {strides = array<i32>} : memref<240xi32, #tpu.memory_space<vmem>>, vector<16xi32>,
    %get3A_97 = vector.shape_cast %get3A_96 : vector<16xi32> to vector<16xi32>
    %swap3A_98 = arith.constant 32 : index
    %swap3A_99 = tpu.vector_load %arg14[%swap3A_98] {strides = array<i32>} : memref<80xi32, #tpu.memory_space<vmem>>, vector<16xi32>,
    %swap3A_100 = vector.shape_cast %swap3A_99 : vector<16xi32> to vector<16xi32>
    %swap3A_101 = vector.shape_cast %get3A_97 : vector<16xi32> to vector<16xi32>
    tpu.vector_store %arg14[%swap3A_98], %swap3A_101 {strides = array<i32>} : memref<80xi32, #tpu.memory_space<vmem>>, vector<16xi32>,
    %get3A_102 = arith.constant 192 : index
    %get3A_103 = tpu.vector_load %arg10[%get3A_102] {strides = array<i32>} : memref<240xi32, #tpu.memory_space<vmem>>, vector<16xi32>,
    %get3A_104 = vector.shape_cast %get3A_103 : vector<16xi32> to vector<16xi32>
    %swap3A_105 = arith.constant 32 : index
    %swap3A_106 = tpu.vector_load %arg16[%swap3A_105] {strides = array<i32>} : memref<80xi32, #tpu.memory_space<vmem>>, vector<16xi32>,
    %swap3A_107 = vector.shape_cast %swap3A_106 : vector<16xi32> to vector<16xi32>
    %swap3A_108 = vector.shape_cast %get3A_104 : vector<16xi32> to vector<16xi32>
    tpu.vector_store %arg16[%swap3A_105], %swap3A_108 {strides = array<i32>} : memref<80xi32, #tpu.memory_space<vmem>>, vector<16xi32>,
    %get3A_109 = arith.constant 48 : index
    %get3A_110 = tpu.vector_load %arg10[%get3A_109] {strides = array<i32>} : memref<240xi32, #tpu.memory_space<vmem>>, vector<16xi32>,
    %get3A_111 = vector.shape_cast %get3A_110 : vector<16xi32> to vector<16xi32>
    %swap3A_112 = arith.constant 48 : index
    %swap3A_113 = tpu.vector_load %arg12[%swap3A_112] {strides = array<i32>} : memref<80xi32, #tpu.memory_space<vmem>>, vector<16xi32>,
    %swap3A_114 = vector.shape_cast %swap3A_113 : vector<16xi32> to vector<16xi32>
    %swap3A_115 = vector.shape_cast %get3A_111 : vector<16xi32> to vector<16xi32>
    tpu.vector_store %arg12[%swap3A_112], %swap3A_115 {strides = array<i32>} : memref<80xi32, #tpu.memory_space<vmem>>, vector<16xi32>,
    %get3A_116 = arith.constant 128 : index
    %get3A_117 = tpu.vector_load %arg10[%get3A_116] {strides = array<i32>} : memref<240xi32, #tpu.memory_space<vmem>>, vector<16xi32>,
    %get3A_118 = vector.shape_cast %get3A_117 : vector<16xi32> to vector<16xi32>
    %swap3A_119 = arith.constant 48 : index
    %swap3A_120 = tpu.vector_load %arg14[%swap3A_119] {strides = array<i32>} : memref<80xi32, #tpu.memory_space<vmem>>, vector<16xi32>,
    %swap3A_121 = vector.shape_cast %swap3A_120 : vector<16xi32> to vector<16xi32>
    %swap3A_122 = vector.shape_cast %get3A_118 : vector<16xi32> to vector<16xi32>
    tpu.vector_store %arg14[%swap3A_119], %swap3A_122 {strides = array<i32>} : memref<80xi32, #tpu.memory_space<vmem>>, vector<16xi32>,
    %get3A_123 = arith.constant 208 : index
    %get3A_124 = tpu.vector_load %arg10[%get3A_123] {strides = array<i32>} : memref<240xi32, #tpu.memory_space<vmem>>, vector<16xi32>,
    %get3A_125 = vector.shape_cast %get3A_124 : vector<16xi32> to vector<16xi32>
    %swap3A_126 = arith.constant 48 : index
    %swap3A_127 = tpu.vector_load %arg16[%swap3A_126] {strides = array<i32>} : memref<80xi32, #tpu.memory_space<vmem>>, vector<16xi32>,
    %swap3A_128 = vector.shape_cast %swap3A_127 : vector<16xi32> to vector<16xi32>
    %swap3A_129 = vector.shape_cast %get3A_125 : vector<16xi32> to vector<16xi32>
    tpu.vector_store %arg16[%swap3A_126], %swap3A_129 {strides = array<i32>} : memref<80xi32, #tpu.memory_space<vmem>>, vector<16xi32>,
    %get3A_130 = arith.constant 64 : index
    %get3A_131 = tpu.vector_load %arg10[%get3A_130] {strides = array<i32>} : memref<240xi32, #tpu.memory_space<vmem>>, vector<16xi32>,
    %get3A_132 = vector.shape_cast %get3A_131 : vector<16xi32> to vector<16xi32>
    %swap3A_133 = arith.constant 64 : index
    %swap3A_134 = tpu.vector_load %arg12[%swap3A_133] {strides = array<i32>} : memref<80xi32, #tpu.memory_space<vmem>>, vector<16xi32>,
    %swap3A_135 = vector.shape_cast %swap3A_134 : vector<16xi32> to vector<16xi32>
    %swap3A_136 = vector.shape_cast %get3A_132 : vector<16xi32> to vector<16xi32>
    tpu.vector_store %arg12[%swap3A_133], %swap3A_136 {strides = array<i32>} : memref<80xi32, #tpu.memory_space<vmem>>, vector<16xi32>,
    %get3A_137 = arith.constant 144 : index
    %get3A_138 = tpu.vector_load %arg10[%get3A_137] {strides = array<i32>} : memref<240xi32, #tpu.memory_space<vmem>>, vector<16xi32>,
    %get3A_139 = vector.shape_cast %get3A_138 : vector<16xi32> to vector<16xi32>
    %swap3A_140 = arith.constant 64 : index
    %swap3A_141 = tpu.vector_load %arg14[%swap3A_140] {strides = array<i32>} : memref<80xi32, #tpu.memory_space<vmem>>, vector<16xi32>,
    %swap3A_142 = vector.shape_cast %swap3A_141 : vector<16xi32> to vector<16xi32>
    %swap3A_143 = vector.shape_cast %get3A_139 : vector<16xi32> to vector<16xi32>
    tpu.vector_store %arg14[%swap3A_140], %swap3A_143 {strides = array<i32>} : memref<80xi32, #tpu.memory_space<vmem>>, vector<16xi32>,
    %get3A_144 = arith.constant 224 : index
    %get3A_145 = tpu.vector_load %arg10[%get3A_144] {strides = array<i32>} : memref<240xi32, #tpu.memory_space<vmem>>, vector<16xi32>,
    %get3A_146 = vector.shape_cast %get3A_145 : vector<16xi32> to vector<16xi32>
    %swap3A_147 = arith.constant 64 : index
    %swap3A_148 = tpu.vector_load %arg16[%swap3A_147] {strides = array<i32>} : memref<80xi32, #tpu.memory_space<vmem>>, vector<16xi32>,
    %swap3A_149 = vector.shape_cast %swap3A_148 : vector<16xi32> to vector<16xi32>
    %swap3A_150 = vector.shape_cast %get3A_146 : vector<16xi32> to vector<16xi32>
    tpu.vector_store %arg16[%swap3A_147], %swap3A_150 {strides = array<i32>} : memref<80xi32, #tpu.memory_space<vmem>>, vector<16xi32>,
    %mul3A_151 = arith.constant 10000 : i32
    %mul3A_152 = arith.muli %add3A, %mul3A_151 : i32
    %add3A_153 = arith.constant 0 : i32
    %add3A_154 = arith.addi %mul3A_152, %add3A_153 : i32
    %dma_start3A = arith.constant 0 : i32
    %dma_start3A_155 = arith.constant 0 : i32
    %dma_start3A_156 = tpu.memref_slice %arg2[%dma_start3A, %dma_start3A_155] : memref<10000x128xf32, #tpu.memory_space<hbm>> -> memref<10000x128xf32, #tpu.memory_space<hbm>>
    tpu.enqueue_indirect_dma source(%dma_start3A_156 : memref<10000x128xf32, #tpu.memory_space<hbm>>) target(%arg18 : memref<80x128xf32, #tpu.memory_space<vmem>>) offsets(%arg12 : memref<80xi32, #tpu.memory_space<vmem>>) semaphore(%arg24 : memref<!tpu.dma_semaphore, #tpu.memory_space<semaphore_mem>>)
    %dma_start3A_157 = arith.constant 0 : i32
    %dma_start3A_158 = arith.constant 0 : i32
    %dma_start3A_159 = tpu.memref_slice %arg3[%dma_start3A_157, %dma_start3A_158] : memref<10000x128xf32, #tpu.memory_space<hbm>> -> memref<10000x128xf32, #tpu.memory_space<hbm>>
    tpu.enqueue_indirect_dma source(%dma_start3A_159 : memref<10000x128xf32, #tpu.memory_space<hbm>>) target(%arg20 : memref<80x128xf32, #tpu.memory_space<vmem>>) offsets(%arg14 : memref<80xi32, #tpu.memory_space<vmem>>) semaphore(%arg24 : memref<!tpu.dma_semaphore, #tpu.memory_space<semaphore_mem>>)
    %mul3A_160 = arith.constant 16 : i32
    %mul3A_161 = arith.muli %add3A_154, %mul3A_160 : i32
    %dma_start3A_162 = tpu.memref_slice %arg5[%mul3A_161] : memref<5120000xf32, #tpu.memory_space<hbm>> -> memref<1280xf32, #tpu.memory_space<hbm>>
    %dma_start3A_163 = tpu.memref_slice %arg5[%mul3A_161] : memref<5120000xf32, #tpu.memory_space<hbm>> -> memref<1280xf32, #tpu.memory_space<hbm>>
    tpu.enqueue_dma source(%dma_start3A_163 : memref<1280xf32, #tpu.memory_space<hbm>>) target(%arg22 : memref<1280xf32, #tpu.memory_space<vmem>>) target_semaphore(%arg24 : memref<!tpu.dma_semaphore, #tpu.memory_space<semaphore_mem>>)
    %scan3A_164 = arith.constant 0 : i32
    %scan3A_165 = arith.constant 0 : i32
    %scan3A_166 = arith.constant 62 : i32
    %scan3A_167 = arith.addi %scan3A_165, %scan3A_166 : i32
    %scan3A_168 = arith.constant 1 : i32
    %scan3A_169 = scf.for %scan3A_435 = %scan3A_165 to %scan3A_167 step %scan3A_168 iter_args(%scan3A_436 = %scan3A_164) -> (i32)  : i32 {
      %gt3A = arith.constant 0 : i32
      %gt3A_437 = arith.cmpi sgt, %scan3A_435, %gt3A : i32
      %convert_element_type3A = arith.extui %gt3A_437 : i1 to i32
      %cond3A = arith.constant 0 : i32
      %cond3A_438 = arith.cmpi ne, %convert_element_type3A, %cond3A : i32
      scf.if %cond3A_438 {
        %dma_wait3A_753 = arith.constant 0 : i32
        %dma_wait3A_754 = arith.constant 0 : i32
        %dma_wait3A_755 = tpu.memref_slice %arg9[%dma_wait3A_753, %dma_wait3A_754] : memref<10240x128xf32, #tpu.memory_space<vmem_shared>> -> memref<10240x128xf32, #tpu.memory_space<vmem_shared>>
        tpu.wait_indirect_dma semaphore(%arg27 : memref<!tpu.dma_semaphore, #tpu.memory_space<semaphore_mem>>) src(%arg19 : memref<80x128xf32, #tpu.memory_space<vmem>>) dst(%dma_wait3A_755 : memref<10240x128xf32, #tpu.memory_space<vmem_shared>>)
      } else {
      }
      %mul3A_439 = arith.constant 2 : i32
      %mul3A_440 = arith.muli %mul3A_439, %scan3A_435 : i32
      %add3A_441 = arith.constant 1 : i32
      %add3A_442 = arith.addi %mul3A_440, %add3A_441 : i32
      %mul3A_443 = arith.constant 125 : i32
      %mul3A_444 = arith.muli %add3A, %mul3A_443 : i32
      %add3A_445 = arith.addi %mul3A_444, %add3A_442 : i32
      %mul3A_446 = arith.constant 3 : i32
      %mul3A_447 = arith.muli %add3A_445, %mul3A_446 : i32
      %mul3A_448 = arith.constant 80 : i32
      %mul3A_449 = arith.muli %mul3A_447, %mul3A_448 : i32
      "tpu.region"() ({
        %run_scoped3A = tpu.sem_alloc : memref<!tpu.dma_semaphore, #tpu.memory_space<semaphore_mem>>
        %dma_start3A_753 = tpu.memref_slice %arg6[%mul3A_449] : memref<960000xi32, #tpu.memory_space<hbm>> -> memref<240xi32, #tpu.memory_space<hbm>>
        %dma_start3A_754 = tpu.memref_slice %arg6[%mul3A_449] : memref<960000xi32, #tpu.memory_space<hbm>> -> memref<240xi32, #tpu.memory_space<hbm>>
        tpu.enqueue_dma source(%dma_start3A_754 : memref<240xi32, #tpu.memory_space<hbm>>) target(%arg11 : memref<240xi32, #tpu.memory_space<vmem>>) target_semaphore(%run_scoped3A : memref<!tpu.dma_semaphore, #tpu.memory_space<semaphore_mem>>)
        %dma_wait3A_755 = tpu.memref_slice %arg6[%mul3A_449] : memref<960000xi32, #tpu.memory_space<hbm>> -> memref<240xi32, #tpu.memory_space<hbm>>
        %dma_wait3A_756 = tpu.memref_slice %arg6[%mul3A_449] : memref<960000xi32, #tpu.memory_space<hbm>> -> memref<240xi32, #tpu.memory_space<hbm>>
        tpu.wait_dma2 semaphore(%run_scoped3A : memref<!tpu.dma_semaphore, #tpu.memory_space<semaphore_mem>>) src(%dma_wait3A_756 : memref<240xi32, #tpu.memory_space<hbm>>) dst(%arg11 : memref<240xi32, #tpu.memory_space<vmem>>)
        tpu.yield
      }) : () -> ()
      %get3A_450 = arith.constant 0 : index
      %get3A_451 = tpu.vector_load %arg11[%get3A_450] {strides = array<i32>} : memref<240xi32, #tpu.memory_space<vmem>>, vector<16xi32>,
      %get3A_452 = vector.shape_cast %get3A_451 : vector<16xi32> to vector<16xi32>
      %swap3A_453 = arith.constant 0 : index
      %swap3A_454 = tpu.vector_load %arg13[%swap3A_453] {strides = array<i32>} : memref<80xi32, #tpu.memory_space<vmem>>, vector<16xi32>,
      %swap3A_455 = vector.shape_cast %swap3A_454 : vector<16xi32> to vector<16xi32>
      %swap3A_456 = vector.shape_cast %get3A_452 : vector<16xi32> to vector<16xi32>
      tpu.vector_store %arg13[%swap3A_453], %swap3A_456 {strides = array<i32>} : memref<80xi32, #tpu.memory_space<vmem>>, vector<16xi32>,
      %get3A_457 = arith.constant 80 : index
      %get3A_458 = tpu.vector_load %arg11[%get3A_457] {strides = array<i32>} : memref<240xi32, #tpu.memory_space<vmem>>, vector<16xi32>,
      %get3A_459 = vector.shape_cast %get3A_458 : vector<16xi32> to vector<16xi32>
      %swap3A_460 = arith.constant 0 : index
      %swap3A_461 = tpu.vector_load %arg15[%swap3A_460] {strides = array<i32>} : memref<80xi32, #tpu.memory_space<vmem>>, vector<16xi32>,
      %swap3A_462 = vector.shape_cast %swap3A_461 : vector<16xi32> to vector<16xi32>
      %swap3A_463 = vector.shape_cast %get3A_459 : vector<16xi32> to vector<16xi32>
      tpu.vector_store %arg15[%swap3A_460], %swap3A_463 {strides = array<i32>} : memref<80xi32, #tpu.memory_space<vmem>>, vector<16xi32>,
      %get3A_464 = arith.constant 160 : index
      %get3A_465 = tpu.vector_load %arg11[%get3A_464] {strides = array<i32>} : memref<240xi32, #tpu.memory_space<vmem>>, vector<16xi32>,
      %get3A_466 = vector.shape_cast %get3A_465 : vector<16xi32> to vector<16xi32>
      %swap3A_467 = arith.constant 0 : index
      %swap3A_468 = tpu.vector_load %arg17[%swap3A_467] {strides = array<i32>} : memref<80xi32, #tpu.memory_space<vmem>>, vector<16xi32>,
      %swap3A_469 = vector.shape_cast %swap3A_468 : vector<16xi32> to vector<16xi32>
      %swap3A_470 = vector.shape_cast %get3A_466 : vector<16xi32> to vector<16xi32>
      tpu.vector_store %arg17[%swap3A_467], %swap3A_470 {strides = array<i32>} : memref<80xi32, #tpu.memory_space<vmem>>, vector<16xi32>,
      %get3A_471 = arith.constant 16 : index
      %get3A_472 = tpu.vector_load %arg11[%get3A_471] {strides = array<i32>} : memref<240xi32, #tpu.memory_space<vmem>>, vector<16xi32>,
      %get3A_473 = vector.shape_cast %get3A_472 : vector<16xi32> to vector<16xi32>
      %swap3A_474 = arith.constant 16 : index
      %swap3A_475 = tpu.vector_load %arg13[%swap3A_474] {strides = array<i32>} : memref<80xi32, #tpu.memory_space<vmem>>, vector<16xi32>,
      %swap3A_476 = vector.shape_cast %swap3A_475 : vector<16xi32> to vector<16xi32>
      %swap3A_477 = vector.shape_cast %get3A_473 : vector<16xi32> to vector<16xi32>
      tpu.vector_store %arg13[%swap3A_474], %swap3A_477 {strides = array<i32>} : memref<80xi32, #tpu.memory_space<vmem>>, vector<16xi32>,
      %get3A_478 = arith.constant 96 : index
      %get3A_479 = tpu.vector_load %arg11[%get3A_478] {strides = array<i32>} : memref<240xi32, #tpu.memory_space<vmem>>, vector<16xi32>,
      %get3A_480 = vector.shape_cast %get3A_479 : vector<16xi32> to vector<16xi32>
      %swap3A_481 = arith.constant 16 : index
      %swap3A_482 = tpu.vector_load %arg15[%swap3A_481] {strides = array<i32>} : memref<80xi32, #tpu.memory_space<vmem>>, vector<16xi32>,
      %swap3A_483 = vector.shape_cast %swap3A_482 : vector<16xi32> to vector<16xi32>
      %swap3A_484 = vector.shape_cast %get3A_480 : vector<16xi32> to vector<16xi32>
      tpu.vector_store %arg15[%swap3A_481], %swap3A_484 {strides = array<i32>} : memref<80xi32, #tpu.memory_space<vmem>>, vector<16xi32>,
      %get3A_485 = arith.constant 176 : index
      %get3A_486 = tpu.vector_load %arg11[%get3A_485] {strides = array<i32>} : memref<240xi32, #tpu.memory_space<vmem>>, vector<16xi32>,
      %get3A_487 = vector.shape_cast %get3A_486 : vector<16xi32> to vector<16xi32>
      %swap3A_488 = arith.constant 16 : index
      %swap3A_489 = tpu.vector_load %arg17[%swap3A_488] {strides = array<i32>} : memref<80xi32, #tpu.memory_space<vmem>>, vector<16xi32>,
      %swap3A_490 = vector.shape_cast %swap3A_489 : vector<16xi32> to vector<16xi32>
      %swap3A_491 = vector.shape_cast %get3A_487 : vector<16xi32> to vector<16xi32>
      tpu.vector_store %arg17[%swap3A_488], %swap3A_491 {strides = array<i32>} : memref<80xi32, #tpu.memory_space<vmem>>, vector<16xi32>,
      %get3A_492 = arith.constant 32 : index
      %get3A_493 = tpu.vector_load %arg11[%get3A_492] {strides = array<i32>} : memref<240xi32, #tpu.memory_space<vmem>>, vector<16xi32>,
      %get3A_494 = vector.shape_cast %get3A_493 : vector<16xi32> to vector<16xi32>
      %swap3A_495 = arith.constant 32 : index
      %swap3A_496 = tpu.vector_load %arg13[%swap3A_495] {strides = array<i32>} : memref<80xi32, #tpu.memory_space<vmem>>, vector<16xi32>,
      %swap3A_497 = vector.shape_cast %swap3A_496 : vector<16xi32> to vector<16xi32>
      %swap3A_498 = vector.shape_cast %get3A_494 : vector<16xi32> to vector<16xi32>
      tpu.vector_store %arg13[%swap3A_495], %swap3A_498 {strides = array<i32>} : memref<80xi32, #tpu.memory_space<vmem>>, vector<16xi32>,
      %get3A_499 = arith.constant 112 : index
      %get3A_500 = tpu.vector_load %arg11[%get3A_499] {strides = array<i32>} : memref<240xi32, #tpu.memory_space<vmem>>, vector<16xi32>,
      %get3A_501 = vector.shape_cast %get3A_500 : vector<16xi32> to vector<16xi32>
      %swap3A_502 = arith.constant 32 : index
      %swap3A_503 = tpu.vector_load %arg15[%swap3A_502] {strides = array<i32>} : memref<80xi32, #tpu.memory_space<vmem>>, vector<16xi32>,
      %swap3A_504 = vector.shape_cast %swap3A_503 : vector<16xi32> to vector<16xi32>
      %swap3A_505 = vector.shape_cast %get3A_501 : vector<16xi32> to vector<16xi32>
      tpu.vector_store %arg15[%swap3A_502], %swap3A_505 {strides = array<i32>} : memref<80xi32, #tpu.memory_space<vmem>>, vector<16xi32>,
      %get3A_506 = arith.constant 192 : index
      %get3A_507 = tpu.vector_load %arg11[%get3A_506] {strides = array<i32>} : memref<240xi32, #tpu.memory_space<vmem>>, vector<16xi32>,
      %get3A_508 = vector.shape_cast %get3A_507 : vector<16xi32> to vector<16xi32>
      %swap3A_509 = arith.constant 32 : index
      %swap3A_510 = tpu.vector_load %arg17[%swap3A_509] {strides = array<i32>} : memref<80xi32, #tpu.memory_space<vmem>>, vector<16xi32>,
      %swap3A_511 = vector.shape_cast %swap3A_510 : vector<16xi32> to vector<16xi32>
      %swap3A_512 = vector.shape_cast %get3A_508 : vector<16xi32> to vector<16xi32>
      tpu.vector_store %arg17[%swap3A_509], %swap3A_512 {strides = array<i32>} : memref<80xi32, #tpu.memory_space<vmem>>, vector<16xi32>,
      %get3A_513 = arith.constant 48 : index
      %get3A_514 = tpu.vector_load %arg11[%get3A_513] {strides = array<i32>} : memref<240xi32, #tpu.memory_space<vmem>>, vector<16xi32>,
      %get3A_515 = vector.shape_cast %get3A_514 : vector<16xi32> to vector<16xi32>
      %swap3A_516 = arith.constant 48 : index
      %swap3A_517 = tpu.vector_load %arg13[%swap3A_516] {strides = array<i32>} : memref<80xi32, #tpu.memory_space<vmem>>, vector<16xi32>,
      %swap3A_518 = vector.shape_cast %swap3A_517 : vector<16xi32> to vector<16xi32>
      %swap3A_519 = vector.shape_cast %get3A_515 : vector<16xi32> to vector<16xi32>
      tpu.vector_store %arg13[%swap3A_516], %swap3A_519 {strides = array<i32>} : memref<80xi32, #tpu.memory_space<vmem>>, vector<16xi32>,
      %get3A_520 = arith.constant 128 : index
      %get3A_521 = tpu.vector_load %arg11[%get3A_520] {strides = array<i32>} : memref<240xi32, #tpu.memory_space<vmem>>, vector<16xi32>,
      %get3A_522 = vector.shape_cast %get3A_521 : vector<16xi32> to vector<16xi32>
      %swap3A_523 = arith.constant 48 : index
      %swap3A_524 = tpu.vector_load %arg15[%swap3A_523] {strides = array<i32>} : memref<80xi32, #tpu.memory_space<vmem>>, vector<16xi32>,
      %swap3A_525 = vector.shape_cast %swap3A_524 : vector<16xi32> to vector<16xi32>
      %swap3A_526 = vector.shape_cast %get3A_522 : vector<16xi32> to vector<16xi32>
      tpu.vector_store %arg15[%swap3A_523], %swap3A_526 {strides = array<i32>} : memref<80xi32, #tpu.memory_space<vmem>>, vector<16xi32>,
      %get3A_527 = arith.constant 208 : index
      %get3A_528 = tpu.vector_load %arg11[%get3A_527] {strides = array<i32>} : memref<240xi32, #tpu.memory_space<vmem>>, vector<16xi32>,
      %get3A_529 = vector.shape_cast %get3A_528 : vector<16xi32> to vector<16xi32>
      %swap3A_530 = arith.constant 48 : index
      %swap3A_531 = tpu.vector_load %arg17[%swap3A_530] {strides = array<i32>} : memref<80xi32, #tpu.memory_space<vmem>>, vector<16xi32>,
      %swap3A_532 = vector.shape_cast %swap3A_531 : vector<16xi32> to vector<16xi32>
      %swap3A_533 = vector.shape_cast %get3A_529 : vector<16xi32> to vector<16xi32>
      tpu.vector_store %arg17[%swap3A_530], %swap3A_533 {strides = array<i32>} : memref<80xi32, #tpu.memory_space<vmem>>, vector<16xi32>,
      %get3A_534 = arith.constant 64 : index
      %get3A_535 = tpu.vector_load %arg11[%get3A_534] {strides = array<i32>} : memref<240xi32, #tpu.memory_space<vmem>>, vector<16xi32>,
      %get3A_536 = vector.shape_cast %get3A_535 : vector<16xi32> to vector<16xi32>
      %swap3A_537 = arith.constant 64 : index
      %swap3A_538 = tpu.vector_load %arg13[%swap3A_537] {strides = array<i32>} : memref<80xi32, #tpu.memory_space<vmem>>, vector<16xi32>,
      %swap3A_539 = vector.shape_cast %swap3A_538 : vector<16xi32> to vector<16xi32>
      %swap3A_540 = vector.shape_cast %get3A_536 : vector<16xi32> to vector<16xi32>
      tpu.vector_store %arg13[%swap3A_537], %swap3A_540 {strides = array<i32>} : memref<80xi32, #tpu.memory_space<vmem>>, vector<16xi32>,
      %get3A_541 = arith.constant 144 : index
      %get3A_542 = tpu.vector_load %arg11[%get3A_541] {strides = array<i32>} : memref<240xi32, #tpu.memory_space<vmem>>, vector<16xi32>,
      %get3A_543 = vector.shape_cast %get3A_542 : vector<16xi32> to vector<16xi32>
      %swap3A_544 = arith.constant 64 : index
      %swap3A_545 = tpu.vector_load %arg15[%swap3A_544] {strides = array<i32>} : memref<80xi32, #tpu.memory_space<vmem>>, vector<16xi32>,
      %swap3A_546 = vector.shape_cast %swap3A_545 : vector<16xi32> to vector<16xi32>
      %swap3A_547 = vector.shape_cast %get3A_543 : vector<16xi32> to vector<16xi32>
      tpu.vector_store %arg15[%swap3A_544], %swap3A_547 {strides = array<i32>} : memref<80xi32, #tpu.memory_space<vmem>>, vector<16xi32>,
      %get3A_548 = arith.constant 224 : index
      %get3A_549 = tpu.vector_load %arg11[%get3A_548] {strides = array<i32>} : memref<240xi32, #tpu.memory_space<vmem>>, vector<16xi32>,
      %get3A_550 = vector.shape_cast %get3A_549 : vector<16xi32> to vector<16xi32>
      %swap3A_551 = arith.constant 64 : index
      %swap3A_552 = tpu.vector_load %arg17[%swap3A_551] {strides = array<i32>} : memref<80xi32, #tpu.memory_space<vmem>>, vector<16xi32>,
      %swap3A_553 = vector.shape_cast %swap3A_552 : vector<16xi32> to vector<16xi32>
      %swap3A_554 = vector.shape_cast %get3A_550 : vector<16xi32> to vector<16xi32>
      tpu.vector_store %arg17[%swap3A_551], %swap3A_554 {strides = array<i32>} : memref<80xi32, #tpu.memory_space<vmem>>, vector<16xi32>,
      %mul3A_555 = arith.constant 2 : i32
      %mul3A_556 = arith.muli %mul3A_555, %scan3A_435 : i32
      %add3A_557 = arith.constant 1 : i32
      %add3A_558 = arith.addi %mul3A_556, %add3A_557 : i32
      %mul3A_559 = arith.constant 10000 : i32
      %mul3A_560 = arith.muli %add3A, %mul3A_559 : i32
      %mul3A_561 = arith.constant 80 : i32
      %mul3A_562 = arith.muli %add3A_558, %mul3A_561 : i32
      %add3A_563 = arith.addi %mul3A_560, %mul3A_562 : i32
      %dma_start3A_564 = arith.constant 0 : i32
      %dma_start3A_565 = arith.constant 0 : i32
      %dma_start3A_566 = tpu.memref_slice %arg2[%dma_start3A_564, %dma_start3A_565] : memref<10000x128xf32, #tpu.memory_space<hbm>> -> memref<10000x128xf32, #tpu.memory_space<hbm>>
      tpu.enqueue_indirect_dma source(%dma_start3A_566 : memref<10000x128xf32, #tpu.memory_space<hbm>>) target(%arg19 : memref<80x128xf32, #tpu.memory_space<vmem>>) offsets(%arg13 : memref<80xi32, #tpu.memory_space<vmem>>) semaphore(%arg25 : memref<!tpu.dma_semaphore, #tpu.memory_space<semaphore_mem>>)
      %dma_start3A_567 = arith.constant 0 : i32
      %dma_start3A_568 = arith.constant 0 : i32
      %dma_start3A_569 = tpu.memref_slice %arg3[%dma_start3A_567, %dma_start3A_568] : memref<10000x128xf32, #tpu.memory_space<hbm>> -> memref<10000x128xf32, #tpu.memory_space<hbm>>
      tpu.enqueue_indirect_dma source(%dma_start3A_569 : memref<10000x128xf32, #tpu.memory_space<hbm>>) target(%arg21 : memref<80x128xf32, #tpu.memory_space<vmem>>) offsets(%arg15 : memref<80xi32, #tpu.memory_space<vmem>>) semaphore(%arg25 : memref<!tpu.dma_semaphore, #tpu.memory_space<semaphore_mem>>)
      %mul3A_570 = arith.constant 16 : i32
      %mul3A_571 = arith.muli %add3A_563, %mul3A_570 : i32
      %dma_start3A_572 = tpu.memref_slice %arg5[%mul3A_571] : memref<5120000xf32, #tpu.memory_space<hbm>> -> memref<1280xf32, #tpu.memory_space<hbm>>
      %dma_start3A_573 = tpu.memref_slice %arg5[%mul3A_571] : memref<5120000xf32, #tpu.memory_space<hbm>> -> memref<1280xf32, #tpu.memory_space<hbm>>
      tpu.enqueue_dma source(%dma_start3A_573 : memref<1280xf32, #tpu.memory_space<hbm>>) target(%arg23 : memref<1280xf32, #tpu.memory_space<vmem>>) target_semaphore(%arg25 : memref<!tpu.dma_semaphore, #tpu.memory_space<semaphore_mem>>)
      %dma_wait3A_574 = arith.constant 0 : i32
      %dma_wait3A_575 = arith.constant 0 : i32
      %dma_wait3A_576 = tpu.memref_slice %arg2[%dma_wait3A_574, %dma_wait3A_575] : memref<10000x128xf32, #tpu.memory_space<hbm>> -> memref<10000x128xf32, #tpu.memory_space<hbm>>
      tpu.wait_indirect_dma semaphore(%arg24 : memref<!tpu.dma_semaphore, #tpu.memory_space<semaphore_mem>>) src(%dma_wait3A_576 : memref<10000x128xf32, #tpu.memory_space<hbm>>) dst(%arg18 : memref<80x128xf32, #tpu.memory_space<vmem>>)
      %dma_wait3A_577 = arith.constant 0 : i32
      %dma_wait3A_578 = arith.constant 0 : i32
      %dma_wait3A_579 = tpu.memref_slice %arg3[%dma_wait3A_577, %dma_wait3A_578] : memref<10000x128xf32, #tpu.memory_space<hbm>> -> memref<10000x128xf32, #tpu.memory_space<hbm>>
      tpu.wait_indirect_dma semaphore(%arg24 : memref<!tpu.dma_semaphore, #tpu.memory_space<semaphore_mem>>) src(%dma_wait3A_579 : memref<10000x128xf32, #tpu.memory_space<hbm>>) dst(%arg20 : memref<80x128xf32, #tpu.memory_space<vmem>>)
      %dma_wait3A_580 = arith.constant 0 : i32
      %dma_wait3A_581 = tpu.memref_slice %arg5[%dma_wait3A_580] : memref<5120000xf32, #tpu.memory_space<hbm>> -> memref<1280xf32, #tpu.memory_space<hbm>>
      %dma_wait3A_582 = arith.constant 0 : i32
      %dma_wait3A_583 = tpu.memref_slice %arg5[%dma_wait3A_582] : memref<5120000xf32, #tpu.memory_space<hbm>> -> memref<1280xf32, #tpu.memory_space<hbm>>
      tpu.wait_dma2 semaphore(%arg24 : memref<!tpu.dma_semaphore, #tpu.memory_space<semaphore_mem>>) src(%dma_wait3A_583 : memref<1280xf32, #tpu.memory_space<hbm>>) dst(%arg22 : memref<1280xf32, #tpu.memory_space<vmem>>)
      %scan3A_584 = arith.constant 0 : i32
      %scan3A_585 = arith.constant 0 : i32
      %scan3A_586 = arith.constant 80 : i32
      %scan3A_587 = arith.addi %scan3A_585, %scan3A_586 : i32
      %scan3A_588 = arith.constant 1 : i32
      %scan3A_589 = scf.for %scan3A_753 = %scan3A_585 to %scan3A_587 step %scan3A_588 iter_args(%scan3A_754 = %scan3A_584) -> (i32)  : i32 {
        %mul3A_755 = arith.constant 16 : i32
        %mul3A_756 = arith.muli %scan3A_753, %mul3A_755 : i32
        %get3A_757 = arith.index_cast %mul3A_756 : i32 to index
        %get3A_758 = tpu.vector_load %arg22[%get3A_757] {strides = array<i32>} : memref<1280xf32, #tpu.memory_space<vmem>>, vector<16xf32>,
        %get3A_759 = vector.shape_cast %get3A_758 : vector<16xf32> to vector<16xf32>
        %get3A_760 = arith.index_cast %scan3A_753 : i32 to index
        %get3A_761 = arith.constant 0 : index
        %get3A_762 = tpu.vector_load %arg18[%get3A_760, %get3A_761] {strides = array<i32>} : memref<80x128xf32, #tpu.memory_space<vmem>>, vector<1x16xf32>,
        %get3A_763 = vector.shape_cast %get3A_762 : vector<1x16xf32> to vector<16xf32>
        %get3A_764 = arith.index_cast %scan3A_753 : i32 to index
        %get3A_765 = arith.constant 0 : index
        %get3A_766 = tpu.vector_load %arg20[%get3A_764, %get3A_765] {strides = array<i32>} : memref<80x128xf32, #tpu.memory_space<vmem>>, vector<1x16xf32>,
        %get3A_767 = vector.shape_cast %get3A_766 : vector<1x16xf32> to vector<16xf32>
        %add3A_768 = arith.addf %get3A_763, %get3A_767 : vector<16xf32>
        %slice3A = vector.extract_strided_slice %get3A_759 {offsets = [0], sizes = [1], strides = [1]} : vector<16xf32> to vector<1xf32>
        %squeeze3A = vector.extract %slice3A[0] : f32 from vector<1xf32>
        %mul3A_769 = vector.broadcast %squeeze3A : f32 to vector<16xf32>
        %mul3A_770 = arith.mulf %add3A_768, %mul3A_769 : vector<16xf32>
        %swap3A_771 = arith.index_cast %scan3A_753 : i32 to index
        %swap3A_772 = arith.constant 0 : index
        %swap3A_773 = tpu.vector_load %arg18[%swap3A_771, %swap3A_772] {strides = array<i32>} : memref<80x128xf32, #tpu.memory_space<vmem>>, vector<1x16xf32>,
        %swap3A_774 = vector.shape_cast %swap3A_773 : vector<1x16xf32> to vector<16xf32>
        %swap3A_775 = vector.shape_cast %mul3A_770 : vector<16xf32> to vector<1x16xf32>
        tpu.vector_store %arg18[%swap3A_771, %swap3A_772], %swap3A_775 {strides = array<i32>} : memref<80x128xf32, #tpu.memory_space<vmem>>, vector<1x16xf32>,
        %get3A_776 = arith.index_cast %scan3A_753 : i32 to index
        %get3A_777 = arith.constant 16 : index
        %get3A_778 = tpu.vector_load %arg18[%get3A_776, %get3A_777] {strides = array<i32>} : memref<80x128xf32, #tpu.memory_space<vmem>>, vector<1x16xf32>,
        %get3A_779 = vector.shape_cast %get3A_778 : vector<1x16xf32> to vector<16xf32>
        %get3A_780 = arith.index_cast %scan3A_753 : i32 to index
        %get3A_781 = arith.constant 16 : index
        %get3A_782 = tpu.vector_load %arg20[%get3A_780, %get3A_781] {strides = array<i32>} : memref<80x128xf32, #tpu.memory_space<vmem>>, vector<1x16xf32>,
        %get3A_783 = vector.shape_cast %get3A_782 : vector<1x16xf32> to vector<16xf32>
        %add3A_784 = arith.addf %get3A_779, %get3A_783 : vector<16xf32>
        %slice3A_785 = vector.extract_strided_slice %get3A_759 {offsets = [1], sizes = [1], strides = [1]} : vector<16xf32> to vector<1xf32>
        %squeeze3A_786 = vector.extract %slice3A_785[0] : f32 from vector<1xf32>
        %mul3A_787 = vector.broadcast %squeeze3A_786 : f32 to vector<16xf32>
        %mul3A_788 = arith.mulf %add3A_784, %mul3A_787 : vector<16xf32>
        %swap3A_789 = arith.index_cast %scan3A_753 : i32 to index
        %swap3A_790 = arith.constant 16 : index
        %swap3A_791 = tpu.vector_load %arg18[%swap3A_789, %swap3A_790] {strides = array<i32>} : memref<80x128xf32, #tpu.memory_space<vmem>>, vector<1x16xf32>,
        %swap3A_792 = vector.shape_cast %swap3A_791 : vector<1x16xf32> to vector<16xf32>
        %swap3A_793 = vector.shape_cast %mul3A_788 : vector<16xf32> to vector<1x16xf32>
        tpu.vector_store %arg18[%swap3A_789, %swap3A_790], %swap3A_793 {strides = array<i32>} : memref<80x128xf32, #tpu.memory_space<vmem>>, vector<1x16xf32>,
        %get3A_794 = arith.index_cast %scan3A_753 : i32 to index
        %get3A_795 = arith.constant 32 : index
        %get3A_796 = tpu.vector_load %arg18[%get3A_794, %get3A_795] {strides = array<i32>} : memref<80x128xf32, #tpu.memory_space<vmem>>, vector<1x16xf32>,
        %get3A_797 = vector.shape_cast %get3A_796 : vector<1x16xf32> to vector<16xf32>
        %get3A_798 = arith.index_cast %scan3A_753 : i32 to index
        %get3A_799 = arith.constant 32 : index
        %get3A_800 = tpu.vector_load %arg20[%get3A_798, %get3A_799] {strides = array<i32>} : memref<80x128xf32, #tpu.memory_space<vmem>>, vector<1x16xf32>,
        %get3A_801 = vector.shape_cast %get3A_800 : vector<1x16xf32> to vector<16xf32>
        %add3A_802 = arith.addf %get3A_797, %get3A_801 : vector<16xf32>
        %slice3A_803 = vector.extract_strided_slice %get3A_759 {offsets = [2], sizes = [1], strides = [1]} : vector<16xf32> to vector<1xf32>
        %squeeze3A_804 = vector.extract %slice3A_803[0] : f32 from vector<1xf32>
        %mul3A_805 = vector.broadcast %squeeze3A_804 : f32 to vector<16xf32>
        %mul3A_806 = arith.mulf %add3A_802, %mul3A_805 : vector<16xf32>
        %swap3A_807 = arith.index_cast %scan3A_753 : i32 to index
        %swap3A_808 = arith.constant 32 : index
        %swap3A_809 = tpu.vector_load %arg18[%swap3A_807, %swap3A_808] {strides = array<i32>} : memref<80x128xf32, #tpu.memory_space<vmem>>, vector<1x16xf32>,
        %swap3A_810 = vector.shape_cast %swap3A_809 : vector<1x16xf32> to vector<16xf32>
        %swap3A_811 = vector.shape_cast %mul3A_806 : vector<16xf32> to vector<1x16xf32>
        tpu.vector_store %arg18[%swap3A_807, %swap3A_808], %swap3A_811 {strides = array<i32>} : memref<80x128xf32, #tpu.memory_space<vmem>>, vector<1x16xf32>,
        %get3A_812 = arith.index_cast %scan3A_753 : i32 to index
        %get3A_813 = arith.constant 48 : index
        %get3A_814 = tpu.vector_load %arg18[%get3A_812, %get3A_813] {strides = array<i32>} : memref<80x128xf32, #tpu.memory_space<vmem>>, vector<1x16xf32>,
        %get3A_815 = vector.shape_cast %get3A_814 : vector<1x16xf32> to vector<16xf32>
        %get3A_816 = arith.index_cast %scan3A_753 : i32 to index
        %get3A_817 = arith.constant 48 : index
        %get3A_818 = tpu.vector_load %arg20[%get3A_816, %get3A_817] {strides = array<i32>} : memref<80x128xf32, #tpu.memory_space<vmem>>, vector<1x16xf32>,
        %get3A_819 = vector.shape_cast %get3A_818 : vector<1x16xf32> to vector<16xf32>
        %add3A_820 = arith.addf %get3A_815, %get3A_819 : vector<16xf32>
        %slice3A_821 = vector.extract_strided_slice %get3A_759 {offsets = [3], sizes = [1], strides = [1]} : vector<16xf32> to vector<1xf32>
        %squeeze3A_822 = vector.extract %slice3A_821[0] : f32 from vector<1xf32>
        %mul3A_823 = vector.broadcast %squeeze3A_822 : f32 to vector<16xf32>
        %mul3A_824 = arith.mulf %add3A_820, %mul3A_823 : vector<16xf32>
        %swap3A_825 = arith.index_cast %scan3A_753 : i32 to index
        %swap3A_826 = arith.constant 48 : index
        %swap3A_827 = tpu.vector_load %arg18[%swap3A_825, %swap3A_826] {strides = array<i32>} : memref<80x128xf32, #tpu.memory_space<vmem>>, vector<1x16xf32>,
        %swap3A_828 = vector.shape_cast %swap3A_827 : vector<1x16xf32> to vector<16xf32>
        %swap3A_829 = vector.shape_cast %mul3A_824 : vector<16xf32> to vector<1x16xf32>
        tpu.vector_store %arg18[%swap3A_825, %swap3A_826], %swap3A_829 {strides = array<i32>} : memref<80x128xf32, #tpu.memory_space<vmem>>, vector<1x16xf32>,
        %get3A_830 = arith.index_cast %scan3A_753 : i32 to index
        %get3A_831 = arith.constant 64 : index
        %get3A_832 = tpu.vector_load %arg18[%get3A_830, %get3A_831] {strides = array<i32>} : memref<80x128xf32, #tpu.memory_space<vmem>>, vector<1x16xf32>,
        %get3A_833 = vector.shape_cast %get3A_832 : vector<1x16xf32> to vector<16xf32>
        %get3A_834 = arith.index_cast %scan3A_753 : i32 to index
        %get3A_835 = arith.constant 64 : index
        %get3A_836 = tpu.vector_load %arg20[%get3A_834, %get3A_835] {strides = array<i32>} : memref<80x128xf32, #tpu.memory_space<vmem>>, vector<1x16xf32>,
        %get3A_837 = vector.shape_cast %get3A_836 : vector<1x16xf32> to vector<16xf32>
        %add3A_838 = arith.addf %get3A_833, %get3A_837 : vector<16xf32>
        %slice3A_839 = vector.extract_strided_slice %get3A_759 {offsets = [4], sizes = [1], strides = [1]} : vector<16xf32> to vector<1xf32>
        %squeeze3A_840 = vector.extract %slice3A_839[0] : f32 from vector<1xf32>
        %mul3A_841 = vector.broadcast %squeeze3A_840 : f32 to vector<16xf32>
        %mul3A_842 = arith.mulf %add3A_838, %mul3A_841 : vector<16xf32>
        %swap3A_843 = arith.index_cast %scan3A_753 : i32 to index
        %swap3A_844 = arith.constant 64 : index
        %swap3A_845 = tpu.vector_load %arg18[%swap3A_843, %swap3A_844] {strides = array<i32>} : memref<80x128xf32, #tpu.memory_space<vmem>>, vector<1x16xf32>,
        %swap3A_846 = vector.shape_cast %swap3A_845 : vector<1x16xf32> to vector<16xf32>
        %swap3A_847 = vector.shape_cast %mul3A_842 : vector<16xf32> to vector<1x16xf32>
        tpu.vector_store %arg18[%swap3A_843, %swap3A_844], %swap3A_847 {strides = array<i32>} : memref<80x128xf32, #tpu.memory_space<vmem>>, vector<1x16xf32>,
        %get3A_848 = arith.index_cast %scan3A_753 : i32 to index
        %get3A_849 = arith.constant 80 : index
        %get3A_850 = tpu.vector_load %arg18[%get3A_848, %get3A_849] {strides = array<i32>} : memref<80x128xf32, #tpu.memory_space<vmem>>, vector<1x16xf32>,
        %get3A_851 = vector.shape_cast %get3A_850 : vector<1x16xf32> to vector<16xf32>
        %get3A_852 = arith.index_cast %scan3A_753 : i32 to index
        %get3A_853 = arith.constant 80 : index
        %get3A_854 = tpu.vector_load %arg20[%get3A_852, %get3A_853] {strides = array<i32>} : memref<80x128xf32, #tpu.memory_space<vmem>>, vector<1x16xf32>,
        %get3A_855 = vector.shape_cast %get3A_854 : vector<1x16xf32> to vector<16xf32>
        %add3A_856 = arith.addf %get3A_851, %get3A_855 : vector<16xf32>
        %slice3A_857 = vector.extract_strided_slice %get3A_759 {offsets = [5], sizes = [1], strides = [1]} : vector<16xf32> to vector<1xf32>
        %squeeze3A_858 = vector.extract %slice3A_857[0] : f32 from vector<1xf32>
        %mul3A_859 = vector.broadcast %squeeze3A_858 : f32 to vector<16xf32>
        %mul3A_860 = arith.mulf %add3A_856, %mul3A_859 : vector<16xf32>
        %swap3A_861 = arith.index_cast %scan3A_753 : i32 to index
        %swap3A_862 = arith.constant 80 : index
        %swap3A_863 = tpu.vector_load %arg18[%swap3A_861, %swap3A_862] {strides = array<i32>} : memref<80x128xf32, #tpu.memory_space<vmem>>, vector<1x16xf32>,
        %swap3A_864 = vector.shape_cast %swap3A_863 : vector<1x16xf32> to vector<16xf32>
        %swap3A_865 = vector.shape_cast %mul3A_860 : vector<16xf32> to vector<1x16xf32>
        tpu.vector_store %arg18[%swap3A_861, %swap3A_862], %swap3A_865 {strides = array<i32>} : memref<80x128xf32, #tpu.memory_space<vmem>>, vector<1x16xf32>,
        %get3A_866 = arith.index_cast %scan3A_753 : i32 to index
        %get3A_867 = arith.constant 96 : index
        %get3A_868 = tpu.vector_load %arg18[%get3A_866, %get3A_867] {strides = array<i32>} : memref<80x128xf32, #tpu.memory_space<vmem>>, vector<1x16xf32>,
        %get3A_869 = vector.shape_cast %get3A_868 : vector<1x16xf32> to vector<16xf32>
        %get3A_870 = arith.index_cast %scan3A_753 : i32 to index
        %get3A_871 = arith.constant 96 : index
        %get3A_872 = tpu.vector_load %arg20[%get3A_870, %get3A_871] {strides = array<i32>} : memref<80x128xf32, #tpu.memory_space<vmem>>, vector<1x16xf32>,
        %get3A_873 = vector.shape_cast %get3A_872 : vector<1x16xf32> to vector<16xf32>
        %add3A_874 = arith.addf %get3A_869, %get3A_873 : vector<16xf32>
        %slice3A_875 = vector.extract_strided_slice %get3A_759 {offsets = [6], sizes = [1], strides = [1]} : vector<16xf32> to vector<1xf32>
        %squeeze3A_876 = vector.extract %slice3A_875[0] : f32 from vector<1xf32>
        %mul3A_877 = vector.broadcast %squeeze3A_876 : f32 to vector<16xf32>
        %mul3A_878 = arith.mulf %add3A_874, %mul3A_877 : vector<16xf32>
        %swap3A_879 = arith.index_cast %scan3A_753 : i32 to index
        %swap3A_880 = arith.constant 96 : index
        %swap3A_881 = tpu.vector_load %arg18[%swap3A_879, %swap3A_880] {strides = array<i32>} : memref<80x128xf32, #tpu.memory_space<vmem>>, vector<1x16xf32>,
        %swap3A_882 = vector.shape_cast %swap3A_881 : vector<1x16xf32> to vector<16xf32>
        %swap3A_883 = vector.shape_cast %mul3A_878 : vector<16xf32> to vector<1x16xf32>
        tpu.vector_store %arg18[%swap3A_879, %swap3A_880], %swap3A_883 {strides = array<i32>} : memref<80x128xf32, #tpu.memory_space<vmem>>, vector<1x16xf32>,
        %get3A_884 = arith.index_cast %scan3A_753 : i32 to index
        %get3A_885 = arith.constant 112 : index
        %get3A_886 = tpu.vector_load %arg18[%get3A_884, %get3A_885] {strides = array<i32>} : memref<80x128xf32, #tpu.memory_space<vmem>>, vector<1x16xf32>,
        %get3A_887 = vector.shape_cast %get3A_886 : vector<1x16xf32> to vector<16xf32>
        %get3A_888 = arith.index_cast %scan3A_753 : i32 to index
        %get3A_889 = arith.constant 112 : index
        %get3A_890 = tpu.vector_load %arg20[%get3A_888, %get3A_889] {strides = array<i32>} : memref<80x128xf32, #tpu.memory_space<vmem>>, vector<1x16xf32>,
        %get3A_891 = vector.shape_cast %get3A_890 : vector<1x16xf32> to vector<16xf32>
        %add3A_892 = arith.addf %get3A_887, %get3A_891 : vector<16xf32>
        %slice3A_893 = vector.extract_strided_slice %get3A_759 {offsets = [7], sizes = [1], strides = [1]} : vector<16xf32> to vector<1xf32>
        %squeeze3A_894 = vector.extract %slice3A_893[0] : f32 from vector<1xf32>
        %mul3A_895 = vector.broadcast %squeeze3A_894 : f32 to vector<16xf32>
        %mul3A_896 = arith.mulf %add3A_892, %mul3A_895 : vector<16xf32>
        %swap3A_897 = arith.index_cast %scan3A_753 : i32 to index
        %swap3A_898 = arith.constant 112 : index
        %swap3A_899 = tpu.vector_load %arg18[%swap3A_897, %swap3A_898] {strides = array<i32>} : memref<80x128xf32, #tpu.memory_space<vmem>>, vector<1x16xf32>,
        %swap3A_900 = vector.shape_cast %swap3A_899 : vector<1x16xf32> to vector<16xf32>
        %swap3A_901 = vector.shape_cast %mul3A_896 : vector<16xf32> to vector<1x16xf32>
        tpu.vector_store %arg18[%swap3A_897, %swap3A_898], %swap3A_901 {strides = array<i32>} : memref<80x128xf32, #tpu.memory_space<vmem>>, vector<1x16xf32>,
        %scan3A_902 = arith.constant 0 : i32
        scf.yield %scan3A_902 : i32
      }
      %scan3A_590 = arith.constant 80 : i32
      %dma_start3A_591 = arith.constant 0 : i32
      %dma_start3A_592 = arith.constant 0 : i32
      %dma_start3A_593 = tpu.memref_slice %arg9[%dma_start3A_591, %dma_start3A_592] : memref<10240x128xf32, #tpu.memory_space<vmem_shared>> -> memref<10240x128xf32, #tpu.memory_space<vmem_shared>>
      tpu.enqueue_indirect_dma source(%arg18 : memref<80x128xf32, #tpu.memory_space<vmem>>) target(%dma_start3A_593 : memref<10240x128xf32, #tpu.memory_space<vmem_shared>>) offsets(%arg16 : memref<80xi32, #tpu.memory_space<vmem>>) semaphore(%arg26 : memref<!tpu.dma_semaphore, #tpu.memory_space<semaphore_mem>>) {add = true}
      %dma_wait3A_594 = arith.constant 0 : i32
      %dma_wait3A_595 = arith.constant 0 : i32
      %dma_wait3A_596 = tpu.memref_slice %arg9[%dma_wait3A_594, %dma_wait3A_595] : memref<10240x128xf32, #tpu.memory_space<vmem_shared>> -> memref<10240x128xf32, #tpu.memory_space<vmem_shared>>
      tpu.wait_indirect_dma semaphore(%arg26 : memref<!tpu.dma_semaphore, #tpu.memory_space<semaphore_mem>>) src(%arg18 : memref<80x128xf32, #tpu.memory_space<vmem>>) dst(%dma_wait3A_596 : memref<10240x128xf32, #tpu.memory_space<vmem_shared>>)
      %mul3A_597 = arith.constant 2 : i32
      %mul3A_598 = arith.muli %mul3A_597, %scan3A_435 : i32
      %add3A_599 = arith.constant 2 : i32
      %add3A_600 = arith.addi %mul3A_598, %add3A_599 : i32
      %mul3A_601 = arith.constant 125 : i32
      %mul3A_602 = arith.muli %add3A, %mul3A_601 : i32
      %add3A_603 = arith.addi %mul3A_602, %add3A_600 : i32
      %mul3A_604 = arith.constant 3 : i32
      %mul3A_605 = arith.muli %add3A_603, %mul3A_604 : i32
      %mul3A_606 = arith.constant 80 : i32
      %mul3A_607 = arith.muli %mul3A_605, %mul3A_606 : i32
      "tpu.region"() ({
        %run_scoped3A = tpu.sem_alloc : memref<!tpu.dma_semaphore, #tpu.memory_space<semaphore_mem>>
        %dma_start3A_753 = tpu.memref_slice %arg6[%mul3A_607] : memref<960000xi32, #tpu.memory_space<hbm>> -> memref<240xi32, #tpu.memory_space<hbm>>
        %dma_start3A_754 = tpu.memref_slice %arg6[%mul3A_607] : memref<960000xi32, #tpu.memory_space<hbm>> -> memref<240xi32, #tpu.memory_space<hbm>>
        tpu.enqueue_dma source(%dma_start3A_754 : memref<240xi32, #tpu.memory_space<hbm>>) target(%arg10 : memref<240xi32, #tpu.memory_space<vmem>>) target_semaphore(%run_scoped3A : memref<!tpu.dma_semaphore, #tpu.memory_space<semaphore_mem>>)
        %dma_wait3A_755 = tpu.memref_slice %arg6[%mul3A_607] : memref<960000xi32, #tpu.memory_space<hbm>> -> memref<240xi32, #tpu.memory_space<hbm>>
        %dma_wait3A_756 = tpu.memref_slice %arg6[%mul3A_607] : memref<960000xi32, #tpu.memory_space<hbm>> -> memref<240xi32, #tpu.memory_space<hbm>>
        tpu.wait_dma2 semaphore(%run_scoped3A : memref<!tpu.dma_semaphore, #tpu.memory_space<semaphore_mem>>) src(%dma_wait3A_756 : memref<240xi32, #tpu.memory_space<hbm>>) dst(%arg10 : memref<240xi32, #tpu.memory_space<vmem>>)
        tpu.yield
      }) : () -> ()
      %get3A_608 = arith.constant 0 : index
      %get3A_609 = tpu.vector_load %arg10[%get3A_608] {strides = array<i32>} : memref<240xi32, #tpu.memory_space<vmem>>, vector<16xi32>,
      %get3A_610 = vector.shape_cast %get3A_609 : vector<16xi32> to vector<16xi32>
      %swap3A_611 = arith.constant 0 : index
      %swap3A_612 = tpu.vector_load %arg12[%swap3A_611] {strides = array<i32>} : memref<80xi32, #tpu.memory_space<vmem>>, vector<16xi32>,
      %swap3A_613 = vector.shape_cast %swap3A_612 : vector<16xi32> to vector<16xi32>
      %swap3A_614 = vector.shape_cast %get3A_610 : vector<16xi32> to vector<16xi32>
      tpu.vector_store %arg12[%swap3A_611], %swap3A_614 {strides = array<i32>} : memref<80xi32, #tpu.memory_space<vmem>>, vector<16xi32>,
      %get3A_615 = arith.constant 80 : index
      %get3A_616 = tpu.vector_load %arg10[%get3A_615] {strides = array<i32>} : memref<240xi32, #tpu.memory_space<vmem>>, vector<16xi32>,
      %get3A_617 = vector.shape_cast %get3A_616 : vector<16xi32> to vector<16xi32>
      %swap3A_618 = arith.constant 0 : index
      %swap3A_619 = tpu.vector_load %arg14[%swap3A_618] {strides = array<i32>} : memref<80xi32, #tpu.memory_space<vmem>>, vector<16xi32>,
      %swap3A_620 = vector.shape_cast %swap3A_619 : vector<16xi32> to vector<16xi32>
      %swap3A_621 = vector.shape_cast %get3A_617 : vector<16xi32> to vector<16xi32>
      tpu.vector_store %arg14[%swap3A_618], %swap3A_621 {strides = array<i32>} : memref<80xi32, #tpu.memory_space<vmem>>, vector<16xi32>,
      %get3A_622 = arith.constant 160 : index
      %get3A_623 = tpu.vector_load %arg10[%get3A_622] {strides = array<i32>} : memref<240xi32, #tpu.memory_space<vmem>>, vector<16xi32>,
      %get3A_624 = vector.shape_cast %get3A_623 : vector<16xi32> to vector<16xi32>
      %swap3A_625 = arith.constant 0 : index
      %swap3A_626 = tpu.vector_load %arg16[%swap3A_625] {strides = array<i32>} : memref<80xi32, #tpu.memory_space<vmem>>, vector<16xi32>,
      %swap3A_627 = vector.shape_cast %swap3A_626 : vector<16xi32> to vector<16xi32>
      %swap3A_628 = vector.shape_cast %get3A_624 : vector<16xi32> to vector<16xi32>
      tpu.vector_store %arg16[%swap3A_625], %swap3A_628 {strides = array<i32>} : memref<80xi32, #tpu.memory_space<vmem>>, vector<16xi32>,
      %get3A_629 = arith.constant 16 : index
      %get3A_630 = tpu.vector_load %arg10[%get3A_629] {strides = array<i32>} : memref<240xi32, #tpu.memory_space<vmem>>, vector<16xi32>,
      %get3A_631 = vector.shape_cast %get3A_630 : vector<16xi32> to vector<16xi32>
      %swap3A_632 = arith.constant 16 : index
      %swap3A_633 = tpu.vector_load %arg12[%swap3A_632] {strides = array<i32>} : memref<80xi32, #tpu.memory_space<vmem>>, vector<16xi32>,
      %swap3A_634 = vector.shape_cast %swap3A_633 : vector<16xi32> to vector<16xi32>
      %swap3A_635 = vector.shape_cast %get3A_631 : vector<16xi32> to vector<16xi32>
      tpu.vector_store %arg12[%swap3A_632], %swap3A_635 {strides = array<i32>} : memref<80xi32, #tpu.memory_space<vmem>>, vector<16xi32>,
      %get3A_636 = arith.constant 96 : index
      %get3A_637 = tpu.vector_load %arg10[%get3A_636] {strides = array<i32>} : memref<240xi32, #tpu.memory_space<vmem>>, vector<16xi32>,
      %get3A_638 = vector.shape_cast %get3A_637 : vector<16xi32> to vector<16xi32>
      %swap3A_639 = arith.constant 16 : index
      %swap3A_640 = tpu.vector_load %arg14[%swap3A_639] {strides = array<i32>} : memref<80xi32, #tpu.memory_space<vmem>>, vector<16xi32>,
      %swap3A_641 = vector.shape_cast %swap3A_640 : vector<16xi32> to vector<16xi32>
      %swap3A_642 = vector.shape_cast %get3A_638 : vector<16xi32> to vector<16xi32>
      tpu.vector_store %arg14[%swap3A_639], %swap3A_642 {strides = array<i32>} : memref<80xi32, #tpu.memory_space<vmem>>, vector<16xi32>,
      %get3A_643 = arith.constant 176 : index
      %get3A_644 = tpu.vector_load %arg10[%get3A_643] {strides = array<i32>} : memref<240xi32, #tpu.memory_space<vmem>>, vector<16xi32>,
      %get3A_645 = vector.shape_cast %get3A_644 : vector<16xi32> to vector<16xi32>
      %swap3A_646 = arith.constant 16 : index
      %swap3A_647 = tpu.vector_load %arg16[%swap3A_646] {strides = array<i32>} : memref<80xi32, #tpu.memory_space<vmem>>, vector<16xi32>,
      %swap3A_648 = vector.shape_cast %swap3A_647 : vector<16xi32> to vector<16xi32>
      %swap3A_649 = vector.shape_cast %get3A_645 : vector<16xi32> to vector<16xi32>
      tpu.vector_store %arg16[%swap3A_646], %swap3A_649 {strides = array<i32>} : memref<80xi32, #tpu.memory_space<vmem>>, vector<16xi32>,
      %get3A_650 = arith.constant 32 : index
      %get3A_651 = tpu.vector_load %arg10[%get3A_650] {strides = array<i32>} : memref<240xi32, #tpu.memory_space<vmem>>, vector<16xi32>,
      %get3A_652 = vector.shape_cast %get3A_651 : vector<16xi32> to vector<16xi32>
      %swap3A_653 = arith.constant 32 : index
      %swap3A_654 = tpu.vector_load %arg12[%swap3A_653] {strides = array<i32>} : memref<80xi32, #tpu.memory_space<vmem>>, vector<16xi32>,
      %swap3A_655 = vector.shape_cast %swap3A_654 : vector<16xi32> to vector<16xi32>
      %swap3A_656 = vector.shape_cast %get3A_652 : vector<16xi32> to vector<16xi32>
      tpu.vector_store %arg12[%swap3A_653], %swap3A_656 {strides = array<i32>} : memref<80xi32, #tpu.memory_space<vmem>>, vector<16xi32>,
      %get3A_657 = arith.constant 112 : index
      %get3A_658 = tpu.vector_load %arg10[%get3A_657] {strides = array<i32>} : memref<240xi32, #tpu.memory_space<vmem>>, vector<16xi32>,
      %get3A_659 = vector.shape_cast %get3A_658 : vector<16xi32> to vector<16xi32>
      %swap3A_660 = arith.constant 32 : index
      %swap3A_661 = tpu.vector_load %arg14[%swap3A_660] {strides = array<i32>} : memref<80xi32, #tpu.memory_space<vmem>>, vector<16xi32>,
      %swap3A_662 = vector.shape_cast %swap3A_661 : vector<16xi32> to vector<16xi32>
      %swap3A_663 = vector.shape_cast %get3A_659 : vector<16xi32> to vector<16xi32>
      tpu.vector_store %arg14[%swap3A_660], %swap3A_663 {strides = array<i32>} : memref<80xi32, #tpu.memory_space<vmem>>, vector<16xi32>,
      %get3A_664 = arith.constant 192 : index
      %get3A_665 = tpu.vector_load %arg10[%get3A_664] {strides = array<i32>} : memref<240xi32, #tpu.memory_space<vmem>>, vector<16xi32>,
      %get3A_666 = vector.shape_cast %get3A_665 : vector<16xi32> to vector<16xi32>
      %swap3A_667 = arith.constant 32 : index
      %swap3A_668 = tpu.vector_load %arg16[%swap3A_667] {strides = array<i32>} : memref<80xi32, #tpu.memory_space<vmem>>, vector<16xi32>,
      %swap3A_669 = vector.shape_cast %swap3A_668 : vector<16xi32> to vector<16xi32>
      %swap3A_670 = vector.shape_cast %get3A_666 : vector<16xi32> to vector<16xi32>
      tpu.vector_store %arg16[%swap3A_667], %swap3A_670 {strides = array<i32>} : memref<80xi32, #tpu.memory_space<vmem>>, vector<16xi32>,
      %get3A_671 = arith.constant 48 : index
      %get3A_672 = tpu.vector_load %arg10[%get3A_671] {strides = array<i32>} : memref<240xi32, #tpu.memory_space<vmem>>, vector<16xi32>,
      %get3A_673 = vector.shape_cast %get3A_672 : vector<16xi32> to vector<16xi32>
      %swap3A_674 = arith.constant 48 : index
      %swap3A_675 = tpu.vector_load %arg12[%swap3A_674] {strides = array<i32>} : memref<80xi32, #tpu.memory_space<vmem>>, vector<16xi32>,
      %swap3A_676 = vector.shape_cast %swap3A_675 : vector<16xi32> to vector<16xi32>
      %swap3A_677 = vector.shape_cast %get3A_673 : vector<16xi32> to vector<16xi32>
      tpu.vector_store %arg12[%swap3A_674], %swap3A_677 {strides = array<i32>} : memref<80xi32, #tpu.memory_space<vmem>>, vector<16xi32>,
      %get3A_678 = arith.constant 128 : index
      %get3A_679 = tpu.vector_load %arg10[%get3A_678] {strides = array<i32>} : memref<240xi32, #tpu.memory_space<vmem>>, vector<16xi32>,
      %get3A_680 = vector.shape_cast %get3A_679 : vector<16xi32> to vector<16xi32>
      %swap3A_681 = arith.constant 48 : index
      %swap3A_682 = tpu.vector_load %arg14[%swap3A_681] {strides = array<i32>} : memref<80xi32, #tpu.memory_space<vmem>>, vector<16xi32>,
      %swap3A_683 = vector.shape_cast %swap3A_682 : vector<16xi32> to vector<16xi32>
      %swap3A_684 = vector.shape_cast %get3A_680 : vector<16xi32> to vector<16xi32>
      tpu.vector_store %arg14[%swap3A_681], %swap3A_684 {strides = array<i32>} : memref<80xi32, #tpu.memory_space<vmem>>, vector<16xi32>,
      %get3A_685 = arith.constant 208 : index
      %get3A_686 = tpu.vector_load %arg10[%get3A_685] {strides = array<i32>} : memref<240xi32, #tpu.memory_space<vmem>>, vector<16xi32>,
      %get3A_687 = vector.shape_cast %get3A_686 : vector<16xi32> to vector<16xi32>
      %swap3A_688 = arith.constant 48 : index
      %swap3A_689 = tpu.vector_load %arg16[%swap3A_688] {strides = array<i32>} : memref<80xi32, #tpu.memory_space<vmem>>, vector<16xi32>,
      %swap3A_690 = vector.shape_cast %swap3A_689 : vector<16xi32> to vector<16xi32>
      %swap3A_691 = vector.shape_cast %get3A_687 : vector<16xi32> to vector<16xi32>
      tpu.vector_store %arg16[%swap3A_688], %swap3A_691 {strides = array<i32>} : memref<80xi32, #tpu.memory_space<vmem>>, vector<16xi32>,
      %get3A_692 = arith.constant 64 : index
      %get3A_693 = tpu.vector_load %arg10[%get3A_692] {strides = array<i32>} : memref<240xi32, #tpu.memory_space<vmem>>, vector<16xi32>,
      %get3A_694 = vector.shape_cast %get3A_693 : vector<16xi32> to vector<16xi32>
      %swap3A_695 = arith.constant 64 : index
      %swap3A_696 = tpu.vector_load %arg12[%swap3A_695] {strides = array<i32>} : memref<80xi32, #tpu.memory_space<vmem>>, vector<16xi32>,
      %swap3A_697 = vector.shape_cast %swap3A_696 : vector<16xi32> to vector<16xi32>
      %swap3A_698 = vector.shape_cast %get3A_694 : vector<16xi32> to vector<16xi32>
      tpu.vector_store %arg12[%swap3A_695], %swap3A_698 {strides = array<i32>} : memref<80xi32, #tpu.memory_space<vmem>>, vector<16xi32>,
      %get3A_699 = arith.constant 144 : index
      %get3A_700 = tpu.vector_load %arg10[%get3A_699] {strides = array<i32>} : memref<240xi32, #tpu.memory_space<vmem>>, vector<16xi32>,
      %get3A_701 = vector.shape_cast %get3A_700 : vector<16xi32> to vector<16xi32>
      %swap3A_702 = arith.constant 64 : index
      %swap3A_703 = tpu.vector_load %arg14[%swap3A_702] {strides = array<i32>} : memref<80xi32, #tpu.memory_space<vmem>>, vector<16xi32>,
      %swap3A_704 = vector.shape_cast %swap3A_703 : vector<16xi32> to vector<16xi32>
      %swap3A_705 = vector.shape_cast %get3A_701 : vector<16xi32> to vector<16xi32>
      tpu.vector_store %arg14[%swap3A_702], %swap3A_705 {strides = array<i32>} : memref<80xi32, #tpu.memory_space<vmem>>, vector<16xi32>,
      %get3A_706 = arith.constant 224 : index
      %get3A_707 = tpu.vector_load %arg10[%get3A_706] {strides = array<i32>} : memref<240xi32, #tpu.memory_space<vmem>>, vector<16xi32>,
      %get3A_708 = vector.shape_cast %get3A_707 : vector<16xi32> to vector<16xi32>
      %swap3A_709 = arith.constant 64 : index
      %swap3A_710 = tpu.vector_load %arg16[%swap3A_709] {strides = array<i32>} : memref<80xi32, #tpu.memory_space<vmem>>, vector<16xi32>,
      %swap3A_711 = vector.shape_cast %swap3A_710 : vector<16xi32> to vector<16xi32>
      %swap3A_712 = vector.shape_cast %get3A_708 : vector<16xi32> to vector<16xi32>
      tpu.vector_store %arg16[%swap3A_709], %swap3A_712 {strides = array<i32>} : memref<80xi32, #tpu.memory_space<vmem>>, vector<16xi32>,
      %mul3A_713 = arith.constant 2 : i32
      %mul3A_714 = arith.muli %mul3A_713, %scan3A_435 : i32
      %add3A_715 = arith.constant 2 : i32
      %add3A_716 = arith.addi %mul3A_714, %add3A_715 : i32
      %mul3A_717 = arith.constant 10000 : i32
      %mul3A_718 = arith.muli %add3A, %mul3A_717 : i32
      %mul3A_719 = arith.constant 80 : i32
      %mul3A_720 = arith.muli %add3A_716, %mul3A_719 : i32
      %add3A_721 = arith.addi %mul3A_718, %mul3A_720 : i32
      %dma_start3A_722 = arith.constant 0 : i32
      %dma_start3A_723 = arith.constant 0 : i32
      %dma_start3A_724 = tpu.memref_slice %arg2[%dma_start3A_722, %dma_start3A_723] : memref<10000x128xf32, #tpu.memory_space<hbm>> -> memref<10000x128xf32, #tpu.memory_space<hbm>>
      tpu.enqueue_indirect_dma source(%dma_start3A_724 : memref<10000x128xf32, #tpu.memory_space<hbm>>) target(%arg18 : memref<80x128xf32, #tpu.memory_space<vmem>>) offsets(%arg12 : memref<80xi32, #tpu.memory_space<vmem>>) semaphore(%arg24 : memref<!tpu.dma_semaphore, #tpu.memory_space<semaphore_mem>>)
      %dma_start3A_725 = arith.constant 0 : i32
      %dma_start3A_726 = arith.constant 0 : i32
      %dma_start3A_727 = tpu.memref_slice %arg3[%dma_start3A_725, %dma_start3A_726] : memref<10000x128xf32, #tpu.memory_space<hbm>> -> memref<10000x128xf32, #tpu.memory_space<hbm>>
      tpu.enqueue_indirect_dma source(%dma_start3A_727 : memref<10000x128xf32, #tpu.memory_space<hbm>>) target(%arg20 : memref<80x128xf32, #tpu.memory_space<vmem>>) offsets(%arg14 : memref<80xi32, #tpu.memory_space<vmem>>) semaphore(%arg24 : memref<!tpu.dma_semaphore, #tpu.memory_space<semaphore_mem>>)
      %mul3A_728 = arith.constant 16 : i32
      %mul3A_729 = arith.muli %add3A_721, %mul3A_728 : i32
      %dma_start3A_730 = tpu.memref_slice %arg5[%mul3A_729] : memref<5120000xf32, #tpu.memory_space<hbm>> -> memref<1280xf32, #tpu.memory_space<hbm>>
      %dma_start3A_731 = tpu.memref_slice %arg5[%mul3A_729] : memref<5120000xf32, #tpu.memory_space<hbm>> -> memref<1280xf32, #tpu.memory_space<hbm>>
      tpu.enqueue_dma source(%dma_start3A_731 : memref<1280xf32, #tpu.memory_space<hbm>>) target(%arg22 : memref<1280xf32, #tpu.memory_space<vmem>>) target_semaphore(%arg24 : memref<!tpu.dma_semaphore, #tpu.memory_space<semaphore_mem>>)
      %dma_wait3A_732 = arith.constant 0 : i32
      %dma_wait3A_733 = arith.constant 0 : i32
      %dma_wait3A_734 = tpu.memref_slice %arg2[%dma_wait3A_732, %dma_wait3A_733] : memref<10000x128xf32, #tpu.memory_space<hbm>> -> memref<10000x128xf32, #tpu.memory_space<hbm>>
      tpu.wait_indirect_dma semaphore(%arg25 : memref<!tpu.dma_semaphore, #tpu.memory_space<semaphore_mem>>) src(%dma_wait3A_734 : memref<10000x128xf32, #tpu.memory_space<hbm>>) dst(%arg19 : memref<80x128xf32, #tpu.memory_space<vmem>>)
      %dma_wait3A_735 = arith.constant 0 : i32
      %dma_wait3A_736 = arith.constant 0 : i32
      %dma_wait3A_737 = tpu.memref_slice %arg3[%dma_wait3A_735, %dma_wait3A_736] : memref<10000x128xf32, #tpu.memory_space<hbm>> -> memref<10000x128xf32, #tpu.memory_space<hbm>>
      tpu.wait_indirect_dma semaphore(%arg25 : memref<!tpu.dma_semaphore, #tpu.memory_space<semaphore_mem>>) src(%dma_wait3A_737 : memref<10000x128xf32, #tpu.memory_space<hbm>>) dst(%arg21 : memref<80x128xf32, #tpu.memory_space<vmem>>)
      %dma_wait3A_738 = arith.constant 0 : i32
      %dma_wait3A_739 = tpu.memref_slice %arg5[%dma_wait3A_738] : memref<5120000xf32, #tpu.memory_space<hbm>> -> memref<1280xf32, #tpu.memory_space<hbm>>
      %dma_wait3A_740 = arith.constant 0 : i32
      %dma_wait3A_741 = tpu.memref_slice %arg5[%dma_wait3A_740] : memref<5120000xf32, #tpu.memory_space<hbm>> -> memref<1280xf32, #tpu.memory_space<hbm>>
      tpu.wait_dma2 semaphore(%arg25 : memref<!tpu.dma_semaphore, #tpu.memory_space<semaphore_mem>>) src(%dma_wait3A_741 : memref<1280xf32, #tpu.memory_space<hbm>>) dst(%arg23 : memref<1280xf32, #tpu.memory_space<vmem>>)
      %scan3A_742 = arith.constant 0 : i32
      %scan3A_743 = arith.constant 0 : i32
      %scan3A_744 = arith.constant 80 : i32
      %scan3A_745 = arith.addi %scan3A_743, %scan3A_744 : i32
      %scan3A_746 = arith.constant 1 : i32
      %scan3A_747 = scf.for %scan3A_753 = %scan3A_743 to %scan3A_745 step %scan3A_746 iter_args(%scan3A_754 = %scan3A_742) -> (i32)  : i32 {
        %mul3A_755 = arith.constant 16 : i32
        %mul3A_756 = arith.muli %scan3A_753, %mul3A_755 : i32
        %get3A_757 = arith.index_cast %mul3A_756 : i32 to index
        %get3A_758 = tpu.vector_load %arg23[%get3A_757] {strides = array<i32>} : memref<1280xf32, #tpu.memory_space<vmem>>, vector<16xf32>,
        %get3A_759 = vector.shape_cast %get3A_758 : vector<16xf32> to vector<16xf32>
        %get3A_760 = arith.index_cast %scan3A_753 : i32 to index
        %get3A_761 = arith.constant 0 : index
        %get3A_762 = tpu.vector_load %arg19[%get3A_760, %get3A_761] {strides = array<i32>} : memref<80x128xf32, #tpu.memory_space<vmem>>, vector<1x16xf32>,
        %get3A_763 = vector.shape_cast %get3A_762 : vector<1x16xf32> to vector<16xf32>
        %get3A_764 = arith.index_cast %scan3A_753 : i32 to index
        %get3A_765 = arith.constant 0 : index
        %get3A_766 = tpu.vector_load %arg21[%get3A_764, %get3A_765] {strides = array<i32>} : memref<80x128xf32, #tpu.memory_space<vmem>>, vector<1x16xf32>,
        %get3A_767 = vector.shape_cast %get3A_766 : vector<1x16xf32> to vector<16xf32>
        %add3A_768 = arith.addf %get3A_763, %get3A_767 : vector<16xf32>
        %slice3A = vector.extract_strided_slice %get3A_759 {offsets = [0], sizes = [1], strides = [1]} : vector<16xf32> to vector<1xf32>
        %squeeze3A = vector.extract %slice3A[0] : f32 from vector<1xf32>
        %mul3A_769 = vector.broadcast %squeeze3A : f32 to vector<16xf32>
        %mul3A_770 = arith.mulf %add3A_768, %mul3A_769 : vector<16xf32>
        %swap3A_771 = arith.index_cast %scan3A_753 : i32 to index
        %swap3A_772 = arith.constant 0 : index
        %swap3A_773 = tpu.vector_load %arg19[%swap3A_771, %swap3A_772] {strides = array<i32>} : memref<80x128xf32, #tpu.memory_space<vmem>>, vector<1x16xf32>,
        %swap3A_774 = vector.shape_cast %swap3A_773 : vector<1x16xf32> to vector<16xf32>
        %swap3A_775 = vector.shape_cast %mul3A_770 : vector<16xf32> to vector<1x16xf32>
        tpu.vector_store %arg19[%swap3A_771, %swap3A_772], %swap3A_775 {strides = array<i32>} : memref<80x128xf32, #tpu.memory_space<vmem>>, vector<1x16xf32>,
        %get3A_776 = arith.index_cast %scan3A_753 : i32 to index
        %get3A_777 = arith.constant 16 : index
        %get3A_778 = tpu.vector_load %arg19[%get3A_776, %get3A_777] {strides = array<i32>} : memref<80x128xf32, #tpu.memory_space<vmem>>, vector<1x16xf32>,
        %get3A_779 = vector.shape_cast %get3A_778 : vector<1x16xf32> to vector<16xf32>
        %get3A_780 = arith.index_cast %scan3A_753 : i32 to index
        %get3A_781 = arith.constant 16 : index
        %get3A_782 = tpu.vector_load %arg21[%get3A_780, %get3A_781] {strides = array<i32>} : memref<80x128xf32, #tpu.memory_space<vmem>>, vector<1x16xf32>,
        %get3A_783 = vector.shape_cast %get3A_782 : vector<1x16xf32> to vector<16xf32>
        %add3A_784 = arith.addf %get3A_779, %get3A_783 : vector<16xf32>
        %slice3A_785 = vector.extract_strided_slice %get3A_759 {offsets = [1], sizes = [1], strides = [1]} : vector<16xf32> to vector<1xf32>
        %squeeze3A_786 = vector.extract %slice3A_785[0] : f32 from vector<1xf32>
        %mul3A_787 = vector.broadcast %squeeze3A_786 : f32 to vector<16xf32>
        %mul3A_788 = arith.mulf %add3A_784, %mul3A_787 : vector<16xf32>
        %swap3A_789 = arith.index_cast %scan3A_753 : i32 to index
        %swap3A_790 = arith.constant 16 : index
        %swap3A_791 = tpu.vector_load %arg19[%swap3A_789, %swap3A_790] {strides = array<i32>} : memref<80x128xf32, #tpu.memory_space<vmem>>, vector<1x16xf32>,
        %swap3A_792 = vector.shape_cast %swap3A_791 : vector<1x16xf32> to vector<16xf32>
        %swap3A_793 = vector.shape_cast %mul3A_788 : vector<16xf32> to vector<1x16xf32>
        tpu.vector_store %arg19[%swap3A_789, %swap3A_790], %swap3A_793 {strides = array<i32>} : memref<80x128xf32, #tpu.memory_space<vmem>>, vector<1x16xf32>,
        %get3A_794 = arith.index_cast %scan3A_753 : i32 to index
        %get3A_795 = arith.constant 32 : index
        %get3A_796 = tpu.vector_load %arg19[%get3A_794, %get3A_795] {strides = array<i32>} : memref<80x128xf32, #tpu.memory_space<vmem>>, vector<1x16xf32>,
        %get3A_797 = vector.shape_cast %get3A_796 : vector<1x16xf32> to vector<16xf32>
        %get3A_798 = arith.index_cast %scan3A_753 : i32 to index
        %get3A_799 = arith.constant 32 : index
        %get3A_800 = tpu.vector_load %arg21[%get3A_798, %get3A_799] {strides = array<i32>} : memref<80x128xf32, #tpu.memory_space<vmem>>, vector<1x16xf32>,
        %get3A_801 = vector.shape_cast %get3A_800 : vector<1x16xf32> to vector<16xf32>
        %add3A_802 = arith.addf %get3A_797, %get3A_801 : vector<16xf32>
        %slice3A_803 = vector.extract_strided_slice %get3A_759 {offsets = [2], sizes = [1], strides = [1]} : vector<16xf32> to vector<1xf32>
        %squeeze3A_804 = vector.extract %slice3A_803[0] : f32 from vector<1xf32>
        %mul3A_805 = vector.broadcast %squeeze3A_804 : f32 to vector<16xf32>
        %mul3A_806 = arith.mulf %add3A_802, %mul3A_805 : vector<16xf32>
        %swap3A_807 = arith.index_cast %scan3A_753 : i32 to index
        %swap3A_808 = arith.constant 32 : index
        %swap3A_809 = tpu.vector_load %arg19[%swap3A_807, %swap3A_808] {strides = array<i32>} : memref<80x128xf32, #tpu.memory_space<vmem>>, vector<1x16xf32>,
        %swap3A_810 = vector.shape_cast %swap3A_809 : vector<1x16xf32> to vector<16xf32>
        %swap3A_811 = vector.shape_cast %mul3A_806 : vector<16xf32> to vector<1x16xf32>
        tpu.vector_store %arg19[%swap3A_807, %swap3A_808], %swap3A_811 {strides = array<i32>} : memref<80x128xf32, #tpu.memory_space<vmem>>, vector<1x16xf32>,
        %get3A_812 = arith.index_cast %scan3A_753 : i32 to index
        %get3A_813 = arith.constant 48 : index
        %get3A_814 = tpu.vector_load %arg19[%get3A_812, %get3A_813] {strides = array<i32>} : memref<80x128xf32, #tpu.memory_space<vmem>>, vector<1x16xf32>,
        %get3A_815 = vector.shape_cast %get3A_814 : vector<1x16xf32> to vector<16xf32>
        %get3A_816 = arith.index_cast %scan3A_753 : i32 to index
        %get3A_817 = arith.constant 48 : index
        %get3A_818 = tpu.vector_load %arg21[%get3A_816, %get3A_817] {strides = array<i32>} : memref<80x128xf32, #tpu.memory_space<vmem>>, vector<1x16xf32>,
        %get3A_819 = vector.shape_cast %get3A_818 : vector<1x16xf32> to vector<16xf32>
        %add3A_820 = arith.addf %get3A_815, %get3A_819 : vector<16xf32>
        %slice3A_821 = vector.extract_strided_slice %get3A_759 {offsets = [3], sizes = [1], strides = [1]} : vector<16xf32> to vector<1xf32>
        %squeeze3A_822 = vector.extract %slice3A_821[0] : f32 from vector<1xf32>
        %mul3A_823 = vector.broadcast %squeeze3A_822 : f32 to vector<16xf32>
        %mul3A_824 = arith.mulf %add3A_820, %mul3A_823 : vector<16xf32>
        %swap3A_825 = arith.index_cast %scan3A_753 : i32 to index
        %swap3A_826 = arith.constant 48 : index
        %swap3A_827 = tpu.vector_load %arg19[%swap3A_825, %swap3A_826] {strides = array<i32>} : memref<80x128xf32, #tpu.memory_space<vmem>>, vector<1x16xf32>,
        %swap3A_828 = vector.shape_cast %swap3A_827 : vector<1x16xf32> to vector<16xf32>
        %swap3A_829 = vector.shape_cast %mul3A_824 : vector<16xf32> to vector<1x16xf32>
        tpu.vector_store %arg19[%swap3A_825, %swap3A_826], %swap3A_829 {strides = array<i32>} : memref<80x128xf32, #tpu.memory_space<vmem>>, vector<1x16xf32>,
        %get3A_830 = arith.index_cast %scan3A_753 : i32 to index
        %get3A_831 = arith.constant 64 : index
        %get3A_832 = tpu.vector_load %arg19[%get3A_830, %get3A_831] {strides = array<i32>} : memref<80x128xf32, #tpu.memory_space<vmem>>, vector<1x16xf32>,
        %get3A_833 = vector.shape_cast %get3A_832 : vector<1x16xf32> to vector<16xf32>
        %get3A_834 = arith.index_cast %scan3A_753 : i32 to index
        %get3A_835 = arith.constant 64 : index
        %get3A_836 = tpu.vector_load %arg21[%get3A_834, %get3A_835] {strides = array<i32>} : memref<80x128xf32, #tpu.memory_space<vmem>>, vector<1x16xf32>,
        %get3A_837 = vector.shape_cast %get3A_836 : vector<1x16xf32> to vector<16xf32>
        %add3A_838 = arith.addf %get3A_833, %get3A_837 : vector<16xf32>
        %slice3A_839 = vector.extract_strided_slice %get3A_759 {offsets = [4], sizes = [1], strides = [1]} : vector<16xf32> to vector<1xf32>
        %squeeze3A_840 = vector.extract %slice3A_839[0] : f32 from vector<1xf32>
        %mul3A_841 = vector.broadcast %squeeze3A_840 : f32 to vector<16xf32>
        %mul3A_842 = arith.mulf %add3A_838, %mul3A_841 : vector<16xf32>
        %swap3A_843 = arith.index_cast %scan3A_753 : i32 to index
        %swap3A_844 = arith.constant 64 : index
        %swap3A_845 = tpu.vector_load %arg19[%swap3A_843, %swap3A_844] {strides = array<i32>} : memref<80x128xf32, #tpu.memory_space<vmem>>, vector<1x16xf32>,
        %swap3A_846 = vector.shape_cast %swap3A_845 : vector<1x16xf32> to vector<16xf32>
        %swap3A_847 = vector.shape_cast %mul3A_842 : vector<16xf32> to vector<1x16xf32>
        tpu.vector_store %arg19[%swap3A_843, %swap3A_844], %swap3A_847 {strides = array<i32>} : memref<80x128xf32, #tpu.memory_space<vmem>>, vector<1x16xf32>,
        %get3A_848 = arith.index_cast %scan3A_753 : i32 to index
        %get3A_849 = arith.constant 80 : index
        %get3A_850 = tpu.vector_load %arg19[%get3A_848, %get3A_849] {strides = array<i32>} : memref<80x128xf32, #tpu.memory_space<vmem>>, vector<1x16xf32>,
        %get3A_851 = vector.shape_cast %get3A_850 : vector<1x16xf32> to vector<16xf32>
        %get3A_852 = arith.index_cast %scan3A_753 : i32 to index
        %get3A_853 = arith.constant 80 : index
        %get3A_854 = tpu.vector_load %arg21[%get3A_852, %get3A_853] {strides = array<i32>} : memref<80x128xf32, #tpu.memory_space<vmem>>, vector<1x16xf32>,
        %get3A_855 = vector.shape_cast %get3A_854 : vector<1x16xf32> to vector<16xf32>
        %add3A_856 = arith.addf %get3A_851, %get3A_855 : vector<16xf32>
        %slice3A_857 = vector.extract_strided_slice %get3A_759 {offsets = [5], sizes = [1], strides = [1]} : vector<16xf32> to vector<1xf32>
        %squeeze3A_858 = vector.extract %slice3A_857[0] : f32 from vector<1xf32>
        %mul3A_859 = vector.broadcast %squeeze3A_858 : f32 to vector<16xf32>
        %mul3A_860 = arith.mulf %add3A_856, %mul3A_859 : vector<16xf32>
        %swap3A_861 = arith.index_cast %scan3A_753 : i32 to index
        %swap3A_862 = arith.constant 80 : index
        %swap3A_863 = tpu.vector_load %arg19[%swap3A_861, %swap3A_862] {strides = array<i32>} : memref<80x128xf32, #tpu.memory_space<vmem>>, vector<1x16xf32>,
        %swap3A_864 = vector.shape_cast %swap3A_863 : vector<1x16xf32> to vector<16xf32>
        %swap3A_865 = vector.shape_cast %mul3A_860 : vector<16xf32> to vector<1x16xf32>
        tpu.vector_store %arg19[%swap3A_861, %swap3A_862], %swap3A_865 {strides = array<i32>} : memref<80x128xf32, #tpu.memory_space<vmem>>, vector<1x16xf32>,
        %get3A_866 = arith.index_cast %scan3A_753 : i32 to index
        %get3A_867 = arith.constant 96 : index
        %get3A_868 = tpu.vector_load %arg19[%get3A_866, %get3A_867] {strides = array<i32>} : memref<80x128xf32, #tpu.memory_space<vmem>>, vector<1x16xf32>,
        %get3A_869 = vector.shape_cast %get3A_868 : vector<1x16xf32> to vector<16xf32>
        %get3A_870 = arith.index_cast %scan3A_753 : i32 to index
        %get3A_871 = arith.constant 96 : index
        %get3A_872 = tpu.vector_load %arg21[%get3A_870, %get3A_871] {strides = array<i32>} : memref<80x128xf32, #tpu.memory_space<vmem>>, vector<1x16xf32>,
        %get3A_873 = vector.shape_cast %get3A_872 : vector<1x16xf32> to vector<16xf32>
        %add3A_874 = arith.addf %get3A_869, %get3A_873 : vector<16xf32>
        %slice3A_875 = vector.extract_strided_slice %get3A_759 {offsets = [6], sizes = [1], strides = [1]} : vector<16xf32> to vector<1xf32>
        %squeeze3A_876 = vector.extract %slice3A_875[0] : f32 from vector<1xf32>
        %mul3A_877 = vector.broadcast %squeeze3A_876 : f32 to vector<16xf32>
        %mul3A_878 = arith.mulf %add3A_874, %mul3A_877 : vector<16xf32>
        %swap3A_879 = arith.index_cast %scan3A_753 : i32 to index
        %swap3A_880 = arith.constant 96 : index
        %swap3A_881 = tpu.vector_load %arg19[%swap3A_879, %swap3A_880] {strides = array<i32>} : memref<80x128xf32, #tpu.memory_space<vmem>>, vector<1x16xf32>,
        %swap3A_882 = vector.shape_cast %swap3A_881 : vector<1x16xf32> to vector<16xf32>
        %swap3A_883 = vector.shape_cast %mul3A_878 : vector<16xf32> to vector<1x16xf32>
        tpu.vector_store %arg19[%swap3A_879, %swap3A_880], %swap3A_883 {strides = array<i32>} : memref<80x128xf32, #tpu.memory_space<vmem>>, vector<1x16xf32>,
        %get3A_884 = arith.index_cast %scan3A_753 : i32 to index
        %get3A_885 = arith.constant 112 : index
        %get3A_886 = tpu.vector_load %arg19[%get3A_884, %get3A_885] {strides = array<i32>} : memref<80x128xf32, #tpu.memory_space<vmem>>, vector<1x16xf32>,
        %get3A_887 = vector.shape_cast %get3A_886 : vector<1x16xf32> to vector<16xf32>
        %get3A_888 = arith.index_cast %scan3A_753 : i32 to index
        %get3A_889 = arith.constant 112 : index
        %get3A_890 = tpu.vector_load %arg21[%get3A_888, %get3A_889] {strides = array<i32>} : memref<80x128xf32, #tpu.memory_space<vmem>>, vector<1x16xf32>,
        %get3A_891 = vector.shape_cast %get3A_890 : vector<1x16xf32> to vector<16xf32>
        %add3A_892 = arith.addf %get3A_887, %get3A_891 : vector<16xf32>
        %slice3A_893 = vector.extract_strided_slice %get3A_759 {offsets = [7], sizes = [1], strides = [1]} : vector<16xf32> to vector<1xf32>
        %squeeze3A_894 = vector.extract %slice3A_893[0] : f32 from vector<1xf32>
        %mul3A_895 = vector.broadcast %squeeze3A_894 : f32 to vector<16xf32>
        %mul3A_896 = arith.mulf %add3A_892, %mul3A_895 : vector<16xf32>
        %swap3A_897 = arith.index_cast %scan3A_753 : i32 to index
        %swap3A_898 = arith.constant 112 : index
        %swap3A_899 = tpu.vector_load %arg19[%swap3A_897, %swap3A_898] {strides = array<i32>} : memref<80x128xf32, #tpu.memory_space<vmem>>, vector<1x16xf32>,
        %swap3A_900 = vector.shape_cast %swap3A_899 : vector<1x16xf32> to vector<16xf32>
        %swap3A_901 = vector.shape_cast %mul3A_896 : vector<16xf32> to vector<1x16xf32>
        tpu.vector_store %arg19[%swap3A_897, %swap3A_898], %swap3A_901 {strides = array<i32>} : memref<80x128xf32, #tpu.memory_space<vmem>>, vector<1x16xf32>,
        %scan3A_902 = arith.constant 0 : i32
        scf.yield %scan3A_902 : i32
      }
      %scan3A_748 = arith.constant 80 : i32
      %dma_start3A_749 = arith.constant 0 : i32
      %dma_start3A_750 = arith.constant 0 : i32
      %dma_start3A_751 = tpu.memref_slice %arg9[%dma_start3A_749, %dma_start3A_750] : memref<10240x128xf32, #tpu.memory_space<vmem_shared>> -> memref<10240x128xf32, #tpu.memory_space<vmem_shared>>
      tpu.enqueue_indirect_dma source(%arg19 : memref<80x128xf32, #tpu.memory_space<vmem>>) target(%dma_start3A_751 : memref<10240x128xf32, #tpu.memory_space<vmem_shared>>) offsets(%arg17 : memref<80xi32, #tpu.memory_space<vmem>>) semaphore(%arg27 : memref<!tpu.dma_semaphore, #tpu.memory_space<semaphore_mem>>) {add = true}
      %scan3A_752 = arith.constant 0 : i32
      scf.yield %scan3A_752 : i32
    }
    %scan3A_170 = arith.constant 62 : i32
    %dma_wait3A = arith.constant 0 : i32
    %dma_wait3A_171 = arith.constant 0 : i32
    %dma_wait3A_172 = tpu.memref_slice %arg9[%dma_wait3A, %dma_wait3A_171] : memref<10240x128xf32, #tpu.memory_space<vmem_shared>> -> memref<10240x128xf32, #tpu.memory_space<vmem_shared>>
    tpu.wait_indirect_dma semaphore(%arg27 : memref<!tpu.dma_semaphore, #tpu.memory_space<semaphore_mem>>) src(%arg19 : memref<80x128xf32, #tpu.memory_space<vmem>>) dst(%dma_wait3A_172 : memref<10240x128xf32, #tpu.memory_space<vmem_shared>>)
    %dma_wait3A_173 = arith.constant 0 : i32
    %dma_wait3A_174 = arith.constant 0 : i32
    %dma_wait3A_175 = tpu.memref_slice %arg2[%dma_wait3A_173, %dma_wait3A_174] : memref<10000x128xf32, #tpu.memory_space<hbm>> -> memref<10000x128xf32, #tpu.memory_space<hbm>>
    tpu.wait_indirect_dma semaphore(%arg24 : memref<!tpu.dma_semaphore, #tpu.memory_space<semaphore_mem>>) src(%dma_wait3A_175 : memref<10000x128xf32, #tpu.memory_space<hbm>>) dst(%arg18 : memref<80x128xf32, #tpu.memory_space<vmem>>)
    %dma_wait3A_176 = arith.constant 0 : i32
    %dma_wait3A_177 = arith.constant 0 : i32
    %dma_wait3A_178 = tpu.memref_slice %arg3[%dma_wait3A_176, %dma_wait3A_177] : memref<10000x128xf32, #tpu.memory_space<hbm>> -> memref<10000x128xf32, #tpu.memory_space<hbm>>
    tpu.wait_indirect_dma semaphore(%arg24 : memref<!tpu.dma_semaphore, #tpu.memory_space<semaphore_mem>>) src(%dma_wait3A_178 : memref<10000x128xf32, #tpu.memory_space<hbm>>) dst(%arg20 : memref<80x128xf32, #tpu.memory_space<vmem>>)
    %dma_wait3A_179 = arith.constant 0 : i32
    %dma_wait3A_180 = tpu.memref_slice %arg5[%dma_wait3A_179] : memref<5120000xf32, #tpu.memory_space<hbm>> -> memref<1280xf32, #tpu.memory_space<hbm>>
    %dma_wait3A_181 = arith.constant 0 : i32
    %dma_wait3A_182 = tpu.memref_slice %arg5[%dma_wait3A_181] : memref<5120000xf32, #tpu.memory_space<hbm>> -> memref<1280xf32, #tpu.memory_space<hbm>>
    tpu.wait_dma2 semaphore(%arg24 : memref<!tpu.dma_semaphore, #tpu.memory_space<semaphore_mem>>) src(%dma_wait3A_182 : memref<1280xf32, #tpu.memory_space<hbm>>) dst(%arg22 : memref<1280xf32, #tpu.memory_space<vmem>>)
    %scan3A_183 = arith.constant 0 : i32
    %scan3A_184 = arith.constant 0 : i32
    %scan3A_185 = arith.constant 80 : i32
    %scan3A_186 = arith.addi %scan3A_184, %scan3A_185 : i32
    %scan3A_187 = arith.constant 1 : i32
    %scan3A_188 = scf.for %scan3A_435 = %scan3A_184 to %scan3A_186 step %scan3A_187 iter_args(%scan3A_436 = %scan3A_183) -> (i32)  : i32 {
      %mul3A_437 = arith.constant 16 : i32
      %mul3A_438 = arith.muli %scan3A_435, %mul3A_437 : i32
      %get3A_439 = arith.index_cast %mul3A_438 : i32 to index
      %get3A_440 = tpu.vector_load %arg22[%get3A_439] {strides = array<i32>} : memref<1280xf32, #tpu.memory_space<vmem>>, vector<16xf32>,
      %get3A_441 = vector.shape_cast %get3A_440 : vector<16xf32> to vector<16xf32>
      %get3A_442 = arith.index_cast %scan3A_435 : i32 to index
      %get3A_443 = arith.constant 0 : index
      %get3A_444 = tpu.vector_load %arg18[%get3A_442, %get3A_443] {strides = array<i32>} : memref<80x128xf32, #tpu.memory_space<vmem>>, vector<1x16xf32>,
      %get3A_445 = vector.shape_cast %get3A_444 : vector<1x16xf32> to vector<16xf32>
      %get3A_446 = arith.index_cast %scan3A_435 : i32 to index
      %get3A_447 = arith.constant 0 : index
      %get3A_448 = tpu.vector_load %arg20[%get3A_446, %get3A_447] {strides = array<i32>} : memref<80x128xf32, #tpu.memory_space<vmem>>, vector<1x16xf32>,
      %get3A_449 = vector.shape_cast %get3A_448 : vector<1x16xf32> to vector<16xf32>
      %add3A_450 = arith.addf %get3A_445, %get3A_449 : vector<16xf32>
      %slice3A = vector.extract_strided_slice %get3A_441 {offsets = [0], sizes = [1], strides = [1]} : vector<16xf32> to vector<1xf32>
      %squeeze3A = vector.extract %slice3A[0] : f32 from vector<1xf32>
      %mul3A_451 = vector.broadcast %squeeze3A : f32 to vector<16xf32>
      %mul3A_452 = arith.mulf %add3A_450, %mul3A_451 : vector<16xf32>
      %swap3A_453 = arith.index_cast %scan3A_435 : i32 to index
      %swap3A_454 = arith.constant 0 : index
      %swap3A_455 = tpu.vector_load %arg18[%swap3A_453, %swap3A_454] {strides = array<i32>} : memref<80x128xf32, #tpu.memory_space<vmem>>, vector<1x16xf32>,
      %swap3A_456 = vector.shape_cast %swap3A_455 : vector<1x16xf32> to vector<16xf32>
      %swap3A_457 = vector.shape_cast %mul3A_452 : vector<16xf32> to vector<1x16xf32>
      tpu.vector_store %arg18[%swap3A_453, %swap3A_454], %swap3A_457 {strides = array<i32>} : memref<80x128xf32, #tpu.memory_space<vmem>>, vector<1x16xf32>,
      %get3A_458 = arith.index_cast %scan3A_435 : i32 to index
      %get3A_459 = arith.constant 16 : index
      %get3A_460 = tpu.vector_load %arg18[%get3A_458, %get3A_459] {strides = array<i32>} : memref<80x128xf32, #tpu.memory_space<vmem>>, vector<1x16xf32>,
      %get3A_461 = vector.shape_cast %get3A_460 : vector<1x16xf32> to vector<16xf32>
      %get3A_462 = arith.index_cast %scan3A_435 : i32 to index
      %get3A_463 = arith.constant 16 : index
      %get3A_464 = tpu.vector_load %arg20[%get3A_462, %get3A_463] {strides = array<i32>} : memref<80x128xf32, #tpu.memory_space<vmem>>, vector<1x16xf32>,
      %get3A_465 = vector.shape_cast %get3A_464 : vector<1x16xf32> to vector<16xf32>
      %add3A_466 = arith.addf %get3A_461, %get3A_465 : vector<16xf32>
      %slice3A_467 = vector.extract_strided_slice %get3A_441 {offsets = [1], sizes = [1], strides = [1]} : vector<16xf32> to vector<1xf32>
      %squeeze3A_468 = vector.extract %slice3A_467[0] : f32 from vector<1xf32>
      %mul3A_469 = vector.broadcast %squeeze3A_468 : f32 to vector<16xf32>
      %mul3A_470 = arith.mulf %add3A_466, %mul3A_469 : vector<16xf32>
      %swap3A_471 = arith.index_cast %scan3A_435 : i32 to index
      %swap3A_472 = arith.constant 16 : index
      %swap3A_473 = tpu.vector_load %arg18[%swap3A_471, %swap3A_472] {strides = array<i32>} : memref<80x128xf32, #tpu.memory_space<vmem>>, vector<1x16xf32>,
      %swap3A_474 = vector.shape_cast %swap3A_473 : vector<1x16xf32> to vector<16xf32>
      %swap3A_475 = vector.shape_cast %mul3A_470 : vector<16xf32> to vector<1x16xf32>
      tpu.vector_store %arg18[%swap3A_471, %swap3A_472], %swap3A_475 {strides = array<i32>} : memref<80x128xf32, #tpu.memory_space<vmem>>, vector<1x16xf32>,
      %get3A_476 = arith.index_cast %scan3A_435 : i32 to index
      %get3A_477 = arith.constant 32 : index
      %get3A_478 = tpu.vector_load %arg18[%get3A_476, %get3A_477] {strides = array<i32>} : memref<80x128xf32, #tpu.memory_space<vmem>>, vector<1x16xf32>,
      %get3A_479 = vector.shape_cast %get3A_478 : vector<1x16xf32> to vector<16xf32>
      %get3A_480 = arith.index_cast %scan3A_435 : i32 to index
      %get3A_481 = arith.constant 32 : index
      %get3A_482 = tpu.vector_load %arg20[%get3A_480, %get3A_481] {strides = array<i32>} : memref<80x128xf32, #tpu.memory_space<vmem>>, vector<1x16xf32>,
      %get3A_483 = vector.shape_cast %get3A_482 : vector<1x16xf32> to vector<16xf32>
      %add3A_484 = arith.addf %get3A_479, %get3A_483 : vector<16xf32>
      %slice3A_485 = vector.extract_strided_slice %get3A_441 {offsets = [2], sizes = [1], strides = [1]} : vector<16xf32> to vector<1xf32>
      %squeeze3A_486 = vector.extract %slice3A_485[0] : f32 from vector<1xf32>
      %mul3A_487 = vector.broadcast %squeeze3A_486 : f32 to vector<16xf32>
      %mul3A_488 = arith.mulf %add3A_484, %mul3A_487 : vector<16xf32>
      %swap3A_489 = arith.index_cast %scan3A_435 : i32 to index
      %swap3A_490 = arith.constant 32 : index
      %swap3A_491 = tpu.vector_load %arg18[%swap3A_489, %swap3A_490] {strides = array<i32>} : memref<80x128xf32, #tpu.memory_space<vmem>>, vector<1x16xf32>,
      %swap3A_492 = vector.shape_cast %swap3A_491 : vector<1x16xf32> to vector<16xf32>
      %swap3A_493 = vector.shape_cast %mul3A_488 : vector<16xf32> to vector<1x16xf32>
      tpu.vector_store %arg18[%swap3A_489, %swap3A_490], %swap3A_493 {strides = array<i32>} : memref<80x128xf32, #tpu.memory_space<vmem>>, vector<1x16xf32>,
      %get3A_494 = arith.index_cast %scan3A_435 : i32 to index
      %get3A_495 = arith.constant 48 : index
      %get3A_496 = tpu.vector_load %arg18[%get3A_494, %get3A_495] {strides = array<i32>} : memref<80x128xf32, #tpu.memory_space<vmem>>, vector<1x16xf32>,
      %get3A_497 = vector.shape_cast %get3A_496 : vector<1x16xf32> to vector<16xf32>
      %get3A_498 = arith.index_cast %scan3A_435 : i32 to index
      %get3A_499 = arith.constant 48 : index
      %get3A_500 = tpu.vector_load %arg20[%get3A_498, %get3A_499] {strides = array<i32>} : memref<80x128xf32, #tpu.memory_space<vmem>>, vector<1x16xf32>,
      %get3A_501 = vector.shape_cast %get3A_500 : vector<1x16xf32> to vector<16xf32>
      %add3A_502 = arith.addf %get3A_497, %get3A_501 : vector<16xf32>
      %slice3A_503 = vector.extract_strided_slice %get3A_441 {offsets = [3], sizes = [1], strides = [1]} : vector<16xf32> to vector<1xf32>
      %squeeze3A_504 = vector.extract %slice3A_503[0] : f32 from vector<1xf32>
      %mul3A_505 = vector.broadcast %squeeze3A_504 : f32 to vector<16xf32>
      %mul3A_506 = arith.mulf %add3A_502, %mul3A_505 : vector<16xf32>
      %swap3A_507 = arith.index_cast %scan3A_435 : i32 to index
      %swap3A_508 = arith.constant 48 : index
      %swap3A_509 = tpu.vector_load %arg18[%swap3A_507, %swap3A_508] {strides = array<i32>} : memref<80x128xf32, #tpu.memory_space<vmem>>, vector<1x16xf32>,
      %swap3A_510 = vector.shape_cast %swap3A_509 : vector<1x16xf32> to vector<16xf32>
      %swap3A_511 = vector.shape_cast %mul3A_506 : vector<16xf32> to vector<1x16xf32>
      tpu.vector_store %arg18[%swap3A_507, %swap3A_508], %swap3A_511 {strides = array<i32>} : memref<80x128xf32, #tpu.memory_space<vmem>>, vector<1x16xf32>,
      %get3A_512 = arith.index_cast %scan3A_435 : i32 to index
      %get3A_513 = arith.constant 64 : index
      %get3A_514 = tpu.vector_load %arg18[%get3A_512, %get3A_513] {strides = array<i32>} : memref<80x128xf32, #tpu.memory_space<vmem>>, vector<1x16xf32>,
      %get3A_515 = vector.shape_cast %get3A_514 : vector<1x16xf32> to vector<16xf32>
      %get3A_516 = arith.index_cast %scan3A_435 : i32 to index
      %get3A_517 = arith.constant 64 : index
      %get3A_518 = tpu.vector_load %arg20[%get3A_516, %get3A_517] {strides = array<i32>} : memref<80x128xf32, #tpu.memory_space<vmem>>, vector<1x16xf32>,
      %get3A_519 = vector.shape_cast %get3A_518 : vector<1x16xf32> to vector<16xf32>
      %add3A_520 = arith.addf %get3A_515, %get3A_519 : vector<16xf32>
      %slice3A_521 = vector.extract_strided_slice %get3A_441 {offsets = [4], sizes = [1], strides = [1]} : vector<16xf32> to vector<1xf32>
      %squeeze3A_522 = vector.extract %slice3A_521[0] : f32 from vector<1xf32>
      %mul3A_523 = vector.broadcast %squeeze3A_522 : f32 to vector<16xf32>
      %mul3A_524 = arith.mulf %add3A_520, %mul3A_523 : vector<16xf32>
      %swap3A_525 = arith.index_cast %scan3A_435 : i32 to index
      %swap3A_526 = arith.constant 64 : index
      %swap3A_527 = tpu.vector_load %arg18[%swap3A_525, %swap3A_526] {strides = array<i32>} : memref<80x128xf32, #tpu.memory_space<vmem>>, vector<1x16xf32>,
      %swap3A_528 = vector.shape_cast %swap3A_527 : vector<1x16xf32> to vector<16xf32>
      %swap3A_529 = vector.shape_cast %mul3A_524 : vector<16xf32> to vector<1x16xf32>
      tpu.vector_store %arg18[%swap3A_525, %swap3A_526], %swap3A_529 {strides = array<i32>} : memref<80x128xf32, #tpu.memory_space<vmem>>, vector<1x16xf32>,
      %get3A_530 = arith.index_cast %scan3A_435 : i32 to index
      %get3A_531 = arith.constant 80 : index
      %get3A_532 = tpu.vector_load %arg18[%get3A_530, %get3A_531] {strides = array<i32>} : memref<80x128xf32, #tpu.memory_space<vmem>>, vector<1x16xf32>,
      %get3A_533 = vector.shape_cast %get3A_532 : vector<1x16xf32> to vector<16xf32>
      %get3A_534 = arith.index_cast %scan3A_435 : i32 to index
      %get3A_535 = arith.constant 80 : index
      %get3A_536 = tpu.vector_load %arg20[%get3A_534, %get3A_535] {strides = array<i32>} : memref<80x128xf32, #tpu.memory_space<vmem>>, vector<1x16xf32>,
      %get3A_537 = vector.shape_cast %get3A_536 : vector<1x16xf32> to vector<16xf32>
      %add3A_538 = arith.addf %get3A_533, %get3A_537 : vector<16xf32>
      %slice3A_539 = vector.extract_strided_slice %get3A_441 {offsets = [5], sizes = [1], strides = [1]} : vector<16xf32> to vector<1xf32>
      %squeeze3A_540 = vector.extract %slice3A_539[0] : f32 from vector<1xf32>
      %mul3A_541 = vector.broadcast %squeeze3A_540 : f32 to vector<16xf32>
      %mul3A_542 = arith.mulf %add3A_538, %mul3A_541 : vector<16xf32>
      %swap3A_543 = arith.index_cast %scan3A_435 : i32 to index
      %swap3A_544 = arith.constant 80 : index
      %swap3A_545 = tpu.vector_load %arg18[%swap3A_543, %swap3A_544] {strides = array<i32>} : memref<80x128xf32, #tpu.memory_space<vmem>>, vector<1x16xf32>,
      %swap3A_546 = vector.shape_cast %swap3A_545 : vector<1x16xf32> to vector<16xf32>
      %swap3A_547 = vector.shape_cast %mul3A_542 : vector<16xf32> to vector<1x16xf32>
      tpu.vector_store %arg18[%swap3A_543, %swap3A_544], %swap3A_547 {strides = array<i32>} : memref<80x128xf32, #tpu.memory_space<vmem>>, vector<1x16xf32>,
      %get3A_548 = arith.index_cast %scan3A_435 : i32 to index
      %get3A_549 = arith.constant 96 : index
      %get3A_550 = tpu.vector_load %arg18[%get3A_548, %get3A_549] {strides = array<i32>} : memref<80x128xf32, #tpu.memory_space<vmem>>, vector<1x16xf32>,
      %get3A_551 = vector.shape_cast %get3A_550 : vector<1x16xf32> to vector<16xf32>
      %get3A_552 = arith.index_cast %scan3A_435 : i32 to index
      %get3A_553 = arith.constant 96 : index
      %get3A_554 = tpu.vector_load %arg20[%get3A_552, %get3A_553] {strides = array<i32>} : memref<80x128xf32, #tpu.memory_space<vmem>>, vector<1x16xf32>,
      %get3A_555 = vector.shape_cast %get3A_554 : vector<1x16xf32> to vector<16xf32>
      %add3A_556 = arith.addf %get3A_551, %get3A_555 : vector<16xf32>
      %slice3A_557 = vector.extract_strided_slice %get3A_441 {offsets = [6], sizes = [1], strides = [1]} : vector<16xf32> to vector<1xf32>
      %squeeze3A_558 = vector.extract %slice3A_557[0] : f32 from vector<1xf32>
      %mul3A_559 = vector.broadcast %squeeze3A_558 : f32 to vector<16xf32>
      %mul3A_560 = arith.mulf %add3A_556, %mul3A_559 : vector<16xf32>
      %swap3A_561 = arith.index_cast %scan3A_435 : i32 to index
      %swap3A_562 = arith.constant 96 : index
      %swap3A_563 = tpu.vector_load %arg18[%swap3A_561, %swap3A_562] {strides = array<i32>} : memref<80x128xf32, #tpu.memory_space<vmem>>, vector<1x16xf32>,
      %swap3A_564 = vector.shape_cast %swap3A_563 : vector<1x16xf32> to vector<16xf32>
      %swap3A_565 = vector.shape_cast %mul3A_560 : vector<16xf32> to vector<1x16xf32>
      tpu.vector_store %arg18[%swap3A_561, %swap3A_562], %swap3A_565 {strides = array<i32>} : memref<80x128xf32, #tpu.memory_space<vmem>>, vector<1x16xf32>,
      %get3A_566 = arith.index_cast %scan3A_435 : i32 to index
      %get3A_567 = arith.constant 112 : index
      %get3A_568 = tpu.vector_load %arg18[%get3A_566, %get3A_567] {strides = array<i32>} : memref<80x128xf32, #tpu.memory_space<vmem>>, vector<1x16xf32>,
      %get3A_569 = vector.shape_cast %get3A_568 : vector<1x16xf32> to vector<16xf32>
      %get3A_570 = arith.index_cast %scan3A_435 : i32 to index
      %get3A_571 = arith.constant 112 : index
      %get3A_572 = tpu.vector_load %arg20[%get3A_570, %get3A_571] {strides = array<i32>} : memref<80x128xf32, #tpu.memory_space<vmem>>, vector<1x16xf32>,
      %get3A_573 = vector.shape_cast %get3A_572 : vector<1x16xf32> to vector<16xf32>
      %add3A_574 = arith.addf %get3A_569, %get3A_573 : vector<16xf32>
      %slice3A_575 = vector.extract_strided_slice %get3A_441 {offsets = [7], sizes = [1], strides = [1]} : vector<16xf32> to vector<1xf32>
      %squeeze3A_576 = vector.extract %slice3A_575[0] : f32 from vector<1xf32>
      %mul3A_577 = vector.broadcast %squeeze3A_576 : f32 to vector<16xf32>
      %mul3A_578 = arith.mulf %add3A_574, %mul3A_577 : vector<16xf32>
      %swap3A_579 = arith.index_cast %scan3A_435 : i32 to index
      %swap3A_580 = arith.constant 112 : index
      %swap3A_581 = tpu.vector_load %arg18[%swap3A_579, %swap3A_580] {strides = array<i32>} : memref<80x128xf32, #tpu.memory_space<vmem>>, vector<1x16xf32>,
      %swap3A_582 = vector.shape_cast %swap3A_581 : vector<1x16xf32> to vector<16xf32>
      %swap3A_583 = vector.shape_cast %mul3A_578 : vector<16xf32> to vector<1x16xf32>
      tpu.vector_store %arg18[%swap3A_579, %swap3A_580], %swap3A_583 {strides = array<i32>} : memref<80x128xf32, #tpu.memory_space<vmem>>, vector<1x16xf32>,
      %scan3A_584 = arith.constant 0 : i32
      scf.yield %scan3A_584 : i32
    }
    %scan3A_189 = arith.constant 80 : i32
    %dma_start3A_190 = arith.constant 0 : i32
    %dma_start3A_191 = arith.constant 0 : i32
    %dma_start3A_192 = tpu.memref_slice %arg9[%dma_start3A_190, %dma_start3A_191] : memref<10240x128xf32, #tpu.memory_space<vmem_shared>> -> memref<10240x128xf32, #tpu.memory_space<vmem_shared>>
    tpu.enqueue_indirect_dma source(%arg18 : memref<80x128xf32, #tpu.memory_space<vmem>>) target(%dma_start3A_192 : memref<10240x128xf32, #tpu.memory_space<vmem_shared>>) offsets(%arg16 : memref<80xi32, #tpu.memory_space<vmem>>) semaphore(%arg26 : memref<!tpu.dma_semaphore, #tpu.memory_space<semaphore_mem>>) {add = true}
    %dma_wait3A_193 = arith.constant 0 : i32
    %dma_wait3A_194 = arith.constant 0 : i32
    %dma_wait3A_195 = tpu.memref_slice %arg9[%dma_wait3A_193, %dma_wait3A_194] : memref<10240x128xf32, #tpu.memory_space<vmem_shared>> -> memref<10240x128xf32, #tpu.memory_space<vmem_shared>>
    tpu.wait_indirect_dma semaphore(%arg26 : memref<!tpu.dma_semaphore, #tpu.memory_space<semaphore_mem>>) src(%arg18 : memref<80x128xf32, #tpu.memory_space<vmem>>) dst(%dma_wait3A_195 : memref<10240x128xf32, #tpu.memory_space<vmem_shared>>)
    %barrier3A_196 = arith.constant 0 : index
    tpu.barrier barrier_id(%barrier3A_196)
    %mul3A_197 = arith.constant 640 : i32
    %mul3A_198 = arith.muli %arg1, %mul3A_197 : i32
    %add3A_199 = arith.constant 0 : i32
    %add3A_200 = arith.addi %mul3A_198, %add3A_199 : i32
    "tpu.region"() ({
      %run_scoped3A = tpu.sem_alloc : memref<!tpu.dma_semaphore, #tpu.memory_space<semaphore_mem>>
      %dma_start3A_435 = arith.constant 0 : i32
      %dma_start3A_436 = tpu.memref_slice %arg7[%arg0, %add3A_200, %dma_start3A_435] : memref<2x10240x128xf32, #tpu.memory_space<hbm>> -> memref<1x128x128xf32, #tpu.memory_space<hbm>>
      %dma_start3A_437 = tpu.memref_squeeze %dma_start3A_436 : memref<1x128x128xf32, #tpu.memory_space<hbm>> -> memref<128x128xf32, #tpu.memory_space<hbm>>
      %dma_start3A_438 = arith.constant 0 : i32
      %dma_start3A_439 = tpu.memref_slice %arg9[%add3A_200, %dma_start3A_438] : memref<10240x128xf32, #tpu.memory_space<vmem_shared>> -> memref<128x128xf32, #tpu.memory_space<vmem_shared>>
      tpu.enqueue_dma source(%dma_start3A_439 : memref<128x128xf32, #tpu.memory_space<vmem_shared>>) target(%dma_start3A_437 : memref<128x128xf32, #tpu.memory_space<hbm>>) target_semaphore(%run_scoped3A : memref<!tpu.dma_semaphore, #tpu.memory_space<semaphore_mem>>)
      %dma_wait3A_440 = arith.constant 0 : i32
      %dma_wait3A_441 = tpu.memref_slice %arg7[%arg0, %add3A_200, %dma_wait3A_440] : memref<2x10240x128xf32, #tpu.memory_space<hbm>> -> memref<1x128x128xf32, #tpu.memory_space<hbm>>
      %dma_wait3A_442 = tpu.memref_squeeze %dma_wait3A_441 : memref<1x128x128xf32, #tpu.memory_space<hbm>> -> memref<128x128xf32, #tpu.memory_space<hbm>>
      %dma_wait3A_443 = arith.constant 0 : i32
      %dma_wait3A_444 = tpu.memref_slice %arg9[%add3A_200, %dma_wait3A_443] : memref<10240x128xf32, #tpu.memory_space<vmem_shared>> -> memref<128x128xf32, #tpu.memory_space<vmem_shared>>
      tpu.wait_dma2 semaphore(%run_scoped3A : memref<!tpu.dma_semaphore, #tpu.memory_space<semaphore_mem>>) src(%dma_wait3A_444 : memref<128x128xf32, #tpu.memory_space<vmem_shared>>) dst(%dma_wait3A_442 : memref<128x128xf32, #tpu.memory_space<hbm>>)
      tpu.yield
    }) : () -> ()
    %mul3A_201 = arith.constant 640 : i32
    %mul3A_202 = arith.muli %arg1, %mul3A_201 : i32
    %add3A_203 = arith.constant 128 : i32
    %add3A_204 = arith.addi %mul3A_202, %add3A_203 : i32
    "tpu.region"() ({
      %run_scoped3A = tpu.sem_alloc : memref<!tpu.dma_semaphore, #tpu.memory_space<semaphore_mem>>
      %dma_start3A_435 = arith.constant 0 : i32
      %dma_start3A_436 = tpu.memref_slice %arg7[%arg0, %add3A_204, %dma_start3A_435] : memref<2x10240x128xf32, #tpu.memory_space<hbm>> -> memref<1x128x128xf32, #tpu.memory_space<hbm>>
      %dma_start3A_437 = tpu.memref_squeeze %dma_start3A_436 : memref<1x128x128xf32, #tpu.memory_space<hbm>> -> memref<128x128xf32, #tpu.memory_space<hbm>>
      %dma_start3A_438 = arith.constant 0 : i32
      %dma_start3A_439 = tpu.memref_slice %arg9[%add3A_204, %dma_start3A_438] : memref<10240x128xf32, #tpu.memory_space<vmem_shared>> -> memref<128x128xf32, #tpu.memory_space<vmem_shared>>
      tpu.enqueue_dma source(%dma_start3A_439 : memref<128x128xf32, #tpu.memory_space<vmem_shared>>) target(%dma_start3A_437 : memref<128x128xf32, #tpu.memory_space<hbm>>) target_semaphore(%run_scoped3A : memref<!tpu.dma_semaphore, #tpu.memory_space<semaphore_mem>>)
      %dma_wait3A_440 = arith.constant 0 : i32
      %dma_wait3A_441 = tpu.memref_slice %arg7[%arg0, %add3A_204, %dma_wait3A_440] : memref<2x10240x128xf32, #tpu.memory_space<hbm>> -> memref<1x128x128xf32, #tpu.memory_space<hbm>>
      %dma_wait3A_442 = tpu.memref_squeeze %dma_wait3A_441 : memref<1x128x128xf32, #tpu.memory_space<hbm>> -> memref<128x128xf32, #tpu.memory_space<hbm>>
      %dma_wait3A_443 = arith.constant 0 : i32
      %dma_wait3A_444 = tpu.memref_slice %arg9[%add3A_204, %dma_wait3A_443] : memref<10240x128xf32, #tpu.memory_space<vmem_shared>> -> memref<128x128xf32, #tpu.memory_space<vmem_shared>>
      tpu.wait_dma2 semaphore(%run_scoped3A : memref<!tpu.dma_semaphore, #tpu.memory_space<semaphore_mem>>) src(%dma_wait3A_444 : memref<128x128xf32, #tpu.memory_space<vmem_shared>>) dst(%dma_wait3A_442 : memref<128x128xf32, #tpu.memory_space<hbm>>)
      tpu.yield
    }) : () -> ()
    %mul3A_205 = arith.constant 640 : i32
    %mul3A_206 = arith.muli %arg1, %mul3A_205 : i32
    %add3A_207 = arith.constant 256 : i32
    %add3A_208 = arith.addi %mul3A_206, %add3A_207 : i32
    "tpu.region"() ({
      %run_scoped3A = tpu.sem_alloc : memref<!tpu.dma_semaphore, #tpu.memory_space<semaphore_mem>>
      %dma_start3A_435 = arith.constant 0 : i32
      %dma_start3A_436 = tpu.memref_slice %arg7[%arg0, %add3A_208, %dma_start3A_435] : memref<2x10240x128xf32, #tpu.memory_space<hbm>> -> memref<1x128x128xf32, #tpu.memory_space<hbm>>
      %dma_start3A_437 = tpu.memref_squeeze %dma_start3A_436 : memref<1x128x128xf32, #tpu.memory_space<hbm>> -> memref<128x128xf32, #tpu.memory_space<hbm>>
      %dma_start3A_438 = arith.constant 0 : i32
      %dma_start3A_439 = tpu.memref_slice %arg9[%add3A_208, %dma_start3A_438] : memref<10240x128xf32, #tpu.memory_space<vmem_shared>> -> memref<128x128xf32, #tpu.memory_space<vmem_shared>>
      tpu.enqueue_dma source(%dma_start3A_439 : memref<128x128xf32, #tpu.memory_space<vmem_shared>>) target(%dma_start3A_437 : memref<128x128xf32, #tpu.memory_space<hbm>>) target_semaphore(%run_scoped3A : memref<!tpu.dma_semaphore, #tpu.memory_space<semaphore_mem>>)
      %dma_wait3A_440 = arith.constant 0 : i32
      %dma_wait3A_441 = tpu.memref_slice %arg7[%arg0, %add3A_208, %dma_wait3A_440] : memref<2x10240x128xf32, #tpu.memory_space<hbm>> -> memref<1x128x128xf32, #tpu.memory_space<hbm>>
      %dma_wait3A_442 = tpu.memref_squeeze %dma_wait3A_441 : memref<1x128x128xf32, #tpu.memory_space<hbm>> -> memref<128x128xf32, #tpu.memory_space<hbm>>
      %dma_wait3A_443 = arith.constant 0 : i32
      %dma_wait3A_444 = tpu.memref_slice %arg9[%add3A_208, %dma_wait3A_443] : memref<10240x128xf32, #tpu.memory_space<vmem_shared>> -> memref<128x128xf32, #tpu.memory_space<vmem_shared>>
      tpu.wait_dma2 semaphore(%run_scoped3A : memref<!tpu.dma_semaphore, #tpu.memory_space<semaphore_mem>>) src(%dma_wait3A_444 : memref<128x128xf32, #tpu.memory_space<vmem_shared>>) dst(%dma_wait3A_442 : memref<128x128xf32, #tpu.memory_space<hbm>>)
      tpu.yield
    }) : () -> ()
    %mul3A_209 = arith.constant 640 : i32
    %mul3A_210 = arith.muli %arg1, %mul3A_209 : i32
    %add3A_211 = arith.constant 384 : i32
    %add3A_212 = arith.addi %mul3A_210, %add3A_211 : i32
    "tpu.region"() ({
      %run_scoped3A = tpu.sem_alloc : memref<!tpu.dma_semaphore, #tpu.memory_space<semaphore_mem>>
      %dma_start3A_435 = arith.constant 0 : i32
      %dma_start3A_436 = tpu.memref_slice %arg7[%arg0, %add3A_212, %dma_start3A_435] : memref<2x10240x128xf32, #tpu.memory_space<hbm>> -> memref<1x128x128xf32, #tpu.memory_space<hbm>>
      %dma_start3A_437 = tpu.memref_squeeze %dma_start3A_436 : memref<1x128x128xf32, #tpu.memory_space<hbm>> -> memref<128x128xf32, #tpu.memory_space<hbm>>
      %dma_start3A_438 = arith.constant 0 : i32
      %dma_start3A_439 = tpu.memref_slice %arg9[%add3A_212, %dma_start3A_438] : memref<10240x128xf32, #tpu.memory_space<vmem_shared>> -> memref<128x128xf32, #tpu.memory_space<vmem_shared>>
      tpu.enqueue_dma source(%dma_start3A_439 : memref<128x128xf32, #tpu.memory_space<vmem_shared>>) target(%dma_start3A_437 : memref<128x128xf32, #tpu.memory_space<hbm>>) target_semaphore(%run_scoped3A : memref<!tpu.dma_semaphore, #tpu.memory_space<semaphore_mem>>)
      %dma_wait3A_440 = arith.constant 0 : i32
      %dma_wait3A_441 = tpu.memref_slice %arg7[%arg0, %add3A_212, %dma_wait3A_440] : memref<2x10240x128xf32, #tpu.memory_space<hbm>> -> memref<1x128x128xf32, #tpu.memory_space<hbm>>
      %dma_wait3A_442 = tpu.memref_squeeze %dma_wait3A_441 : memref<1x128x128xf32, #tpu.memory_space<hbm>> -> memref<128x128xf32, #tpu.memory_space<hbm>>
      %dma_wait3A_443 = arith.constant 0 : i32
      %dma_wait3A_444 = tpu.memref_slice %arg9[%add3A_212, %dma_wait3A_443] : memref<10240x128xf32, #tpu.memory_space<vmem_shared>> -> memref<128x128xf32, #tpu.memory_space<vmem_shared>>
      tpu.wait_dma2 semaphore(%run_scoped3A : memref<!tpu.dma_semaphore, #tpu.memory_space<semaphore_mem>>) src(%dma_wait3A_444 : memref<128x128xf32, #tpu.memory_space<vmem_shared>>) dst(%dma_wait3A_442 : memref<128x128xf32, #tpu.memory_space<hbm>>)
      tpu.yield
    }) : () -> ()
    %mul3A_213 = arith.constant 640 : i32
    %mul3A_214 = arith.muli %arg1, %mul3A_213 : i32
    %add3A_215 = arith.constant 512 : i32
    %add3A_216 = arith.addi %mul3A_214, %add3A_215 : i32
    "tpu.region"() ({
      %run_scoped3A = tpu.sem_alloc : memref<!tpu.dma_semaphore, #tpu.memory_space<semaphore_mem>>
      %dma_start3A_435 = arith.constant 0 : i32
      %dma_start3A_436 = tpu.memref_slice %arg7[%arg0, %add3A_216, %dma_start3A_435] : memref<2x10240x128xf32, #tpu.memory_space<hbm>> -> memref<1x128x128xf32, #tpu.memory_space<hbm>>
      %dma_start3A_437 = tpu.memref_squeeze %dma_start3A_436 : memref<1x128x128xf32, #tpu.memory_space<hbm>> -> memref<128x128xf32, #tpu.memory_space<hbm>>
      %dma_start3A_438 = arith.constant 0 : i32
      %dma_start3A_439 = tpu.memref_slice %arg9[%add3A_216, %dma_start3A_438] : memref<10240x128xf32, #tpu.memory_space<vmem_shared>> -> memref<128x128xf32, #tpu.memory_space<vmem_shared>>
      tpu.enqueue_dma source(%dma_start3A_439 : memref<128x128xf32, #tpu.memory_space<vmem_shared>>) target(%dma_start3A_437 : memref<128x128xf32, #tpu.memory_space<hbm>>) target_semaphore(%run_scoped3A : memref<!tpu.dma_semaphore, #tpu.memory_space<semaphore_mem>>)
      %dma_wait3A_440 = arith.constant 0 : i32
      %dma_wait3A_441 = tpu.memref_slice %arg7[%arg0, %add3A_216, %dma_wait3A_440] : memref<2x10240x128xf32, #tpu.memory_space<hbm>> -> memref<1x128x128xf32, #tpu.memory_space<hbm>>
      %dma_wait3A_442 = tpu.memref_squeeze %dma_wait3A_441 : memref<1x128x128xf32, #tpu.memory_space<hbm>> -> memref<128x128xf32, #tpu.memory_space<hbm>>
      %dma_wait3A_443 = arith.constant 0 : i32
      %dma_wait3A_444 = tpu.memref_slice %arg9[%add3A_216, %dma_wait3A_443] : memref<10240x128xf32, #tpu.memory_space<vmem_shared>> -> memref<128x128xf32, #tpu.memory_space<vmem_shared>>
      tpu.wait_dma2 semaphore(%run_scoped3A : memref<!tpu.dma_semaphore, #tpu.memory_space<semaphore_mem>>) src(%dma_wait3A_444 : memref<128x128xf32, #tpu.memory_space<vmem_shared>>) dst(%dma_wait3A_442 : memref<128x128xf32, #tpu.memory_space<hbm>>)
      tpu.yield
    }) : () -> ()
    %barrier3A_217 = arith.constant 0 : index
    tpu.barrier barrier_id(%barrier3A_217)
    %broadcast_in_dim3A_218 = arith.constant 0.000000e+00 : f32
    %broadcast_in_dim3A_219 = vector.broadcast %broadcast_in_dim3A_218 : f32 to vector<16xf32>
    %scan3A_220 = arith.constant 0 : i32
    %scan3A_221 = arith.constant 0 : i32
    %scan3A_222 = arith.constant 80 : i32
    %scan3A_223 = arith.addi %scan3A_221, %scan3A_222 : i32
    %scan3A_224 = arith.constant 1 : i32
    %scan3A_225 = scf.for %scan3A_435 = %scan3A_221 to %scan3A_223 step %scan3A_224 iter_args(%scan3A_436 = %scan3A_220) -> (i32)  : i32 {
      %swap3A_437 = arith.index_cast %scan3A_435 : i32 to index
      %swap3A_438 = arith.constant 0 : index
      %swap3A_439 = tpu.vector_load %arg20[%swap3A_437, %swap3A_438] {strides = array<i32>} : memref<80x128xf32, #tpu.memory_space<vmem>>, vector<1x16xf32>,
      %swap3A_440 = vector.shape_cast %swap3A_439 : vector<1x16xf32> to vector<16xf32>
      %swap3A_441 = vector.shape_cast %broadcast_in_dim3A_219 : vector<16xf32> to vector<1x16xf32>
      tpu.vector_store %arg20[%swap3A_437, %swap3A_438], %swap3A_441 {strides = array<i32>} : memref<80x128xf32, #tpu.memory_space<vmem>>, vector<1x16xf32>,
      %swap3A_442 = arith.index_cast %scan3A_435 : i32 to index
      %swap3A_443 = arith.constant 16 : index
      %swap3A_444 = tpu.vector_load %arg20[%swap3A_442, %swap3A_443] {strides = array<i32>} : memref<80x128xf32, #tpu.memory_space<vmem>>, vector<1x16xf32>,
      %swap3A_445 = vector.shape_cast %swap3A_444 : vector<1x16xf32> to vector<16xf32>
      %swap3A_446 = vector.shape_cast %broadcast_in_dim3A_219 : vector<16xf32> to vector<1x16xf32>
      tpu.vector_store %arg20[%swap3A_442, %swap3A_443], %swap3A_446 {strides = array<i32>} : memref<80x128xf32, #tpu.memory_space<vmem>>, vector<1x16xf32>,
      %swap3A_447 = arith.index_cast %scan3A_435 : i32 to index
      %swap3A_448 = arith.constant 32 : index
      %swap3A_449 = tpu.vector_load %arg20[%swap3A_447, %swap3A_448] {strides = array<i32>} : memref<80x128xf32, #tpu.memory_space<vmem>>, vector<1x16xf32>,
      %swap3A_450 = vector.shape_cast %swap3A_449 : vector<1x16xf32> to vector<16xf32>
      %swap3A_451 = vector.shape_cast %broadcast_in_dim3A_219 : vector<16xf32> to vector<1x16xf32>
      tpu.vector_store %arg20[%swap3A_447, %swap3A_448], %swap3A_451 {strides = array<i32>} : memref<80x128xf32, #tpu.memory_space<vmem>>, vector<1x16xf32>,
      %swap3A_452 = arith.index_cast %scan3A_435 : i32 to index
      %swap3A_453 = arith.constant 48 : index
      %swap3A_454 = tpu.vector_load %arg20[%swap3A_452, %swap3A_453] {strides = array<i32>} : memref<80x128xf32, #tpu.memory_space<vmem>>, vector<1x16xf32>,
      %swap3A_455 = vector.shape_cast %swap3A_454 : vector<1x16xf32> to vector<16xf32>
      %swap3A_456 = vector.shape_cast %broadcast_in_dim3A_219 : vector<16xf32> to vector<1x16xf32>
      tpu.vector_store %arg20[%swap3A_452, %swap3A_453], %swap3A_456 {strides = array<i32>} : memref<80x128xf32, #tpu.memory_space<vmem>>, vector<1x16xf32>,
      %swap3A_457 = arith.index_cast %scan3A_435 : i32 to index
      %swap3A_458 = arith.constant 64 : index
      %swap3A_459 = tpu.vector_load %arg20[%swap3A_457, %swap3A_458] {strides = array<i32>} : memref<80x128xf32, #tpu.memory_space<vmem>>, vector<1x16xf32>,
      %swap3A_460 = vector.shape_cast %swap3A_459 : vector<1x16xf32> to vector<16xf32>
      %swap3A_461 = vector.shape_cast %broadcast_in_dim3A_219 : vector<16xf32> to vector<1x16xf32>
      tpu.vector_store %arg20[%swap3A_457, %swap3A_458], %swap3A_461 {strides = array<i32>} : memref<80x128xf32, #tpu.memory_space<vmem>>, vector<1x16xf32>,
      %swap3A_462 = arith.index_cast %scan3A_435 : i32 to index
      %swap3A_463 = arith.constant 80 : index
      %swap3A_464 = tpu.vector_load %arg20[%swap3A_462, %swap3A_463] {strides = array<i32>} : memref<80x128xf32, #tpu.memory_space<vmem>>, vector<1x16xf32>,
      %swap3A_465 = vector.shape_cast %swap3A_464 : vector<1x16xf32> to vector<16xf32>
      %swap3A_466 = vector.shape_cast %broadcast_in_dim3A_219 : vector<16xf32> to vector<1x16xf32>
      tpu.vector_store %arg20[%swap3A_462, %swap3A_463], %swap3A_466 {strides = array<i32>} : memref<80x128xf32, #tpu.memory_space<vmem>>, vector<1x16xf32>,
      %swap3A_467 = arith.index_cast %scan3A_435 : i32 to index
      %swap3A_468 = arith.constant 96 : index
      %swap3A_469 = tpu.vector_load %arg20[%swap3A_467, %swap3A_468] {strides = array<i32>} : memref<80x128xf32, #tpu.memory_space<vmem>>, vector<1x16xf32>,
      %swap3A_470 = vector.shape_cast %swap3A_469 : vector<1x16xf32> to vector<16xf32>
      %swap3A_471 = vector.shape_cast %broadcast_in_dim3A_219 : vector<16xf32> to vector<1x16xf32>
      tpu.vector_store %arg20[%swap3A_467, %swap3A_468], %swap3A_471 {strides = array<i32>} : memref<80x128xf32, #tpu.memory_space<vmem>>, vector<1x16xf32>,
      %swap3A_472 = arith.index_cast %scan3A_435 : i32 to index
      %swap3A_473 = arith.constant 112 : index
      %swap3A_474 = tpu.vector_load %arg20[%swap3A_472, %swap3A_473] {strides = array<i32>} : memref<80x128xf32, #tpu.memory_space<vmem>>, vector<1x16xf32>,
      %swap3A_475 = vector.shape_cast %swap3A_474 : vector<1x16xf32> to vector<16xf32>
      %swap3A_476 = vector.shape_cast %broadcast_in_dim3A_219 : vector<16xf32> to vector<1x16xf32>
      tpu.vector_store %arg20[%swap3A_472, %swap3A_473], %swap3A_476 {strides = array<i32>} : memref<80x128xf32, #tpu.memory_space<vmem>>, vector<1x16xf32>,
      %scan3A_477 = arith.constant 0 : i32
      scf.yield %scan3A_477 : i32
    }
    %scan3A_226 = arith.constant 80 : i32
    %mul3A_227 = arith.constant 640 : i32
    %mul3A_228 = arith.muli %arg1, %mul3A_227 : i32
    %add3A_229 = arith.constant 0 : i32
    %add3A_230 = arith.addi %mul3A_228, %add3A_229 : i32
    "tpu.region"() ({
      %run_scoped3A = tpu.sem_alloc : memref<!tpu.dma_semaphore, #tpu.memory_space<semaphore_mem>>
      %dma_start3A_435 = arith.constant 0 : i32
      %dma_start3A_436 = tpu.memref_slice %arg9[%add3A_230, %dma_start3A_435] : memref<10240x128xf32, #tpu.memory_space<vmem_shared>> -> memref<80x128xf32, #tpu.memory_space<vmem_shared>>
      %dma_start3A_437 = arith.constant 0 : i32
      %dma_start3A_438 = tpu.memref_slice %arg9[%add3A_230, %dma_start3A_437] : memref<10240x128xf32, #tpu.memory_space<vmem_shared>> -> memref<80x128xf32, #tpu.memory_space<vmem_shared>>
      tpu.enqueue_dma source(%arg20 : memref<80x128xf32, #tpu.memory_space<vmem>>) target(%dma_start3A_438 : memref<80x128xf32, #tpu.memory_space<vmem_shared>>) target_semaphore(%run_scoped3A : memref<!tpu.dma_semaphore, #tpu.memory_space<semaphore_mem>>)
      %dma_wait3A_439 = arith.constant 0 : i32
      %dma_wait3A_440 = tpu.memref_slice %arg9[%add3A_230, %dma_wait3A_439] : memref<10240x128xf32, #tpu.memory_space<vmem_shared>> -> memref<80x128xf32, #tpu.memory_space<vmem_shared>>
      %dma_wait3A_441 = arith.constant 0 : i32
      %dma_wait3A_442 = tpu.memref_slice %arg9[%add3A_230, %dma_wait3A_441] : memref<10240x128xf32, #tpu.memory_space<vmem_shared>> -> memref<80x128xf32, #tpu.memory_space<vmem_shared>>
      tpu.wait_dma2 semaphore(%run_scoped3A : memref<!tpu.dma_semaphore, #tpu.memory_space<semaphore_mem>>) src(%arg20 : memref<80x128xf32, #tpu.memory_space<vmem>>) dst(%dma_wait3A_442 : memref<80x128xf32, #tpu.memory_space<vmem_shared>>)
      tpu.yield
    }) : () -> ()
    %mul3A_231 = arith.constant 640 : i32
    %mul3A_232 = arith.muli %arg1, %mul3A_231 : i32
    %add3A_233 = arith.constant 80 : i32
    %add3A_234 = arith.addi %mul3A_232, %add3A_233 : i32
    "tpu.region"() ({
      %run_scoped3A = tpu.sem_alloc : memref<!tpu.dma_semaphore, #tpu.memory_space<semaphore_mem>>
      %dma_start3A_435 = arith.constant 0 : i32
      %dma_start3A_436 = tpu.memref_slice %arg9[%add3A_234, %dma_start3A_435] : memref<10240x128xf32, #tpu.memory_space<vmem_shared>> -> memref<80x128xf32, #tpu.memory_space<vmem_shared>>
      %dma_start3A_437 = arith.constant 0 : i32
      %dma_start3A_438 = tpu.memref_slice %arg9[%add3A_234, %dma_start3A_437] : memref<10240x128xf32, #tpu.memory_space<vmem_shared>> -> memref<80x128xf32, #tpu.memory_space<vmem_shared>>
      tpu.enqueue_dma source(%arg20 : memref<80x128xf32, #tpu.memory_space<vmem>>) target(%dma_start3A_438 : memref<80x128xf32, #tpu.memory_space<vmem_shared>>) target_semaphore(%run_scoped3A : memref<!tpu.dma_semaphore, #tpu.memory_space<semaphore_mem>>)
      %dma_wait3A_439 = arith.constant 0 : i32
      %dma_wait3A_440 = tpu.memref_slice %arg9[%add3A_234, %dma_wait3A_439] : memref<10240x128xf32, #tpu.memory_space<vmem_shared>> -> memref<80x128xf32, #tpu.memory_space<vmem_shared>>
      %dma_wait3A_441 = arith.constant 0 : i32
      %dma_wait3A_442 = tpu.memref_slice %arg9[%add3A_234, %dma_wait3A_441] : memref<10240x128xf32, #tpu.memory_space<vmem_shared>> -> memref<80x128xf32, #tpu.memory_space<vmem_shared>>
      tpu.wait_dma2 semaphore(%run_scoped3A : memref<!tpu.dma_semaphore, #tpu.memory_space<semaphore_mem>>) src(%arg20 : memref<80x128xf32, #tpu.memory_space<vmem>>) dst(%dma_wait3A_442 : memref<80x128xf32, #tpu.memory_space<vmem_shared>>)
      tpu.yield
    }) : () -> ()
    %mul3A_235 = arith.constant 640 : i32
    %mul3A_236 = arith.muli %arg1, %mul3A_235 : i32
    %add3A_237 = arith.constant 160 : i32
    %add3A_238 = arith.addi %mul3A_236, %add3A_237 : i32
    "tpu.region"() ({
      %run_scoped3A = tpu.sem_alloc : memref<!tpu.dma_semaphore, #tpu.memory_space<semaphore_mem>>
      %dma_start3A_435 = arith.constant 0 : i32
      %dma_start3A_436 = tpu.memref_slice %arg9[%add3A_238, %dma_start3A_435] : memref<10240x128xf32, #tpu.memory_space<vmem_shared>> -> memref<80x128xf32, #tpu.memory_space<vmem_shared>>
      %dma_start3A_437 = arith.constant 0 : i32
      %dma_start3A_438 = tpu.memref_slice %arg9[%add3A_238, %dma_start3A_437] : memref<10240x128xf32, #tpu.memory_space<vmem_shared>> -> memref<80x128xf32, #tpu.memory_space<vmem_shared>>
      tpu.enqueue_dma source(%arg20 : memref<80x128xf32, #tpu.memory_space<vmem>>) target(%dma_start3A_438 : memref<80x128xf32, #tpu.memory_space<vmem_shared>>) target_semaphore(%run_scoped3A : memref<!tpu.dma_semaphore, #tpu.memory_space<semaphore_mem>>)
      %dma_wait3A_439 = arith.constant 0 : i32
      %dma_wait3A_440 = tpu.memref_slice %arg9[%add3A_238, %dma_wait3A_439] : memref<10240x128xf32, #tpu.memory_space<vmem_shared>> -> memref<80x128xf32, #tpu.memory_space<vmem_shared>>
      %dma_wait3A_441 = arith.constant 0 : i32
      %dma_wait3A_442 = tpu.memref_slice %arg9[%add3A_238, %dma_wait3A_441] : memref<10240x128xf32, #tpu.memory_space<vmem_shared>> -> memref<80x128xf32, #tpu.memory_space<vmem_shared>>
      tpu.wait_dma2 semaphore(%run_scoped3A : memref<!tpu.dma_semaphore, #tpu.memory_space<semaphore_mem>>) src(%arg20 : memref<80x128xf32, #tpu.memory_space<vmem>>) dst(%dma_wait3A_442 : memref<80x128xf32, #tpu.memory_space<vmem_shared>>)
      tpu.yield
    }) : () -> ()
    %mul3A_239 = arith.constant 640 : i32
    %mul3A_240 = arith.muli %arg1, %mul3A_239 : i32
    %add3A_241 = arith.constant 240 : i32
    %add3A_242 = arith.addi %mul3A_240, %add3A_241 : i32
    "tpu.region"() ({
      %run_scoped3A = tpu.sem_alloc : memref<!tpu.dma_semaphore, #tpu.memory_space<semaphore_mem>>
      %dma_start3A_435 = arith.constant 0 : i32
      %dma_start3A_436 = tpu.memref_slice %arg9[%add3A_242, %dma_start3A_435] : memref<10240x128xf32, #tpu.memory_space<vmem_shared>> -> memref<80x128xf32, #tpu.memory_space<vmem_shared>>
      %dma_start3A_437 = arith.constant 0 : i32
      %dma_start3A_438 = tpu.memref_slice %arg9[%add3A_242, %dma_start3A_437] : memref<10240x128xf32, #tpu.memory_space<vmem_shared>> -> memref<80x128xf32, #tpu.memory_space<vmem_shared>>
      tpu.enqueue_dma source(%arg20 : memref<80x128xf32, #tpu.memory_space<vmem>>) target(%dma_start3A_438 : memref<80x128xf32, #tpu.memory_space<vmem_shared>>) target_semaphore(%run_scoped3A : memref<!tpu.dma_semaphore, #tpu.memory_space<semaphore_mem>>)
      %dma_wait3A_439 = arith.constant 0 : i32
      %dma_wait3A_440 = tpu.memref_slice %arg9[%add3A_242, %dma_wait3A_439] : memref<10240x128xf32, #tpu.memory_space<vmem_shared>> -> memref<80x128xf32, #tpu.memory_space<vmem_shared>>
      %dma_wait3A_441 = arith.constant 0 : i32
      %dma_wait3A_442 = tpu.memref_slice %arg9[%add3A_242, %dma_wait3A_441] : memref<10240x128xf32, #tpu.memory_space<vmem_shared>> -> memref<80x128xf32, #tpu.memory_space<vmem_shared>>
      tpu.wait_dma2 semaphore(%run_scoped3A : memref<!tpu.dma_semaphore, #tpu.memory_space<semaphore_mem>>) src(%arg20 : memref<80x128xf32, #tpu.memory_space<vmem>>) dst(%dma_wait3A_442 : memref<80x128xf32, #tpu.memory_space<vmem_shared>>)
      tpu.yield
    }) : () -> ()
    %mul3A_243 = arith.constant 640 : i32
    %mul3A_244 = arith.muli %arg1, %mul3A_243 : i32
    %add3A_245 = arith.constant 320 : i32
    %add3A_246 = arith.addi %mul3A_244, %add3A_245 : i32
    "tpu.region"() ({
      %run_scoped3A = tpu.sem_alloc : memref<!tpu.dma_semaphore, #tpu.memory_space<semaphore_mem>>
      %dma_start3A_435 = arith.constant 0 : i32
      %dma_start3A_436 = tpu.memref_slice %arg9[%add3A_246, %dma_start3A_435] : memref<10240x128xf32, #tpu.memory_space<vmem_shared>> -> memref<80x128xf32, #tpu.memory_space<vmem_shared>>
      %dma_start3A_437 = arith.constant 0 : i32
      %dma_start3A_438 = tpu.memref_slice %arg9[%add3A_246, %dma_start3A_437] : memref<10240x128xf32, #tpu.memory_space<vmem_shared>> -> memref<80x128xf32, #tpu.memory_space<vmem_shared>>
      tpu.enqueue_dma source(%arg20 : memref<80x128xf32, #tpu.memory_space<vmem>>) target(%dma_start3A_438 : memref<80x128xf32, #tpu.memory_space<vmem_shared>>) target_semaphore(%run_scoped3A : memref<!tpu.dma_semaphore, #tpu.memory_space<semaphore_mem>>)
      %dma_wait3A_439 = arith.constant 0 : i32
      %dma_wait3A_440 = tpu.memref_slice %arg9[%add3A_246, %dma_wait3A_439] : memref<10240x128xf32, #tpu.memory_space<vmem_shared>> -> memref<80x128xf32, #tpu.memory_space<vmem_shared>>
      %dma_wait3A_441 = arith.constant 0 : i32
      %dma_wait3A_442 = tpu.memref_slice %arg9[%add3A_246, %dma_wait3A_441] : memref<10240x128xf32, #tpu.memory_space<vmem_shared>> -> memref<80x128xf32, #tpu.memory_space<vmem_shared>>
      tpu.wait_dma2 semaphore(%run_scoped3A : memref<!tpu.dma_semaphore, #tpu.memory_space<semaphore_mem>>) src(%arg20 : memref<80x128xf32, #tpu.memory_space<vmem>>) dst(%dma_wait3A_442 : memref<80x128xf32, #tpu.memory_space<vmem_shared>>)
      tpu.yield
    }) : () -> ()
    %mul3A_247 = arith.constant 640 : i32
    %mul3A_248 = arith.muli %arg1, %mul3A_247 : i32
    %add3A_249 = arith.constant 400 : i32
    %add3A_250 = arith.addi %mul3A_248, %add3A_249 : i32
    "tpu.region"() ({
      %run_scoped3A = tpu.sem_alloc : memref<!tpu.dma_semaphore, #tpu.memory_space<semaphore_mem>>
      %dma_start3A_435 = arith.constant 0 : i32
      %dma_start3A_436 = tpu.memref_slice %arg9[%add3A_250, %dma_start3A_435] : memref<10240x128xf32, #tpu.memory_space<vmem_shared>> -> memref<80x128xf32, #tpu.memory_space<vmem_shared>>
      %dma_start3A_437 = arith.constant 0 : i32
      %dma_start3A_438 = tpu.memref_slice %arg9[%add3A_250, %dma_start3A_437] : memref<10240x128xf32, #tpu.memory_space<vmem_shared>> -> memref<80x128xf32, #tpu.memory_space<vmem_shared>>
      tpu.enqueue_dma source(%arg20 : memref<80x128xf32, #tpu.memory_space<vmem>>) target(%dma_start3A_438 : memref<80x128xf32, #tpu.memory_space<vmem_shared>>) target_semaphore(%run_scoped3A : memref<!tpu.dma_semaphore, #tpu.memory_space<semaphore_mem>>)
      %dma_wait3A_439 = arith.constant 0 : i32
      %dma_wait3A_440 = tpu.memref_slice %arg9[%add3A_250, %dma_wait3A_439] : memref<10240x128xf32, #tpu.memory_space<vmem_shared>> -> memref<80x128xf32, #tpu.memory_space<vmem_shared>>
      %dma_wait3A_441 = arith.constant 0 : i32
      %dma_wait3A_442 = tpu.memref_slice %arg9[%add3A_250, %dma_wait3A_441] : memref<10240x128xf32, #tpu.memory_space<vmem_shared>> -> memref<80x128xf32, #tpu.memory_space<vmem_shared>>
      tpu.wait_dma2 semaphore(%run_scoped3A : memref<!tpu.dma_semaphore, #tpu.memory_space<semaphore_mem>>) src(%arg20 : memref<80x128xf32, #tpu.memory_space<vmem>>) dst(%dma_wait3A_442 : memref<80x128xf32, #tpu.memory_space<vmem_shared>>)
      tpu.yield
    }) : () -> ()
    %mul3A_251 = arith.constant 640 : i32
    %mul3A_252 = arith.muli %arg1, %mul3A_251 : i32
    %add3A_253 = arith.constant 480 : i32
    %add3A_254 = arith.addi %mul3A_252, %add3A_253 : i32
    "tpu.region"() ({
      %run_scoped3A = tpu.sem_alloc : memref<!tpu.dma_semaphore, #tpu.memory_space<semaphore_mem>>
      %dma_start3A_435 = arith.constant 0 : i32
      %dma_start3A_436 = tpu.memref_slice %arg9[%add3A_254, %dma_start3A_435] : memref<10240x128xf32, #tpu.memory_space<vmem_shared>> -> memref<80x128xf32, #tpu.memory_space<vmem_shared>>
      %dma_start3A_437 = arith.constant 0 : i32
      %dma_start3A_438 = tpu.memref_slice %arg9[%add3A_254, %dma_start3A_437] : memref<10240x128xf32, #tpu.memory_space<vmem_shared>> -> memref<80x128xf32, #tpu.memory_space<vmem_shared>>
      tpu.enqueue_dma source(%arg20 : memref<80x128xf32, #tpu.memory_space<vmem>>) target(%dma_start3A_438 : memref<80x128xf32, #tpu.memory_space<vmem_shared>>) target_semaphore(%run_scoped3A : memref<!tpu.dma_semaphore, #tpu.memory_space<semaphore_mem>>)
      %dma_wait3A_439 = arith.constant 0 : i32
      %dma_wait3A_440 = tpu.memref_slice %arg9[%add3A_254, %dma_wait3A_439] : memref<10240x128xf32, #tpu.memory_space<vmem_shared>> -> memref<80x128xf32, #tpu.memory_space<vmem_shared>>
      %dma_wait3A_441 = arith.constant 0 : i32
      %dma_wait3A_442 = tpu.memref_slice %arg9[%add3A_254, %dma_wait3A_441] : memref<10240x128xf32, #tpu.memory_space<vmem_shared>> -> memref<80x128xf32, #tpu.memory_space<vmem_shared>>
      tpu.wait_dma2 semaphore(%run_scoped3A : memref<!tpu.dma_semaphore, #tpu.memory_space<semaphore_mem>>) src(%arg20 : memref<80x128xf32, #tpu.memory_space<vmem>>) dst(%dma_wait3A_442 : memref<80x128xf32, #tpu.memory_space<vmem_shared>>)
      tpu.yield
    }) : () -> ()
    %mul3A_255 = arith.constant 640 : i32
    %mul3A_256 = arith.muli %arg1, %mul3A_255 : i32
    %add3A_257 = arith.constant 560 : i32
    %add3A_258 = arith.addi %mul3A_256, %add3A_257 : i32
    "tpu.region"() ({
      %run_scoped3A = tpu.sem_alloc : memref<!tpu.dma_semaphore, #tpu.memory_space<semaphore_mem>>
      %dma_start3A_435 = arith.constant 0 : i32
      %dma_start3A_436 = tpu.memref_slice %arg9[%add3A_258, %dma_start3A_435] : memref<10240x128xf32, #tpu.memory_space<vmem_shared>> -> memref<80x128xf32, #tpu.memory_space<vmem_shared>>
      %dma_start3A_437 = arith.constant 0 : i32
      %dma_start3A_438 = tpu.memref_slice %arg9[%add3A_258, %dma_start3A_437] : memref<10240x128xf32, #tpu.memory_space<vmem_shared>> -> memref<80x128xf32, #tpu.memory_space<vmem_shared>>
      tpu.enqueue_dma source(%arg20 : memref<80x128xf32, #tpu.memory_space<vmem>>) target(%dma_start3A_438 : memref<80x128xf32, #tpu.memory_space<vmem_shared>>) target_semaphore(%run_scoped3A : memref<!tpu.dma_semaphore, #tpu.memory_space<semaphore_mem>>)
      %dma_wait3A_439 = arith.constant 0 : i32
      %dma_wait3A_440 = tpu.memref_slice %arg9[%add3A_258, %dma_wait3A_439] : memref<10240x128xf32, #tpu.memory_space<vmem_shared>> -> memref<80x128xf32, #tpu.memory_space<vmem_shared>>
      %dma_wait3A_441 = arith.constant 0 : i32
      %dma_wait3A_442 = tpu.memref_slice %arg9[%add3A_258, %dma_wait3A_441] : memref<10240x128xf32, #tpu.memory_space<vmem_shared>> -> memref<80x128xf32, #tpu.memory_space<vmem_shared>>
      tpu.wait_dma2 semaphore(%run_scoped3A : memref<!tpu.dma_semaphore, #tpu.memory_space<semaphore_mem>>) src(%arg20 : memref<80x128xf32, #tpu.memory_space<vmem>>) dst(%dma_wait3A_442 : memref<80x128xf32, #tpu.memory_space<vmem_shared>>)
      tpu.yield
    }) : () -> ()
    %barrier3A_259 = arith.constant 0 : index
    tpu.barrier barrier_id(%barrier3A_259)
    %mul3A_260 = arith.constant 125 : i32
    %mul3A_261 = arith.muli %add3A, %mul3A_260 : i32
    %add3A_262 = arith.constant 0 : i32
    %add3A_263 = arith.addi %mul3A_261, %add3A_262 : i32
    %mul3A_264 = arith.constant 3 : i32
    %mul3A_265 = arith.muli %add3A_263, %mul3A_264 : i32
    %mul3A_266 = arith.constant 80 : i32
    %mul3A_267 = arith.muli %mul3A_265, %mul3A_266 : i32
    "tpu.region"() ({
      %run_scoped3A = tpu.sem_alloc : memref<!tpu.dma_semaphore, #tpu.memory_space<semaphore_mem>>
      %dma_start3A_435 = tpu.memref_slice %arg6[%mul3A_267] : memref<960000xi32, #tpu.memory_space<hbm>> -> memref<240xi32, #tpu.memory_space<hbm>>
      %dma_start3A_436 = tpu.memref_slice %arg6[%mul3A_267] : memref<960000xi32, #tpu.memory_space<hbm>> -> memref<240xi32, #tpu.memory_space<hbm>>
      tpu.enqueue_dma source(%dma_start3A_436 : memref<240xi32, #tpu.memory_space<hbm>>) target(%arg10 : memref<240xi32, #tpu.memory_space<vmem>>) target_semaphore(%run_scoped3A : memref<!tpu.dma_semaphore, #tpu.memory_space<semaphore_mem>>)
      %dma_wait3A_437 = tpu.memref_slice %arg6[%mul3A_267] : memref<960000xi32, #tpu.memory_space<hbm>> -> memref<240xi32, #tpu.memory_space<hbm>>
      %dma_wait3A_438 = tpu.memref_slice %arg6[%mul3A_267] : memref<960000xi32, #tpu.memory_space<hbm>> -> memref<240xi32, #tpu.memory_space<hbm>>
      tpu.wait_dma2 semaphore(%run_scoped3A : memref<!tpu.dma_semaphore, #tpu.memory_space<semaphore_mem>>) src(%dma_wait3A_438 : memref<240xi32, #tpu.memory_space<hbm>>) dst(%arg10 : memref<240xi32, #tpu.memory_space<vmem>>)
      tpu.yield
    }) : () -> ()
    %get3A_268 = arith.constant 0 : index
    %get3A_269 = tpu.vector_load %arg10[%get3A_268] {strides = array<i32>} : memref<240xi32, #tpu.memory_space<vmem>>, vector<16xi32>,
    %get3A_270 = vector.shape_cast %get3A_269 : vector<16xi32> to vector<16xi32>
    %swap3A_271 = arith.constant 0 : index
    %swap3A_272 = tpu.vector_load %arg12[%swap3A_271] {strides = array<i32>} : memref<80xi32, #tpu.memory_space<vmem>>, vector<16xi32>,
    %swap3A_273 = vector.shape_cast %swap3A_272 : vector<16xi32> to vector<16xi32>
    %swap3A_274 = vector.shape_cast %get3A_270 : vector<16xi32> to vector<16xi32>
    tpu.vector_store %arg12[%swap3A_271], %swap3A_274 {strides = array<i32>} : memref<80xi32, #tpu.memory_space<vmem>>, vector<16xi32>,
    %get3A_275 = arith.constant 80 : index
    %get3A_276 = tpu.vector_load %arg10[%get3A_275] {strides = array<i32>} : memref<240xi32, #tpu.memory_space<vmem>>, vector<16xi32>,
    %get3A_277 = vector.shape_cast %get3A_276 : vector<16xi32> to vector<16xi32>
    %swap3A_278 = arith.constant 0 : index
    %swap3A_279 = tpu.vector_load %arg14[%swap3A_278] {strides = array<i32>} : memref<80xi32, #tpu.memory_space<vmem>>, vector<16xi32>,
    %swap3A_280 = vector.shape_cast %swap3A_279 : vector<16xi32> to vector<16xi32>
    %swap3A_281 = vector.shape_cast %get3A_277 : vector<16xi32> to vector<16xi32>
    tpu.vector_store %arg14[%swap3A_278], %swap3A_281 {strides = array<i32>} : memref<80xi32, #tpu.memory_space<vmem>>, vector<16xi32>,
    %get3A_282 = arith.constant 160 : index
    %get3A_283 = tpu.vector_load %arg10[%get3A_282] {strides = array<i32>} : memref<240xi32, #tpu.memory_space<vmem>>, vector<16xi32>,
    %get3A_284 = vector.shape_cast %get3A_283 : vector<16xi32> to vector<16xi32>
    %swap3A_285 = arith.constant 0 : index
    %swap3A_286 = tpu.vector_load %arg16[%swap3A_285] {strides = array<i32>} : memref<80xi32, #tpu.memory_space<vmem>>, vector<16xi32>,
    %swap3A_287 = vector.shape_cast %swap3A_286 : vector<16xi32> to vector<16xi32>
    %swap3A_288 = vector.shape_cast %get3A_284 : vector<16xi32> to vector<16xi32>
    tpu.vector_store %arg16[%swap3A_285], %swap3A_288 {strides = array<i32>} : memref<80xi32, #tpu.memory_space<vmem>>, vector<16xi32>,
    %get3A_289 = arith.constant 16 : index
    %get3A_290 = tpu.vector_load %arg10[%get3A_289] {strides = array<i32>} : memref<240xi32, #tpu.memory_space<vmem>>, vector<16xi32>,
    %get3A_291 = vector.shape_cast %get3A_290 : vector<16xi32> to vector<16xi32>
    %swap3A_292 = arith.constant 16 : index
    %swap3A_293 = tpu.vector_load %arg12[%swap3A_292] {strides = array<i32>} : memref<80xi32, #tpu.memory_space<vmem>>, vector<16xi32>,
    %swap3A_294 = vector.shape_cast %swap3A_293 : vector<16xi32> to vector<16xi32>
    %swap3A_295 = vector.shape_cast %get3A_291 : vector<16xi32> to vector<16xi32>
    tpu.vector_store %arg12[%swap3A_292], %swap3A_295 {strides = array<i32>} : memref<80xi32, #tpu.memory_space<vmem>>, vector<16xi32>,
    %get3A_296 = arith.constant 96 : index
    %get3A_297 = tpu.vector_load %arg10[%get3A_296] {strides = array<i32>} : memref<240xi32, #tpu.memory_space<vmem>>, vector<16xi32>,
    %get3A_298 = vector.shape_cast %get3A_297 : vector<16xi32> to vector<16xi32>
    %swap3A_299 = arith.constant 16 : index
    %swap3A_300 = tpu.vector_load %arg14[%swap3A_299] {strides = array<i32>} : memref<80xi32, #tpu.memory_space<vmem>>, vector<16xi32>,
    %swap3A_301 = vector.shape_cast %swap3A_300 : vector<16xi32> to vector<16xi32>
    %swap3A_302 = vector.shape_cast %get3A_298 : vector<16xi32> to vector<16xi32>
    tpu.vector_store %arg14[%swap3A_299], %swap3A_302 {strides = array<i32>} : memref<80xi32, #tpu.memory_space<vmem>>, vector<16xi32>,
    %get3A_303 = arith.constant 176 : index
    %get3A_304 = tpu.vector_load %arg10[%get3A_303] {strides = array<i32>} : memref<240xi32, #tpu.memory_space<vmem>>, vector<16xi32>,
    %get3A_305 = vector.shape_cast %get3A_304 : vector<16xi32> to vector<16xi32>
    %swap3A_306 = arith.constant 16 : index
    %swap3A_307 = tpu.vector_load %arg16[%swap3A_306] {strides = array<i32>} : memref<80xi32, #tpu.memory_space<vmem>>, vector<16xi32>,
    %swap3A_308 = vector.shape_cast %swap3A_307 : vector<16xi32> to vector<16xi32>
    %swap3A_309 = vector.shape_cast %get3A_305 : vector<16xi32> to vector<16xi32>
    tpu.vector_store %arg16[%swap3A_306], %swap3A_309 {strides = array<i32>} : memref<80xi32, #tpu.memory_space<vmem>>, vector<16xi32>,
    %get3A_310 = arith.constant 32 : index
    %get3A_311 = tpu.vector_load %arg10[%get3A_310] {strides = array<i32>} : memref<240xi32, #tpu.memory_space<vmem>>, vector<16xi32>,
    %get3A_312 = vector.shape_cast %get3A_311 : vector<16xi32> to vector<16xi32>
    %swap3A_313 = arith.constant 32 : index
    %swap3A_314 = tpu.vector_load %arg12[%swap3A_313] {strides = array<i32>} : memref<80xi32, #tpu.memory_space<vmem>>, vector<16xi32>,
    %swap3A_315 = vector.shape_cast %swap3A_314 : vector<16xi32> to vector<16xi32>
    %swap3A_316 = vector.shape_cast %get3A_312 : vector<16xi32> to vector<16xi32>
    tpu.vector_store %arg12[%swap3A_313], %swap3A_316 {strides = array<i32>} : memref<80xi32, #tpu.memory_space<vmem>>, vector<16xi32>,
    %get3A_317 = arith.constant 112 : index
    %get3A_318 = tpu.vector_load %arg10[%get3A_317] {strides = array<i32>} : memref<240xi32, #tpu.memory_space<vmem>>, vector<16xi32>,
    %get3A_319 = vector.shape_cast %get3A_318 : vector<16xi32> to vector<16xi32>
    %swap3A_320 = arith.constant 32 : index
    %swap3A_321 = tpu.vector_load %arg14[%swap3A_320] {strides = array<i32>} : memref<80xi32, #tpu.memory_space<vmem>>, vector<16xi32>,
    %swap3A_322 = vector.shape_cast %swap3A_321 : vector<16xi32> to vector<16xi32>
    %swap3A_323 = vector.shape_cast %get3A_319 : vector<16xi32> to vector<16xi32>
    tpu.vector_store %arg14[%swap3A_320], %swap3A_323 {strides = array<i32>} : memref<80xi32, #tpu.memory_space<vmem>>, vector<16xi32>,
    %get3A_324 = arith.constant 192 : index
    %get3A_325 = tpu.vector_load %arg10[%get3A_324] {strides = array<i32>} : memref<240xi32, #tpu.memory_space<vmem>>, vector<16xi32>,
    %get3A_326 = vector.shape_cast %get3A_325 : vector<16xi32> to vector<16xi32>
    %swap3A_327 = arith.constant 32 : index
    %swap3A_328 = tpu.vector_load %arg16[%swap3A_327] {strides = array<i32>} : memref<80xi32, #tpu.memory_space<vmem>>, vector<16xi32>,
    %swap3A_329 = vector.shape_cast %swap3A_328 : vector<16xi32> to vector<16xi32>
    %swap3A_330 = vector.shape_cast %get3A_326 : vector<16xi32> to vector<16xi32>
    tpu.vector_store %arg16[%swap3A_327], %swap3A_330 {strides = array<i32>} : memref<80xi32, #tpu.memory_space<vmem>>, vector<16xi32>,
    %get3A_331 = arith.constant 48 : index
    %get3A_332 = tpu.vector_load %arg10[%get3A_331] {strides = array<i32>} : memref<240xi32, #tpu.memory_space<vmem>>, vector<16xi32>,
    %get3A_333 = vector.shape_cast %get3A_332 : vector<16xi32> to vector<16xi32>
    %swap3A_334 = arith.constant 48 : index
    %swap3A_335 = tpu.vector_load %arg12[%swap3A_334] {strides = array<i32>} : memref<80xi32, #tpu.memory_space<vmem>>, vector<16xi32>,
    %swap3A_336 = vector.shape_cast %swap3A_335 : vector<16xi32> to vector<16xi32>
    %swap3A_337 = vector.shape_cast %get3A_333 : vector<16xi32> to vector<16xi32>
    tpu.vector_store %arg12[%swap3A_334], %swap3A_337 {strides = array<i32>} : memref<80xi32, #tpu.memory_space<vmem>>, vector<16xi32>,
    %get3A_338 = arith.constant 128 : index
    %get3A_339 = tpu.vector_load %arg10[%get3A_338] {strides = array<i32>} : memref<240xi32, #tpu.memory_space<vmem>>, vector<16xi32>,
    %get3A_340 = vector.shape_cast %get3A_339 : vector<16xi32> to vector<16xi32>
    %swap3A_341 = arith.constant 48 : index
    %swap3A_342 = tpu.vector_load %arg14[%swap3A_341] {strides = array<i32>} : memref<80xi32, #tpu.memory_space<vmem>>, vector<16xi32>,
    %swap3A_343 = vector.shape_cast %swap3A_342 : vector<16xi32> to vector<16xi32>
    %swap3A_344 = vector.shape_cast %get3A_340 : vector<16xi32> to vector<16xi32>
    tpu.vector_store %arg14[%swap3A_341], %swap3A_344 {strides = array<i32>} : memref<80xi32, #tpu.memory_space<vmem>>, vector<16xi32>,
    %get3A_345 = arith.constant 208 : index
    %get3A_346 = tpu.vector_load %arg10[%get3A_345] {strides = array<i32>} : memref<240xi32, #tpu.memory_space<vmem>>, vector<16xi32>,
    %get3A_347 = vector.shape_cast %get3A_346 : vector<16xi32> to vector<16xi32>
    %swap3A_348 = arith.constant 48 : index
    %swap3A_349 = tpu.vector_load %arg16[%swap3A_348] {strides = array<i32>} : memref<80xi32, #tpu.memory_space<vmem>>, vector<16xi32>,
    %swap3A_350 = vector.shape_cast %swap3A_349 : vector<16xi32> to vector<16xi32>
    %swap3A_351 = vector.shape_cast %get3A_347 : vector<16xi32> to vector<16xi32>
    tpu.vector_store %arg16[%swap3A_348], %swap3A_351 {strides = array<i32>} : memref<80xi32, #tpu.memory_space<vmem>>, vector<16xi32>,
    %get3A_352 = arith.constant 64 : index
    %get3A_353 = tpu.vector_load %arg10[%get3A_352] {strides = array<i32>} : memref<240xi32, #tpu.memory_space<vmem>>, vector<16xi32>,
    %get3A_354 = vector.shape_cast %get3A_353 : vector<16xi32> to vector<16xi32>
    %swap3A_355 = arith.constant 64 : index
    %swap3A_356 = tpu.vector_load %arg12[%swap3A_355] {strides = array<i32>} : memref<80xi32, #tpu.memory_space<vmem>>, vector<16xi32>,
    %swap3A_357 = vector.shape_cast %swap3A_356 : vector<16xi32> to vector<16xi32>
    %swap3A_358 = vector.shape_cast %get3A_354 : vector<16xi32> to vector<16xi32>
    tpu.vector_store %arg12[%swap3A_355], %swap3A_358 {strides = array<i32>} : memref<80xi32, #tpu.memory_space<vmem>>, vector<16xi32>,
    %get3A_359 = arith.constant 144 : index
    %get3A_360 = tpu.vector_load %arg10[%get3A_359] {strides = array<i32>} : memref<240xi32, #tpu.memory_space<vmem>>, vector<16xi32>,
    %get3A_361 = vector.shape_cast %get3A_360 : vector<16xi32> to vector<16xi32>
    %swap3A_362 = arith.constant 64 : index
    %swap3A_363 = tpu.vector_load %arg14[%swap3A_362] {strides = array<i32>} : memref<80xi32, #tpu.memory_space<vmem>>, vector<16xi32>,
    %swap3A_364 = vector.shape_cast %swap3A_363 : vector<16xi32> to vector<16xi32>
    %swap3A_365 = vector.shape_cast %get3A_361 : vector<16xi32> to vector<16xi32>
    tpu.vector_store %arg14[%swap3A_362], %swap3A_365 {strides = array<i32>} : memref<80xi32, #tpu.memory_space<vmem>>, vector<16xi32>,
    %get3A_366 = arith.constant 224 : index
    %get3A_367 = tpu.vector_load %arg10[%get3A_366] {strides = array<i32>} : memref<240xi32, #tpu.memory_space<vmem>>, vector<16xi32>,
    %get3A_368 = vector.shape_cast %get3A_367 : vector<16xi32> to vector<16xi32>
    %swap3A_369 = arith.constant 64 : index
    %swap3A_370 = tpu.vector_load %arg16[%swap3A_369] {strides = array<i32>} : memref<80xi32, #tpu.memory_space<vmem>>, vector<16xi32>,
    %swap3A_371 = vector.shape_cast %swap3A_370 : vector<16xi32> to vector<16xi32>
    %swap3A_372 = vector.shape_cast %get3A_368 : vector<16xi32> to vector<16xi32>
    tpu.vector_store %arg16[%swap3A_369], %swap3A_372 {strides = array<i32>} : memref<80xi32, #tpu.memory_space<vmem>>, vector<16xi32>,
    %mul3A_373 = arith.constant 10000 : i32
    %mul3A_374 = arith.muli %add3A, %mul3A_373 : i32
    %add3A_375 = arith.constant 0 : i32
    %add3A_376 = arith.addi %mul3A_374, %add3A_375 : i32
    %dma_start3A_377 = arith.constant 0 : i32
    %dma_start3A_378 = arith.constant 0 : i32
    %dma_start3A_379 = tpu.memref_slice %arg4[%dma_start3A_377, %dma_start3A_378] : memref<10000x128xf32, #tpu.memory_space<hbm>> -> memref<10000x128xf32, #tpu.memory_space<hbm>>
    tpu.enqueue_indirect_dma source(%dma_start3A_379 : memref<10000x128xf32, #tpu.memory_space<hbm>>) target(%arg18 : memref<80x128xf32, #tpu.memory_space<vmem>>) offsets(%arg14 : memref<80xi32, #tpu.memory_space<vmem>>) semaphore(%arg24 : memref<!tpu.dma_semaphore, #tpu.memory_space<semaphore_mem>>)
    %mul3A_380 = arith.constant 16 : i32
    %mul3A_381 = arith.muli %add3A_376, %mul3A_380 : i32
    %dma_start3A_382 = tpu.memref_slice %arg5[%mul3A_381] : memref<5120000xf32, #tpu.memory_space<hbm>> -> memref<1280xf32, #tpu.memory_space<hbm>>
    %dma_start3A_383 = tpu.memref_slice %arg5[%mul3A_381] : memref<5120000xf32, #tpu.memory_space<hbm>> -> memref<1280xf32, #tpu.memory_space<hbm>>
    tpu.enqueue_dma source(%dma_start3A_383 : memref<1280xf32, #tpu.memory_space<hbm>>) target(%arg22 : memref<1280xf32, #tpu.memory_space<vmem>>) target_semaphore(%arg24 : memref<!tpu.dma_semaphore, #tpu.memory_space<semaphore_mem>>)
    %scan3A_384 = arith.constant 0 : i32
    %scan3A_385 = arith.constant 0 : i32
    %scan3A_386 = arith.constant 62 : i32
    %scan3A_387 = arith.addi %scan3A_385, %scan3A_386 : i32
    %scan3A_388 = arith.constant 1 : i32
    %scan3A_389 = scf.for %scan3A_435 = %scan3A_385 to %scan3A_387 step %scan3A_388 iter_args(%scan3A_436 = %scan3A_384) -> (i32)  : i32 {
      %gt3A = arith.constant 0 : i32
      %gt3A_437 = arith.cmpi sgt, %scan3A_435, %gt3A : i32
      %convert_element_type3A = arith.extui %gt3A_437 : i1 to i32
      %cond3A = arith.constant 0 : i32
      %cond3A_438 = arith.cmpi ne, %convert_element_type3A, %cond3A : i32
      scf.if %cond3A_438 {
        %dma_wait3A_741 = arith.constant 0 : i32
        %dma_wait3A_742 = arith.constant 0 : i32
        %dma_wait3A_743 = tpu.memref_slice %arg9[%dma_wait3A_741, %dma_wait3A_742] : memref<10240x128xf32, #tpu.memory_space<vmem_shared>> -> memref<10240x128xf32, #tpu.memory_space<vmem_shared>>
        tpu.wait_indirect_dma semaphore(%arg27 : memref<!tpu.dma_semaphore, #tpu.memory_space<semaphore_mem>>) src(%arg19 : memref<80x128xf32, #tpu.memory_space<vmem>>) dst(%dma_wait3A_743 : memref<10240x128xf32, #tpu.memory_space<vmem_shared>>)
      } else {
      }
      %mul3A_439 = arith.constant 2 : i32
      %mul3A_440 = arith.muli %mul3A_439, %scan3A_435 : i32
      %add3A_441 = arith.constant 1 : i32
      %add3A_442 = arith.addi %mul3A_440, %add3A_441 : i32
      %mul3A_443 = arith.constant 125 : i32
      %mul3A_444 = arith.muli %add3A, %mul3A_443 : i32
      %add3A_445 = arith.addi %mul3A_444, %add3A_442 : i32
      %mul3A_446 = arith.constant 3 : i32
      %mul3A_447 = arith.muli %add3A_445, %mul3A_446 : i32
      %mul3A_448 = arith.constant 80 : i32
      %mul3A_449 = arith.muli %mul3A_447, %mul3A_448 : i32
      "tpu.region"() ({
        %run_scoped3A = tpu.sem_alloc : memref<!tpu.dma_semaphore, #tpu.memory_space<semaphore_mem>>
        %dma_start3A_741 = tpu.memref_slice %arg6[%mul3A_449] : memref<960000xi32, #tpu.memory_space<hbm>> -> memref<240xi32, #tpu.memory_space<hbm>>
        %dma_start3A_742 = tpu.memref_slice %arg6[%mul3A_449] : memref<960000xi32, #tpu.memory_space<hbm>> -> memref<240xi32, #tpu.memory_space<hbm>>
        tpu.enqueue_dma source(%dma_start3A_742 : memref<240xi32, #tpu.memory_space<hbm>>) target(%arg11 : memref<240xi32, #tpu.memory_space<vmem>>) target_semaphore(%run_scoped3A : memref<!tpu.dma_semaphore, #tpu.memory_space<semaphore_mem>>)
        %dma_wait3A_743 = tpu.memref_slice %arg6[%mul3A_449] : memref<960000xi32, #tpu.memory_space<hbm>> -> memref<240xi32, #tpu.memory_space<hbm>>
        %dma_wait3A_744 = tpu.memref_slice %arg6[%mul3A_449] : memref<960000xi32, #tpu.memory_space<hbm>> -> memref<240xi32, #tpu.memory_space<hbm>>
        tpu.wait_dma2 semaphore(%run_scoped3A : memref<!tpu.dma_semaphore, #tpu.memory_space<semaphore_mem>>) src(%dma_wait3A_744 : memref<240xi32, #tpu.memory_space<hbm>>) dst(%arg11 : memref<240xi32, #tpu.memory_space<vmem>>)
        tpu.yield
      }) : () -> ()
      %get3A_450 = arith.constant 0 : index
      %get3A_451 = tpu.vector_load %arg11[%get3A_450] {strides = array<i32>} : memref<240xi32, #tpu.memory_space<vmem>>, vector<16xi32>,
      %get3A_452 = vector.shape_cast %get3A_451 : vector<16xi32> to vector<16xi32>
      %swap3A_453 = arith.constant 0 : index
      %swap3A_454 = tpu.vector_load %arg13[%swap3A_453] {strides = array<i32>} : memref<80xi32, #tpu.memory_space<vmem>>, vector<16xi32>,
      %swap3A_455 = vector.shape_cast %swap3A_454 : vector<16xi32> to vector<16xi32>
      %swap3A_456 = vector.shape_cast %get3A_452 : vector<16xi32> to vector<16xi32>
      tpu.vector_store %arg13[%swap3A_453], %swap3A_456 {strides = array<i32>} : memref<80xi32, #tpu.memory_space<vmem>>, vector<16xi32>,
      %get3A_457 = arith.constant 80 : index
      %get3A_458 = tpu.vector_load %arg11[%get3A_457] {strides = array<i32>} : memref<240xi32, #tpu.memory_space<vmem>>, vector<16xi32>,
      %get3A_459 = vector.shape_cast %get3A_458 : vector<16xi32> to vector<16xi32>
      %swap3A_460 = arith.constant 0 : index
      %swap3A_461 = tpu.vector_load %arg15[%swap3A_460] {strides = array<i32>} : memref<80xi32, #tpu.memory_space<vmem>>, vector<16xi32>,
      %swap3A_462 = vector.shape_cast %swap3A_461 : vector<16xi32> to vector<16xi32>
      %swap3A_463 = vector.shape_cast %get3A_459 : vector<16xi32> to vector<16xi32>
      tpu.vector_store %arg15[%swap3A_460], %swap3A_463 {strides = array<i32>} : memref<80xi32, #tpu.memory_space<vmem>>, vector<16xi32>,
      %get3A_464 = arith.constant 160 : index
      %get3A_465 = tpu.vector_load %arg11[%get3A_464] {strides = array<i32>} : memref<240xi32, #tpu.memory_space<vmem>>, vector<16xi32>,
      %get3A_466 = vector.shape_cast %get3A_465 : vector<16xi32> to vector<16xi32>
      %swap3A_467 = arith.constant 0 : index
      %swap3A_468 = tpu.vector_load %arg17[%swap3A_467] {strides = array<i32>} : memref<80xi32, #tpu.memory_space<vmem>>, vector<16xi32>,
      %swap3A_469 = vector.shape_cast %swap3A_468 : vector<16xi32> to vector<16xi32>
      %swap3A_470 = vector.shape_cast %get3A_466 : vector<16xi32> to vector<16xi32>
      tpu.vector_store %arg17[%swap3A_467], %swap3A_470 {strides = array<i32>} : memref<80xi32, #tpu.memory_space<vmem>>, vector<16xi32>,
      %get3A_471 = arith.constant 16 : index
      %get3A_472 = tpu.vector_load %arg11[%get3A_471] {strides = array<i32>} : memref<240xi32, #tpu.memory_space<vmem>>, vector<16xi32>,
      %get3A_473 = vector.shape_cast %get3A_472 : vector<16xi32> to vector<16xi32>
      %swap3A_474 = arith.constant 16 : index
      %swap3A_475 = tpu.vector_load %arg13[%swap3A_474] {strides = array<i32>} : memref<80xi32, #tpu.memory_space<vmem>>, vector<16xi32>,
      %swap3A_476 = vector.shape_cast %swap3A_475 : vector<16xi32> to vector<16xi32>
      %swap3A_477 = vector.shape_cast %get3A_473 : vector<16xi32> to vector<16xi32>
      tpu.vector_store %arg13[%swap3A_474], %swap3A_477 {strides = array<i32>} : memref<80xi32, #tpu.memory_space<vmem>>, vector<16xi32>,
      %get3A_478 = arith.constant 96 : index
      %get3A_479 = tpu.vector_load %arg11[%get3A_478] {strides = array<i32>} : memref<240xi32, #tpu.memory_space<vmem>>, vector<16xi32>,
      %get3A_480 = vector.shape_cast %get3A_479 : vector<16xi32> to vector<16xi32>
      %swap3A_481 = arith.constant 16 : index
      %swap3A_482 = tpu.vector_load %arg15[%swap3A_481] {strides = array<i32>} : memref<80xi32, #tpu.memory_space<vmem>>, vector<16xi32>,
      %swap3A_483 = vector.shape_cast %swap3A_482 : vector<16xi32> to vector<16xi32>
      %swap3A_484 = vector.shape_cast %get3A_480 : vector<16xi32> to vector<16xi32>
      tpu.vector_store %arg15[%swap3A_481], %swap3A_484 {strides = array<i32>} : memref<80xi32, #tpu.memory_space<vmem>>, vector<16xi32>,
      %get3A_485 = arith.constant 176 : index
      %get3A_486 = tpu.vector_load %arg11[%get3A_485] {strides = array<i32>} : memref<240xi32, #tpu.memory_space<vmem>>, vector<16xi32>,
      %get3A_487 = vector.shape_cast %get3A_486 : vector<16xi32> to vector<16xi32>
      %swap3A_488 = arith.constant 16 : index
      %swap3A_489 = tpu.vector_load %arg17[%swap3A_488] {strides = array<i32>} : memref<80xi32, #tpu.memory_space<vmem>>, vector<16xi32>,
      %swap3A_490 = vector.shape_cast %swap3A_489 : vector<16xi32> to vector<16xi32>
      %swap3A_491 = vector.shape_cast %get3A_487 : vector<16xi32> to vector<16xi32>
      tpu.vector_store %arg17[%swap3A_488], %swap3A_491 {strides = array<i32>} : memref<80xi32, #tpu.memory_space<vmem>>, vector<16xi32>,
      %get3A_492 = arith.constant 32 : index
      %get3A_493 = tpu.vector_load %arg11[%get3A_492] {strides = array<i32>} : memref<240xi32, #tpu.memory_space<vmem>>, vector<16xi32>,
      %get3A_494 = vector.shape_cast %get3A_493 : vector<16xi32> to vector<16xi32>
      %swap3A_495 = arith.constant 32 : index
      %swap3A_496 = tpu.vector_load %arg13[%swap3A_495] {strides = array<i32>} : memref<80xi32, #tpu.memory_space<vmem>>, vector<16xi32>,
      %swap3A_497 = vector.shape_cast %swap3A_496 : vector<16xi32> to vector<16xi32>
      %swap3A_498 = vector.shape_cast %get3A_494 : vector<16xi32> to vector<16xi32>
      tpu.vector_store %arg13[%swap3A_495], %swap3A_498 {strides = array<i32>} : memref<80xi32, #tpu.memory_space<vmem>>, vector<16xi32>,
      %get3A_499 = arith.constant 112 : index
      %get3A_500 = tpu.vector_load %arg11[%get3A_499] {strides = array<i32>} : memref<240xi32, #tpu.memory_space<vmem>>, vector<16xi32>,
      %get3A_501 = vector.shape_cast %get3A_500 : vector<16xi32> to vector<16xi32>
      %swap3A_502 = arith.constant 32 : index
      %swap3A_503 = tpu.vector_load %arg15[%swap3A_502] {strides = array<i32>} : memref<80xi32, #tpu.memory_space<vmem>>, vector<16xi32>,
      %swap3A_504 = vector.shape_cast %swap3A_503 : vector<16xi32> to vector<16xi32>
      %swap3A_505 = vector.shape_cast %get3A_501 : vector<16xi32> to vector<16xi32>
      tpu.vector_store %arg15[%swap3A_502], %swap3A_505 {strides = array<i32>} : memref<80xi32, #tpu.memory_space<vmem>>, vector<16xi32>,
      %get3A_506 = arith.constant 192 : index
      %get3A_507 = tpu.vector_load %arg11[%get3A_506] {strides = array<i32>} : memref<240xi32, #tpu.memory_space<vmem>>, vector<16xi32>,
      %get3A_508 = vector.shape_cast %get3A_507 : vector<16xi32> to vector<16xi32>
      %swap3A_509 = arith.constant 32 : index
      %swap3A_510 = tpu.vector_load %arg17[%swap3A_509] {strides = array<i32>} : memref<80xi32, #tpu.memory_space<vmem>>, vector<16xi32>,
      %swap3A_511 = vector.shape_cast %swap3A_510 : vector<16xi32> to vector<16xi32>
      %swap3A_512 = vector.shape_cast %get3A_508 : vector<16xi32> to vector<16xi32>
      tpu.vector_store %arg17[%swap3A_509], %swap3A_512 {strides = array<i32>} : memref<80xi32, #tpu.memory_space<vmem>>, vector<16xi32>,
      %get3A_513 = arith.constant 48 : index
      %get3A_514 = tpu.vector_load %arg11[%get3A_513] {strides = array<i32>} : memref<240xi32, #tpu.memory_space<vmem>>, vector<16xi32>,
      %get3A_515 = vector.shape_cast %get3A_514 : vector<16xi32> to vector<16xi32>
      %swap3A_516 = arith.constant 48 : index
      %swap3A_517 = tpu.vector_load %arg13[%swap3A_516] {strides = array<i32>} : memref<80xi32, #tpu.memory_space<vmem>>, vector<16xi32>,
      %swap3A_518 = vector.shape_cast %swap3A_517 : vector<16xi32> to vector<16xi32>
      %swap3A_519 = vector.shape_cast %get3A_515 : vector<16xi32> to vector<16xi32>
      tpu.vector_store %arg13[%swap3A_516], %swap3A_519 {strides = array<i32>} : memref<80xi32, #tpu.memory_space<vmem>>, vector<16xi32>,
      %get3A_520 = arith.constant 128 : index
      %get3A_521 = tpu.vector_load %arg11[%get3A_520] {strides = array<i32>} : memref<240xi32, #tpu.memory_space<vmem>>, vector<16xi32>,
      %get3A_522 = vector.shape_cast %get3A_521 : vector<16xi32> to vector<16xi32>
      %swap3A_523 = arith.constant 48 : index
      %swap3A_524 = tpu.vector_load %arg15[%swap3A_523] {strides = array<i32>} : memref<80xi32, #tpu.memory_space<vmem>>, vector<16xi32>,
      %swap3A_525 = vector.shape_cast %swap3A_524 : vector<16xi32> to vector<16xi32>
      %swap3A_526 = vector.shape_cast %get3A_522 : vector<16xi32> to vector<16xi32>
      tpu.vector_store %arg15[%swap3A_523], %swap3A_526 {strides = array<i32>} : memref<80xi32, #tpu.memory_space<vmem>>, vector<16xi32>,
      %get3A_527 = arith.constant 208 : index
      %get3A_528 = tpu.vector_load %arg11[%get3A_527] {strides = array<i32>} : memref<240xi32, #tpu.memory_space<vmem>>, vector<16xi32>,
      %get3A_529 = vector.shape_cast %get3A_528 : vector<16xi32> to vector<16xi32>
      %swap3A_530 = arith.constant 48 : index
      %swap3A_531 = tpu.vector_load %arg17[%swap3A_530] {strides = array<i32>} : memref<80xi32, #tpu.memory_space<vmem>>, vector<16xi32>,
      %swap3A_532 = vector.shape_cast %swap3A_531 : vector<16xi32> to vector<16xi32>
      %swap3A_533 = vector.shape_cast %get3A_529 : vector<16xi32> to vector<16xi32>
      tpu.vector_store %arg17[%swap3A_530], %swap3A_533 {strides = array<i32>} : memref<80xi32, #tpu.memory_space<vmem>>, vector<16xi32>,
      %get3A_534 = arith.constant 64 : index
      %get3A_535 = tpu.vector_load %arg11[%get3A_534] {strides = array<i32>} : memref<240xi32, #tpu.memory_space<vmem>>, vector<16xi32>,
      %get3A_536 = vector.shape_cast %get3A_535 : vector<16xi32> to vector<16xi32>
      %swap3A_537 = arith.constant 64 : index
      %swap3A_538 = tpu.vector_load %arg13[%swap3A_537] {strides = array<i32>} : memref<80xi32, #tpu.memory_space<vmem>>, vector<16xi32>,
      %swap3A_539 = vector.shape_cast %swap3A_538 : vector<16xi32> to vector<16xi32>
      %swap3A_540 = vector.shape_cast %get3A_536 : vector<16xi32> to vector<16xi32>
      tpu.vector_store %arg13[%swap3A_537], %swap3A_540 {strides = array<i32>} : memref<80xi32, #tpu.memory_space<vmem>>, vector<16xi32>,
      %get3A_541 = arith.constant 144 : index
      %get3A_542 = tpu.vector_load %arg11[%get3A_541] {strides = array<i32>} : memref<240xi32, #tpu.memory_space<vmem>>, vector<16xi32>,
      %get3A_543 = vector.shape_cast %get3A_542 : vector<16xi32> to vector<16xi32>
      %swap3A_544 = arith.constant 64 : index
      %swap3A_545 = tpu.vector_load %arg15[%swap3A_544] {strides = array<i32>} : memref<80xi32, #tpu.memory_space<vmem>>, vector<16xi32>,
      %swap3A_546 = vector.shape_cast %swap3A_545 : vector<16xi32> to vector<16xi32>
      %swap3A_547 = vector.shape_cast %get3A_543 : vector<16xi32> to vector<16xi32>
      tpu.vector_store %arg15[%swap3A_544], %swap3A_547 {strides = array<i32>} : memref<80xi32, #tpu.memory_space<vmem>>, vector<16xi32>,
      %get3A_548 = arith.constant 224 : index
      %get3A_549 = tpu.vector_load %arg11[%get3A_548] {strides = array<i32>} : memref<240xi32, #tpu.memory_space<vmem>>, vector<16xi32>,
      %get3A_550 = vector.shape_cast %get3A_549 : vector<16xi32> to vector<16xi32>
      %swap3A_551 = arith.constant 64 : index
      %swap3A_552 = tpu.vector_load %arg17[%swap3A_551] {strides = array<i32>} : memref<80xi32, #tpu.memory_space<vmem>>, vector<16xi32>,
      %swap3A_553 = vector.shape_cast %swap3A_552 : vector<16xi32> to vector<16xi32>
      %swap3A_554 = vector.shape_cast %get3A_550 : vector<16xi32> to vector<16xi32>
      tpu.vector_store %arg17[%swap3A_551], %swap3A_554 {strides = array<i32>} : memref<80xi32, #tpu.memory_space<vmem>>, vector<16xi32>,
      %mul3A_555 = arith.constant 2 : i32
      %mul3A_556 = arith.muli %mul3A_555, %scan3A_435 : i32
      %add3A_557 = arith.constant 1 : i32
      %add3A_558 = arith.addi %mul3A_556, %add3A_557 : i32
      %mul3A_559 = arith.constant 10000 : i32
      %mul3A_560 = arith.muli %add3A, %mul3A_559 : i32
      %mul3A_561 = arith.constant 80 : i32
      %mul3A_562 = arith.muli %add3A_558, %mul3A_561 : i32
      %add3A_563 = arith.addi %mul3A_560, %mul3A_562 : i32
      %dma_start3A_564 = arith.constant 0 : i32
      %dma_start3A_565 = arith.constant 0 : i32
      %dma_start3A_566 = tpu.memref_slice %arg4[%dma_start3A_564, %dma_start3A_565] : memref<10000x128xf32, #tpu.memory_space<hbm>> -> memref<10000x128xf32, #tpu.memory_space<hbm>>
      tpu.enqueue_indirect_dma source(%dma_start3A_566 : memref<10000x128xf32, #tpu.memory_space<hbm>>) target(%arg19 : memref<80x128xf32, #tpu.memory_space<vmem>>) offsets(%arg15 : memref<80xi32, #tpu.memory_space<vmem>>) semaphore(%arg25 : memref<!tpu.dma_semaphore, #tpu.memory_space<semaphore_mem>>)
      %mul3A_567 = arith.constant 16 : i32
      %mul3A_568 = arith.muli %add3A_563, %mul3A_567 : i32
      %dma_start3A_569 = tpu.memref_slice %arg5[%mul3A_568] : memref<5120000xf32, #tpu.memory_space<hbm>> -> memref<1280xf32, #tpu.memory_space<hbm>>
      %dma_start3A_570 = tpu.memref_slice %arg5[%mul3A_568] : memref<5120000xf32, #tpu.memory_space<hbm>> -> memref<1280xf32, #tpu.memory_space<hbm>>
      tpu.enqueue_dma source(%dma_start3A_570 : memref<1280xf32, #tpu.memory_space<hbm>>) target(%arg23 : memref<1280xf32, #tpu.memory_space<vmem>>) target_semaphore(%arg25 : memref<!tpu.dma_semaphore, #tpu.memory_space<semaphore_mem>>)
      %dma_wait3A_571 = arith.constant 0 : i32
      %dma_wait3A_572 = arith.constant 0 : i32
      %dma_wait3A_573 = tpu.memref_slice %arg4[%dma_wait3A_571, %dma_wait3A_572] : memref<10000x128xf32, #tpu.memory_space<hbm>> -> memref<10000x128xf32, #tpu.memory_space<hbm>>
      tpu.wait_indirect_dma semaphore(%arg24 : memref<!tpu.dma_semaphore, #tpu.memory_space<semaphore_mem>>) src(%dma_wait3A_573 : memref<10000x128xf32, #tpu.memory_space<hbm>>) dst(%arg18 : memref<80x128xf32, #tpu.memory_space<vmem>>)
      %dma_wait3A_574 = arith.constant 0 : i32
      %dma_wait3A_575 = tpu.memref_slice %arg5[%dma_wait3A_574] : memref<5120000xf32, #tpu.memory_space<hbm>> -> memref<1280xf32, #tpu.memory_space<hbm>>
      %dma_wait3A_576 = arith.constant 0 : i32
      %dma_wait3A_577 = tpu.memref_slice %arg5[%dma_wait3A_576] : memref<5120000xf32, #tpu.memory_space<hbm>> -> memref<1280xf32, #tpu.memory_space<hbm>>
      tpu.wait_dma2 semaphore(%arg24 : memref<!tpu.dma_semaphore, #tpu.memory_space<semaphore_mem>>) src(%dma_wait3A_577 : memref<1280xf32, #tpu.memory_space<hbm>>) dst(%arg22 : memref<1280xf32, #tpu.memory_space<vmem>>)
      %scan3A_578 = arith.constant 0 : i32
      %scan3A_579 = arith.constant 0 : i32
      %scan3A_580 = arith.constant 80 : i32
      %scan3A_581 = arith.addi %scan3A_579, %scan3A_580 : i32
      %scan3A_582 = arith.constant 1 : i32
      %scan3A_583 = scf.for %scan3A_741 = %scan3A_579 to %scan3A_581 step %scan3A_582 iter_args(%scan3A_742 = %scan3A_578) -> (i32)  : i32 {
        %mul3A_743 = arith.constant 16 : i32
        %mul3A_744 = arith.muli %scan3A_741, %mul3A_743 : i32
        %get3A_745 = arith.index_cast %mul3A_744 : i32 to index
        %get3A_746 = tpu.vector_load %arg22[%get3A_745] {strides = array<i32>} : memref<1280xf32, #tpu.memory_space<vmem>>, vector<16xf32>,
        %get3A_747 = vector.shape_cast %get3A_746 : vector<16xf32> to vector<16xf32>
        %swap3A_748 = arith.index_cast %scan3A_741 : i32 to index
        %swap3A_749 = arith.constant 0 : index
        %swap3A_750 = tpu.vector_load %arg18[%swap3A_748, %swap3A_749] {strides = array<i32>} : memref<80x128xf32, #tpu.memory_space<vmem>>, vector<1x16xf32>,
        %swap3A_751 = vector.shape_cast %swap3A_750 : vector<1x16xf32> to vector<16xf32>
        %swap3A_752 = vector.shape_cast %get3A_747 : vector<16xf32> to vector<1x16xf32>
        tpu.vector_store %arg18[%swap3A_748, %swap3A_749], %swap3A_752 {strides = array<i32>} : memref<80x128xf32, #tpu.memory_space<vmem>>, vector<1x16xf32>,
        %scan3A_753 = arith.constant 0 : i32
        scf.yield %scan3A_753 : i32
      }
      %scan3A_584 = arith.constant 80 : i32
      %dma_start3A_585 = arith.constant 0 : i32
      %dma_start3A_586 = arith.constant 0 : i32
      %dma_start3A_587 = tpu.memref_slice %arg9[%dma_start3A_585, %dma_start3A_586] : memref<10240x128xf32, #tpu.memory_space<vmem_shared>> -> memref<10240x128xf32, #tpu.memory_space<vmem_shared>>
      tpu.enqueue_indirect_dma source(%arg18 : memref<80x128xf32, #tpu.memory_space<vmem>>) target(%dma_start3A_587 : memref<10240x128xf32, #tpu.memory_space<vmem_shared>>) offsets(%arg16 : memref<80xi32, #tpu.memory_space<vmem>>) semaphore(%arg26 : memref<!tpu.dma_semaphore, #tpu.memory_space<semaphore_mem>>) {add = true}
      %dma_wait3A_588 = arith.constant 0 : i32
      %dma_wait3A_589 = arith.constant 0 : i32
      %dma_wait3A_590 = tpu.memref_slice %arg9[%dma_wait3A_588, %dma_wait3A_589] : memref<10240x128xf32, #tpu.memory_space<vmem_shared>> -> memref<10240x128xf32, #tpu.memory_space<vmem_shared>>
      tpu.wait_indirect_dma semaphore(%arg26 : memref<!tpu.dma_semaphore, #tpu.memory_space<semaphore_mem>>) src(%arg18 : memref<80x128xf32, #tpu.memory_space<vmem>>) dst(%dma_wait3A_590 : memref<10240x128xf32, #tpu.memory_space<vmem_shared>>)
      %mul3A_591 = arith.constant 2 : i32
      %mul3A_592 = arith.muli %mul3A_591, %scan3A_435 : i32
      %add3A_593 = arith.constant 2 : i32
      %add3A_594 = arith.addi %mul3A_592, %add3A_593 : i32
      %mul3A_595 = arith.constant 125 : i32
      %mul3A_596 = arith.muli %add3A, %mul3A_595 : i32
      %add3A_597 = arith.addi %mul3A_596, %add3A_594 : i32
      %mul3A_598 = arith.constant 3 : i32
      %mul3A_599 = arith.muli %add3A_597, %mul3A_598 : i32
      %mul3A_600 = arith.constant 80 : i32
      %mul3A_601 = arith.muli %mul3A_599, %mul3A_600 : i32
      "tpu.region"() ({
        %run_scoped3A = tpu.sem_alloc : memref<!tpu.dma_semaphore, #tpu.memory_space<semaphore_mem>>
        %dma_start3A_741 = tpu.memref_slice %arg6[%mul3A_601] : memref<960000xi32, #tpu.memory_space<hbm>> -> memref<240xi32, #tpu.memory_space<hbm>>
        %dma_start3A_742 = tpu.memref_slice %arg6[%mul3A_601] : memref<960000xi32, #tpu.memory_space<hbm>> -> memref<240xi32, #tpu.memory_space<hbm>>
        tpu.enqueue_dma source(%dma_start3A_742 : memref<240xi32, #tpu.memory_space<hbm>>) target(%arg10 : memref<240xi32, #tpu.memory_space<vmem>>) target_semaphore(%run_scoped3A : memref<!tpu.dma_semaphore, #tpu.memory_space<semaphore_mem>>)
        %dma_wait3A_743 = tpu.memref_slice %arg6[%mul3A_601] : memref<960000xi32, #tpu.memory_space<hbm>> -> memref<240xi32, #tpu.memory_space<hbm>>
        %dma_wait3A_744 = tpu.memref_slice %arg6[%mul3A_601] : memref<960000xi32, #tpu.memory_space<hbm>> -> memref<240xi32, #tpu.memory_space<hbm>>
        tpu.wait_dma2 semaphore(%run_scoped3A : memref<!tpu.dma_semaphore, #tpu.memory_space<semaphore_mem>>) src(%dma_wait3A_744 : memref<240xi32, #tpu.memory_space<hbm>>) dst(%arg10 : memref<240xi32, #tpu.memory_space<vmem>>)
        tpu.yield
      }) : () -> ()
      %get3A_602 = arith.constant 0 : index
      %get3A_603 = tpu.vector_load %arg10[%get3A_602] {strides = array<i32>} : memref<240xi32, #tpu.memory_space<vmem>>, vector<16xi32>,
      %get3A_604 = vector.shape_cast %get3A_603 : vector<16xi32> to vector<16xi32>
      %swap3A_605 = arith.constant 0 : index
      %swap3A_606 = tpu.vector_load %arg12[%swap3A_605] {strides = array<i32>} : memref<80xi32, #tpu.memory_space<vmem>>, vector<16xi32>,
      %swap3A_607 = vector.shape_cast %swap3A_606 : vector<16xi32> to vector<16xi32>
      %swap3A_608 = vector.shape_cast %get3A_604 : vector<16xi32> to vector<16xi32>
      tpu.vector_store %arg12[%swap3A_605], %swap3A_608 {strides = array<i32>} : memref<80xi32, #tpu.memory_space<vmem>>, vector<16xi32>,
      %get3A_609 = arith.constant 80 : index
      %get3A_610 = tpu.vector_load %arg10[%get3A_609] {strides = array<i32>} : memref<240xi32, #tpu.memory_space<vmem>>, vector<16xi32>,
      %get3A_611 = vector.shape_cast %get3A_610 : vector<16xi32> to vector<16xi32>
      %swap3A_612 = arith.constant 0 : index
      %swap3A_613 = tpu.vector_load %arg14[%swap3A_612] {strides = array<i32>} : memref<80xi32, #tpu.memory_space<vmem>>, vector<16xi32>,
      %swap3A_614 = vector.shape_cast %swap3A_613 : vector<16xi32> to vector<16xi32>
      %swap3A_615 = vector.shape_cast %get3A_611 : vector<16xi32> to vector<16xi32>
      tpu.vector_store %arg14[%swap3A_612], %swap3A_615 {strides = array<i32>} : memref<80xi32, #tpu.memory_space<vmem>>, vector<16xi32>,
      %get3A_616 = arith.constant 160 : index
      %get3A_617 = tpu.vector_load %arg10[%get3A_616] {strides = array<i32>} : memref<240xi32, #tpu.memory_space<vmem>>, vector<16xi32>,
      %get3A_618 = vector.shape_cast %get3A_617 : vector<16xi32> to vector<16xi32>
      %swap3A_619 = arith.constant 0 : index
      %swap3A_620 = tpu.vector_load %arg16[%swap3A_619] {strides = array<i32>} : memref<80xi32, #tpu.memory_space<vmem>>, vector<16xi32>,
      %swap3A_621 = vector.shape_cast %swap3A_620 : vector<16xi32> to vector<16xi32>
      %swap3A_622 = vector.shape_cast %get3A_618 : vector<16xi32> to vector<16xi32>
      tpu.vector_store %arg16[%swap3A_619], %swap3A_622 {strides = array<i32>} : memref<80xi32, #tpu.memory_space<vmem>>, vector<16xi32>,
      %get3A_623 = arith.constant 16 : index
      %get3A_624 = tpu.vector_load %arg10[%get3A_623] {strides = array<i32>} : memref<240xi32, #tpu.memory_space<vmem>>, vector<16xi32>,
      %get3A_625 = vector.shape_cast %get3A_624 : vector<16xi32> to vector<16xi32>
      %swap3A_626 = arith.constant 16 : index
      %swap3A_627 = tpu.vector_load %arg12[%swap3A_626] {strides = array<i32>} : memref<80xi32, #tpu.memory_space<vmem>>, vector<16xi32>,
      %swap3A_628 = vector.shape_cast %swap3A_627 : vector<16xi32> to vector<16xi32>
      %swap3A_629 = vector.shape_cast %get3A_625 : vector<16xi32> to vector<16xi32>
      tpu.vector_store %arg12[%swap3A_626], %swap3A_629 {strides = array<i32>} : memref<80xi32, #tpu.memory_space<vmem>>, vector<16xi32>,
      %get3A_630 = arith.constant 96 : index
      %get3A_631 = tpu.vector_load %arg10[%get3A_630] {strides = array<i32>} : memref<240xi32, #tpu.memory_space<vmem>>, vector<16xi32>,
      %get3A_632 = vector.shape_cast %get3A_631 : vector<16xi32> to vector<16xi32>
      %swap3A_633 = arith.constant 16 : index
      %swap3A_634 = tpu.vector_load %arg14[%swap3A_633] {strides = array<i32>} : memref<80xi32, #tpu.memory_space<vmem>>, vector<16xi32>,
      %swap3A_635 = vector.shape_cast %swap3A_634 : vector<16xi32> to vector<16xi32>
      %swap3A_636 = vector.shape_cast %get3A_632 : vector<16xi32> to vector<16xi32>
      tpu.vector_store %arg14[%swap3A_633], %swap3A_636 {strides = array<i32>} : memref<80xi32, #tpu.memory_space<vmem>>, vector<16xi32>,
      %get3A_637 = arith.constant 176 : index
      %get3A_638 = tpu.vector_load %arg10[%get3A_637] {strides = array<i32>} : memref<240xi32, #tpu.memory_space<vmem>>, vector<16xi32>,
      %get3A_639 = vector.shape_cast %get3A_638 : vector<16xi32> to vector<16xi32>
      %swap3A_640 = arith.constant 16 : index
      %swap3A_641 = tpu.vector_load %arg16[%swap3A_640] {strides = array<i32>} : memref<80xi32, #tpu.memory_space<vmem>>, vector<16xi32>,
      %swap3A_642 = vector.shape_cast %swap3A_641 : vector<16xi32> to vector<16xi32>
      %swap3A_643 = vector.shape_cast %get3A_639 : vector<16xi32> to vector<16xi32>
      tpu.vector_store %arg16[%swap3A_640], %swap3A_643 {strides = array<i32>} : memref<80xi32, #tpu.memory_space<vmem>>, vector<16xi32>,
      %get3A_644 = arith.constant 32 : index
      %get3A_645 = tpu.vector_load %arg10[%get3A_644] {strides = array<i32>} : memref<240xi32, #tpu.memory_space<vmem>>, vector<16xi32>,
      %get3A_646 = vector.shape_cast %get3A_645 : vector<16xi32> to vector<16xi32>
      %swap3A_647 = arith.constant 32 : index
      %swap3A_648 = tpu.vector_load %arg12[%swap3A_647] {strides = array<i32>} : memref<80xi32, #tpu.memory_space<vmem>>, vector<16xi32>,
      %swap3A_649 = vector.shape_cast %swap3A_648 : vector<16xi32> to vector<16xi32>
      %swap3A_650 = vector.shape_cast %get3A_646 : vector<16xi32> to vector<16xi32>
      tpu.vector_store %arg12[%swap3A_647], %swap3A_650 {strides = array<i32>} : memref<80xi32, #tpu.memory_space<vmem>>, vector<16xi32>,
      %get3A_651 = arith.constant 112 : index
      %get3A_652 = tpu.vector_load %arg10[%get3A_651] {strides = array<i32>} : memref<240xi32, #tpu.memory_space<vmem>>, vector<16xi32>,
      %get3A_653 = vector.shape_cast %get3A_652 : vector<16xi32> to vector<16xi32>
      %swap3A_654 = arith.constant 32 : index
      %swap3A_655 = tpu.vector_load %arg14[%swap3A_654] {strides = array<i32>} : memref<80xi32, #tpu.memory_space<vmem>>, vector<16xi32>,
      %swap3A_656 = vector.shape_cast %swap3A_655 : vector<16xi32> to vector<16xi32>
      %swap3A_657 = vector.shape_cast %get3A_653 : vector<16xi32> to vector<16xi32>
      tpu.vector_store %arg14[%swap3A_654], %swap3A_657 {strides = array<i32>} : memref<80xi32, #tpu.memory_space<vmem>>, vector<16xi32>,
      %get3A_658 = arith.constant 192 : index
      %get3A_659 = tpu.vector_load %arg10[%get3A_658] {strides = array<i32>} : memref<240xi32, #tpu.memory_space<vmem>>, vector<16xi32>,
      %get3A_660 = vector.shape_cast %get3A_659 : vector<16xi32> to vector<16xi32>
      %swap3A_661 = arith.constant 32 : index
      %swap3A_662 = tpu.vector_load %arg16[%swap3A_661] {strides = array<i32>} : memref<80xi32, #tpu.memory_space<vmem>>, vector<16xi32>,
      %swap3A_663 = vector.shape_cast %swap3A_662 : vector<16xi32> to vector<16xi32>
      %swap3A_664 = vector.shape_cast %get3A_660 : vector<16xi32> to vector<16xi32>
      tpu.vector_store %arg16[%swap3A_661], %swap3A_664 {strides = array<i32>} : memref<80xi32, #tpu.memory_space<vmem>>, vector<16xi32>,
      %get3A_665 = arith.constant 48 : index
      %get3A_666 = tpu.vector_load %arg10[%get3A_665] {strides = array<i32>} : memref<240xi32, #tpu.memory_space<vmem>>, vector<16xi32>,
      %get3A_667 = vector.shape_cast %get3A_666 : vector<16xi32> to vector<16xi32>
      %swap3A_668 = arith.constant 48 : index
      %swap3A_669 = tpu.vector_load %arg12[%swap3A_668] {strides = array<i32>} : memref<80xi32, #tpu.memory_space<vmem>>, vector<16xi32>,
      %swap3A_670 = vector.shape_cast %swap3A_669 : vector<16xi32> to vector<16xi32>
      %swap3A_671 = vector.shape_cast %get3A_667 : vector<16xi32> to vector<16xi32>
      tpu.vector_store %arg12[%swap3A_668], %swap3A_671 {strides = array<i32>} : memref<80xi32, #tpu.memory_space<vmem>>, vector<16xi32>,
      %get3A_672 = arith.constant 128 : index
      %get3A_673 = tpu.vector_load %arg10[%get3A_672] {strides = array<i32>} : memref<240xi32, #tpu.memory_space<vmem>>, vector<16xi32>,
      %get3A_674 = vector.shape_cast %get3A_673 : vector<16xi32> to vector<16xi32>
      %swap3A_675 = arith.constant 48 : index
      %swap3A_676 = tpu.vector_load %arg14[%swap3A_675] {strides = array<i32>} : memref<80xi32, #tpu.memory_space<vmem>>, vector<16xi32>,
      %swap3A_677 = vector.shape_cast %swap3A_676 : vector<16xi32> to vector<16xi32>
      %swap3A_678 = vector.shape_cast %get3A_674 : vector<16xi32> to vector<16xi32>
      tpu.vector_store %arg14[%swap3A_675], %swap3A_678 {strides = array<i32>} : memref<80xi32, #tpu.memory_space<vmem>>, vector<16xi32>,
      %get3A_679 = arith.constant 208 : index
      %get3A_680 = tpu.vector_load %arg10[%get3A_679] {strides = array<i32>} : memref<240xi32, #tpu.memory_space<vmem>>, vector<16xi32>,
      %get3A_681 = vector.shape_cast %get3A_680 : vector<16xi32> to vector<16xi32>
      %swap3A_682 = arith.constant 48 : index
      %swap3A_683 = tpu.vector_load %arg16[%swap3A_682] {strides = array<i32>} : memref<80xi32, #tpu.memory_space<vmem>>, vector<16xi32>,
      %swap3A_684 = vector.shape_cast %swap3A_683 : vector<16xi32> to vector<16xi32>
      %swap3A_685 = vector.shape_cast %get3A_681 : vector<16xi32> to vector<16xi32>
      tpu.vector_store %arg16[%swap3A_682], %swap3A_685 {strides = array<i32>} : memref<80xi32, #tpu.memory_space<vmem>>, vector<16xi32>,
      %get3A_686 = arith.constant 64 : index
      %get3A_687 = tpu.vector_load %arg10[%get3A_686] {strides = array<i32>} : memref<240xi32, #tpu.memory_space<vmem>>, vector<16xi32>,
      %get3A_688 = vector.shape_cast %get3A_687 : vector<16xi32> to vector<16xi32>
      %swap3A_689 = arith.constant 64 : index
      %swap3A_690 = tpu.vector_load %arg12[%swap3A_689] {strides = array<i32>} : memref<80xi32, #tpu.memory_space<vmem>>, vector<16xi32>,
      %swap3A_691 = vector.shape_cast %swap3A_690 : vector<16xi32> to vector<16xi32>
      %swap3A_692 = vector.shape_cast %get3A_688 : vector<16xi32> to vector<16xi32>
      tpu.vector_store %arg12[%swap3A_689], %swap3A_692 {strides = array<i32>} : memref<80xi32, #tpu.memory_space<vmem>>, vector<16xi32>,
      %get3A_693 = arith.constant 144 : index
      %get3A_694 = tpu.vector_load %arg10[%get3A_693] {strides = array<i32>} : memref<240xi32, #tpu.memory_space<vmem>>, vector<16xi32>,
      %get3A_695 = vector.shape_cast %get3A_694 : vector<16xi32> to vector<16xi32>
      %swap3A_696 = arith.constant 64 : index
      %swap3A_697 = tpu.vector_load %arg14[%swap3A_696] {strides = array<i32>} : memref<80xi32, #tpu.memory_space<vmem>>, vector<16xi32>,
      %swap3A_698 = vector.shape_cast %swap3A_697 : vector<16xi32> to vector<16xi32>
      %swap3A_699 = vector.shape_cast %get3A_695 : vector<16xi32> to vector<16xi32>
      tpu.vector_store %arg14[%swap3A_696], %swap3A_699 {strides = array<i32>} : memref<80xi32, #tpu.memory_space<vmem>>, vector<16xi32>,
      %get3A_700 = arith.constant 224 : index
      %get3A_701 = tpu.vector_load %arg10[%get3A_700] {strides = array<i32>} : memref<240xi32, #tpu.memory_space<vmem>>, vector<16xi32>,
      %get3A_702 = vector.shape_cast %get3A_701 : vector<16xi32> to vector<16xi32>
      %swap3A_703 = arith.constant 64 : index
      %swap3A_704 = tpu.vector_load %arg16[%swap3A_703] {strides = array<i32>} : memref<80xi32, #tpu.memory_space<vmem>>, vector<16xi32>,
      %swap3A_705 = vector.shape_cast %swap3A_704 : vector<16xi32> to vector<16xi32>
      %swap3A_706 = vector.shape_cast %get3A_702 : vector<16xi32> to vector<16xi32>
      tpu.vector_store %arg16[%swap3A_703], %swap3A_706 {strides = array<i32>} : memref<80xi32, #tpu.memory_space<vmem>>, vector<16xi32>,
      %mul3A_707 = arith.constant 2 : i32
      %mul3A_708 = arith.muli %mul3A_707, %scan3A_435 : i32
      %add3A_709 = arith.constant 2 : i32
      %add3A_710 = arith.addi %mul3A_708, %add3A_709 : i32
      %mul3A_711 = arith.constant 10000 : i32
      %mul3A_712 = arith.muli %add3A, %mul3A_711 : i32
      %mul3A_713 = arith.constant 80 : i32
      %mul3A_714 = arith.muli %add3A_710, %mul3A_713 : i32
      %add3A_715 = arith.addi %mul3A_712, %mul3A_714 : i32
      %dma_start3A_716 = arith.constant 0 : i32
      %dma_start3A_717 = arith.constant 0 : i32
      %dma_start3A_718 = tpu.memref_slice %arg4[%dma_start3A_716, %dma_start3A_717] : memref<10000x128xf32, #tpu.memory_space<hbm>> -> memref<10000x128xf32, #tpu.memory_space<hbm>>
      tpu.enqueue_indirect_dma source(%dma_start3A_718 : memref<10000x128xf32, #tpu.memory_space<hbm>>) target(%arg18 : memref<80x128xf32, #tpu.memory_space<vmem>>) offsets(%arg14 : memref<80xi32, #tpu.memory_space<vmem>>) semaphore(%arg24 : memref<!tpu.dma_semaphore, #tpu.memory_space<semaphore_mem>>)
      %mul3A_719 = arith.constant 16 : i32
      %mul3A_720 = arith.muli %add3A_715, %mul3A_719 : i32
      %dma_start3A_721 = tpu.memref_slice %arg5[%mul3A_720] : memref<5120000xf32, #tpu.memory_space<hbm>> -> memref<1280xf32, #tpu.memory_space<hbm>>
      %dma_start3A_722 = tpu.memref_slice %arg5[%mul3A_720] : memref<5120000xf32, #tpu.memory_space<hbm>> -> memref<1280xf32, #tpu.memory_space<hbm>>
      tpu.enqueue_dma source(%dma_start3A_722 : memref<1280xf32, #tpu.memory_space<hbm>>) target(%arg22 : memref<1280xf32, #tpu.memory_space<vmem>>) target_semaphore(%arg24 : memref<!tpu.dma_semaphore, #tpu.memory_space<semaphore_mem>>)
      %dma_wait3A_723 = arith.constant 0 : i32
      %dma_wait3A_724 = arith.constant 0 : i32
      %dma_wait3A_725 = tpu.memref_slice %arg4[%dma_wait3A_723, %dma_wait3A_724] : memref<10000x128xf32, #tpu.memory_space<hbm>> -> memref<10000x128xf32, #tpu.memory_space<hbm>>
      tpu.wait_indirect_dma semaphore(%arg25 : memref<!tpu.dma_semaphore, #tpu.memory_space<semaphore_mem>>) src(%dma_wait3A_725 : memref<10000x128xf32, #tpu.memory_space<hbm>>) dst(%arg19 : memref<80x128xf32, #tpu.memory_space<vmem>>)
      %dma_wait3A_726 = arith.constant 0 : i32
      %dma_wait3A_727 = tpu.memref_slice %arg5[%dma_wait3A_726] : memref<5120000xf32, #tpu.memory_space<hbm>> -> memref<1280xf32, #tpu.memory_space<hbm>>
      %dma_wait3A_728 = arith.constant 0 : i32
      %dma_wait3A_729 = tpu.memref_slice %arg5[%dma_wait3A_728] : memref<5120000xf32, #tpu.memory_space<hbm>> -> memref<1280xf32, #tpu.memory_space<hbm>>
      tpu.wait_dma2 semaphore(%arg25 : memref<!tpu.dma_semaphore, #tpu.memory_space<semaphore_mem>>) src(%dma_wait3A_729 : memref<1280xf32, #tpu.memory_space<hbm>>) dst(%arg23 : memref<1280xf32, #tpu.memory_space<vmem>>)
      %scan3A_730 = arith.constant 0 : i32
      %scan3A_731 = arith.constant 0 : i32
      %scan3A_732 = arith.constant 80 : i32
      %scan3A_733 = arith.addi %scan3A_731, %scan3A_732 : i32
      %scan3A_734 = arith.constant 1 : i32
      %scan3A_735 = scf.for %scan3A_741 = %scan3A_731 to %scan3A_733 step %scan3A_734 iter_args(%scan3A_742 = %scan3A_730) -> (i32)  : i32 {
        %mul3A_743 = arith.constant 16 : i32
        %mul3A_744 = arith.muli %scan3A_741, %mul3A_743 : i32
        %get3A_745 = arith.index_cast %mul3A_744 : i32 to index
        %get3A_746 = tpu.vector_load %arg23[%get3A_745] {strides = array<i32>} : memref<1280xf32, #tpu.memory_space<vmem>>, vector<16xf32>,
        %get3A_747 = vector.shape_cast %get3A_746 : vector<16xf32> to vector<16xf32>
        %swap3A_748 = arith.index_cast %scan3A_741 : i32 to index
        %swap3A_749 = arith.constant 0 : index
        %swap3A_750 = tpu.vector_load %arg19[%swap3A_748, %swap3A_749] {strides = array<i32>} : memref<80x128xf32, #tpu.memory_space<vmem>>, vector<1x16xf32>,
        %swap3A_751 = vector.shape_cast %swap3A_750 : vector<1x16xf32> to vector<16xf32>
        %swap3A_752 = vector.shape_cast %get3A_747 : vector<16xf32> to vector<1x16xf32>
        tpu.vector_store %arg19[%swap3A_748, %swap3A_749], %swap3A_752 {strides = array<i32>} : memref<80x128xf32, #tpu.memory_space<vmem>>, vector<1x16xf32>,
        %scan3A_753 = arith.constant 0 : i32
        scf.yield %scan3A_753 : i32
      }
      %scan3A_736 = arith.constant 80 : i32
      %dma_start3A_737 = arith.constant 0 : i32
      %dma_start3A_738 = arith.constant 0 : i32
      %dma_start3A_739 = tpu.memref_slice %arg9[%dma_start3A_737, %dma_start3A_738] : memref<10240x128xf32, #tpu.memory_space<vmem_shared>> -> memref<10240x128xf32, #tpu.memory_space<vmem_shared>>
      tpu.enqueue_indirect_dma source(%arg19 : memref<80x128xf32, #tpu.memory_space<vmem>>) target(%dma_start3A_739 : memref<10240x128xf32, #tpu.memory_space<vmem_shared>>) offsets(%arg17 : memref<80xi32, #tpu.memory_space<vmem>>) semaphore(%arg27 : memref<!tpu.dma_semaphore, #tpu.memory_space<semaphore_mem>>) {add = true}
      %scan3A_740 = arith.constant 0 : i32
      scf.yield %scan3A_740 : i32
    }
    %scan3A_390 = arith.constant 62 : i32
    %dma_wait3A_391 = arith.constant 0 : i32
    %dma_wait3A_392 = arith.constant 0 : i32
    %dma_wait3A_393 = tpu.memref_slice %arg9[%dma_wait3A_391, %dma_wait3A_392] : memref<10240x128xf32, #tpu.memory_space<vmem_shared>> -> memref<10240x128xf32, #tpu.memory_space<vmem_shared>>
    tpu.wait_indirect_dma semaphore(%arg27 : memref<!tpu.dma_semaphore, #tpu.memory_space<semaphore_mem>>) src(%arg19 : memref<80x128xf32, #tpu.memory_space<vmem>>) dst(%dma_wait3A_393 : memref<10240x128xf32, #tpu.memory_space<vmem_shared>>)
    %dma_wait3A_394 = arith.constant 0 : i32
    %dma_wait3A_395 = arith.constant 0 : i32
    %dma_wait3A_396 = tpu.memref_slice %arg4[%dma_wait3A_394, %dma_wait3A_395] : memref<10000x128xf32, #tpu.memory_space<hbm>> -> memref<10000x128xf32, #tpu.memory_space<hbm>>
    tpu.wait_indirect_dma semaphore(%arg24 : memref<!tpu.dma_semaphore, #tpu.memory_space<semaphore_mem>>) src(%dma_wait3A_396 : memref<10000x128xf32, #tpu.memory_space<hbm>>) dst(%arg18 : memref<80x128xf32, #tpu.memory_space<vmem>>)
    %dma_wait3A_397 = arith.constant 0 : i32
    %dma_wait3A_398 = tpu.memref_slice %arg5[%dma_wait3A_397] : memref<5120000xf32, #tpu.memory_space<hbm>> -> memref<1280xf32, #tpu.memory_space<hbm>>
    %dma_wait3A_399 = arith.constant 0 : i32
    %dma_wait3A_400 = tpu.memref_slice %arg5[%dma_wait3A_399] : memref<5120000xf32, #tpu.memory_space<hbm>> -> memref<1280xf32, #tpu.memory_space<hbm>>
    tpu.wait_dma2 semaphore(%arg24 : memref<!tpu.dma_semaphore, #tpu.memory_space<semaphore_mem>>) src(%dma_wait3A_400 : memref<1280xf32, #tpu.memory_space<hbm>>) dst(%arg22 : memref<1280xf32, #tpu.memory_space<vmem>>)
    %scan3A_401 = arith.constant 0 : i32
    %scan3A_402 = arith.constant 0 : i32
    %scan3A_403 = arith.constant 80 : i32
    %scan3A_404 = arith.addi %scan3A_402, %scan3A_403 : i32
    %scan3A_405 = arith.constant 1 : i32
    %scan3A_406 = scf.for %scan3A_435 = %scan3A_402 to %scan3A_404 step %scan3A_405 iter_args(%scan3A_436 = %scan3A_401) -> (i32)  : i32 {
      %mul3A_437 = arith.constant 16 : i32
      %mul3A_438 = arith.muli %scan3A_435, %mul3A_437 : i32
      %get3A_439 = arith.index_cast %mul3A_438 : i32 to index
      %get3A_440 = tpu.vector_load %arg22[%get3A_439] {strides = array<i32>} : memref<1280xf32, #tpu.memory_space<vmem>>, vector<16xf32>,
      %get3A_441 = vector.shape_cast %get3A_440 : vector<16xf32> to vector<16xf32>
      %swap3A_442 = arith.index_cast %scan3A_435 : i32 to index
      %swap3A_443 = arith.constant 0 : index
      %swap3A_444 = tpu.vector_load %arg18[%swap3A_442, %swap3A_443] {strides = array<i32>} : memref<80x128xf32, #tpu.memory_space<vmem>>, vector<1x16xf32>,
      %swap3A_445 = vector.shape_cast %swap3A_444 : vector<1x16xf32> to vector<16xf32>
      %swap3A_446 = vector.shape_cast %get3A_441 : vector<16xf32> to vector<1x16xf32>
      tpu.vector_store %arg18[%swap3A_442, %swap3A_443], %swap3A_446 {strides = array<i32>} : memref<80x128xf32, #tpu.memory_space<vmem>>, vector<1x16xf32>,
      %scan3A_447 = arith.constant 0 : i32
      scf.yield %scan3A_447 : i32
    }
    %scan3A_407 = arith.constant 80 : i32
    %dma_start3A_408 = arith.constant 0 : i32
    %dma_start3A_409 = arith.constant 0 : i32
    %dma_start3A_410 = tpu.memref_slice %arg9[%dma_start3A_408, %dma_start3A_409] : memref<10240x128xf32, #tpu.memory_space<vmem_shared>> -> memref<10240x128xf32, #tpu.memory_space<vmem_shared>>
    tpu.enqueue_indirect_dma source(%arg18 : memref<80x128xf32, #tpu.memory_space<vmem>>) target(%dma_start3A_410 : memref<10240x128xf32, #tpu.memory_space<vmem_shared>>) offsets(%arg16 : memref<80xi32, #tpu.memory_space<vmem>>) semaphore(%arg26 : memref<!tpu.dma_semaphore, #tpu.memory_space<semaphore_mem>>) {add = true}
    %dma_wait3A_411 = arith.constant 0 : i32
    %dma_wait3A_412 = arith.constant 0 : i32
    %dma_wait3A_413 = tpu.memref_slice %arg9[%dma_wait3A_411, %dma_wait3A_412] : memref<10240x128xf32, #tpu.memory_space<vmem_shared>> -> memref<10240x128xf32, #tpu.memory_space<vmem_shared>>
    tpu.wait_indirect_dma semaphore(%arg26 : memref<!tpu.dma_semaphore, #tpu.memory_space<semaphore_mem>>) src(%arg18 : memref<80x128xf32, #tpu.memory_space<vmem>>) dst(%dma_wait3A_413 : memref<10240x128xf32, #tpu.memory_space<vmem_shared>>)
    %barrier3A_414 = arith.constant 0 : index
    tpu.barrier barrier_id(%barrier3A_414)
    %mul3A_415 = arith.constant 640 : i32
    %mul3A_416 = arith.muli %arg1, %mul3A_415 : i32
    %add3A_417 = arith.constant 0 : i32
    %add3A_418 = arith.addi %mul3A_416, %add3A_417 : i32
    "tpu.region"() ({
      %run_scoped3A = tpu.sem_alloc : memref<!tpu.dma_semaphore, #tpu.memory_space<semaphore_mem>>
      %dma_start3A_435 = arith.constant 0 : i32
      %dma_start3A_436 = tpu.memref_slice %arg8[%arg0, %add3A_418, %dma_start3A_435] : memref<2x10240x128xf32, #tpu.memory_space<hbm>> -> memref<1x128x128xf32, #tpu.memory_space<hbm>>
      %dma_start3A_437 = tpu.memref_squeeze %dma_start3A_436 : memref<1x128x128xf32, #tpu.memory_space<hbm>> -> memref<128x128xf32, #tpu.memory_space<hbm>>
      %dma_start3A_438 = arith.constant 0 : i32
      %dma_start3A_439 = tpu.memref_slice %arg9[%add3A_418, %dma_start3A_438] : memref<10240x128xf32, #tpu.memory_space<vmem_shared>> -> memref<128x128xf32, #tpu.memory_space<vmem_shared>>
      tpu.enqueue_dma source(%dma_start3A_439 : memref<128x128xf32, #tpu.memory_space<vmem_shared>>) target(%dma_start3A_437 : memref<128x128xf32, #tpu.memory_space<hbm>>) target_semaphore(%run_scoped3A : memref<!tpu.dma_semaphore, #tpu.memory_space<semaphore_mem>>)
      %dma_wait3A_440 = arith.constant 0 : i32
      %dma_wait3A_441 = tpu.memref_slice %arg8[%arg0, %add3A_418, %dma_wait3A_440] : memref<2x10240x128xf32, #tpu.memory_space<hbm>> -> memref<1x128x128xf32, #tpu.memory_space<hbm>>
      %dma_wait3A_442 = tpu.memref_squeeze %dma_wait3A_441 : memref<1x128x128xf32, #tpu.memory_space<hbm>> -> memref<128x128xf32, #tpu.memory_space<hbm>>
      %dma_wait3A_443 = arith.constant 0 : i32
      %dma_wait3A_444 = tpu.memref_slice %arg9[%add3A_418, %dma_wait3A_443] : memref<10240x128xf32, #tpu.memory_space<vmem_shared>> -> memref<128x128xf32, #tpu.memory_space<vmem_shared>>
      tpu.wait_dma2 semaphore(%run_scoped3A : memref<!tpu.dma_semaphore, #tpu.memory_space<semaphore_mem>>) src(%dma_wait3A_444 : memref<128x128xf32, #tpu.memory_space<vmem_shared>>) dst(%dma_wait3A_442 : memref<128x128xf32, #tpu.memory_space<hbm>>)
      tpu.yield
    }) : () -> ()
    %mul3A_419 = arith.constant 640 : i32
    %mul3A_420 = arith.muli %arg1, %mul3A_419 : i32
    %add3A_421 = arith.constant 128 : i32
    %add3A_422 = arith.addi %mul3A_420, %add3A_421 : i32
    "tpu.region"() ({
      %run_scoped3A = tpu.sem_alloc : memref<!tpu.dma_semaphore, #tpu.memory_space<semaphore_mem>>
      %dma_start3A_435 = arith.constant 0 : i32
      %dma_start3A_436 = tpu.memref_slice %arg8[%arg0, %add3A_422, %dma_start3A_435] : memref<2x10240x128xf32, #tpu.memory_space<hbm>> -> memref<1x128x128xf32, #tpu.memory_space<hbm>>
      %dma_start3A_437 = tpu.memref_squeeze %dma_start3A_436 : memref<1x128x128xf32, #tpu.memory_space<hbm>> -> memref<128x128xf32, #tpu.memory_space<hbm>>
      %dma_start3A_438 = arith.constant 0 : i32
      %dma_start3A_439 = tpu.memref_slice %arg9[%add3A_422, %dma_start3A_438] : memref<10240x128xf32, #tpu.memory_space<vmem_shared>> -> memref<128x128xf32, #tpu.memory_space<vmem_shared>>
      tpu.enqueue_dma source(%dma_start3A_439 : memref<128x128xf32, #tpu.memory_space<vmem_shared>>) target(%dma_start3A_437 : memref<128x128xf32, #tpu.memory_space<hbm>>) target_semaphore(%run_scoped3A : memref<!tpu.dma_semaphore, #tpu.memory_space<semaphore_mem>>)
      %dma_wait3A_440 = arith.constant 0 : i32
      %dma_wait3A_441 = tpu.memref_slice %arg8[%arg0, %add3A_422, %dma_wait3A_440] : memref<2x10240x128xf32, #tpu.memory_space<hbm>> -> memref<1x128x128xf32, #tpu.memory_space<hbm>>
      %dma_wait3A_442 = tpu.memref_squeeze %dma_wait3A_441 : memref<1x128x128xf32, #tpu.memory_space<hbm>> -> memref<128x128xf32, #tpu.memory_space<hbm>>
      %dma_wait3A_443 = arith.constant 0 : i32
      %dma_wait3A_444 = tpu.memref_slice %arg9[%add3A_422, %dma_wait3A_443] : memref<10240x128xf32, #tpu.memory_space<vmem_shared>> -> memref<128x128xf32, #tpu.memory_space<vmem_shared>>
      tpu.wait_dma2 semaphore(%run_scoped3A : memref<!tpu.dma_semaphore, #tpu.memory_space<semaphore_mem>>) src(%dma_wait3A_444 : memref<128x128xf32, #tpu.memory_space<vmem_shared>>) dst(%dma_wait3A_442 : memref<128x128xf32, #tpu.memory_space<hbm>>)
      tpu.yield
    }) : () -> ()
    %mul3A_423 = arith.constant 640 : i32
    %mul3A_424 = arith.muli %arg1, %mul3A_423 : i32
    %add3A_425 = arith.constant 256 : i32
    %add3A_426 = arith.addi %mul3A_424, %add3A_425 : i32
    "tpu.region"() ({
      %run_scoped3A = tpu.sem_alloc : memref<!tpu.dma_semaphore, #tpu.memory_space<semaphore_mem>>
      %dma_start3A_435 = arith.constant 0 : i32
      %dma_start3A_436 = tpu.memref_slice %arg8[%arg0, %add3A_426, %dma_start3A_435] : memref<2x10240x128xf32, #tpu.memory_space<hbm>> -> memref<1x128x128xf32, #tpu.memory_space<hbm>>
      %dma_start3A_437 = tpu.memref_squeeze %dma_start3A_436 : memref<1x128x128xf32, #tpu.memory_space<hbm>> -> memref<128x128xf32, #tpu.memory_space<hbm>>
      %dma_start3A_438 = arith.constant 0 : i32
      %dma_start3A_439 = tpu.memref_slice %arg9[%add3A_426, %dma_start3A_438] : memref<10240x128xf32, #tpu.memory_space<vmem_shared>> -> memref<128x128xf32, #tpu.memory_space<vmem_shared>>
      tpu.enqueue_dma source(%dma_start3A_439 : memref<128x128xf32, #tpu.memory_space<vmem_shared>>) target(%dma_start3A_437 : memref<128x128xf32, #tpu.memory_space<hbm>>) target_semaphore(%run_scoped3A : memref<!tpu.dma_semaphore, #tpu.memory_space<semaphore_mem>>)
      %dma_wait3A_440 = arith.constant 0 : i32
      %dma_wait3A_441 = tpu.memref_slice %arg8[%arg0, %add3A_426, %dma_wait3A_440] : memref<2x10240x128xf32, #tpu.memory_space<hbm>> -> memref<1x128x128xf32, #tpu.memory_space<hbm>>
      %dma_wait3A_442 = tpu.memref_squeeze %dma_wait3A_441 : memref<1x128x128xf32, #tpu.memory_space<hbm>> -> memref<128x128xf32, #tpu.memory_space<hbm>>
      %dma_wait3A_443 = arith.constant 0 : i32
      %dma_wait3A_444 = tpu.memref_slice %arg9[%add3A_426, %dma_wait3A_443] : memref<10240x128xf32, #tpu.memory_space<vmem_shared>> -> memref<128x128xf32, #tpu.memory_space<vmem_shared>>
      tpu.wait_dma2 semaphore(%run_scoped3A : memref<!tpu.dma_semaphore, #tpu.memory_space<semaphore_mem>>) src(%dma_wait3A_444 : memref<128x128xf32, #tpu.memory_space<vmem_shared>>) dst(%dma_wait3A_442 : memref<128x128xf32, #tpu.memory_space<hbm>>)
      tpu.yield
    }) : () -> ()
    %mul3A_427 = arith.constant 640 : i32
    %mul3A_428 = arith.muli %arg1, %mul3A_427 : i32
    %add3A_429 = arith.constant 384 : i32
    %add3A_430 = arith.addi %mul3A_428, %add3A_429 : i32
    "tpu.region"() ({
      %run_scoped3A = tpu.sem_alloc : memref<!tpu.dma_semaphore, #tpu.memory_space<semaphore_mem>>
      %dma_start3A_435 = arith.constant 0 : i32
      %dma_start3A_436 = tpu.memref_slice %arg8[%arg0, %add3A_430, %dma_start3A_435] : memref<2x10240x128xf32, #tpu.memory_space<hbm>> -> memref<1x128x128xf32, #tpu.memory_space<hbm>>
      %dma_start3A_437 = tpu.memref_squeeze %dma_start3A_436 : memref<1x128x128xf32, #tpu.memory_space<hbm>> -> memref<128x128xf32, #tpu.memory_space<hbm>>
      %dma_start3A_438 = arith.constant 0 : i32
      %dma_start3A_439 = tpu.memref_slice %arg9[%add3A_430, %dma_start3A_438] : memref<10240x128xf32, #tpu.memory_space<vmem_shared>> -> memref<128x128xf32, #tpu.memory_space<vmem_shared>>
      tpu.enqueue_dma source(%dma_start3A_439 : memref<128x128xf32, #tpu.memory_space<vmem_shared>>) target(%dma_start3A_437 : memref<128x128xf32, #tpu.memory_space<hbm>>) target_semaphore(%run_scoped3A : memref<!tpu.dma_semaphore, #tpu.memory_space<semaphore_mem>>)
      %dma_wait3A_440 = arith.constant 0 : i32
      %dma_wait3A_441 = tpu.memref_slice %arg8[%arg0, %add3A_430, %dma_wait3A_440] : memref<2x10240x128xf32, #tpu.memory_space<hbm>> -> memref<1x128x128xf32, #tpu.memory_space<hbm>>
      %dma_wait3A_442 = tpu.memref_squeeze %dma_wait3A_441 : memref<1x128x128xf32, #tpu.memory_space<hbm>> -> memref<128x128xf32, #tpu.memory_space<hbm>>
      %dma_wait3A_443 = arith.constant 0 : i32
      %dma_wait3A_444 = tpu.memref_slice %arg9[%add3A_430, %dma_wait3A_443] : memref<10240x128xf32, #tpu.memory_space<vmem_shared>> -> memref<128x128xf32, #tpu.memory_space<vmem_shared>>
      tpu.wait_dma2 semaphore(%run_scoped3A : memref<!tpu.dma_semaphore, #tpu.memory_space<semaphore_mem>>) src(%dma_wait3A_444 : memref<128x128xf32, #tpu.memory_space<vmem_shared>>) dst(%dma_wait3A_442 : memref<128x128xf32, #tpu.memory_space<hbm>>)
      tpu.yield
    }) : () -> ()
    %mul3A_431 = arith.constant 640 : i32
    %mul3A_432 = arith.muli %arg1, %mul3A_431 : i32
    %add3A_433 = arith.constant 512 : i32
    %add3A_434 = arith.addi %mul3A_432, %add3A_433 : i32
    "tpu.region"() ({
      %run_scoped3A = tpu.sem_alloc : memref<!tpu.dma_semaphore, #tpu.memory_space<semaphore_mem>>
      %dma_start3A_435 = arith.constant 0 : i32
      %dma_start3A_436 = tpu.memref_slice %arg8[%arg0, %add3A_434, %dma_start3A_435] : memref<2x10240x128xf32, #tpu.memory_space<hbm>> -> memref<1x128x128xf32, #tpu.memory_space<hbm>>
      %dma_start3A_437 = tpu.memref_squeeze %dma_start3A_436 : memref<1x128x128xf32, #tpu.memory_space<hbm>> -> memref<128x128xf32, #tpu.memory_space<hbm>>
      %dma_start3A_438 = arith.constant 0 : i32
      %dma_start3A_439 = tpu.memref_slice %arg9[%add3A_434, %dma_start3A_438] : memref<10240x128xf32, #tpu.memory_space<vmem_shared>> -> memref<128x128xf32, #tpu.memory_space<vmem_shared>>
      tpu.enqueue_dma source(%dma_start3A_439 : memref<128x128xf32, #tpu.memory_space<vmem_shared>>) target(%dma_start3A_437 : memref<128x128xf32, #tpu.memory_space<hbm>>) target_semaphore(%run_scoped3A : memref<!tpu.dma_semaphore, #tpu.memory_space<semaphore_mem>>)
      %dma_wait3A_440 = arith.constant 0 : i32
      %dma_wait3A_441 = tpu.memref_slice %arg8[%arg0, %add3A_434, %dma_wait3A_440] : memref<2x10240x128xf32, #tpu.memory_space<hbm>> -> memref<1x128x128xf32, #tpu.memory_space<hbm>>
      %dma_wait3A_442 = tpu.memref_squeeze %dma_wait3A_441 : memref<1x128x128xf32, #tpu.memory_space<hbm>> -> memref<128x128xf32, #tpu.memory_space<hbm>>
      %dma_wait3A_443 = arith.constant 0 : i32
      %dma_wait3A_444 = tpu.memref_slice %arg9[%add3A_434, %dma_wait3A_443] : memref<10240x128xf32, #tpu.memory_space<vmem_shared>> -> memref<128x128xf32, #tpu.memory_space<vmem_shared>>
      tpu.wait_dma2 semaphore(%run_scoped3A : memref<!tpu.dma_semaphore, #tpu.memory_space<semaphore_mem>>) src(%dma_wait3A_444 : memref<128x128xf32, #tpu.memory_space<vmem_shared>>) dst(%dma_wait3A_442 : memref<128x128xf32, #tpu.memory_space<hbm>>)
      tpu.yield
    }) : () -> ()
    return
  }
}

module attributes {stable_mosaic.version = 14 : i64} {
  func.func @_k2_body(%arg0: i32, %arg1: memref<1000x128xf32, #tpu.memory_space<vmem>>, %arg2: memref<1000x16xf32, #tpu.memory_space<vmem>>, %arg3: memref<128x272xf32, #tpu.memory_space<vmem>>, %arg4: memref<128xf32, #tpu.memory_space<vmem>>, %arg5: memref<128x144xf32, #tpu.memory_space<vmem>>, %arg6: memref<128xf32, #tpu.memory_space<vmem>>, %arg7: memref<1000x128xf32, #tpu.memory_space<vmem>>, %arg8: memref<1000x128xf32, #tpu.memory_space<vmem>>, %arg9: memref<1000x128xf32, #tpu.memory_space<vmem>>, %arg10: memref<1000x128xf32, #tpu.memory_space<vmem>>, %arg11: memref<1000x128xf32, #tpu.memory_space<vmem>>, %arg12: memref<1000x128xf32, #tpu.memory_space<vmem>>) attributes {dimension_semantics = [#tpu.dimension_semantics<arbitrary>], iteration_bounds = array<i64: 10>, scalar_prefetch = 0 : i64, scratch_operands = 0 : i64, tpu.core_type = #tpu.core_type<tc>, window_params = [{transform_indices = @transform_0, window_bounds = array<i64: 1000, 128>}, {transform_indices = @transform_1, window_bounds = array<i64: 1000, 16>}, {pipeline_mode = #tpu.pipeline_mode<synchronous>, transform_indices = @transform_2, window_bounds = array<i64: 128, 272>}, {pipeline_mode = #tpu.pipeline_mode<synchronous>, transform_indices = @transform_3, window_bounds = array<i64: 128>}, {pipeline_mode = #tpu.pipeline_mode<synchronous>, transform_indices = @transform_4, window_bounds = array<i64: 128, 144>}, {pipeline_mode = #tpu.pipeline_mode<synchronous>, transform_indices = @transform_5, window_bounds = array<i64: 128>}, {transform_indices = @transform_6, window_bounds = array<i64: 1000, 128>}, {transform_indices = @transform_7, window_bounds = array<i64: 1000, 128>}, {transform_indices = @transform_8, window_bounds = array<i64: 1000, 128>}, {transform_indices = @transform_9, window_bounds = array<i64: 1000, 128>}, {transform_indices = @transform_10, window_bounds = array<i64: 1000, 128>}, {transform_indices = @transform_11, window_bounds = array<i64: 1000, 128>}]} {
    %get3A = arith.constant 0 : index
    %get3A_0 = arith.constant 0 : index
    %get3A_1 = vector.load %arg1[%get3A, %get3A_0] : memref<1000x128xf32, #tpu.memory_space<vmem>>, vector<1000x128xf32>
    %get3A_2 = arith.constant 0 : index
    %get3A_3 = arith.constant 0 : index
    %get3A_4 = vector.load %arg2[%get3A_2, %get3A_3] : memref<1000x16xf32, #tpu.memory_space<vmem>>, vector<1000x16xf32>
    %get3A_5 = arith.constant 0 : index
    %get3A_6 = arith.constant 0 : index
    %get3A_7 = vector.load %arg3[%get3A_5, %get3A_6] : memref<128x272xf32, #tpu.memory_space<vmem>>, vector<128x272xf32>
    %slice3A = vector.extract_strided_slice %get3A_7 {offsets = [0, 0], sizes = [128, 128], strides = [1, 1]} : vector<128x272xf32> to vector<128x128xf32>
    %slice3A_8 = vector.extract_strided_slice %get3A_7 {offsets = [0, 128], sizes = [128, 128], strides = [1, 1]} : vector<128x272xf32> to vector<128x128xf32>
    %slice3A_9 = vector.extract_strided_slice %get3A_7 {offsets = [0, 256], sizes = [128, 16], strides = [1, 1]} : vector<128x272xf32> to vector<128x16xf32>
    %get3A_10 = arith.constant 0 : index
    %get3A_11 = arith.constant 0 : index
    %get3A_12 = vector.load %arg5[%get3A_10, %get3A_11] : memref<128x144xf32, #tpu.memory_space<vmem>>, vector<128x144xf32>
    %slice3A_13 = vector.extract_strided_slice %get3A_12 {offsets = [0, 0], sizes = [128, 128], strides = [1, 1]} : vector<128x144xf32> to vector<128x128xf32>
    %slice3A_14 = vector.extract_strided_slice %get3A_12 {offsets = [0, 128], sizes = [128, 16], strides = [1, 1]} : vector<128x144xf32> to vector<128x16xf32>
    %transpose3A = tpu.transpose %slice3A, [1, 0] : vector<128x128xf32> -> vector<128x128xf32>
    %dot_general3A = arith.constant dense<0.000000e+00> : vector<1000x128xf32>
    %dot_general3A_15 = tpu.matmul %get3A_1, %transpose3A, %dot_general3A {dimension_numbers = #tpu.dot_dimension_numbers<[1], [0], [0], [1], [0, 0, 1, 1], [], []>, transpose_lhs_hint = false} : vector<1000x128xf32>, vector<128x128xf32>, vector<1000x128xf32> -> vector<1000x128xf32>
    %get3A_16 = arith.constant 0 : index
    %get3A_17 = vector.load %arg4[%get3A_16] : memref<128xf32, #tpu.memory_space<vmem>>, vector<128xf32>
    %broadcast_in_dim3A = vector.shape_cast %get3A_17 : vector<128xf32> to vector<1x128xf32>
    %add3A = vector.broadcast %broadcast_in_dim3A : vector<1x128xf32> to vector<1000x128xf32>
    %add3A_18 = arith.addf %dot_general3A_15, %add3A : vector<1000x128xf32>
    %swap3A = arith.constant 0 : index
    %swap3A_19 = arith.constant 0 : index
    %swap3A_20 = vector.load %arg7[%swap3A, %swap3A_19] : memref<1000x128xf32, #tpu.memory_space<vmem>>, vector<1000x128xf32>
    tpu.vector_store %arg7[%swap3A, %swap3A_19], %add3A_18 {strides = array<i32>} : memref<1000x128xf32, #tpu.memory_space<vmem>>, vector<1000x128xf32>,
    %transpose3A_21 = tpu.transpose %slice3A_8, [1, 0] : vector<128x128xf32> -> vector<128x128xf32>
    %dot_general3A_22 = arith.constant dense<0.000000e+00> : vector<1000x128xf32>
    %dot_general3A_23 = tpu.matmul %get3A_1, %transpose3A_21, %dot_general3A_22 {dimension_numbers = #tpu.dot_dimension_numbers<[1], [0], [0], [1], [0, 0, 1, 1], [], []>, transpose_lhs_hint = false} : vector<1000x128xf32>, vector<128x128xf32>, vector<1000x128xf32> -> vector<1000x128xf32>
    %swap3A_24 = arith.constant 0 : index
    %swap3A_25 = arith.constant 0 : index
    %swap3A_26 = vector.load %arg8[%swap3A_24, %swap3A_25] : memref<1000x128xf32, #tpu.memory_space<vmem>>, vector<1000x128xf32>
    tpu.vector_store %arg8[%swap3A_24, %swap3A_25], %dot_general3A_23 {strides = array<i32>} : memref<1000x128xf32, #tpu.memory_space<vmem>>, vector<1000x128xf32>,
    %transpose3A_27 = tpu.transpose %slice3A_9, [1, 0] : vector<128x16xf32> -> vector<16x128xf32>
    %dot_general3A_28 = arith.constant dense<0.000000e+00> : vector<1000x128xf32>
    %dot_general3A_29 = tpu.matmul %get3A_4, %transpose3A_27, %dot_general3A_28 {dimension_numbers = #tpu.dot_dimension_numbers<[1], [0], [0], [1], [0, 0, 1, 1], [], []>, transpose_lhs_hint = false} : vector<1000x16xf32>, vector<16x128xf32>, vector<1000x128xf32> -> vector<1000x128xf32>
    %swap3A_30 = arith.constant 0 : index
    %swap3A_31 = arith.constant 0 : index
    %swap3A_32 = vector.load %arg9[%swap3A_30, %swap3A_31] : memref<1000x128xf32, #tpu.memory_space<vmem>>, vector<1000x128xf32>
    tpu.vector_store %arg9[%swap3A_30, %swap3A_31], %dot_general3A_29 {strides = array<i32>} : memref<1000x128xf32, #tpu.memory_space<vmem>>, vector<1000x128xf32>,
    %transpose3A_33 = tpu.transpose %slice3A_13, [1, 0] : vector<128x128xf32> -> vector<128x128xf32>
    %dot_general3A_34 = arith.constant dense<0.000000e+00> : vector<1000x128xf32>
    %dot_general3A_35 = tpu.matmul %get3A_1, %transpose3A_33, %dot_general3A_34 {dimension_numbers = #tpu.dot_dimension_numbers<[1], [0], [0], [1], [0, 0, 1, 1], [], []>, transpose_lhs_hint = false} : vector<1000x128xf32>, vector<128x128xf32>, vector<1000x128xf32> -> vector<1000x128xf32>
    %get3A_36 = arith.constant 0 : index
    %get3A_37 = vector.load %arg6[%get3A_36] : memref<128xf32, #tpu.memory_space<vmem>>, vector<128xf32>
    %broadcast_in_dim3A_38 = vector.shape_cast %get3A_37 : vector<128xf32> to vector<1x128xf32>
    %add3A_39 = vector.broadcast %broadcast_in_dim3A_38 : vector<1x128xf32> to vector<1000x128xf32>
    %add3A_40 = arith.addf %dot_general3A_35, %add3A_39 : vector<1000x128xf32>
    %swap3A_41 = arith.constant 0 : index
    %swap3A_42 = arith.constant 0 : index
    %swap3A_43 = vector.load %arg10[%swap3A_41, %swap3A_42] : memref<1000x128xf32, #tpu.memory_space<vmem>>, vector<1000x128xf32>
    tpu.vector_store %arg10[%swap3A_41, %swap3A_42], %add3A_40 {strides = array<i32>} : memref<1000x128xf32, #tpu.memory_space<vmem>>, vector<1000x128xf32>,
    %transpose3A_44 = tpu.transpose %slice3A_14, [1, 0] : vector<128x16xf32> -> vector<16x128xf32>
    %dot_general3A_45 = arith.constant dense<0.000000e+00> : vector<1000x128xf32>
    %dot_general3A_46 = tpu.matmul %get3A_4, %transpose3A_44, %dot_general3A_45 {dimension_numbers = #tpu.dot_dimension_numbers<[1], [0], [0], [1], [0, 0, 1, 1], [], []>, transpose_lhs_hint = false} : vector<1000x16xf32>, vector<16x128xf32>, vector<1000x128xf32> -> vector<1000x128xf32>
    %swap3A_47 = arith.constant 0 : index
    %swap3A_48 = arith.constant 0 : index
    %swap3A_49 = vector.load %arg11[%swap3A_47, %swap3A_48] : memref<1000x128xf32, #tpu.memory_space<vmem>>, vector<1000x128xf32>
    tpu.vector_store %arg11[%swap3A_47, %swap3A_48], %dot_general3A_46 {strides = array<i32>} : memref<1000x128xf32, #tpu.memory_space<vmem>>, vector<1000x128xf32>,
    %iota3A = tpu.iota {dimensions = array<i32: 1>} : vector<1000x128xi32>
    %broadcast_in_dim3A_50 = arith.constant 0.000000e+00 : f32
    %broadcast_in_dim3A_51 = vector.broadcast %broadcast_in_dim3A_50 : f32 to vector<1000x16xf32>
    %broadcast_in_dim3A_52 = arith.constant 0.000000e+00 : f32
    %broadcast_in_dim3A_53 = vector.broadcast %broadcast_in_dim3A_52 : f32 to vector<1000x96xf32>
    %concatenate3A = tpu.concatenate %broadcast_in_dim3A_51, %get3A_4, %broadcast_in_dim3A_53 in 1 : vector<1000x16xf32>, vector<1000x16xf32>, vector<1000x96xf32> -> vector<1000x128xf32>
    %eq3A = arith.constant 32 : i32
    %eq3A_54 = vector.broadcast %eq3A : i32 to vector<1000x128xi32>
    %eq3A_55 = arith.cmpi eq, %iota3A, %eq3A_54 : vector<1000x128xi32>
    %jit3A = arith.constant 1.000000e+00 : f32
    %broadcast_in_dim3A_56 = vector.broadcast %jit3A : f32 to vector<1000x128xf32>
    %select_n3A = arith.select %eq3A_55, %broadcast_in_dim3A_56, %concatenate3A : vector<1000x128xi1>, vector<1000x128xf32>
    %swap3A_57 = arith.constant 0 : index
    %swap3A_58 = arith.constant 0 : index
    %swap3A_59 = vector.load %arg12[%swap3A_57, %swap3A_58] : memref<1000x128xf32, #tpu.memory_space<vmem>>, vector<1000x128xf32>
    tpu.vector_store %arg12[%swap3A_57, %swap3A_58], %select_n3A {strides = array<i32>} : memref<1000x128xf32, #tpu.memory_space<vmem>>, vector<1000x128xf32>,
    return
  }
  func.func @transform_0(%arg0: i32) -> (i32, i32) {
    %c0_i32 = arith.constant 0 : i32
    %c0_i32_0 = arith.constant 0 : i32
    return %arg0, %c0_i32 : i32, i32
  }
  func.func @transform_1(%arg0: i32) -> (i32, i32) {
    %c0_i32 = arith.constant 0 : i32
    %c0_i32_0 = arith.constant 0 : i32
    return %arg0, %c0_i32 : i32, i32
  }
  func.func @transform_2(%arg0: i32) -> (i32, i32) {
    %c0_i32 = arith.constant 0 : i32
    %c0_i32_0 = arith.constant 0 : i32
    %c0_i32_1 = arith.constant 0 : i32
    return %c0_i32, %c0_i32_0 : i32, i32
  }
  func.func @transform_3(%arg0: i32) -> i32 {
    %c0_i32 = arith.constant 0 : i32
    %c0_i32_0 = arith.constant 0 : i32
    return %c0_i32 : i32
  }
  func.func @transform_4(%arg0: i32) -> (i32, i32) {
    %c0_i32 = arith.constant 0 : i32
    %c0_i32_0 = arith.constant 0 : i32
    %c0_i32_1 = arith.constant 0 : i32
    return %c0_i32, %c0_i32_0 : i32, i32
  }
  func.func @transform_5(%arg0: i32) -> i32 {
    %c0_i32 = arith.constant 0 : i32
    %c0_i32_0 = arith.constant 0 : i32
    return %c0_i32 : i32
  }
  func.func @transform_6(%arg0: i32) -> (i32, i32) {
    %c0_i32 = arith.constant 0 : i32
    %c0_i32_0 = arith.constant 0 : i32
    return %arg0, %c0_i32 : i32, i32
  }
  func.func @transform_7(%arg0: i32) -> (i32, i32) {
    %c0_i32 = arith.constant 0 : i32
    %c0_i32_0 = arith.constant 0 : i32
    return %arg0, %c0_i32 : i32, i32
  }
  func.func @transform_8(%arg0: i32) -> (i32, i32) {
    %c0_i32 = arith.constant 0 : i32
    %c0_i32_0 = arith.constant 0 : i32
    return %arg0, %c0_i32 : i32, i32
  }
  func.func @transform_9(%arg0: i32) -> (i32, i32) {
    %c0_i32 = arith.constant 0 : i32
    %c0_i32_0 = arith.constant 0 : i32
    return %arg0, %c0_i32 : i32, i32
  }
  func.func @transform_10(%arg0: i32) -> (i32, i32) {
    %c0_i32 = arith.constant 0 : i32
    %c0_i32_0 = arith.constant 0 : i32
    return %arg0, %c0_i32 : i32, i32
  }
  func.func @transform_11(%arg0: i32) -> (i32, i32) {
    %c0_i32 = arith.constant 0 : i32
    %c0_i32_0 = arith.constant 0 : i32
    return %arg0, %c0_i32 : i32, i32
  }
}

module attributes {stable_mosaic.version = 14 : i64} {
  func.func @_k4_body(%arg0: i32, %arg1: memref<2000x128xf32, #tpu.memory_space<vmem>>, %arg2: memref<128xf32, #tpu.memory_space<vmem>>, %arg3: memref<2000x16xf32, #tpu.memory_space<vmem>>) attributes {dimension_semantics = [#tpu.dimension_semantics<arbitrary>], iteration_bounds = array<i64: 160>, scalar_prefetch = 0 : i64, scratch_operands = 0 : i64, tpu.core_type = #tpu.core_type<tc>, window_params = [{transform_indices = @transform_0, window_bounds = array<i64: 2000, 128>}, {pipeline_mode = #tpu.pipeline_mode<synchronous>, transform_indices = @transform_1, window_bounds = array<i64: 128>}, {transform_indices = @transform_2, window_bounds = array<i64: 2000, 16>}]} {
    %get3A = arith.constant 0 : index
    %get3A_0 = vector.load %arg2[%get3A] : memref<128xf32, #tpu.memory_space<vmem>>, vector<128xf32>
    %iota3A = tpu.iota {dimensions = array<i32: 0>} : vector<128x16xi32>
    %jit3A = arith.constant 16 : i32
    %div3A = vector.broadcast %jit3A : i32 to vector<128x16xi32>
    %div3A_1 = arith.divsi %iota3A, %div3A : vector<128x16xi32>
    %sign3A = arith.constant 0 : i32
    %sign3A_2 = vector.broadcast %sign3A : i32 to vector<128x16xi32>
    %sign3A_3 = arith.cmpi sgt, %iota3A, %sign3A_2 : vector<128x16xi32>
    %sign3A_4 = arith.extui %sign3A_3 : vector<128x16xi1> to vector<128x16xi32>
    %sign3A_5 = arith.constant 0 : i32
    %sign3A_6 = vector.broadcast %sign3A_5 : i32 to vector<128x16xi32>
    %sign3A_7 = arith.cmpi slt, %iota3A, %sign3A_6 : vector<128x16xi32>
    %sign3A_8 = arith.extui %sign3A_7 : vector<128x16xi1> to vector<128x16xi32>
    %sign3A_9 = arith.subi %sign3A_4, %sign3A_8 : vector<128x16xi32>
    %sign3A_10 = arith.constant 0 : i32
    %sign3A_11 = arith.cmpi sgt, %jit3A, %sign3A_10 : i32
    %sign3A_12 = arith.extui %sign3A_11 : i1 to i32
    %sign3A_13 = arith.constant 0 : i32
    %sign3A_14 = arith.cmpi slt, %jit3A, %sign3A_13 : i32
    %sign3A_15 = arith.extui %sign3A_14 : i1 to i32
    %sign3A_16 = arith.subi %sign3A_12, %sign3A_15 : i32
    %ne3A = vector.broadcast %sign3A_16 : i32 to vector<128x16xi32>
    %ne3A_17 = arith.cmpi ne, %sign3A_9, %ne3A : vector<128x16xi32>
    %rem3A = vector.broadcast %jit3A : i32 to vector<128x16xi32>
    %rem3A_18 = arith.remsi %iota3A, %rem3A : vector<128x16xi32>
    %ne3A_19 = arith.constant 0 : i32
    %ne3A_20 = vector.broadcast %ne3A_19 : i32 to vector<128x16xi32>
    %ne3A_21 = arith.cmpi ne, %rem3A_18, %ne3A_20 : vector<128x16xi32>
    %and3A = arith.andi %ne3A_17, %ne3A_21 : vector<128x16xi1>
    %sub3A = arith.constant 1 : i32
    %sub3A_22 = vector.broadcast %sub3A : i32 to vector<128x16xi32>
    %sub3A_23 = arith.subi %div3A_1, %sub3A_22 : vector<128x16xi32>
    %select_n3A = arith.select %and3A, %sub3A_23, %div3A_1 : vector<128x16xi1>, vector<128x16xi32>
    %iota3A_24 = tpu.iota {dimensions = array<i32: 1>} : vector<128x16xi32>
    %eq3A = arith.cmpi eq, %select_n3A, %iota3A_24 : vector<128x16xi32>
    %jit3A_25 = arith.constant 1.000000e+00 : f32
    %jit3A_26 = arith.constant 0.000000e+00 : f32
    %broadcast_in_dim3A = vector.broadcast %jit3A_25 : f32 to vector<128x16xf32>
    %broadcast_in_dim3A_27 = vector.broadcast %jit3A_26 : f32 to vector<128x16xf32>
    %select_n3A_28 = arith.select %eq3A, %broadcast_in_dim3A, %broadcast_in_dim3A_27 : vector<128x16xi1>, vector<128x16xf32>
    %abs3A = math.absf %get3A_0 : vector<128xf32>
    %broadcast_in_dim3A_29 = vector.shape_cast %abs3A : vector<128xf32> to vector<1x128xf32>
    %dot_general3A = arith.constant dense<0.000000e+00> : vector<1x16xf32>
    %dot_general3A_30 = tpu.matmul %broadcast_in_dim3A_29, %select_n3A_28, %dot_general3A {dimension_numbers = #tpu.dot_dimension_numbers<[1], [0], [0], [1], [0, 0, 1, 1], [], []>, transpose_lhs_hint = false} : vector<1x128xf32>, vector<128x16xf32>, vector<1x16xf32> -> vector<1x16xf32>
    %squeeze3A = vector.shape_cast %dot_general3A_30 : vector<1x16xf32> to vector<16xf32>
    %get3A_31 = arith.constant 0 : index
    %get3A_32 = arith.constant 0 : index
    %get3A_33 = vector.load %arg1[%get3A_31, %get3A_32] : memref<2000x128xf32, #tpu.memory_space<vmem>>, vector<2000x128xf32>
    %tanh3A = math.tanh %get3A_33 : vector<2000x128xf32>
    %broadcast_in_dim3A_34 = vector.shape_cast %get3A_0 : vector<128xf32> to vector<1x128xf32>
    %mul3A = vector.broadcast %broadcast_in_dim3A_34 : vector<1x128xf32> to vector<2000x128xf32>
    %mul3A_35 = arith.mulf %tanh3A, %mul3A : vector<2000x128xf32>
    %dot_general3A_36 = arith.constant dense<0.000000e+00> : vector<2000x16xf32>
    %dot_general3A_37 = tpu.matmul %mul3A_35, %select_n3A_28, %dot_general3A_36 {dimension_numbers = #tpu.dot_dimension_numbers<[1], [0], [0], [1], [0, 0, 1, 1], [], []>, transpose_lhs_hint = false} : vector<2000x128xf32>, vector<128x16xf32>, vector<2000x16xf32> -> vector<2000x16xf32>
    %broadcast_in_dim3A_38 = vector.shape_cast %squeeze3A : vector<16xf32> to vector<1x16xf32>
    %sub3A_39 = vector.broadcast %broadcast_in_dim3A_38 : vector<1x16xf32> to vector<2000x16xf32>
    %sub3A_40 = arith.subf %dot_general3A_37, %sub3A_39 : vector<2000x16xf32>
    %exp3A = math.exp %sub3A_40 : vector<2000x16xf32>
    %swap3A = arith.constant 0 : index
    %swap3A_41 = arith.constant 0 : index
    %swap3A_42 = vector.load %arg3[%swap3A, %swap3A_41] : memref<2000x16xf32, #tpu.memory_space<vmem>>, vector<2000x16xf32>
    tpu.vector_store %arg3[%swap3A, %swap3A_41], %exp3A {strides = array<i32>} : memref<2000x16xf32, #tpu.memory_space<vmem>>, vector<2000x16xf32>,
    return
  }
  func.func @transform_0(%arg0: i32) -> (i32, i32) {
    %c0_i32 = arith.constant 0 : i32
    %c0_i32_0 = arith.constant 0 : i32
    return %arg0, %c0_i32 : i32, i32
  }
  func.func @transform_1(%arg0: i32) -> i32 {
    %c0_i32 = arith.constant 0 : i32
    %c0_i32_0 = arith.constant 0 : i32
    return %c0_i32 : i32
  }
  func.func @transform_2(%arg0: i32) -> (i32, i32) {
    %c0_i32 = arith.constant 0 : i32
    %c0_i32_0 = arith.constant 0 : i32
    return %arg0, %c0_i32 : i32, i32
  }
}

module attributes {stable_mosaic.version = 14 : i64} {
  func.func @_k8_body(%arg0: i32, %arg1: memref<2x1000x128xf32, #tpu.memory_space<vmem>>, %arg2: memref<2x1000x128xf32, #tpu.memory_space<vmem>>, %arg3: memref<1000x128xf32, #tpu.memory_space<vmem>>, %arg4: memref<1000x128xf32, #tpu.memory_space<vmem>>, %arg5: memref<1000x128xf32, #tpu.memory_space<vmem>>, %arg6: memref<128x272xf32, #tpu.memory_space<vmem>>, %arg7: memref<128x144xf32, #tpu.memory_space<vmem>>, %arg8: memref<128xf32, #tpu.memory_space<vmem>>, %arg9: memref<1000x128xf32, #tpu.memory_space<vmem>>) attributes {dimension_semantics = [#tpu.dimension_semantics<arbitrary>], iteration_bounds = array<i64: 10>, scalar_prefetch = 0 : i64, scratch_operands = 0 : i64, tpu.core_type = #tpu.core_type<tc>, window_params = [{transform_indices = @transform_0, window_bounds = array<i64: 2, 1000, 128>}, {transform_indices = @transform_1, window_bounds = array<i64: 2, 1000, 128>}, {transform_indices = @transform_2, window_bounds = array<i64: 1000, 128>}, {transform_indices = @transform_3, window_bounds = array<i64: 1000, 128>}, {transform_indices = @transform_4, window_bounds = array<i64: 1000, 128>}, {pipeline_mode = #tpu.pipeline_mode<synchronous>, transform_indices = @transform_5, window_bounds = array<i64: 128, 272>}, {pipeline_mode = #tpu.pipeline_mode<synchronous>, transform_indices = @transform_6, window_bounds = array<i64: 128, 144>}, {pipeline_mode = #tpu.pipeline_mode<synchronous>, transform_indices = @transform_7, window_bounds = array<i64: 128>}, {transform_indices = @transform_8, window_bounds = array<i64: 1000, 128>}]} {
    %get3A = arith.constant 0 : index
    %get3A_0 = arith.constant 0 : index
    %get3A_1 = arith.constant 0 : index
    %get3A_2 = vector.load %arg1[%get3A, %get3A_0, %get3A_1] : memref<2x1000x128xf32, #tpu.memory_space<vmem>>, vector<1x1000x128xf32>
    %get3A_3 = vector.shape_cast %get3A_2 : vector<1x1000x128xf32> to vector<1000x128xf32>
    %get3A_4 = arith.constant 1 : index
    %get3A_5 = arith.constant 0 : index
    %get3A_6 = arith.constant 0 : index
    %get3A_7 = vector.load %arg1[%get3A_4, %get3A_5, %get3A_6] : memref<2x1000x128xf32, #tpu.memory_space<vmem>>, vector<1x1000x128xf32>
    %get3A_8 = vector.shape_cast %get3A_7 : vector<1x1000x128xf32> to vector<1000x128xf32>
    %add3A = arith.addf %get3A_3, %get3A_8 : vector<1000x128xf32>
    %get3A_9 = arith.constant 0 : index
    %get3A_10 = arith.constant 0 : index
    %get3A_11 = arith.constant 0 : index
    %get3A_12 = vector.load %arg2[%get3A_9, %get3A_10, %get3A_11] : memref<2x1000x128xf32, #tpu.memory_space<vmem>>, vector<1x1000x128xf32>
    %get3A_13 = vector.shape_cast %get3A_12 : vector<1x1000x128xf32> to vector<1000x128xf32>
    %get3A_14 = arith.constant 1 : index
    %get3A_15 = arith.constant 0 : index
    %get3A_16 = arith.constant 0 : index
    %get3A_17 = vector.load %arg2[%get3A_14, %get3A_15, %get3A_16] : memref<2x1000x128xf32, #tpu.memory_space<vmem>>, vector<1x1000x128xf32>
    %get3A_18 = vector.shape_cast %get3A_17 : vector<1x1000x128xf32> to vector<1000x128xf32>
    %add3A_19 = arith.addf %get3A_13, %get3A_18 : vector<1000x128xf32>
    %slice3A = vector.extract_strided_slice %add3A_19 {offsets = [0, 0], sizes = [1000, 8], strides = [1, 1]} : vector<1000x128xf32> to vector<1000x8xf32>
    %slice3A_20 = vector.extract_strided_slice %add3A_19 {offsets = [0, 16], sizes = [1000, 16], strides = [1, 1]} : vector<1000x128xf32> to vector<1000x16xf32>
    %slice3A_21 = vector.extract_strided_slice %add3A_19 {offsets = [0, 32], sizes = [1000, 1], strides = [1, 1]} : vector<1000x128xf32> to vector<1000x1xf32>
    %add3A_22 = arith.constant 1.000000e-16 : f32
    %add3A_23 = vector.broadcast %add3A_22 : f32 to vector<1000x1xf32>
    %add3A_24 = arith.addf %slice3A_21, %add3A_23 : vector<1000x1xf32>
    %div3A = vector.broadcast %add3A_24 : vector<1000x1xf32> to vector<1000x16xf32>
    %div3A_25 = arith.divf %slice3A_20, %div3A : vector<1000x16xf32>
    %get3A_26 = arith.constant 0 : index
    %get3A_27 = arith.constant 0 : index
    %get3A_28 = vector.load %arg6[%get3A_26, %get3A_27] : memref<128x272xf32, #tpu.memory_space<vmem>>, vector<128x272xf32>
    %slice3A_29 = vector.extract_strided_slice %get3A_28 {offsets = [0, 256], sizes = [128, 16], strides = [1, 1]} : vector<128x272xf32> to vector<128x16xf32>
    %get3A_30 = arith.constant 0 : index
    %get3A_31 = arith.constant 0 : index
    %get3A_32 = vector.load %arg7[%get3A_30, %get3A_31] : memref<128x144xf32, #tpu.memory_space<vmem>>, vector<128x144xf32>
    %slice3A_33 = vector.extract_strided_slice %get3A_32 {offsets = [0, 128], sizes = [128, 16], strides = [1, 1]} : vector<128x144xf32> to vector<128x16xf32>
    %get3A_34 = arith.constant 0 : index
    %get3A_35 = vector.load %arg8[%get3A_34] : memref<128xf32, #tpu.memory_space<vmem>>, vector<128xf32>
    %iota3A = tpu.iota {dimensions = array<i32: 0>} : vector<128x16xi32>
    %jit3A = arith.constant 16 : i32
    %div3A_36 = vector.broadcast %jit3A : i32 to vector<128x16xi32>
    %div3A_37 = arith.divsi %iota3A, %div3A_36 : vector<128x16xi32>
    %sign3A = arith.constant 0 : i32
    %sign3A_38 = vector.broadcast %sign3A : i32 to vector<128x16xi32>
    %sign3A_39 = arith.cmpi sgt, %iota3A, %sign3A_38 : vector<128x16xi32>
    %sign3A_40 = arith.extui %sign3A_39 : vector<128x16xi1> to vector<128x16xi32>
    %sign3A_41 = arith.constant 0 : i32
    %sign3A_42 = vector.broadcast %sign3A_41 : i32 to vector<128x16xi32>
    %sign3A_43 = arith.cmpi slt, %iota3A, %sign3A_42 : vector<128x16xi32>
    %sign3A_44 = arith.extui %sign3A_43 : vector<128x16xi1> to vector<128x16xi32>
    %sign3A_45 = arith.subi %sign3A_40, %sign3A_44 : vector<128x16xi32>
    %sign3A_46 = arith.constant 0 : i32
    %sign3A_47 = arith.cmpi sgt, %jit3A, %sign3A_46 : i32
    %sign3A_48 = arith.extui %sign3A_47 : i1 to i32
    %sign3A_49 = arith.constant 0 : i32
    %sign3A_50 = arith.cmpi slt, %jit3A, %sign3A_49 : i32
    %sign3A_51 = arith.extui %sign3A_50 : i1 to i32
    %sign3A_52 = arith.subi %sign3A_48, %sign3A_51 : i32
    %ne3A = vector.broadcast %sign3A_52 : i32 to vector<128x16xi32>
    %ne3A_53 = arith.cmpi ne, %sign3A_45, %ne3A : vector<128x16xi32>
    %rem3A = vector.broadcast %jit3A : i32 to vector<128x16xi32>
    %rem3A_54 = arith.remsi %iota3A, %rem3A : vector<128x16xi32>
    %ne3A_55 = arith.constant 0 : i32
    %ne3A_56 = vector.broadcast %ne3A_55 : i32 to vector<128x16xi32>
    %ne3A_57 = arith.cmpi ne, %rem3A_54, %ne3A_56 : vector<128x16xi32>
    %and3A = arith.andi %ne3A_53, %ne3A_57 : vector<128x16xi1>
    %sub3A = arith.constant 1 : i32
    %sub3A_58 = vector.broadcast %sub3A : i32 to vector<128x16xi32>
    %sub3A_59 = arith.subi %div3A_37, %sub3A_58 : vector<128x16xi32>
    %select_n3A = arith.select %and3A, %sub3A_59, %div3A_37 : vector<128x16xi1>, vector<128x16xi32>
    %iota3A_60 = tpu.iota {dimensions = array<i32: 1>} : vector<128x16xi32>
    %eq3A = arith.cmpi eq, %select_n3A, %iota3A_60 : vector<128x16xi32>
    %jit3A_61 = arith.constant 1.000000e+00 : f32
    %jit3A_62 = arith.constant 0.000000e+00 : f32
    %broadcast_in_dim3A = vector.broadcast %jit3A_61 : f32 to vector<128x16xf32>
    %broadcast_in_dim3A_63 = vector.broadcast %jit3A_62 : f32 to vector<128x16xf32>
    %select_n3A_64 = arith.select %eq3A, %broadcast_in_dim3A, %broadcast_in_dim3A_63 : vector<128x16xi1>, vector<128x16xf32>
    %abs3A = math.absf %get3A_35 : vector<128xf32>
    %broadcast_in_dim3A_65 = vector.shape_cast %abs3A : vector<128xf32> to vector<1x128xf32>
    %dot_general3A = arith.constant dense<0.000000e+00> : vector<1x16xf32>
    %dot_general3A_66 = tpu.matmul %broadcast_in_dim3A_65, %select_n3A_64, %dot_general3A {dimension_numbers = #tpu.dot_dimension_numbers<[1], [0], [0], [1], [0, 0, 1, 1], [], []>, transpose_lhs_hint = false} : vector<1x128xf32>, vector<128x16xf32>, vector<1x16xf32> -> vector<1x16xf32>
    %squeeze3A = vector.shape_cast %dot_general3A_66 : vector<1x16xf32> to vector<16xf32>
    %get3A_67 = arith.constant 0 : index
    %get3A_68 = arith.constant 0 : index
    %get3A_69 = vector.load %arg3[%get3A_67, %get3A_68] : memref<1000x128xf32, #tpu.memory_space<vmem>>, vector<1000x128xf32>
    %get3A_70 = arith.constant 0 : index
    %get3A_71 = arith.constant 0 : index
    %get3A_72 = vector.load %arg4[%get3A_70, %get3A_71] : memref<1000x128xf32, #tpu.memory_space<vmem>>, vector<1000x128xf32>
    %add3A_73 = arith.addf %get3A_69, %get3A_72 : vector<1000x128xf32>
    %transpose3A = tpu.transpose %slice3A_29, [1, 0] : vector<128x16xf32> -> vector<16x128xf32>
    %dot_general3A_74 = arith.constant dense<0.000000e+00> : vector<1000x128xf32>
    %dot_general3A_75 = tpu.matmul %div3A_25, %transpose3A, %dot_general3A_74 {dimension_numbers = #tpu.dot_dimension_numbers<[1], [0], [0], [1], [0, 0, 1, 1], [], []>, transpose_lhs_hint = false} : vector<1000x16xf32>, vector<16x128xf32>, vector<1000x128xf32> -> vector<1000x128xf32>
    %add3A_76 = arith.addf %add3A_73, %dot_general3A_75 : vector<1000x128xf32>
    %tanh3A = math.tanh %add3A_76 : vector<1000x128xf32>
    %broadcast_in_dim3A_77 = vector.shape_cast %get3A_35 : vector<128xf32> to vector<1x128xf32>
    %mul3A = vector.broadcast %broadcast_in_dim3A_77 : vector<1x128xf32> to vector<1000x128xf32>
    %mul3A_78 = arith.mulf %tanh3A, %mul3A : vector<1000x128xf32>
    %dot_general3A_79 = arith.constant dense<0.000000e+00> : vector<1000x16xf32>
    %dot_general3A_80 = tpu.matmul %mul3A_78, %select_n3A_64, %dot_general3A_79 {dimension_numbers = #tpu.dot_dimension_numbers<[1], [0], [0], [1], [0, 0, 1, 1], [], []>, transpose_lhs_hint = false} : vector<1000x128xf32>, vector<128x16xf32>, vector<1000x16xf32> -> vector<1000x16xf32>
    %broadcast_in_dim3A_81 = vector.shape_cast %squeeze3A : vector<16xf32> to vector<1x16xf32>
    %sub3A_82 = vector.broadcast %broadcast_in_dim3A_81 : vector<1x16xf32> to vector<1000x16xf32>
    %sub3A_83 = arith.subf %dot_general3A_80, %sub3A_82 : vector<1000x16xf32>
    %exp3A = math.exp %sub3A_83 : vector<1000x16xf32>
    %slice3A_84 = vector.extract_strided_slice %exp3A {offsets = [0, 0], sizes = [1000, 8], strides = [1, 1]} : vector<1000x16xf32> to vector<1000x8xf32>
    %get3A_85 = arith.constant 0 : index
    %get3A_86 = arith.constant 0 : index
    %get3A_87 = vector.load %arg5[%get3A_85, %get3A_86] : memref<1000x128xf32, #tpu.memory_space<vmem>>, vector<1000x128xf32>
    %transpose3A_88 = tpu.transpose %slice3A_33, [1, 0] : vector<128x16xf32> -> vector<16x128xf32>
    %dot_general3A_89 = arith.constant dense<0.000000e+00> : vector<1000x128xf32>
    %dot_general3A_90 = tpu.matmul %div3A_25, %transpose3A_88, %dot_general3A_89 {dimension_numbers = #tpu.dot_dimension_numbers<[1], [0], [0], [1], [0, 0, 1, 1], [], []>, transpose_lhs_hint = false} : vector<1000x16xf32>, vector<16x128xf32>, vector<1000x128xf32> -> vector<1000x128xf32>
    %add3A_91 = arith.addf %get3A_87, %dot_general3A_90 : vector<1000x128xf32>
    %reshape3A = vector.shape_cast %add3A_91 : vector<1000x128xf32> to vector<1000x8x16xf32>
    %reshape3A_92 = vector.shape_cast %add3A : vector<1000x128xf32> to vector<1000x8x16xf32>
    %broadcast_in_dim3A_93 = vector.shape_cast %slice3A_84 : vector<1000x8xf32> to vector<1000x8x1xf32>
    %mul3A_94 = vector.broadcast %broadcast_in_dim3A_93 : vector<1000x8x1xf32> to vector<1000x8x16xf32>
    %mul3A_95 = arith.mulf %mul3A_94, %reshape3A : vector<1000x8x16xf32>
    %add3A_96 = arith.addf %reshape3A_92, %mul3A_95 : vector<1000x8x16xf32>
    %add3A_97 = arith.addf %slice3A, %slice3A_84 : vector<1000x8xf32>
    %add3A_98 = arith.constant 1.000000e-16 : f32
    %add3A_99 = vector.broadcast %add3A_98 : f32 to vector<1000x8xf32>
    %add3A_100 = arith.addf %add3A_97, %add3A_99 : vector<1000x8xf32>
    %broadcast_in_dim3A_101 = vector.shape_cast %add3A_100 : vector<1000x8xf32> to vector<1000x8x1xf32>
    %div3A_102 = vector.broadcast %broadcast_in_dim3A_101 : vector<1000x8x1xf32> to vector<1000x8x16xf32>
    %div3A_103 = arith.divf %add3A_96, %div3A_102 : vector<1000x8x16xf32>
    %reshape3A_104 = vector.shape_cast %div3A_103 : vector<1000x8x16xf32> to vector<1000x128xf32>
    %swap3A = arith.constant 0 : index
    %swap3A_105 = arith.constant 0 : index
    %swap3A_106 = vector.load %arg9[%swap3A, %swap3A_105] : memref<1000x128xf32, #tpu.memory_space<vmem>>, vector<1000x128xf32>
    tpu.vector_store %arg9[%swap3A, %swap3A_105], %reshape3A_104 {strides = array<i32>} : memref<1000x128xf32, #tpu.memory_space<vmem>>, vector<1000x128xf32>,
    return
  }
  func.func @transform_0(%arg0: i32) -> (i32, i32, i32) {
    %c0_i32 = arith.constant 0 : i32
    %c0_i32_0 = arith.constant 0 : i32
    %c0_i32_1 = arith.constant 0 : i32
    return %c0_i32, %arg0, %c0_i32_0 : i32, i32, i32
  }
  func.func @transform_1(%arg0: i32) -> (i32, i32, i32) {
    %c0_i32 = arith.constant 0 : i32
    %c0_i32_0 = arith.constant 0 : i32
    %c0_i32_1 = arith.constant 0 : i32
    return %c0_i32, %arg0, %c0_i32_0 : i32, i32, i32
  }
  func.func @transform_2(%arg0: i32) -> (i32, i32) {
    %c0_i32 = arith.constant 0 : i32
    %c0_i32_0 = arith.constant 0 : i32
    return %arg0, %c0_i32 : i32, i32
  }
  func.func @transform_3(%arg0: i32) -> (i32, i32) {
    %c0_i32 = arith.constant 0 : i32
    %c0_i32_0 = arith.constant 0 : i32
    return %arg0, %c0_i32 : i32, i32
  }
  func.func @transform_4(%arg0: i32) -> (i32, i32) {
    %c0_i32 = arith.constant 0 : i32
    %c0_i32_0 = arith.constant 0 : i32
    return %arg0, %c0_i32 : i32, i32
  }
  func.func @transform_5(%arg0: i32) -> (i32, i32) {
    %c0_i32 = arith.constant 0 : i32
    %c0_i32_0 = arith.constant 0 : i32
    %c0_i32_1 = arith.constant 0 : i32
    return %c0_i32, %c0_i32_0 : i32, i32
  }
  func.func @transform_6(%arg0: i32) -> (i32, i32) {
    %c0_i32 = arith.constant 0 : i32
    %c0_i32_0 = arith.constant 0 : i32
    %c0_i32_1 = arith.constant 0 : i32
    return %c0_i32, %c0_i32_0 : i32, i32
  }
  func.func @transform_7(%arg0: i32) -> i32 {
    %c0_i32 = arith.constant 0 : i32
    %c0_i32_0 = arith.constant 0 : i32
    return %c0_i32 : i32
  }
  func.func @transform_8(%arg0: i32) -> (i32, i32) {
    %c0_i32 = arith.constant 0 : i32
    %c0_i32_0 = arith.constant 0 : i32
    return %arg0, %c0_i32 : i32, i32
  }
}

</mosaic_0001>

<sc_bundles>
// kernel: kernel.10.cloned.1.call-start
scs
__scs_entry_jumppad:
0x0: {  	(pc) =	sbr.rel $0x88, $3  }
0x1: {  	(tag) =	ssettag $0x0;
	lr =	simm.s32 $0x1  }
0x2: {  	[smem:$0x3F99] =	sst lr;
	_ =	strace $0xD0000000  }
0x3: {  	_ = 	snop  }
0x4: {  	_ = 	snop  }
0x5: {  	_ = 	snop  }
0x6: {  	_ = 	snop  }
0x7: {  	_ = 	snop  }
__scs_overlays_trampoline_lowered:
0x8: {  	[smem:$0x3FA8] =	sst s0  }
0x9: {  	[smem:$0x3FA9] =	sst s1  }
0xa: {  	[smem:$0x3FAA] =	sst s2  }
0xb: {  	[smem:$0x3FAB] =	sst s3  }
0xc: {  	[smem:$0x3FAC] =	sst s4  }
0xd: {  	[smem:$0x3FAD] =	sst s5  }
0xe: {  	[smem:$0x3FAE] =	sst s6  }
0xf: {  	[smem:$0x3FAF] =	sst s7  }
0x10: {  	[smem:$0x3FB0] =	sst s8  }
0x11: {  	[smem:$0x3FB1] =	sst s9;
	s0 =	simm.s32 @!p0 $0x0  }
0x12: {  	s1 =	sld [smem:$0x3F97];
	s0 =	simm.s32 @p0 $0x1  }
0x13: {  	[smem:$0x3FB2] =	sst s0;
	s0 =	simm.s32 @!p1 $0x0  }
0x14: {  	s2 =	sld [smem:$0x3F96];
	s0 =	simm.s32 @p1 $0x1  }
0x15: {  	[smem:$0x3FB3] =	sst s0;
	s0 =	simm.s32 @!p2 $0x0  }
0x16: {  	s3 =	sld [smem:$0x3FDB];
	s0 =	simm.s32 @p2 $0x1  }
0x17: {  	s4 =	simm.s32 $0x1BF5;
	[smem:$0x3FB5] =	sst s0  }
0x18: {  	s0 =	sld [smem:$0x3F98];
	_ =	swait.ge [sflag:s4], $0x0  }
0x19: {  	s7 =	sld [smem:$0x3F99]  }
0x1a: {  	s8 =	sadd.s32 $0xFFFFE003, lr  }
0x1b: {  	s9 =	sadd.s32 $0xFFFFFEF7, lr;
	s5 =	simm.s32 $0xFFFFFFFF;
	p2 =	slt.u32 s8, $0xFFFFF086  }
0x1c: {  	p1 =	slt.u32 s9, $0xF7A;
	s5 =	simm.s32 @!p2 $0x0  }
0x1d: {  	s5 =	simm.s32 @p1 $0x1;
	p0 =	seq.s32 s7, s2  }
0x1e: {  	s7 =	smul.u32 @!p0 $0xF7A, s2;
	p2 =	seq.s32 @!p0 s5, $0x0  }
0x1f: {  	s9 =	smul.u32 $0xF7A, s1;
	s8 =	simm.s32 @!p0 $0x1BF5;
	p2 =	por !p2, p0  }
0x20: {  	[sflag:s8] =	ssyncset.s32 @!p0 $0xFFFFF086;
	s6 =	sadd.s32 @!p0 s3, s7;
	s7 =	simm.s32 @!p0 $0x108  }
0x21: {  	s3 =	sadd.s32 s3, s9;
	s6 =	sadd.s32 @!p0 $0x88, s6;
	s7 =	simm.s32 @p2 $0x1082  }
0x22: {  	[simem:s7], [sflag:s8] =	dma.local @!p0 [hbm:s6], $0xF7A  }
0x23: {  	s9 =	sor.u32 $0xD0000000, s2;
	s6 =	simm.s32 $0x108;
	_ =	swait.ge @!p0 [sflag:s8], $0x0  }
0x24: {  	s3 =	sadd.s32 $0x88, s3;
	s6 =	simm.s32 @!p1 $0x1082;
	[sflag:s4] =	ssyncset.s32 $0xFFFFF086  }
0x25: {  	[simem:s6], [sflag:s4] =	dma.local [hbm:s3], $0xF7A  }
0x26: {  	[smem:$0x3F99] =	sst s1;
	(tag) =	ssettag s2;
	_ =	strace s9  }
0x27: {  	s1 =	sld [smem:$0x3FA9]  }
0x28: {  	s2 =	sld [smem:$0x3FAA]  }
0x29: {  	s4 =	sld [smem:$0x3FAC]  }
0x2a: {  	p0 =	seq.s32 s5, $0x0;
	s5 =	sld [smem:$0x3FAD]  }
0x2b: {  	s6 =	sld [smem:$0x3FAE]  }
0x2c: {  	s7 =	sld [smem:$0x3FAF]  }
0x2d: {  	s3 =	simm.s32 $0x108;
	s8 =	sld [smem:$0x3FB0]  }
0x2e: {  	s3 =	simm.s32 @!p0 $0x1082;
	s9 =	sld [smem:$0x3FB1]  }
0x2f: {  	lr =	sadd.s32 s0, s3;
	s0 =	sld [smem:$0x3FA8]  }
0x30: {  	s3 =	sld [smem:$0x3FAB]  }
0x31: {  	[smem:$0x3FB4] =	sst s10  }
0x32: {  	s10 =	sld [smem:$0x3FB2];
	_ =	sdelay $0x3  }
0x33: {  	p0 =	seq.s32 s10, $0x1;
	s10 =	sld [smem:$0x3FB4];
	_ =	sdelay $0x3  }
0x34: {  	[smem:$0x3FB4] =	sst s10  }
0x35: {  	s10 =	sld [smem:$0x3FB3];
	_ =	sdelay $0x3  }
0x36: {  	p1 =	seq.s32 s10, $0x1;
	s10 =	sld [smem:$0x3FB4];
	_ =	sdelay $0x3  }
0x37: {  	[smem:$0x3FB4] =	sst s10  }
0x38: {  	s10 =	sld [smem:$0x3FB5]  }
0x39: {  	_ = 	snop;
	(pc) =	sbr.ind lr, $3  }
0x3a: {  	_ = 	snop  }
0x3b: {  	_ = 	snop  }
0x3c: {  	p2 =	seq.s32 s10, $0x1;
	s10 =	sld [smem:$0x3FB4]  }
0x3d: {  	_ =	shalt  }
0x3e: {  	_ =	shalt  }
0x3f: {  	_ =	shalt  }
0x40: {  	_ =	shalt  }
0x41: {  	_ =	shalt  }
0x42: {  	_ =	shalt  }
0x43: {  	_ =	shalt  }
0x44: {  	_ =	shalt  }
0x45: {  	_ =	shalt  }
0x46: {  	_ =	shalt  }
0x47: {  	_ =	shalt  }
0x48: {  	_ =	shalt  }
0x49: {  	_ =	shalt  }
0x4a: {  	_ =	shalt  }
0x4b: {  	_ =	shalt  }
0x4c: {  	_ =	shalt  }
0x4d: {  	_ =	shalt  }
0x4e: {  	_ =	shalt  }
0x4f: {  	_ =	shalt  }
0x50: {  	_ =	shalt  }
0x51: {  	_ =	shalt  }
0x52: {  	_ =	shalt  }
0x53: {  	_ =	shalt  }
0x54: {  	_ =	shalt  }
0x55: {  	_ =	shalt  }
0x56: {  	_ =	shalt  }
0x57: {  	_ =	shalt  }
0x58: {  	_ =	shalt  }
0x59: {  	_ =	shalt  }
0x5a: {  	_ =	shalt  }
0x5b: {  	_ =	shalt  }
0x5c: {  	_ =	shalt  }
0x5d: {  	_ =	shalt  }
0x5e: {  	_ =	shalt  }
0x5f: {  	_ =	shalt  }
0x60: {  	_ =	shalt  }
0x61: {  	_ =	shalt  }
0x62: {  	_ =	shalt  }
0x63: {  	_ =	shalt  }
0x64: {  	_ =	shalt  }
0x65: {  	_ =	shalt  }
0x66: {  	_ =	shalt  }
0x67: {  	_ =	shalt  }
0x68: {  	_ =	shalt  }
0x69: {  	_ =	shalt  }
0x6a: {  	_ =	shalt  }
0x6b: {  	_ =	shalt  }
0x6c: {  	_ =	shalt  }
0x6d: {  	_ =	shalt  }
0x6e: {  	_ =	shalt  }
0x6f: {  	_ =	shalt  }
0x70: {  	_ =	shalt  }
0x71: {  	_ =	shalt  }
0x72: {  	_ =	shalt  }
0x73: {  	_ =	shalt  }
0x74: {  	_ =	shalt  }
0x75: {  	_ =	shalt  }
0x76: {  	_ =	shalt  }
0x77: {  	_ =	shalt  }
0x78: {  	_ =	shalt  }
0x79: {  	_ =	shalt  }
0x7a: {  	_ =	shalt  }
0x7b: {  	_ =	shalt  }
0x7c: {  	_ =	shalt  }
0x7d: {  	_ =	shalt  }
0x7e: {  	_ =	shalt  }
0x7f: {  	_ =	shalt  }
0x80: {  	_ =	shalt  }
0x81: {  	_ =	shalt  }
0x82: {  	_ =	shalt  }
0x83: {  	_ =	shalt  }
0x84: {  	_ =	shalt  }
0x85: {  	_ =	shalt  }
0x86: {  	_ =	shalt  }
0x87: {  	_ =	shalt  }
.Lfunc_end0:
.L_simem_size_0:
called_computation.1_lowered:
.L_overlay_start_0:
0x88: {  	s2 =	sld [smem:$0x3FD9]  }
0x89: {  	s3 =	sld [smem:$0x3FFE];
	_ =	sdelay $0x1  }
0x8a: {  	s1 =	srdreg.scid  }
0x8b: {  	s0 =	sand.u32 $0x1, s1  }
0x8c: {  	s17 =	sshll.u32 s0, $0xA;
	s2 =	sadd.s32 s3, s2  }
0x8d: {  	s2 =	sadd.s32 s2, s17  }
0x8e: {  	[smem:$0x3FC0] =	sst s2  }
0x8f: {  	_ = 	snop  }
0x90: {  	s2 =	sld [smem:$0x3FD0];
	(tm) =	ssettm $0x1  }
0x91: {  	s18 =	sld [smem:$0x3FFB];
	_ =	sdelay $0x3  }
0x92: {  	_ =	strace s18  }
0x93: {  	s3 =	sld [smem:$0x3FFC];
	_ =	sdelay $0x3  }
0x94: {  	_ =	strace s3  }
0x95: {  	s3 =	sld [smem:$0x3FFD];
	_ =	sdelay $0x3  }
0x96: {  	_ =	strace s3  }
0x97: {  	_ =	strace $0x8FFFFFFF  }
0x98: {  	s19 =	sld [smem:$0x3FDB];
	_ =	sdelay $0x1  }
0x99: {  	s4 =	simm.s32 $_scs_section_size  }
0x9a: {  	s5 =	simm.s32 $_size__tile_overlayer_lowered;
	s6 =	simm.s32 $_tile_overlayer_lowered  }
0x9b: {  	s22 =	simm.s32 $0x1BFF;
	s21 =	sshll.u32 s6, $0x1;
	s3 =	sadd.s32 s4, s19  }
0x9c: {  	s7 =	simm.s32 $0x0;
	s20 =	sshll.u32 s5, $0x1;
	s5 =	sadd.s32 s21, s3  }
0x9d: {  	[timem:s7], [sflag:s22] =	dma.local [hbm:s5], s20  }
0x9e: {  	_ =	swait.ge [sflag:s22], s20  }
0x9f: {  	s4 =	ssub.s32 $0x0, s20;
	[sflag:s22] =	ssyncset.done $0x0  }
0xa0: {  	[sflag:s22] =	ssyncadd.s32 s4;
	_ =	sdelay $0x1  }
0xa1: {  	s23 =	simm.s32 $0x1B8B  }
0xa2: {  	_ =	swait.ge [sflag:s23], $0x1  }
0xa3: {  	[sflag:s23] =	ssyncset.done $0x0  }
0xa4: {  	s25 =	simm.s32 $0x1B8E;
	s24 =	sld [smem:$0x3FFE];
	[sflag:s23] =	ssyncadd.s32 $0xFFFFFFFF  }
0xa5: {  	s26 =	simm.s32 $execute0_lowered;
	[smem:$0x3FD2] =	sst s25  }
0xa6: {  	s5 =	sshll.u32 s26, $0x1;
	_ =	strace $0x80000049;
	[dreg:$0x1] =	wrdreg $0xFFFFFFFF  }
0xa7: {  	s28 =	simm.s32 $_size_execute0_lowered;
	s3 =	sadd.s32 s3, s5;
	[dreg:$0x0] =	wrdreg $0x0  }
0xa8: {  	s5 =	sshll.u32 s28, $0x1;
	[dreg:$0x2] =	wrdreg s3  }
0xa9: {  	[dreg:$0x3] =	wrdreg s5  }
0xaa: {  	[dreg:$0x4] =	wrdreg $0xC0  }
0xab: {  	_ =	task [dreg:s7], $0x5FFFF  }
0xac: {  	[dreg:$0x1] =	wrdreg $0xFFFFFFFF  }
0xad: {  	[dreg:$0x0] =	wrdreg $0x60  }
0xae: {  	[dreg:$0x2] =	wrdreg s2  }
0xaf: {  	[dreg:$0x3] =	wrdreg s24  }
0xb0: {  	[dreg:$0x4] =	wrdreg $0x0  }
0xb1: {  	[dreg:$0x5] =	wrdreg $0x9  }
0xb2: {  	_ =	task.clear_ibuf [dreg:s7], $0x6FFFF;
	_ =	strace $0x90000049  }
0xb3: {  	s29 =	simm.s32 $0x9;
	_ =	strace $0x8000004B  }
0xb4: {  	_ =	swait.ge [sflag:s29], $0x1  }
0xb5: {  	[sflag:s29] =	ssyncadd.s32 $0xFFFFFFFF  }
0xb6: {  	_ =	strace $0x9000004B  }
0xb7: {  	_ =	sfence  }
0xb8: {  	s30 =	sld [smem:$0x0];
	_ =	sdelay $0x2  }
0xb9: {  	s31 =	sshll.u32 s1, $0xD;
	s1 =	sshrl.u32 s1, $0x2  }
0xba: {  	s3 =	sand.u32 $0x4000, s31;
	s1 =	sadd.s32 s1, s30  }
0xbb: {  	s0 =	sor.u32 s3, s0;
	s1 =	sshll.u32 s1, $0x11  }
0xbc: {  	s0 =	sor.u32 s1, s0  }
0xbd: {  	s0 =	sadd.s32 $0x8F2B, s0  }
0xbe: {  	[sflag:s0] =	ssyncadd.remote.s32 $0x1  }
0xbf: {  	_ =	sfence.sel $0xFFFF  }
0xc0: {  	[dreg:$0x0] =	wrdreg $0xFFFFFFFF;
	(pc) =	sbr.abs _section_cstart, $3  }
0xc1: {  	[dreg:$0x1] =	wrdreg $0xFFFFFFFF  }
0xc2: {  	_ =	task.clear_ibuf [dreg:s7], $0x2FFFF;
	_ =	strace $0x9FFFFFFF  }
0xc3: {  	(tm) =	ssettm $0x7FFFFFFF  }
tec
execute0_lowered:
.L_overlay_start_1:
0x0: {  	(tag) =	ssettag $0x1  }
0x1: {  	s1 =	rddreg [dreg:$0x0]  }
0x2: {  	s0 =	rddreg [dreg:$0x1]  }
0x3: {  	s2 =	rddreg [dreg:$0x2]  }
0x4: {  	s20 =	simm.s32 $0x0;
	s3 =	srdreg.scid;
	s12 =	stileid.u32  }
0x5: {  	s28 =	simm.s32 $0x16D00;
	s29 =	simm.s32 $0x14380;
	[smem:$0x7FF] =	sst s20  }
0x6: {  	s3 =	sand.u32 $0x1, s3;
	s7 =	sadd.s32 $0x15B600, s0;
	s9 =	smul.u32 $0x14000, s12  }
0x7: {  	s23 =	sshll.u32 s12, $0x1;
	s12 =	smul.u32 $0x50000, s12;
	s4 =	ssub.s32 $0x2, s3  }
0x8: {  	_ =	strace $0x8000004A;
	s6 =	smul.u32 $0x140000, s3;
	s8 =	sshrl.u32 s4, $0x1  }
0x9: {  	s11 =	sadd.s32 $0x4000, s9;
	s19 =	sadd.s32 $0xC000, s9;
	s4 =	ssub.s32 s4, s8  }
0xa: {  	s24 =	sadd.s32 s9, s6;
	s13 =	sadd.s32 s6, s11;
	s17 =	sadd.s32 s6, s19  }
0xb: {  	s8 =	sshrl.u32 s24, $0x3;
	s24 =	sshrl.u32 s12, $0x2;
	s12 =	sadd.s32 s19, s2  }
0xc: {  	s13 =	sshrl.u32 s13, $0x3;
	s15 =	sadd.s32 s7, s8;
	[dreg:$0x14] =	wrdreg s12  }
0xd: {  	s17 =	sshrl.u32 s17, $0x3;
	s25 =	sadd.s32 s7, s13;
	[dreg:$0x5] =	wrdreg s15  }
0xe: {  	s10 =	sadd.s32 $0x1AB600, s0;
	s26 =	sadd.s32 s7, s17;
	[dreg:$0x6] =	wrdreg s25  }
0xf: {  	s3 =	sor.u32 s3, s23;
	s21 =	sadd.s32 s10, s13;
	[dreg:$0x8] =	wrdreg s26  }
0x10: {  	s23 =	sadd.s32 s10, s17;
	s15 =	sadd.s32 $0x8000, s9;
	[dreg:$0xb] =	wrdreg s21  }
0x11: {  	s9 =	sadd.s32 $0x10000, s9;
	[dreg:$0xd] =	wrdreg s23;
	s16 =	sadd.s32 s6, s15  }
0x12: {  	s6 =	sadd.s32 s6, s9;
	s13 =	sadd.s32 s9, s2;
	s16 =	sshrl.u32 s16, $0x3  }
0x13: {  	s6 =	sshrl.u32 s6, $0x3;
	[dreg:$0x15] =	wrdreg s13;
	s18 =	sadd.s32 s7, s16  }
0x14: {  	s30 =	simm.s32 $0x1;
	s7 =	sadd.s32 s7, s6;
	[dreg:$0x7] =	wrdreg s18  }
0x15: {  	s31 =	simm.s32 $0x14400;
	s22 =	sadd.s32 s10, s16;
	[dreg:$0x9] =	wrdreg s7  }
0x16: {  	s25 =	smul.u32 $0x4E20, s3;
	s6 =	sadd.s32 s10, s6;
	[dreg:$0xc] =	wrdreg s22  }
0x17: {  	s17 =	sadd.s32 $0xBF200, s0;
	s18 =	sadd.s32 s10, s8;
	[dreg:$0xe] =	wrdreg s6  }
0x18: {  	s5 =	sadd.s32 $0x22A00, s0;
	s8 =	sadd.s32 s17, s25;
	[dreg:$0xa] =	wrdreg s18  }
0x19: {  	s14 =	smul.u32 $0xEA6, s3;
	s10 =	sadd.s32 s11, s2;
	[dreg:$0x11] =	wrdreg s8  }
0x1a: {  	s16 =	sadd.s32 $0x49C00, s0;
	s11 =	sadd.s32 s15, s2;
	[dreg:$0x12] =	wrdreg s10  }
0x1b: {  	s18 =	sadd.s32 $0x5400, s0;
	s0 =	sadd.s32 s24, s2;
	[dreg:$0x13] =	wrdreg s11  }
0x1c: {  	s12 =	simm.s32 $0x50;
	s26 =	sadd.s32 s18, s14;
	[dreg:$0xf] =	wrdreg s0  }
0x1d: {  	s23 =	smul.u32 $0x2710, s3;
	s14 =	smax.u32 s4, $0x1;
	[dreg:$0x10] =	wrdreg s26  }
0x1e: {  	s9 =	simm.s32 $0x14500;
	s15 =	sadd.s32 $0x2800, s0;
	[dreg:$0x16] =	wrdreg s14  }
0x1f: {  	s22 =	smul.u32 $0x7D, s3;
	s19 =	sadd.s32 $0x5000, s0;
	[dreg:$0x17] =	wrdreg s15  }
0x20: {  	s6 =	simm.s32 $0x14480;
	s21 =	sadd.s32 $0x7800, s0;
	[dreg:$0x18] =	wrdreg s19  }
0x21: {  	s10 =	simm.s32 $0x5;
	s24 =	sadd.s32 $0xA000, s0;
	[dreg:$0x19] =	wrdreg s21  }
0x22: {  	s11 =	simm.s32 $0x14000;
	s25 =	sadd.s32 $0xC800, s0;
	[dreg:$0x1a] =	wrdreg s24  }
0x23: {  	s4 =	simm.s32 $0x2;
	[dreg:$0x1b] =	wrdreg s25;
	s26 =	sadd.s32 $0xF000, s0  }
0x24: {  	s0 =	sadd.s32 $0x11800, s0;
	s14 =	simm.s32 $0x14300;
	s15 =	simm.s32 $0x19500  }
0x25: {  	s24 =	simm.s32 $0x1E500;
	s25 =	simm.s32 $0x14100;
	[dreg:$0x1c] =	wrdreg s26  }
0x26: {  	v0 =	vimm.f32 $0.0e+00;
	s21 =	simm.s32 $0x1EA00;
	[dreg:$0x1d] =	wrdreg s0;
	s0 =	simm.s32 $0x3  }
.LBB2_1:
0x27: {  	[dreg:$0x4] =	wrdreg s20;
	s3 =	simm.s32 $0x0;
	s7 =	simm.s32 $0x200  }
.LBB2_2:
0x28: {  	p0 =	sne.s32 s7, $0x9E00;
	[tilespmem:s3+$0x14570] =	vst v0  }
0x29: {  	[tilespmem:s3+$0x14500] =	vst v0  }
0x2a: {  	[tilespmem:s3+$0x14510] =	vst v0  }
.Ltmp0:
0x2b: {  	[tilespmem:s3+$0x14520] =	vst v0;
	(pc) =	sbr.rel @p0 .LBB2_2-.Ltmp0, $4  }
0x2c: {  	[tilespmem:s3+$0x14530] =	vst v0  }
0x2d: {  	[tilespmem:s3+$0x14540] =	vst v0  }
0x2e: {  	[tilespmem:s3+$0x14550] =	vst v0  }
0x2f: {  	[tilespmem:s3+$0x14560] =	vst v0;
	s3 =	sshra.s32 s7, $0x2;
	s7 =	sadd.s32 $0x200, s7  }
0x30: {  	[tilespmem:s3+$0x14570] =	vst v0  }
0x31: {  	[tilespmem:s3+$0x14500] =	vst v0  }
0x32: {  	[tilespmem:s3+$0x14510] =	vst v0  }
0x33: {  	[tilespmem:s3+$0x14520] =	vst v0  }
0x34: {  	[tilespmem:s3+$0x14530] =	vst v0  }
0x35: {  	[tilespmem:s3+$0x14540] =	vst v0  }
0x36: {  	[tilespmem:s3+$0x14550] =	vst v0  }
0x37: {  	[tilespmem:s3+$0x14560] =	vst v0;
	s8 =	rddreg [dreg:$0xf]  }
0x38: {  	[spmem:s8] =	stream.linear.scatter [tilespmem:s9], [sflag:$0x5], $0x2800, $0x38;
	[tilespmem:$0x1EF00] =	vst v63  }
0x39: {  	_ =	swait.ge [sflag:s10], $0x2800  }
0x3a: {  	[sflag:s10] =	ssyncset.done $0x0  }
0x3b: {  	s13 =	rddreg [dreg:$0x17];
	[sflag:s10] =	ssyncadd.s32 $0xFFFFD800  }
0x3c: {  	[spmem:s13] =	stream.linear.scatter [tilespmem:s9], [sflag:$0x5], $0x2800, $0x38;
	[tilespmem:$0x1EF00] =	vst v63  }
0x3d: {  	_ =	swait.ge [sflag:s10], $0x2800  }
0x3e: {  	[sflag:s10] =	ssyncset.done $0x0  }
0x3f: {  	s19 =	rddreg [dreg:$0x18];
	[sflag:s10] =	ssyncadd.s32 $0xFFFFD800  }
0x40: {  	[spmem:s19] =	stream.linear.scatter [tilespmem:s9], [sflag:$0x5], $0x2800, $0x38;
	[tilespmem:$0x1EF00] =	vst v63  }
0x41: {  	_ =	swait.ge [sflag:s10], $0x2800  }
0x42: {  	[sflag:s10] =	ssyncset.done $0x0  }
0x43: {  	s20 =	rddreg [dreg:$0x19];
	[sflag:s10] =	ssyncadd.s32 $0xFFFFD800  }
0x44: {  	[spmem:s20] =	stream.linear.scatter [tilespmem:s9], [sflag:$0x5], $0x2800, $0x38;
	[tilespmem:$0x1EF00] =	vst v63  }
0x45: {  	_ =	swait.ge [sflag:s10], $0x2800  }
0x46: {  	[sflag:s10] =	ssyncset.done $0x0  }
0x47: {  	s26 =	rddreg [dreg:$0x1a];
	[sflag:s10] =	ssyncadd.s32 $0xFFFFD800  }
0x48: {  	[spmem:s26] =	stream.linear.scatter [tilespmem:s9], [sflag:$0x5], $0x2800, $0x38;
	[tilespmem:$0x1EF00] =	vst v63  }
0x49: {  	_ =	swait.ge [sflag:s10], $0x2800  }
0x4a: {  	[sflag:s10] =	ssyncset.done $0x0  }
0x4b: {  	s7 =	rddreg [dreg:$0x1b];
	[sflag:s10] =	ssyncadd.s32 $0xFFFFD800  }
0x4c: {  	[spmem:s7] =	stream.linear.scatter [tilespmem:s9], [sflag:$0x5], $0x2800, $0x38;
	[tilespmem:$0x1EF00] =	vst v63  }
0x4d: {  	_ =	swait.ge [sflag:s10], $0x2800  }
0x4e: {  	[sflag:s10] =	ssyncset.done $0x0  }
0x4f: {  	s8 =	rddreg [dreg:$0x1c];
	[sflag:s10] =	ssyncadd.s32 $0xFFFFD800  }
0x50: {  	[spmem:s8] =	stream.linear.scatter [tilespmem:s9], [sflag:$0x5], $0x2800, $0x38;
	[tilespmem:$0x1EF00] =	vst v63  }
0x51: {  	_ =	swait.ge [sflag:s10], $0x2800  }
0x52: {  	[sflag:s10] =	ssyncset.done $0x0  }
0x53: {  	s13 =	rddreg [dreg:$0x1d];
	[sflag:s10] =	ssyncadd.s32 $0xFFFFD800  }
0x54: {  	[spmem:s13] =	stream.linear.scatter [tilespmem:s9], [sflag:$0x5], $0x2800, $0x38;
	[tilespmem:$0x1EF00] =	vst v63  }
0x55: {  	_ =	swait.ge [sflag:s10], $0x2800  }
0x56: {  	[sflag:s10] =	ssyncset.done $0x0  }
0x57: {  	[sflag:s10] =	ssyncadd.s32 $0xFFFFD800  }
0x58: {  	[bflag:$0x0] =	sbarrier.arrive $0xFFFF  }
0x59: {  	s8 =	simm.s32 $0x0;
	s19 =	rddreg [dreg:$0x10]  }
0x5a: {  	[tilespmem:s11], [sflag:$0x5] =	stream.linear.gather [hbm4b:s19+s8], $0xF0, $0x38;
	[tilespmem:$0x1EF00] =	vst v63  }
0x5b: {  	_ =	swait.ge [sflag:s10], $0xF0  }
0x5c: {  	[sflag:s10] =	ssyncset.done $0x0  }
0x5d: {  	[sflag:s10] =	ssyncadd.s32 $0xFFFFFF10  }
0x5e: {  	v1 =	vld [tilespmem:$0x14000]  }
0x5f: {  	v2 =	vld [tilespmem:$0x14050]  }
0x60: {  	v3 =	vld [tilespmem:$0x140A0]  }
0x61: {  	v4 =	vld [tilespmem:$0x14010]  }
0x62: {  	v5 =	vld [tilespmem:$0x14060]  }
0x63: {  	v60 =	vld [tilespmem:$0x140C0];
	[tilespmem:$0x14200] =	vst v1  }
0x64: {  	v61 =	vld [tilespmem:$0x14030];
	[tilespmem:$0x14300] =	vst v2  }
0x65: {  	v1 =	vld [tilespmem:$0x140B0];
	[tilespmem:$0x14400] =	vst v3  }
0x66: {  	v2 =	vld [tilespmem:$0x14020];
	[tilespmem:$0x14210] =	vst v4  }
0x67: {  	v3 =	vld [tilespmem:$0x14070];
	[tilespmem:$0x14310] =	vst v5  }
0x68: {  	v62 =	vld [tilespmem:$0x14090];
	[tilespmem:$0x14420] =	vst v60  }
0x69: {  	v63 =	vld [tilespmem:$0x140E0];
	[tilespmem:$0x14230] =	vst v61  }
0x6a: {  	[tilespmem:$0x14410] =	vst v1;
	v1 =	vld [tilespmem:$0x14080]  }
0x6b: {  	[tilespmem:$0x14220] =	vst v2;
	v2 =	vld [tilespmem:$0x140D0]  }
0x6c: {  	[tilespmem:$0x14320] =	vst v3;
	v3 =	vld [tilespmem:$0x14040]  }
0x6d: {  	[tilespmem:$0x14340] =	vst v62  }
0x6e: {  	[tilespmem:$0x14440] =	vst v63  }
0x6f: {  	[tilespmem:$0x14330] =	vst v1  }
0x70: {  	[tilespmem:$0x14430] =	vst v2  }
0x71: {  	s20 =	simm.s32 $0x14200;
	[tilespmem:$0x14240] =	vst v3  }
0x72: {  	[tilespmem:s9], [sflag:$0x1] =	stream.indirect.gather [hbm4b:s1+s12], $0x80, s20, s12, $0xb8;
	[tilespmem:$0x1EF00] =	vst v63  }
0x73: {  	_ = 	snop  }
0x74: {  	[tilespmem:s15], [sflag:$0x1] =	stream.indirect.gather [hbm4b:s5+s12], $0x80, s14, s12, $0xb8;
	[tilespmem:$0x1EF00] =	vst v63  }
0x75: {  	s7 =	simm.s32 $0x0;
	s26 =	rddreg [dreg:$0x11]  }
0x76: {  	[tilespmem:s24], [sflag:$0x1] =	stream.linear.gather [hbm4b:s26+s8], $0x500, $0x38;
	[tilespmem:$0x1EF00] =	vst v63  }
.LBB2_4:
0x77: {  	p0 =	seq.s32 s7, $0x0;
	s3 =	sshllo.u32 s7, $0x1  }
0x78: {  	s19 =	simm.s32 @!p0 $0x4;
	s20 =	sadd.s32 s22, s3  }
0x79: {  	_ =	swait.ge @!p0 [sflag:s19], $0x2800;
	s20 =	smul.u32 $0x1E, s20  }
0x7a: {  	[sflag:s19] =	ssyncset.done @!p0 $0x0  }
0x7b: {  	[sflag:s19] =	ssyncadd.s32 @!p0 $0xFFFFD800;
	s20 =	sadd.s32 s18, s20  }
0x7c: {  	[tilespmem:s25], [sflag:$0x5] =	stream.linear.gather [hbm4b:s20+s8], $0xF0, $0x38;
	[tilespmem:$0x1EF00] =	vst v63  }
0x7d: {  	_ =	swait.ge [sflag:s10], $0xF0  }
0x7e: {  	[sflag:s10] =	ssyncset.done $0x0  }
0x7f: {  	[sflag:s10] =	ssyncadd.s32 $0xFFFFFF10  }
0x80: {  	v1 =	vld [tilespmem:$0x14100]  }
0x81: {  	v2 =	vld [tilespmem:$0x14150]  }
0x82: {  	v3 =	vld [tilespmem:$0x141A0]  }
0x83: {  	v4 =	vld [tilespmem:$0x14110]  }
0x84: {  	v5 =	vld [tilespmem:$0x14160]  }
0x85: {  	[tilespmem:$0x14280] =	vst v1;
	v1 =	vld [tilespmem:$0x141B0]  }
0x86: {  	[tilespmem:$0x14380] =	vst v2;
	v2 =	vld [tilespmem:$0x14120]  }
0x87: {  	[tilespmem:$0x14480] =	vst v3;
	v3 =	vld [tilespmem:$0x14170]  }
0x88: {  	[tilespmem:$0x14290] =	vst v4;
	v4 =	vld [tilespmem:$0x141C0]  }
0x89: {  	[tilespmem:$0x14390] =	vst v5;
	v5 =	vld [tilespmem:$0x14130]  }
0x8a: {  	[tilespmem:$0x14490] =	vst v1;
	v1 =	vld [tilespmem:$0x14180]  }
0x8b: {  	[tilespmem:$0x142A0] =	vst v2;
	v2 =	vld [tilespmem:$0x141D0]  }
0x8c: {  	[tilespmem:$0x143A0] =	vst v3;
	v3 =	vld [tilespmem:$0x14140]  }
0x8d: {  	[tilespmem:$0x144A0] =	vst v4;
	v4 =	vld [tilespmem:$0x14190]  }
0x8e: {  	[tilespmem:$0x142B0] =	vst v5;
	v5 =	vld [tilespmem:$0x141E0]  }
0x8f: {  	[tilespmem:$0x143B0] =	vst v1  }
0x90: {  	s3 =	smul.u32 $0x50, s3;
	[tilespmem:$0x144B0] =	vst v2  }
0x91: {  	[tilespmem:$0x142C0] =	vst v3  }
0x92: {  	s3 =	sadd.s32 s23, s3;
	[tilespmem:$0x143C0] =	vst v4  }
0x93: {  	s13 =	simm.s32 $0x14280;
	s3 =	sshll.u32 s3, $0x1;
	[tilespmem:$0x144C0] =	vst v5  }
0x94: {  	[tilespmem:s28], [sflag:$0x2] =	stream.indirect.gather [hbm4b:s1+s12], $0x80, s13, s12, $0xb8;
	[tilespmem:$0x1EF00] =	vst v63  }
0x95: {  	s26 =	simm.s32 $0x1BD00;
	s3 =	sand.u32 $0x1FFFFFE0, s3  }
0x96: {  	[tilespmem:s26], [sflag:$0x2] =	stream.indirect.gather [hbm4b:s5+s12], $0x80, s29, s12, $0xb8;
	[tilespmem:$0x1EF00] =	vst v63  }
0x97: {  	s3 =	sadd.s32 s17, s3  }
0x98: {  	[tilespmem:s21], [sflag:$0x2] =	stream.linear.gather [hbm4b:s3+s8], $0x500, $0x38;
	[tilespmem:$0x1EF00] =	vst v63  }
0x99: {  	_ =	swait.ge [sflag:s30], $0x2800  }
0x9a: {  	[sflag:s30] =	ssyncset.done $0x0  }
0x9b: {  	[sflag:s30] =	ssyncadd.s32 $0xFFFFD800  }
0x9c: {  	_ =	swait.ge [sflag:s30], $0x2800  }
0x9d: {  	[sflag:s30] =	ssyncset.done $0x0  }
0x9e: {  	[sflag:s30] =	ssyncadd.s32 $0xFFFFD800  }
0x9f: {  	_ =	swait.ge [sflag:s30], $0x500  }
0xa0: {  	[sflag:s30] =	ssyncset.done $0x0  }
0xa1: {  	s3 =	simm.s32 $0x0;
	[sflag:s30] =	ssyncadd.s32 $0xFFFFFB00  }
0xa2: {  	v4 =	vld [tilespmem:s3+$0x19500]  }
0xa3: {  	v7 =	vld [tilespmem:s3+$0x19510]  }
0xa4: {  	v5 =	vld [tilespmem:s3+$0x19520]  }
0xa5: {  	v8 =	vld [tilespmem:s3+$0x19530]  }
0xa6: {  	v1 =	vld [tilespmem:s3+$0x19540]  }
0xa7: {  	v3 =	vld [tilespmem:s3+$0x19550]  }
0xa8: {  	v2 =	vld [tilespmem:s3+$0x19560]  }
0xa9: {  	v6 =	vld [tilespmem:s3+$0x19570]  }
0xaa: {  	v9 =	vld [tilespmem:s3+$0x14530]  }
0xab: {  	v10 =	vld [tilespmem:s3+$0x14510]  }
0xac: {  	s19 =	sshll.u32 s7, $0x1;
	s20 =	simm.s32 $0x200;
	s26 =	simm.s32 $0x1E500;
	v11 =	vld [tilespmem:s3+$0x14500]  }
.LBB2_5:
0xad: {  	p0 =	sne.s32 s20, $0x9E00;
	v12 =	vld [tilespmem:s26+$0x0]  }
0xae: {  	v13 =	vld [tilespmem:s3+$0x14520]  }
0xaf: {  	v14 =	vld [tilespmem:s3+$0x14570]  }
0xb0: {  	v15 =	vld [tilespmem:s3+$0x14550]  }
0xb1: {  	v8 =	vadd.f32 v8, v9;
	v10 =	vadd.f32 v7, v10;
	v9 =	vld [tilespmem:s3+$0x14540]  }
0xb2: {  	s13 =	sshra.s32 s20, $0x2;
	v11 =	vadd.f32 v4, v11;
	v16 =	vbroadcast v12, $0x0;
	v17 =	vbroadcast v12, $0x1;
	v18 =	vld [tilespmem:s3+$0x14560]  }
0xb3: {  	v19 =	vbroadcast v12, $0x2;
	v20 =	vbroadcast v12, $0x3;
	v4 =	vld [tilespmem:s13+$0x19500];
	v13 =	vadd.f32 v5, v13  }
0xb4: {  	v7 =	vld [tilespmem:s13+$0x19510];
	v11 =	vmul.f32 v11, v16;
	v10 =	vmul.f32 v10, v17;
	v6 =	vadd.f32 v6, v14  }
0xb5: {  	v14 =	vmul.f32 v8, v20;
	v5 =	vld [tilespmem:s13+$0x19520];
	v13 =	vmul.f32 v13, v19;
	v15 =	vadd.f32 v3, v15  }
0xb6: {  	v16 =	vbroadcast v12, $0x5;
	v8 =	vld [tilespmem:s13+$0x19530];
	[tilespmem:s3+$0x14500] =	vst v11;
	v9 =	vadd.f32 v1, v9;
	v11 =	vbroadcast v12, $0x4  }
0xb7: {  	v17 =	vbroadcast v12, $0x6;
	v12 =	vbroadcast v12, $0x7;
	v1 =	vld [tilespmem:s13+$0x19540];
	[tilespmem:s3+$0x14510] =	vst v10;
	v10 =	vadd.f32 v2, v18  }
0xb8: {  	v3 =	vld [tilespmem:s13+$0x19550];
	[tilespmem:s3+$0x14520] =	vst v13;
	v9 =	vmul.f32 v9, v11;
	v11 =	vmul.f32 v15, v16  }
.Ltmp1:
0xb9: {  	v12 =	vmul.f32 v6, v12;
	v2 =	vld [tilespmem:s13+$0x19560];
	[tilespmem:s3+$0x14530] =	vst v14;
	v13 =	vmul.f32 v10, v17;
	(pc) =	sbr.rel @p0 .LBB2_5-.Ltmp1, $4  }
0xba: {  	v6 =	vld [tilespmem:s13+$0x19570];
	[tilespmem:s3+$0x14540] =	vst v9  }
0xbb: {  	v9 =	vld [tilespmem:s13+$0x14530];
	[tilespmem:s3+$0x14550] =	vst v11  }
0xbc: {  	v10 =	vld [tilespmem:s13+$0x14510];
	[tilespmem:s3+$0x14560] =	vst v13  }
0xbd: {  	s20 =	sadd.s32 $0x200, s20;
	s26 =	sadd.s32 $0x10, s26;
	v11 =	vld [tilespmem:s13+$0x14500];
	[tilespmem:s3+$0x14570] =	vst v12;
	s3 =	smov.u32 s13  }
0xbe: {  	v12 =	vld [tilespmem:s26+$0x0]  }
0xbf: {  	v13 =	vld [tilespmem:s3+$0x14520];
	_ =	sdelay $0x2  }
0xc0: {  	v15 =	vld [tilespmem:s3+$0x14550]  }
0xc1: {  	v14 =	vld [tilespmem:s3+$0x14540];
	v7 =	vadd.f32 v7, v10;
	v4 =	vadd.f32 v4, v11;
	v11 =	vbroadcast v12, $0x0  }
0xc2: {  	v16 =	vld [tilespmem:s3+$0x14560];
	v10 =	vbroadcast v12, $0x1;
	v5 =	vadd.f32 v5, v13;
	v63 =	vbroadcast v12, $0x2  }
0xc3: {  	v17 =	vld [tilespmem:s3+$0x14570];
	v8 =	vadd.f32 v8, v9;
	v9 =	vbroadcast v12, $0x3;
	v4 =	vmul.f32 v4, v11  }
0xc4: {  	v7 =	vmul.f32 v7, v10;
	v5 =	vmul.f32 v5, v63  }
0xc5: {  	v3 =	vadd.f32 v3, v15;
	v8 =	vmul.f32 v8, v9;
	v9 =	vbroadcast v12, $0x5;
	[tilespmem:s3+$0x14500] =	vst v4  }
0xc6: {  	v1 =	vadd.f32 v1, v14;
	v4 =	vbroadcast v12, $0x4;
	[tilespmem:s3+$0x14510] =	vst v7  }
0xc7: {  	v2 =	vadd.f32 v2, v16;
	v7 =	vbroadcast v12, $0x6;
	[tilespmem:s3+$0x14520] =	vst v5;
	v3 =	vmul.f32 v3, v9  }
0xc8: {  	v5 =	vbroadcast v12, $0x7;
	[tilespmem:s3+$0x14530] =	vst v8;
	v1 =	vmul.f32 v1, v4;
	v4 =	vadd.f32 v6, v17  }
0xc9: {  	v2 =	vmul.f32 v2, v7;
	[tilespmem:s3+$0x14550] =	vst v3  }
0xca: {  	[tilespmem:s3+$0x14540] =	vst v1;
	v1 =	vmul.f32 v4, v5  }
0xcb: {  	s19 =	sadd.s32 $0x2, s19;
	[tilespmem:s3+$0x14560] =	vst v2  }
0xcc: {  	s13 =	sadd.s32 s22, s19;
	[tilespmem:s3+$0x14570] =	vst v1  }
0xcd: {  	[spmem:s2] =	stream.indirect.scatter.add.f32 [tilespmem:s9], [sflag:$0x3], $0x80, s31, s12, $0xb8;
	[tilespmem:$0x1EF00] =	vst v63  }
0xce: {  	s13 =	smul.u32 $0x1E, s13;
	_ =	swait.ge [sflag:s0], $0x2800  }
0xcf: {  	[sflag:s0] =	ssyncset.done $0x0  }
0xd0: {  	s20 =	simm.s32 $0x0;
	s13 =	sadd.s32 s18, s13;
	[sflag:s0] =	ssyncadd.s32 $0xFFFFD800  }
0xd1: {  	[tilespmem:s11], [sflag:$0x5] =	stream.linear.gather [hbm4b:s13+s20], $0xF0, $0x38;
	[tilespmem:$0x1EF00] =	vst v63  }
0xd2: {  	_ =	swait.ge [sflag:s10], $0xF0  }
0xd3: {  	[sflag:s10] =	ssyncset.done $0x0  }
0xd4: {  	[sflag:s10] =	ssyncadd.s32 $0xFFFFFF10  }
0xd5: {  	v1 =	vld [tilespmem:$0x14000]  }
0xd6: {  	v2 =	vld [tilespmem:$0x14050]  }
0xd7: {  	v3 =	vld [tilespmem:$0x140A0]  }
0xd8: {  	v4 =	vld [tilespmem:$0x14010]  }
0xd9: {  	v5 =	vld [tilespmem:$0x14060]  }
0xda: {  	[tilespmem:$0x14200] =	vst v1;
	v1 =	vld [tilespmem:$0x140B0]  }
0xdb: {  	[tilespmem:$0x14300] =	vst v2;
	v2 =	vld [tilespmem:$0x14020]  }
0xdc: {  	[tilespmem:$0x14400] =	vst v3;
	v3 =	vld [tilespmem:$0x14070]  }
0xdd: {  	[tilespmem:$0x14210] =	vst v4;
	v4 =	vld [tilespmem:$0x140C0]  }
0xde: {  	[tilespmem:$0x14310] =	vst v5;
	v5 =	vld [tilespmem:$0x14030]  }
0xdf: {  	[tilespmem:$0x14410] =	vst v1;
	v1 =	vld [tilespmem:$0x14080]  }
0xe0: {  	[tilespmem:$0x14220] =	vst v2;
	v2 =	vld [tilespmem:$0x140D0]  }
0xe1: {  	[tilespmem:$0x14320] =	vst v3;
	v3 =	vld [tilespmem:$0x14040]  }
0xe2: {  	[tilespmem:$0x14420] =	vst v4;
	v4 =	vld [tilespmem:$0x14090]  }
0xe3: {  	[tilespmem:$0x14230] =	vst v5;
	v5 =	vld [tilespmem:$0x140E0]  }
0xe4: {  	[tilespmem:$0x14330] =	vst v1  }
0xe5: {  	s3 =	smul.u32 $0x50, s19;
	[tilespmem:$0x14430] =	vst v2  }
0xe6: {  	[tilespmem:$0x14240] =	vst v3  }
0xe7: {  	s3 =	sadd.s32 s23, s3;
	[tilespmem:$0x14340] =	vst v4  }
0xe8: {  	s26 =	simm.s32 $0x14200;
	s3 =	sshll.u32 s3, $0x1;
	[tilespmem:$0x14440] =	vst v5  }
0xe9: {  	[tilespmem:s9], [sflag:$0x1] =	stream.indirect.gather [hbm4b:s1+s12], $0x80, s26, s12, $0xb8;
	[tilespmem:$0x1EF00] =	vst v63  }
0xea: {  	s3 =	sand.u32 $0x1FFFFFE0, s3  }
0xeb: {  	[tilespmem:s15], [sflag:$0x1] =	stream.indirect.gather [hbm4b:s5+s12], $0x80, s14, s12, $0xb8;
	[tilespmem:$0x1EF00] =	vst v63  }
0xec: {  	s3 =	sadd.s32 s17, s3  }
0xed: {  	[tilespmem:s24], [sflag:$0x1] =	stream.linear.gather [hbm4b:s3+s20], $0x500, $0x38;
	[tilespmem:$0x1EF00] =	vst v63  }
0xee: {  	_ =	swait.ge [sflag:s4], $0x2800  }
0xef: {  	[sflag:s4] =	ssyncset.done $0x0  }
0xf0: {  	[sflag:s4] =	ssyncadd.s32 $0xFFFFD800  }
0xf1: {  	_ =	swait.ge [sflag:s4], $0x2800  }
0xf2: {  	[sflag:s4] =	ssyncset.done $0x0  }
0xf3: {  	[sflag:s4] =	ssyncadd.s32 $0xFFFFD800  }
0xf4: {  	_ =	swait.ge [sflag:s4], $0x500  }
0xf5: {  	[sflag:s4] =	ssyncset.done $0x0  }
0xf6: {  	s3 =	simm.s32 $0x0;
	[sflag:s4] =	ssyncadd.s32 $0xFFFFFB00  }
0xf7: {  	v4 =	vld [tilespmem:s3+$0x1BD00]  }
0xf8: {  	v7 =	vld [tilespmem:s3+$0x1BD10]  }
0xf9: {  	v5 =	vld [tilespmem:s3+$0x1BD20]  }
0xfa: {  	v8 =	vld [tilespmem:s3+$0x1BD30]  }
0xfb: {  	v1 =	vld [tilespmem:s3+$0x1BD40]  }
0xfc: {  	v3 =	vld [tilespmem:s3+$0x1BD50]  }
0xfd: {  	v2 =	vld [tilespmem:s3+$0x1BD60]  }
0xfe: {  	v6 =	vld [tilespmem:s3+$0x1BD70]  }
0xff: {  	v9 =	vld [tilespmem:s3+$0x16D30]  }
0x100: {  	v10 =	vld [tilespmem:s3+$0x16D10]  }
0x101: {  	s19 =	simm.s32 $0x1EA00;
	s20 =	simm.s32 $0x200;
	v11 =	vld [tilespmem:s3+$0x16D00]  }
.LBB2_7:
0x102: {  	p0 =	sne.s32 s20, $0x9E00;
	v12 =	vld [tilespmem:s19+$0x0]  }
0x103: {  	v13 =	vld [tilespmem:s3+$0x16D20]  }
0x104: {  	v14 =	vld [tilespmem:s3+$0x16D70]  }
0x105: {  	v15 =	vld [tilespmem:s3+$0x16D50]  }
0x106: {  	v8 =	vadd.f32 v8, v9;
	v10 =	vadd.f32 v7, v10;
	v9 =	vld [tilespmem:s3+$0x16D40]  }
0x107: {  	s13 =	sshra.s32 s20, $0x2;
	v11 =	vadd.f32 v4, v11;
	v16 =	vbroadcast v12, $0x0;
	v17 =	vbroadcast v12, $0x1;
	v18 =	vld [tilespmem:s3+$0x16D60]  }
0x108: {  	v19 =	vbroadcast v12, $0x2;
	v20 =	vbroadcast v12, $0x3;
	v4 =	vld [tilespmem:s13+$0x1BD00];
	v13 =	vadd.f32 v5, v13  }
0x109: {  	v7 =	vld [tilespmem:s13+$0x1BD10];
	v11 =	vmul.f32 v11, v16;
	v10 =	vmul.f32 v10, v17;
	v6 =	vadd.f32 v6, v14  }
0x10a: {  	v14 =	vmul.f32 v8, v20;
	v5 =	vld [tilespmem:s13+$0x1BD20];
	v13 =	vmul.f32 v13, v19;
	v15 =	vadd.f32 v3, v15  }
0x10b: {  	v16 =	vbroadcast v12, $0x5;
	v8 =	vld [tilespmem:s13+$0x1BD30];
	[tilespmem:s3+$0x16D00] =	vst v11;
	v9 =	vadd.f32 v1, v9;
	v11 =	vbroadcast v12, $0x4  }
0x10c: {  	v17 =	vbroadcast v12, $0x6;
	v12 =	vbroadcast v12, $0x7;
	v1 =	vld [tilespmem:s13+$0x1BD40];
	[tilespmem:s3+$0x16D10] =	vst v10;
	v10 =	vadd.f32 v2, v18  }
0x10d: {  	v3 =	vld [tilespmem:s13+$0x1BD50];
	[tilespmem:s3+$0x16D20] =	vst v13;
	v9 =	vmul.f32 v9, v11;
	v11 =	vmul.f32 v15, v16  }
.Ltmp2:
0x10e: {  	v12 =	vmul.f32 v6, v12;
	v2 =	vld [tilespmem:s13+$0x1BD60];
	[tilespmem:s3+$0x16D30] =	vst v14;
	v13 =	vmul.f32 v10, v17;
	(pc) =	sbr.rel @p0 .LBB2_7-.Ltmp2, $4  }
0x10f: {  	v6 =	vld [tilespmem:s13+$0x1BD70];
	[tilespmem:s3+$0x16D40] =	vst v9  }
0x110: {  	v9 =	vld [tilespmem:s13+$0x16D30];
	[tilespmem:s3+$0x16D50] =	vst v11  }
0x111: {  	v10 =	vld [tilespmem:s13+$0x16D10];
	[tilespmem:s3+$0x16D60] =	vst v13  }
0x112: {  	s20 =	sadd.s32 $0x200, s20;
	s19 =	sadd.s32 $0x10, s19;
	v11 =	vld [tilespmem:s13+$0x16D00];
	[tilespmem:s3+$0x16D70] =	vst v12;
	s3 =	smov.u32 s13  }
0x113: {  	v12 =	vld [tilespmem:s19+$0x0];
	_ =	sdelay $0x1  }
0x114: {  	v13 =	vld [tilespmem:s3+$0x16D20];
	_ =	sdelay $0x1  }
0x115: {  	v14 =	vld [tilespmem:s3+$0x16D40]  }
0x116: {  	v15 =	vld [tilespmem:s3+$0x16D50];
	v4 =	vadd.f32 v4, v11;
	v55 =	vbroadcast v12, $0x0  }
0x117: {  	v16 =	vld [tilespmem:s3+$0x16D60];
	v7 =	vadd.f32 v7, v10;
	v56 =	vbroadcast v12, $0x1  }
0x118: {  	v17 =	vld [tilespmem:s3+$0x16D70];
	v5 =	vadd.f32 v5, v13;
	v57 =	vbroadcast v12, $0x2;
	v4 =	vmul.f32 v4, v55  }
0x119: {  	v8 =	vadd.f32 v8, v9;
	v58 =	vbroadcast v12, $0x3;
	v7 =	vmul.f32 v7, v56  }
0x11a: {  	v1 =	vadd.f32 v1, v14;
	v59 =	vbroadcast v12, $0x4;
	v5 =	vmul.f32 v5, v57;
	[tilespmem:s3+$0x16D00] =	vst v4  }
0x11b: {  	v3 =	vadd.f32 v3, v15;
	v60 =	vbroadcast v12, $0x5;
	v8 =	vmul.f32 v8, v58;
	[tilespmem:s3+$0x16D10] =	vst v7  }
0x11c: {  	s7 =	sadd.s32 $0x1, s7;
	v2 =	vadd.f32 v2, v16;
	v61 =	vbroadcast v12, $0x6;
	v1 =	vmul.f32 v1, v59;
	[tilespmem:s3+$0x16D20] =	vst v5  }
0x11d: {  	p0 =	sne.s32 s7, $0x3E;
	v62 =	vadd.f32 v6, v17;
	v63 =	vbroadcast v12, $0x7;
	v3 =	vmul.f32 v3, v60;
	[tilespmem:s3+$0x16D30] =	vst v8  }
.Ltmp3:
0x11e: {  	v2 =	vmul.f32 v2, v61;
	[tilespmem:s3+$0x16D40] =	vst v1;
	(pc) =	sbr.rel @p0 .LBB2_4-.Ltmp3, $4  }
0x11f: {  	v1 =	vmul.f32 v62, v63;
	[tilespmem:s3+$0x16D50] =	vst v3  }
0x120: {  	[tilespmem:s3+$0x16D60] =	vst v2  }
0x121: {  	[tilespmem:s3+$0x16D70] =	vst v1  }
0x122: {  	[spmem:s2] =	stream.indirect.scatter.add.f32 [tilespmem:s28], [sflag:$0x4], $0x80, s6, s12, $0xb8;
	[tilespmem:$0x1EF00] =	vst v63  }
0x123: {  	s3 =	simm.s32 $0x4  }
0x124: {  	_ =	swait.ge [sflag:s3], $0x2800  }
0x125: {  	[sflag:s3] =	ssyncset.done $0x0  }
0x126: {  	[sflag:s3] =	ssyncadd.s32 $0xFFFFD800  }
0x127: {  	_ =	swait.ge [sflag:s30], $0x2800  }
0x128: {  	[sflag:s30] =	ssyncset.done $0x0  }
0x129: {  	[sflag:s30] =	ssyncadd.s32 $0xFFFFD800  }
0x12a: {  	_ =	swait.ge [sflag:s30], $0x2800  }
0x12b: {  	[sflag:s30] =	ssyncset.done $0x0  }
0x12c: {  	[sflag:s30] =	ssyncadd.s32 $0xFFFFD800  }
0x12d: {  	_ =	swait.ge [sflag:s30], $0x500  }
0x12e: {  	[sflag:s30] =	ssyncset.done $0x0  }
0x12f: {  	s3 =	simm.s32 $0x0;
	[sflag:s30] =	ssyncadd.s32 $0xFFFFFB00  }
0x130: {  	v4 =	vld [tilespmem:s3+$0x19500]  }
0x131: {  	v7 =	vld [tilespmem:s3+$0x19510]  }
0x132: {  	v5 =	vld [tilespmem:s3+$0x19520]  }
0x133: {  	v8 =	vld [tilespmem:s3+$0x19530]  }
0x134: {  	v1 =	vld [tilespmem:s3+$0x19540]  }
0x135: {  	v3 =	vld [tilespmem:s3+$0x19550]  }
0x136: {  	v2 =	vld [tilespmem:s3+$0x19560]  }
0x137: {  	v6 =	vld [tilespmem:s3+$0x19570]  }
0x138: {  	v9 =	vld [tilespmem:s3+$0x14530]  }
0x139: {  	v10 =	vld [tilespmem:s3+$0x14510]  }
0x13a: {  	s7 =	simm.s32 $0x1E500;
	s8 =	simm.s32 $0x200;
	v11 =	vld [tilespmem:s3+$0x14500]  }
.LBB2_10:
0x13b: {  	p0 =	sne.s32 s8, $0x9E00;
	v12 =	vld [tilespmem:s7+$0x0]  }
0x13c: {  	v13 =	vld [tilespmem:s3+$0x14520]  }
0x13d: {  	v14 =	vld [tilespmem:s3+$0x14570]  }
0x13e: {  	v15 =	vld [tilespmem:s3+$0x14550]  }
0x13f: {  	v8 =	vadd.f32 v8, v9;
	v10 =	vadd.f32 v7, v10;
	v9 =	vld [tilespmem:s3+$0x14540]  }
0x140: {  	s13 =	sshra.s32 s8, $0x2;
	v11 =	vadd.f32 v4, v11;
	v16 =	vbroadcast v12, $0x0;
	v17 =	vbroadcast v12, $0x1;
	v18 =	vld [tilespmem:s3+$0x14560]  }
0x141: {  	v19 =	vbroadcast v12, $0x2;
	v20 =	vbroadcast v12, $0x3;
	v4 =	vld [tilespmem:s13+$0x19500];
	v13 =	vadd.f32 v5, v13  }
0x142: {  	v7 =	vld [tilespmem:s13+$0x19510];
	v11 =	vmul.f32 v11, v16;
	v10 =	vmul.f32 v10, v17;
	v6 =	vadd.f32 v6, v14  }
0x143: {  	v14 =	vmul.f32 v8, v20;
	v5 =	vld [tilespmem:s13+$0x19520];
	v13 =	vmul.f32 v13, v19;
	v15 =	vadd.f32 v3, v15  }
0x144: {  	v16 =	vbroadcast v12, $0x5;
	v8 =	vld [tilespmem:s13+$0x19530];
	[tilespmem:s3+$0x14500] =	vst v11;
	v9 =	vadd.f32 v1, v9;
	v11 =	vbroadcast v12, $0x4  }
0x145: {  	v17 =	vbroadcast v12, $0x6;
	v12 =	vbroadcast v12, $0x7;
	v1 =	vld [tilespmem:s13+$0x19540];
	[tilespmem:s3+$0x14510] =	vst v10;
	v10 =	vadd.f32 v2, v18  }
0x146: {  	v3 =	vld [tilespmem:s13+$0x19550];
	[tilespmem:s3+$0x14520] =	vst v13;
	v9 =	vmul.f32 v9, v11;
	v11 =	vmul.f32 v15, v16  }
.Ltmp4:
0x147: {  	v12 =	vmul.f32 v6, v12;
	v2 =	vld [tilespmem:s13+$0x19560];
	[tilespmem:s3+$0x14530] =	vst v14;
	v13 =	vmul.f32 v10, v17;
	(pc) =	sbr.rel @p0 .LBB2_10-.Ltmp4, $4  }
0x148: {  	v6 =	vld [tilespmem:s13+$0x19570];
	[tilespmem:s3+$0x14540] =	vst v9  }
0x149: {  	v9 =	vld [tilespmem:s13+$0x14530];
	[tilespmem:s3+$0x14550] =	vst v11  }
0x14a: {  	v10 =	vld [tilespmem:s13+$0x14510];
	[tilespmem:s3+$0x14560] =	vst v13  }
0x14b: {  	s8 =	sadd.s32 $0x200, s8;
	s7 =	sadd.s32 $0x10, s7;
	v11 =	vld [tilespmem:s13+$0x14500];
	[tilespmem:s3+$0x14570] =	vst v12;
	s3 =	smov.u32 s13  }
0x14c: {  	v12 =	vld [tilespmem:s7+$0x0];
	_ =	sdelay $0x1  }
0x14d: {  	v13 =	vld [tilespmem:s3+$0x14520];
	_ =	sdelay $0x1  }
0x14e: {  	v14 =	vld [tilespmem:s3+$0x14540]  }
0x14f: {  	v15 =	vld [tilespmem:s3+$0x14550];
	v4 =	vadd.f32 v4, v11;
	v55 =	vbroadcast v12, $0x0  }
0x150: {  	v16 =	vld [tilespmem:s3+$0x14560];
	v7 =	vadd.f32 v7, v10;
	v56 =	vbroadcast v12, $0x1  }
0x151: {  	v17 =	vld [tilespmem:s3+$0x14570];
	v5 =	vadd.f32 v5, v13;
	v57 =	vbroadcast v12, $0x2;
	v4 =	vmul.f32 v4, v55  }
0x152: {  	v8 =	vadd.f32 v8, v9;
	v58 =	vbroadcast v12, $0x3;
	v7 =	vmul.f32 v7, v56  }
0x153: {  	v1 =	vadd.f32 v1, v14;
	v59 =	vbroadcast v12, $0x4;
	v5 =	vmul.f32 v5, v57;
	[tilespmem:s3+$0x14500] =	vst v4  }
0x154: {  	v3 =	vadd.f32 v3, v15;
	v60 =	vbroadcast v12, $0x5;
	v8 =	vmul.f32 v8, v58;
	[tilespmem:s3+$0x14510] =	vst v7  }
0x155: {  	v2 =	vadd.f32 v2, v16;
	v61 =	vbroadcast v12, $0x6;
	v1 =	vmul.f32 v1, v59;
	[tilespmem:s3+$0x14520] =	vst v5  }
0x156: {  	v62 =	vadd.f32 v6, v17;
	v63 =	vbroadcast v12, $0x7;
	v3 =	vmul.f32 v3, v60;
	[tilespmem:s3+$0x14530] =	vst v8  }
0x157: {  	v2 =	vmul.f32 v2, v61;
	[tilespmem:s3+$0x14540] =	vst v1  }
0x158: {  	v1 =	vmul.f32 v62, v63;
	[tilespmem:s3+$0x14550] =	vst v3  }
0x159: {  	[tilespmem:s3+$0x14560] =	vst v2  }
0x15a: {  	[tilespmem:s3+$0x14570] =	vst v1  }
0x15b: {  	[spmem:s2] =	stream.indirect.scatter.add.f32 [tilespmem:s9], [sflag:$0x3], $0x80, s31, s12, $0xb8;
	[tilespmem:$0x1EF00] =	vst v63  }
0x15c: {  	_ =	swait.ge [sflag:s0], $0x2800  }
0x15d: {  	[sflag:s0] =	ssyncset.done $0x0  }
0x15e: {  	[sflag:s0] =	ssyncadd.s32 $0xFFFFD800  }
0x15f: {  	[bflag:$0x0] =	sbarrier.arrive $0xFFFF  }
0x160: {  	s7 =	stileid.u32;
	s8 =	rddreg [dreg:$0xf]  }
0x161: {  	s3 =	sshll.u32 s7, $0x6;
	s13 =	rddreg [dreg:$0x5];
	s8 =	sshrl.u32 s8, $0x3  }
0x162: {  	s7 =	sor.u32 $0x1C05, s3;
	[dreg:$0x1e] =	wrdreg s8  }
0x163: {  	[hbm:s13], [sflag:s7] =	dma.local [spmem:s8], $0x800  }
0x164: {  	_ =	swait.ge [sflag:s10], $0x800  }
0x165: {  	s19 =	rddreg [dreg:$0x12]  }
0x166: {  	[sflag:s10] =	ssyncset.done $0x0;
	s26 =	rddreg [dreg:$0x6];
	s20 =	sshrl.u32 s19, $0x3  }
0x167: {  	[sflag:s10] =	ssyncadd.s32 $0xFFFFF800;
	[dreg:$0x1f] =	wrdreg s20  }
0x168: {  	[hbm:s26], [sflag:s7] =	dma.local [spmem:s20], $0x800  }
0x169: {  	_ =	swait.ge [sflag:s10], $0x800  }
0x16a: {  	s13 =	rddreg [dreg:$0x13]  }
0x16b: {  	[sflag:s10] =	ssyncset.done $0x0;
	s20 =	rddreg [dreg:$0x7];
	s19 =	sshrl.u32 s13, $0x3  }
0x16c: {  	[sflag:s10] =	ssyncadd.s32 $0xFFFFF800;
	[smem:$0x7FB] =	sst s19  }
0x16d: {  	[hbm:s20], [sflag:s7] =	dma.local [spmem:s19], $0x800  }
0x16e: {  	_ =	swait.ge [sflag:s10], $0x800  }
0x16f: {  	s26 =	rddreg [dreg:$0x14]  }
0x170: {  	[sflag:s10] =	ssyncset.done $0x0;
	s13 =	rddreg [dreg:$0x8];
	s3 =	sshrl.u32 s26, $0x3  }
0x171: {  	[sflag:s10] =	ssyncadd.s32 $0xFFFFF800;
	[smem:$0x7FC] =	sst s3  }
0x172: {  	[hbm:s13], [sflag:s7] =	dma.local [spmem:s3], $0x800  }
0x173: {  	_ =	swait.ge [sflag:s10], $0x800  }
0x174: {  	s19 =	rddreg [dreg:$0x15]  }
0x175: {  	[sflag:s10] =	ssyncset.done $0x0;
	s26 =	rddreg [dreg:$0x9];
	s20 =	sshrl.u32 s19, $0x3  }
0x176: {  	[sflag:s10] =	ssyncadd.s32 $0xFFFFF800;
	[smem:$0x7FD] =	sst s20  }
0x177: {  	[hbm:s26], [sflag:s7] =	dma.local [spmem:s20], $0x800  }
0x178: {  	_ =	swait.ge [sflag:s10], $0x800  }
0x179: {  	[sflag:s10] =	ssyncset.done $0x0  }
0x17a: {  	[sflag:s10] =	ssyncadd.s32 $0xFFFFF800  }
0x17b: {  	s8 =	simm.s32 $0x200;
	s3 =	simm.s32 $0x0;
	[bflag:$0x0] =	sbarrier.arrive $0xFFFF  }
.LBB2_12:
0x17c: {  	p0 =	sne.s32 s8, $0x9E00;
	[tilespmem:s3+$0x19570] =	vst v0  }
0x17d: {  	[tilespmem:s3+$0x19500] =	vst v0  }
0x17e: {  	[tilespmem:s3+$0x19510] =	vst v0  }
.Ltmp5:
0x17f: {  	[tilespmem:s3+$0x19520] =	vst v0;
	(pc) =	sbr.rel @p0 .LBB2_12-.Ltmp5, $4  }
0x180: {  	[tilespmem:s3+$0x19530] =	vst v0  }
0x181: {  	[tilespmem:s3+$0x19540] =	vst v0  }
0x182: {  	[tilespmem:s3+$0x19550] =	vst v0  }
0x183: {  	[tilespmem:s3+$0x19560] =	vst v0;
	s3 =	sshra.s32 s8, $0x2;
	s8 =	sadd.s32 $0x200, s8  }
0x184: {  	[tilespmem:s3+$0x19570] =	vst v0  }
0x185: {  	[tilespmem:s3+$0x19500] =	vst v0  }
0x186: {  	[tilespmem:s3+$0x19510] =	vst v0  }
0x187: {  	[tilespmem:s3+$0x19520] =	vst v0  }
0x188: {  	[tilespmem:s3+$0x19530] =	vst v0  }
0x189: {  	[tilespmem:s3+$0x19540] =	vst v0  }
0x18a: {  	[tilespmem:s3+$0x19550] =	vst v0  }
0x18b: {  	[tilespmem:s3+$0x19560] =	vst v0;
	s13 =	rddreg [dreg:$0xf]  }
0x18c: {  	[spmem:s13] =	stream.linear.scatter [tilespmem:s15], [sflag:$0x5], $0x2800, $0x38;
	[tilespmem:$0x1EF00] =	vst v63  }
0x18d: {  	_ =	swait.ge [sflag:s10], $0x2800  }
0x18e: {  	[sflag:s10] =	ssyncset.done $0x0  }
0x18f: {  	s19 =	rddreg [dreg:$0x17];
	[sflag:s10] =	ssyncadd.s32 $0xFFFFD800  }
0x190: {  	[spmem:s19] =	stream.linear.scatter [tilespmem:s15], [sflag:$0x5], $0x2800, $0x38;
	[tilespmem:$0x1EF00] =	vst v63  }
0x191: {  	_ =	swait.ge [sflag:s10], $0x2800  }
0x192: {  	[sflag:s10] =	ssyncset.done $0x0  }
0x193: {  	s20 =	rddreg [dreg:$0x18];
	[sflag:s10] =	ssyncadd.s32 $0xFFFFD800  }
0x194: {  	[spmem:s20] =	stream.linear.scatter [tilespmem:s15], [sflag:$0x5], $0x2800, $0x38;
	[tilespmem:$0x1EF00] =	vst v63  }
0x195: {  	_ =	swait.ge [sflag:s10], $0x2800  }
0x196: {  	[sflag:s10] =	ssyncset.done $0x0  }
0x197: {  	s26 =	rddreg [dreg:$0x19];
	[sflag:s10] =	ssyncadd.s32 $0xFFFFD800  }
0x198: {  	[spmem:s26] =	stream.linear.scatter [tilespmem:s15], [sflag:$0x5], $0x2800, $0x38;
	[tilespmem:$0x1EF00] =	vst v63  }
0x199: {  	_ =	swait.ge [sflag:s10], $0x2800  }
0x19a: {  	[sflag:s10] =	ssyncset.done $0x0  }
0x19b: {  	s8 =	rddreg [dreg:$0x1a];
	[sflag:s10] =	ssyncadd.s32 $0xFFFFD800  }
0x19c: {  	[spmem:s8] =	stream.linear.scatter [tilespmem:s15], [sflag:$0x5], $0x2800, $0x38;
	[tilespmem:$0x1EF00] =	vst v63  }
0x19d: {  	_ =	swait.ge [sflag:s10], $0x2800  }
0x19e: {  	[sflag:s10] =	ssyncset.done $0x0  }
0x19f: {  	s13 =	rddreg [dreg:$0x1b];
	[sflag:s10] =	ssyncadd.s32 $0xFFFFD800  }
0x1a0: {  	[spmem:s13] =	stream.linear.scatter [tilespmem:s15], [sflag:$0x5], $0x2800, $0x38;
	[tilespmem:$0x1EF00] =	vst v63  }
0x1a1: {  	_ =	swait.ge [sflag:s10], $0x2800  }
0x1a2: {  	[sflag:s10] =	ssyncset.done $0x0  }
0x1a3: {  	s19 =	rddreg [dreg:$0x1c];
	[sflag:s10] =	ssyncadd.s32 $0xFFFFD800  }
0x1a4: {  	[spmem:s19] =	stream.linear.scatter [tilespmem:s15], [sflag:$0x5], $0x2800, $0x38;
	[tilespmem:$0x1EF00] =	vst v63  }
0x1a5: {  	_ =	swait.ge [sflag:s10], $0x2800  }
0x1a6: {  	[sflag:s10] =	ssyncset.done $0x0  }
0x1a7: {  	s20 =	rddreg [dreg:$0x1d];
	[sflag:s10] =	ssyncadd.s32 $0xFFFFD800  }
0x1a8: {  	[spmem:s20] =	stream.linear.scatter [tilespmem:s15], [sflag:$0x5], $0x2800, $0x38;
	[tilespmem:$0x1EF00] =	vst v63  }
0x1a9: {  	_ =	swait.ge [sflag:s10], $0x2800  }
0x1aa: {  	[sflag:s10] =	ssyncset.done $0x0  }
0x1ab: {  	[sflag:s10] =	ssyncadd.s32 $0xFFFFD800  }
0x1ac: {  	[bflag:$0x0] =	sbarrier.arrive $0xFFFF  }
0x1ad: {  	s3 =	simm.s32 $0x0;
	s8 =	rddreg [dreg:$0x10]  }
0x1ae: {  	[tilespmem:s11], [sflag:$0x5] =	stream.linear.gather [hbm4b:s8+s3], $0xF0, $0x38;
	[tilespmem:$0x1EF00] =	vst v63  }
0x1af: {  	_ =	swait.ge [sflag:s10], $0xF0  }
0x1b0: {  	[sflag:s10] =	ssyncset.done $0x0  }
0x1b1: {  	[sflag:s10] =	ssyncadd.s32 $0xFFFFFF10  }
0x1b2: {  	v1 =	vld [tilespmem:$0x14000]  }
0x1b3: {  	v2 =	vld [tilespmem:$0x14050]  }
0x1b4: {  	v3 =	vld [tilespmem:$0x140A0]  }
0x1b5: {  	v4 =	vld [tilespmem:$0x14010]  }
0x1b6: {  	v5 =	vld [tilespmem:$0x14060]  }
0x1b7: {  	v60 =	vld [tilespmem:$0x140C0];
	[tilespmem:$0x14200] =	vst v1  }
0x1b8: {  	v61 =	vld [tilespmem:$0x14030];
	[tilespmem:$0x14300] =	vst v2  }
0x1b9: {  	v1 =	vld [tilespmem:$0x140B0];
	[tilespmem:$0x14400] =	vst v3  }
0x1ba: {  	v2 =	vld [tilespmem:$0x14020];
	[tilespmem:$0x14210] =	vst v4  }
0x1bb: {  	v3 =	vld [tilespmem:$0x14070];
	[tilespmem:$0x14310] =	vst v5  }
0x1bc: {  	v62 =	vld [tilespmem:$0x14090];
	[tilespmem:$0x14420] =	vst v60  }
0x1bd: {  	v63 =	vld [tilespmem:$0x140E0];
	[tilespmem:$0x14230] =	vst v61  }
0x1be: {  	[tilespmem:$0x14410] =	vst v1;
	v1 =	vld [tilespmem:$0x14080]  }
0x1bf: {  	[tilespmem:$0x14220] =	vst v2;
	v2 =	vld [tilespmem:$0x140D0]  }
0x1c0: {  	[tilespmem:$0x14320] =	vst v3;
	v3 =	vld [tilespmem:$0x14040]  }
0x1c1: {  	[tilespmem:$0x14340] =	vst v62  }
0x1c2: {  	[tilespmem:$0x14440] =	vst v63  }
0x1c3: {  	[tilespmem:$0x14330] =	vst v1  }
0x1c4: {  	[tilespmem:$0x14430] =	vst v2  }
0x1c5: {  	[tilespmem:$0x14240] =	vst v3  }
0x1c6: {  	[tilespmem:s9], [sflag:$0x1] =	stream.indirect.gather [hbm4b:s16+s12], $0x80, s14, s12, $0xb8;
	[tilespmem:$0x1EF00] =	vst v63  }
0x1c7: {  	s8 =	simm.s32 $0x0;
	s26 =	rddreg [dreg:$0x11]  }
0x1c8: {  	[tilespmem:s24], [sflag:$0x1] =	stream.linear.gather [hbm4b:s26+s3], $0x500, $0x38;
	[tilespmem:$0x1EF00] =	vst v63  }
.LBB2_14:
0x1c9: {  	p0 =	seq.s32 s8, $0x0;
	s13 =	sshllo.u32 s8, $0x1  }
0x1ca: {  	s19 =	simm.s32 @!p0 $0x4;
	s20 =	sadd.s32 s22, s13  }
0x1cb: {  	_ =	swait.ge @!p0 [sflag:s19], $0x2800;
	s20 =	smul.u32 $0x1E, s20  }
0x1cc: {  	[sflag:s19] =	ssyncset.done @!p0 $0x0  }
0x1cd: {  	[sflag:s19] =	ssyncadd.s32 @!p0 $0xFFFFD800;
	s26 =	sadd.s32 s18, s20  }
0x1ce: {  	[tilespmem:s25], [sflag:$0x5] =	stream.linear.gather [hbm4b:s26+s3], $0xF0, $0x38;
	[tilespmem:$0x1EF00] =	vst v63  }
0x1cf: {  	_ =	swait.ge [sflag:s10], $0xF0  }
0x1d0: {  	[sflag:s10] =	ssyncset.done $0x0  }
0x1d1: {  	[sflag:s10] =	ssyncadd.s32 $0xFFFFFF10  }
0x1d2: {  	v1 =	vld [tilespmem:$0x14100]  }
0x1d3: {  	v2 =	vld [tilespmem:$0x14150]  }
0x1d4: {  	v3 =	vld [tilespmem:$0x141A0]  }
0x1d5: {  	v4 =	vld [tilespmem:$0x14110]  }
0x1d6: {  	v5 =	vld [tilespmem:$0x14160]  }
0x1d7: {  	v60 =	vld [tilespmem:$0x141C0];
	[tilespmem:$0x14280] =	vst v1  }
0x1d8: {  	v61 =	vld [tilespmem:$0x14130];
	[tilespmem:$0x14380] =	vst v2  }
0x1d9: {  	v1 =	vld [tilespmem:$0x141B0];
	[tilespmem:$0x14480] =	vst v3  }
0x1da: {  	v2 =	vld [tilespmem:$0x14120];
	[tilespmem:$0x14290] =	vst v4  }
0x1db: {  	v3 =	vld [tilespmem:$0x14170];
	[tilespmem:$0x14390] =	vst v5  }
0x1dc: {  	v62 =	vld [tilespmem:$0x14190];
	[tilespmem:$0x144A0] =	vst v60  }
0x1dd: {  	v63 =	vld [tilespmem:$0x141E0];
	[tilespmem:$0x142B0] =	vst v61  }
0x1de: {  	[tilespmem:$0x14490] =	vst v1;
	v1 =	vld [tilespmem:$0x14180]  }
0x1df: {  	[tilespmem:$0x142A0] =	vst v2;
	v2 =	vld [tilespmem:$0x141D0]  }
0x1e0: {  	[tilespmem:$0x143A0] =	vst v3;
	v3 =	vld [tilespmem:$0x14140]  }
0x1e1: {  	s13 =	smul.u32 $0x50, s13;
	[tilespmem:$0x143C0] =	vst v62  }
0x1e2: {  	[tilespmem:$0x144C0] =	vst v63  }
0x1e3: {  	s13 =	sadd.s32 s23, s13;
	[tilespmem:$0x143B0] =	vst v1  }
0x1e4: {  	s13 =	sshll.u32 s13, $0x1;
	[tilespmem:$0x144B0] =	vst v2  }
0x1e5: {  	s13 =	sand.u32 $0x1FFFFFE0, s13;
	[tilespmem:$0x142C0] =	vst v3  }
0x1e6: {  	[tilespmem:s28], [sflag:$0x2] =	stream.indirect.gather [hbm4b:s16+s12], $0x80, s29, s12, $0xb8;
	[tilespmem:$0x1EF00] =	vst v63  }
0x1e7: {  	s13 =	sadd.s32 s17, s13  }
0x1e8: {  	[tilespmem:s21], [sflag:$0x2] =	stream.linear.gather [hbm4b:s13+s3], $0x500, $0x38;
	[tilespmem:$0x1EF00] =	vst v63  }
0x1e9: {  	_ =	swait.ge [sflag:s30], $0x2800  }
0x1ea: {  	[sflag:s30] =	ssyncset.done $0x0  }
0x1eb: {  	[sflag:s30] =	ssyncadd.s32 $0xFFFFD800  }
0x1ec: {  	_ =	swait.ge [sflag:s30], $0x500  }
0x1ed: {  	[sflag:s30] =	ssyncset.done $0x0  }
0x1ee: {  	s13 =	simm.s32 $0x0;
	[sflag:s30] =	ssyncadd.s32 $0xFFFFFB00  }
0x1ef: {  	v1 =	vld [tilespmem:s13+$0x1E500];
	_ =	sdelay $0x3  }
0x1f0: {  	s20 =	sshll.u32 s8, $0x1;
	s19 =	simm.s32 $0x40;
	s26 =	simm.s32 $0x14500  }
.LBB2_15:
0x1f1: {  	s13 =	sshra.s32 s19, $0x2;
	p0 =	sne.s32 s19, $0x13C0;
	s19 =	sadd.s32 $0x40, s19;
	[tilespmem:s26+$0x0] =	vst v1  }
.Ltmp6:
0x1f2: {  	v1 =	vld [tilespmem:s13+$0x1E500];
	(pc) =	sbr.rel @p0 .LBB2_15-.Ltmp6, $2  }
0x1f3: {  	_ =	sdelay $0x2  }
0x1f4: {  	s26 =	sadd.s32 $0x80, s26  }
0x1f5: {  	[tilespmem:s26+$0x0] =	vst v1;
	s13 =	sadd.s32 $0x2, s20  }
0x1f6: {  	[spmem:s2] =	stream.indirect.scatter.add.f32 [tilespmem:s9], [sflag:$0x3], $0x80, s31, s12, $0xb8;
	[tilespmem:$0x1EF00] =	vst v63  }
0x1f7: {  	s19 =	sadd.s32 s22, s13  }
0x1f8: {  	_ =	swait.ge [sflag:s0], $0x2800;
	s19 =	smul.u32 $0x1E, s19  }
0x1f9: {  	[sflag:s0] =	ssyncset.done $0x0  }
0x1fa: {  	s26 =	simm.s32 $0x0;
	[sflag:s0] =	ssyncadd.s32 $0xFFFFD800;
	s19 =	sadd.s32 s18, s19  }
0x1fb: {  	[tilespmem:s11], [sflag:$0x5] =	stream.linear.gather [hbm4b:s19+s26], $0xF0, $0x38;
	[tilespmem:$0x1EF00] =	vst v63  }
0x1fc: {  	_ =	swait.ge [sflag:s10], $0xF0  }
0x1fd: {  	[sflag:s10] =	ssyncset.done $0x0  }
0x1fe: {  	[sflag:s10] =	ssyncadd.s32 $0xFFFFFF10  }
0x1ff: {  	v1 =	vld [tilespmem:$0x14000]  }
0x200: {  	v2 =	vld [tilespmem:$0x14050]  }
0x201: {  	v3 =	vld [tilespmem:$0x140A0]  }
0x202: {  	v4 =	vld [tilespmem:$0x14010]  }
0x203: {  	v5 =	vld [tilespmem:$0x14060]  }
0x204: {  	v60 =	vld [tilespmem:$0x140C0];
	[tilespmem:$0x14200] =	vst v1  }
0x205: {  	v61 =	vld [tilespmem:$0x14030];
	[tilespmem:$0x14300] =	vst v2  }
0x206: {  	v1 =	vld [tilespmem:$0x140B0];
	[tilespmem:$0x14400] =	vst v3  }
0x207: {  	v2 =	vld [tilespmem:$0x14020];
	[tilespmem:$0x14210] =	vst v4  }
0x208: {  	v3 =	vld [tilespmem:$0x14070];
	[tilespmem:$0x14310] =	vst v5  }
0x209: {  	v62 =	vld [tilespmem:$0x14090];
	[tilespmem:$0x14420] =	vst v60  }
0x20a: {  	v63 =	vld [tilespmem:$0x140E0];
	[tilespmem:$0x14230] =	vst v61  }
0x20b: {  	[tilespmem:$0x14410] =	vst v1;
	v1 =	vld [tilespmem:$0x14080]  }
0x20c: {  	[tilespmem:$0x14220] =	vst v2;
	v2 =	vld [tilespmem:$0x140D0]  }
0x20d: {  	[tilespmem:$0x14320] =	vst v3;
	v3 =	vld [tilespmem:$0x14040]  }
0x20e: {  	s13 =	smul.u32 $0x50, s13;
	[tilespmem:$0x14340] =	vst v62  }
0x20f: {  	[tilespmem:$0x14440] =	vst v63  }
0x210: {  	s13 =	sadd.s32 s23, s13;
	[tilespmem:$0x14330] =	vst v1  }
0x211: {  	s13 =	sshll.u32 s13, $0x1;
	[tilespmem:$0x14430] =	vst v2  }
0x212: {  	s13 =	sand.u32 $0x1FFFFFE0, s13;
	[tilespmem:$0x14240] =	vst v3  }
0x213: {  	[tilespmem:s9], [sflag:$0x1] =	stream.indirect.gather [hbm4b:s16+s12], $0x80, s14, s12, $0xb8;
	[tilespmem:$0x1EF00] =	vst v63  }
0x214: {  	s13 =	sadd.s32 s17, s13  }
0x215: {  	[tilespmem:s24], [sflag:$0x1] =	stream.linear.gather [hbm4b:s13+s26], $0x500, $0x38;
	[tilespmem:$0x1EF00] =	vst v63  }
0x216: {  	_ =	swait.ge [sflag:s4], $0x2800  }
0x217: {  	[sflag:s4] =	ssyncset.done $0x0  }
0x218: {  	[sflag:s4] =	ssyncadd.s32 $0xFFFFD800  }
0x219: {  	_ =	swait.ge [sflag:s4], $0x500  }
0x21a: {  	[sflag:s4] =	ssyncset.done $0x0  }
0x21b: {  	s26 =	simm.s32 $0x0;
	[sflag:s4] =	ssyncadd.s32 $0xFFFFFB00  }
0x21c: {  	v1 =	vld [tilespmem:s26+$0x1EA00];
	_ =	sdelay $0x3  }
0x21d: {  	s20 =	simm.s32 $0x16D00;
	s19 =	simm.s32 $0x40  }
.LBB2_17:
0x21e: {  	s13 =	sshra.s32 s19, $0x2;
	p0 =	sne.s32 s19, $0x13C0;
	s19 =	sadd.s32 $0x40, s19;
	[tilespmem:s20+$0x0] =	vst v1  }
.Ltmp7:
0x21f: {  	v1 =	vld [tilespmem:s13+$0x1EA00];
	(pc) =	sbr.rel @p0 .LBB2_17-.Ltmp7, $2  }
0x220: {  	_ =	sdelay $0x2  }
0x221: {  	s20 =	sadd.s32 $0x80, s20  }
0x222: {  	s8 =	sadd.s32 $0x1, s8  }
0x223: {  	p0 =	sne.s32 s8, $0x3E  }
.Ltmp8:
0x224: {  	_ = 	snop;
	(pc) =	sbr.rel @p0 .LBB2_14-.Ltmp8, $3  }
0x225: {  	_ =	sdelay $0x1  }
0x226: {  	[tilespmem:s20+$0x0] =	vst v1  }
0x227: {  	[spmem:s2] =	stream.indirect.scatter.add.f32 [tilespmem:s28], [sflag:$0x4], $0x80, s6, s12, $0xb8;
	[tilespmem:$0x1EF00] =	vst v63  }
0x228: {  	s3 =	simm.s32 $0x4  }
0x229: {  	_ =	swait.ge [sflag:s3], $0x2800  }
0x22a: {  	[sflag:s3] =	ssyncset.done $0x0  }
0x22b: {  	[sflag:s3] =	ssyncadd.s32 $0xFFFFD800  }
0x22c: {  	_ =	swait.ge [sflag:s30], $0x2800  }
0x22d: {  	[sflag:s30] =	ssyncset.done $0x0  }
0x22e: {  	[sflag:s30] =	ssyncadd.s32 $0xFFFFD800  }
0x22f: {  	_ =	swait.ge [sflag:s30], $0x500  }
0x230: {  	[sflag:s30] =	ssyncset.done $0x0  }
0x231: {  	s13 =	simm.s32 $0x0;
	[sflag:s30] =	ssyncadd.s32 $0xFFFFFB00  }
0x232: {  	v1 =	vld [tilespmem:s13+$0x1E500];
	_ =	sdelay $0x3  }
0x233: {  	s8 =	simm.s32 $0x40;
	s3 =	simm.s32 $0x14500  }
.LBB2_20:
0x234: {  	s13 =	sshra.s32 s8, $0x2;
	p0 =	sne.s32 s8, $0x13C0;
	s8 =	sadd.s32 $0x40, s8;
	[tilespmem:s3+$0x0] =	vst v1  }
.Ltmp9:
0x235: {  	v1 =	vld [tilespmem:s13+$0x1E500];
	(pc) =	sbr.rel @p0 .LBB2_20-.Ltmp9, $2  }
0x236: {  	_ =	sdelay $0x2  }
0x237: {  	s3 =	sadd.s32 $0x80, s3  }
0x238: {  	[tilespmem:s3+$0x0] =	vst v1  }
0x239: {  	[spmem:s2] =	stream.indirect.scatter.add.f32 [tilespmem:s9], [sflag:$0x3], $0x80, s31, s12, $0xb8;
	[tilespmem:$0x1EF00] =	vst v63  }
0x23a: {  	_ =	swait.ge [sflag:s0], $0x2800  }
0x23b: {  	[sflag:s0] =	ssyncset.done $0x0  }
0x23c: {  	[sflag:s0] =	ssyncadd.s32 $0xFFFFD800  }
0x23d: {  	[bflag:$0x0] =	sbarrier.arrive $0xFFFF  }
0x23e: {  	s26 =	rddreg [dreg:$0xa]  }
0x23f: {  	s8 =	rddreg [dreg:$0x1e]  }
0x240: {  	[hbm:s26], [sflag:s7] =	dma.local [spmem:s8], $0x800  }
0x241: {  	_ =	swait.ge [sflag:s10], $0x800  }
0x242: {  	[sflag:s10] =	ssyncset.done $0x0;
	s13 =	rddreg [dreg:$0xb]  }
0x243: {  	s19 =	rddreg [dreg:$0x1f];
	[sflag:s10] =	ssyncadd.s32 $0xFFFFF800  }
0x244: {  	[hbm:s13], [sflag:s7] =	dma.local [spmem:s19], $0x800  }
0x245: {  	_ =	swait.ge [sflag:s10], $0x800  }
0x246: {  	s26 =	sld [smem:$0x7FB]  }
0x247: {  	[sflag:s10] =	ssyncset.done $0x0  }
0x248: {  	s20 =	rddreg [dreg:$0xc];
	[sflag:s10] =	ssyncadd.s32 $0xFFFFF800  }
0x249: {  	[hbm:s20], [sflag:s7] =	dma.local [spmem:s26], $0x800  }
0x24a: {  	_ =	swait.ge [sflag:s10], $0x800  }
0x24b: {  	s13 =	sld [smem:$0x7FC]  }
0x24c: {  	[sflag:s10] =	ssyncset.done $0x0  }
0x24d: {  	s8 =	rddreg [dreg:$0xd];
	[sflag:s10] =	ssyncadd.s32 $0xFFFFF800  }
0x24e: {  	[hbm:s8], [sflag:s7] =	dma.local [spmem:s13], $0x800  }
0x24f: {  	_ =	swait.ge [sflag:s10], $0x800  }
0x250: {  	s20 =	sld [smem:$0x7FD]  }
0x251: {  	[sflag:s10] =	ssyncset.done $0x0  }
0x252: {  	s19 =	rddreg [dreg:$0xe];
	[sflag:s10] =	ssyncadd.s32 $0xFFFFF800  }
0x253: {  	[hbm:s19], [sflag:s7] =	dma.local [spmem:s20], $0x800  }
0x254: {  	_ =	swait.ge [sflag:s10], $0x800  }
0x255: {  	s20 =	rddreg [dreg:$0x4]  }
0x256: {  	s26 =	rddreg [dreg:$0x16];
	s20 =	sadd.s32 $0x1, s20  }
0x257: {  	p0 =	sne.s32 s20, s26  }
.Ltmp10:
0x258: {  	_ = 	snop;
	(pc) =	sbr.rel @p0 .LBB2_1-.Ltmp10, $3  }
0x259: {  	_ =	sdelay $0x1  }
0x25a: {  	[sflag:s10] =	ssyncset.done $0x0  }
0x25b: {  	[sflag:s10] =	ssyncadd.s32 $0xFFFFF800  }
0x25c: {  	_ =	sfence.sel $0x180000  }
0x25d: {  	[bflag:$0x0] =	sbarrier.arrive $0xFFFF  }
0x25e: {  	_ =	strace $0x9000004A  }
0x25f: {  	s0 =	stileid.u32;
	[bflag:$0x2] =	sbarrier.arrive $0xFFFF  }
0x260: {  	p0 =	sne.s32 s0, $0x0;
	s0 =	rddreg [dreg:$0x3]  }
0x261: {  	s0 =	sadd.s32 @!p0 $0x100000, s0  }
0x262: {  	[sflag:s0] =	ssyncadd.tile.s32 @!p0 $0x1;
	_ =	shalt  }
.Lfunc_end2:
_tile_overlayer_lowered:
.L_overlay_start_2:
0x263: {  	(tag) =	ssettag $0x2  }
0x264: {  	s0 =	rddreg [dreg:$0x0];
	s2 =	stileid.u32  }
0x265: {  	s1 =	rddreg [dreg:$0x1];
	p0 =	sne.s32 s2, $0x0  }
0x266: {  	s3 =	rddreg [dreg:$0x2];
	[bflag:$0x3] =	sbarrier.arrive $0xFFFF;
	s2 =	simm.s32 @!p0 $0x1C05  }
0x267: {  	[timem:s3], [sflag:s2] =	dma.local @!p0 [hbm:s0], s1  }
0x268: {  	s0 =	simm.s32 @!p0 $0x5  }
0x269: {  	_ =	swait.ge @!p0 [sflag:s0], s1  }
0x26a: {  	s1 =	ssub.s32 @!p0 $0x0, s1;
	[sflag:s0] =	ssyncset.done @!p0 $0x0  }
0x26b: {  	[sflag:s0] =	ssyncadd.s32 @!p0 s1  }
0x26c: {  	[bflag:$0x3] =	sbarrier.arrive $0xFFFF  }
0x26d: {  	_ =	shalt  }

// kernel: kernel.7.cloned.1.call-start
scs
__scs_entry_jumppad:
0x0: {  	(pc) =	sbr.rel $0x88, $3  }
0x1: {  	(tag) =	ssettag $0x0;
	lr =	simm.s32 $0x1  }
0x2: {  	[smem:$0x3F99] =	sst lr;
	_ =	strace $0xD0000000  }
0x3: {  	_ = 	snop  }
0x4: {  	_ = 	snop  }
0x5: {  	_ = 	snop  }
0x6: {  	_ = 	snop  }
0x7: {  	_ = 	snop  }
__scs_overlays_trampoline_lowered:
0x8: {  	[smem:$0x3FA8] =	sst s0  }
0x9: {  	[smem:$0x3FA9] =	sst s1  }
0xa: {  	[smem:$0x3FAA] =	sst s2  }
0xb: {  	[smem:$0x3FAB] =	sst s3  }
0xc: {  	[smem:$0x3FAC] =	sst s4  }
0xd: {  	[smem:$0x3FAD] =	sst s5  }
0xe: {  	[smem:$0x3FAE] =	sst s6  }
0xf: {  	[smem:$0x3FAF] =	sst s7  }
0x10: {  	[smem:$0x3FB0] =	sst s8  }
0x11: {  	[smem:$0x3FB1] =	sst s9;
	s0 =	simm.s32 @!p0 $0x0  }
0x12: {  	s1 =	sld [smem:$0x3F97];
	s0 =	simm.s32 @p0 $0x1  }
0x13: {  	[smem:$0x3FB2] =	sst s0;
	s0 =	simm.s32 @!p1 $0x0  }
0x14: {  	s2 =	sld [smem:$0x3F96];
	s0 =	simm.s32 @p1 $0x1  }
0x15: {  	[smem:$0x3FB3] =	sst s0;
	s0 =	simm.s32 @!p2 $0x0  }
0x16: {  	s3 =	sld [smem:$0x3FDB];
	s0 =	simm.s32 @p2 $0x1  }
0x17: {  	s4 =	simm.s32 $0x1BF5;
	[smem:$0x3FB5] =	sst s0  }
0x18: {  	s0 =	sld [smem:$0x3F98];
	_ =	swait.ge [sflag:s4], $0x0  }
0x19: {  	s7 =	sld [smem:$0x3F99]  }
0x1a: {  	s8 =	sadd.s32 $0xFFFFE003, lr  }
0x1b: {  	s9 =	sadd.s32 $0xFFFFFEF7, lr;
	s5 =	simm.s32 $0xFFFFFFFF;
	p2 =	slt.u32 s8, $0xFFFFF086  }
0x1c: {  	p1 =	slt.u32 s9, $0xF7A;
	s5 =	simm.s32 @!p2 $0x0  }
0x1d: {  	s5 =	simm.s32 @p1 $0x1;
	p0 =	seq.s32 s7, s2  }
0x1e: {  	s7 =	smul.u32 @!p0 $0xF7A, s2;
	p2 =	seq.s32 @!p0 s5, $0x0  }
0x1f: {  	s9 =	smul.u32 $0xF7A, s1;
	s8 =	simm.s32 @!p0 $0x1BF5;
	p2 =	por !p2, p0  }
0x20: {  	[sflag:s8] =	ssyncset.s32 @!p0 $0xFFFFF086;
	s6 =	sadd.s32 @!p0 s3, s7;
	s7 =	simm.s32 @!p0 $0x108  }
0x21: {  	s3 =	sadd.s32 s3, s9;
	s6 =	sadd.s32 @!p0 $0x88, s6;
	s7 =	simm.s32 @p2 $0x1082  }
0x22: {  	[simem:s7], [sflag:s8] =	dma.local @!p0 [hbm:s6], $0xF7A  }
0x23: {  	s9 =	sor.u32 $0xD0000000, s2;
	s6 =	simm.s32 $0x108;
	_ =	swait.ge @!p0 [sflag:s8], $0x0  }
0x24: {  	s3 =	sadd.s32 $0x88, s3;
	s6 =	simm.s32 @!p1 $0x1082;
	[sflag:s4] =	ssyncset.s32 $0xFFFFF086  }
0x25: {  	[simem:s6], [sflag:s4] =	dma.local [hbm:s3], $0xF7A  }
0x26: {  	[smem:$0x3F99] =	sst s1;
	(tag) =	ssettag s2;
	_ =	strace s9  }
0x27: {  	s1 =	sld [smem:$0x3FA9]  }
0x28: {  	s2 =	sld [smem:$0x3FAA]  }
0x29: {  	s4 =	sld [smem:$0x3FAC]  }
0x2a: {  	p0 =	seq.s32 s5, $0x0;
	s5 =	sld [smem:$0x3FAD]  }
0x2b: {  	s6 =	sld [smem:$0x3FAE]  }
0x2c: {  	s7 =	sld [smem:$0x3FAF]  }
0x2d: {  	s3 =	simm.s32 $0x108;
	s8 =	sld [smem:$0x3FB0]  }
0x2e: {  	s3 =	simm.s32 @!p0 $0x1082;
	s9 =	sld [smem:$0x3FB1]  }
0x2f: {  	lr =	sadd.s32 s0, s3;
	s0 =	sld [smem:$0x3FA8]  }
0x30: {  	s3 =	sld [smem:$0x3FAB]  }
0x31: {  	[smem:$0x3FB4] =	sst s10  }
0x32: {  	s10 =	sld [smem:$0x3FB2];
	_ =	sdelay $0x3  }
0x33: {  	p0 =	seq.s32 s10, $0x1;
	s10 =	sld [smem:$0x3FB4];
	_ =	sdelay $0x3  }
0x34: {  	[smem:$0x3FB4] =	sst s10  }
0x35: {  	s10 =	sld [smem:$0x3FB3];
	_ =	sdelay $0x3  }
0x36: {  	p1 =	seq.s32 s10, $0x1;
	s10 =	sld [smem:$0x3FB4];
	_ =	sdelay $0x3  }
0x37: {  	[smem:$0x3FB4] =	sst s10  }
0x38: {  	s10 =	sld [smem:$0x3FB5]  }
0x39: {  	_ = 	snop;
	(pc) =	sbr.ind lr, $3  }
0x3a: {  	_ = 	snop  }
0x3b: {  	_ = 	snop  }
0x3c: {  	p2 =	seq.s32 s10, $0x1;
	s10 =	sld [smem:$0x3FB4]  }
0x3d: {  	_ =	shalt  }
0x3e: {  	_ =	shalt  }
0x3f: {  	_ =	shalt  }
0x40: {  	_ =	shalt  }
0x41: {  	_ =	shalt  }
0x42: {  	_ =	shalt  }
0x43: {  	_ =	shalt  }
0x44: {  	_ =	shalt  }
0x45: {  	_ =	shalt  }
0x46: {  	_ =	shalt  }
0x47: {  	_ =	shalt  }
0x48: {  	_ =	shalt  }
0x49: {  	_ =	shalt  }
0x4a: {  	_ =	shalt  }
0x4b: {  	_ =	shalt  }
0x4c: {  	_ =	shalt  }
0x4d: {  	_ =	shalt  }
0x4e: {  	_ =	shalt  }
0x4f: {  	_ =	shalt  }
0x50: {  	_ =	shalt  }
0x51: {  	_ =	shalt  }
0x52: {  	_ =	shalt  }
0x53: {  	_ =	shalt  }
0x54: {  	_ =	shalt  }
0x55: {  	_ =	shalt  }
0x56: {  	_ =	shalt  }
0x57: {  	_ =	shalt  }
0x58: {  	_ =	shalt  }
0x59: {  	_ =	shalt  }
0x5a: {  	_ =	shalt  }
0x5b: {  	_ =	shalt  }
0x5c: {  	_ =	shalt  }
0x5d: {  	_ =	shalt  }
0x5e: {  	_ =	shalt  }
0x5f: {  	_ =	shalt  }
0x60: {  	_ =	shalt  }
0x61: {  	_ =	shalt  }
0x62: {  	_ =	shalt  }
0x63: {  	_ =	shalt  }
0x64: {  	_ =	shalt  }
0x65: {  	_ =	shalt  }
0x66: {  	_ =	shalt  }
0x67: {  	_ =	shalt  }
0x68: {  	_ =	shalt  }
0x69: {  	_ =	shalt  }
0x6a: {  	_ =	shalt  }
0x6b: {  	_ =	shalt  }
0x6c: {  	_ =	shalt  }
0x6d: {  	_ =	shalt  }
0x6e: {  	_ =	shalt  }
0x6f: {  	_ =	shalt  }
0x70: {  	_ =	shalt  }
0x71: {  	_ =	shalt  }
0x72: {  	_ =	shalt  }
0x73: {  	_ =	shalt  }
0x74: {  	_ =	shalt  }
0x75: {  	_ =	shalt  }
0x76: {  	_ =	shalt  }
0x77: {  	_ =	shalt  }
0x78: {  	_ =	shalt  }
0x79: {  	_ =	shalt  }
0x7a: {  	_ =	shalt  }
0x7b: {  	_ =	shalt  }
0x7c: {  	_ =	shalt  }
0x7d: {  	_ =	shalt  }
0x7e: {  	_ =	shalt  }
0x7f: {  	_ =	shalt  }
0x80: {  	_ =	shalt  }
0x81: {  	_ =	shalt  }
0x82: {  	_ =	shalt  }
0x83: {  	_ =	shalt  }
0x84: {  	_ =	shalt  }
0x85: {  	_ =	shalt  }
0x86: {  	_ =	shalt  }
0x87: {  	_ =	shalt  }
.Lfunc_end0:
.L_simem_size_0:
called_computation_lowered:
.L_overlay_start_0:
0x88: {  	s2 =	sld [smem:$0x3FD9]  }
0x89: {  	s3 =	sld [smem:$0x3FFE];
	_ =	sdelay $0x1  }
0x8a: {  	s1 =	srdreg.scid  }
0x8b: {  	s0 =	sand.u32 $0x1, s1  }
0x8c: {  	s16 =	sshll.u32 s0, $0xA;
	s2 =	sadd.s32 s3, s2  }
0x8d: {  	s2 =	sadd.s32 s2, s16  }
0x8e: {  	[smem:$0x3FC0] =	sst s2  }
0x8f: {  	_ = 	snop  }
0x90: {  	(tm) =	ssettm $0x1  }
0x91: {  	s17 =	sld [smem:$0x3FFB];
	_ =	sdelay $0x3  }
0x92: {  	_ =	strace s17  }
0x93: {  	s2 =	sld [smem:$0x3FFC];
	_ =	sdelay $0x3  }
0x94: {  	_ =	strace s2  }
0x95: {  	s2 =	sld [smem:$0x3FFD];
	_ =	sdelay $0x3  }
0x96: {  	_ =	strace s2  }
0x97: {  	_ =	strace $0x8FFFFFFF  }
0x98: {  	s18 =	sld [smem:$0x3FDB];
	_ =	sdelay $0x1  }
0x99: {  	s19 =	simm.s32 $_scs_section_size  }
0x9a: {  	s4 =	simm.s32 $_size__tile_overlayer_lowered;
	s5 =	simm.s32 $_tile_overlayer_lowered  }
0x9b: {  	s22 =	simm.s32 $0x1BFF;
	s21 =	sshll.u32 s5, $0x1;
	s2 =	sadd.s32 s19, s18  }
0x9c: {  	s6 =	simm.s32 $0x0;
	s20 =	sshll.u32 s4, $0x1;
	s4 =	sadd.s32 s21, s2  }
0x9d: {  	[timem:s6], [sflag:s22] =	dma.local [hbm:s4], s20  }
0x9e: {  	_ =	swait.ge [sflag:s22], s20  }
0x9f: {  	s3 =	ssub.s32 $0x0, s20;
	[sflag:s22] =	ssyncset.done $0x0  }
0xa0: {  	[sflag:s22] =	ssyncadd.s32 s3;
	_ =	sdelay $0x1  }
0xa1: {  	s23 =	simm.s32 $0x1B8B  }
0xa2: {  	_ =	swait.ge [sflag:s23], $0x1  }
0xa3: {  	[sflag:s23] =	ssyncset.done $0x0  }
0xa4: {  	s25 =	simm.s32 $0x1B8E;
	s24 =	sld [smem:$0x3FFE];
	[sflag:s23] =	ssyncadd.s32 $0xFFFFFFFF  }
0xa5: {  	s26 =	simm.s32 $execute0_lowered;
	[smem:$0x3FD2] =	sst s25  }
0xa6: {  	s4 =	sshll.u32 s26, $0x1;
	_ =	strace $0x80000046;
	[dreg:$0x1] =	wrdreg $0xFFFFFFFF  }
0xa7: {  	s28 =	simm.s32 $_size_execute0_lowered;
	s2 =	sadd.s32 s2, s4;
	[dreg:$0x0] =	wrdreg $0x0  }
0xa8: {  	s4 =	sshll.u32 s28, $0x1;
	[dreg:$0x2] =	wrdreg s2  }
0xa9: {  	[dreg:$0x3] =	wrdreg s4  }
0xaa: {  	[dreg:$0x4] =	wrdreg $0xC0  }
0xab: {  	_ =	task [dreg:s6], $0x5FFFF  }
0xac: {  	[dreg:$0x1] =	wrdreg $0xFFFFFFFF  }
0xad: {  	[dreg:$0x0] =	wrdreg $0x60  }
0xae: {  	[dreg:$0x2] =	wrdreg s24  }
0xaf: {  	[dreg:$0x3] =	wrdreg $0x9  }
0xb0: {  	_ =	task.clear_ibuf [dreg:s6], $0x4FFFF;
	_ =	strace $0x90000046  }
0xb1: {  	s29 =	simm.s32 $0x9;
	_ =	strace $0x80000048  }
0xb2: {  	_ =	swait.ge [sflag:s29], $0x1  }
0xb3: {  	[sflag:s29] =	ssyncadd.s32 $0xFFFFFFFF  }
0xb4: {  	_ =	strace $0x90000048  }
0xb5: {  	_ =	sfence  }
0xb6: {  	s30 =	sld [smem:$0x0];
	_ =	sdelay $0x2  }
0xb7: {  	s31 =	sshll.u32 s1, $0xD;
	s1 =	sshrl.u32 s1, $0x2  }
0xb8: {  	s3 =	sand.u32 $0x4000, s31;
	s1 =	sadd.s32 s1, s30  }
0xb9: {  	s0 =	sor.u32 s3, s0;
	s1 =	sshll.u32 s1, $0x11  }
0xba: {  	s0 =	sor.u32 s1, s0  }
0xbb: {  	s0 =	sadd.s32 $0x8F2B, s0  }
0xbc: {  	[sflag:s0] =	ssyncadd.remote.s32 $0x1  }
0xbd: {  	_ =	sfence.sel $0xFFFF  }
0xbe: {  	[dreg:$0x0] =	wrdreg $0xFFFFFFFF;
	(pc) =	sbr.abs _section_cstart, $3  }
0xbf: {  	[dreg:$0x1] =	wrdreg $0xFFFFFFFF  }
0xc0: {  	_ =	task.clear_ibuf [dreg:s6], $0x2FFFF;
	_ =	strace $0x9FFFFFFF  }
0xc1: {  	(tm) =	ssettm $0x7FFFFFFF  }
tec
execute0_lowered:
.L_overlay_start_1:
0x0: {  	(tag) =	ssettag $0x1  }
0x1: {  	s0 =	rddreg [dreg:$0x0];
	s3 =	srdreg.scid  }
0x2: {  	s1 =	stileid.u32;
	s2 =	simm.s32 $0x0;
	s12 =	simm.s32 $0x50  }
0x3: {  	s13 =	simm.s32 $0x9D80;
	s14 =	simm.s32 $0xC580;
	s15 =	simm.s32 $0xA0  }
0x4: {  	s16 =	simm.s32 $0x7580;
	s17 =	simm.s32 $0x11580;
	s18 =	simm.s32 $0x13D80  }
0x5: {  	s19 =	simm.s32 $0xED80;
	s20 =	simm.s32 $0x1;
	s21 =	simm.s32 $0x16580  }
0x6: {  	s22 =	simm.s32 $0x2;
	s23 =	simm.s32 $0x18D80;
	s24 =	simm.s32 $0x3  }
0x7: {  	s25 =	simm.s32 $0x4;
	s5 =	sand.u32 $0x1, s3;
	s30 =	sshll.u32 s1, $0x1  }
0x8: {  	s26 =	simm.s32 $0x0;
	[smem:$0x7FF] =	sst s2;
	s8 =	sor.u32 s5, s30  }
0x9: {  	s3 =	sadd.s32 $0x70E00, s0;
	s4 =	sadd.s32 $0x98000, s0;
	s6 =	smul.u32 $0xEA6, s8  }
0xa: {  	_ =	strace $0x80000047;
	s7 =	ssub.s32 $0x2, s5;
	s9 =	smul.u32 $0x138800, s8  }
0xb: {  	s5 =	sadd.s32 $0xBF200, s0;
	s11 =	sshrl.u32 s7, $0x1;
	s8 =	smul.u32 $0x2710, s8  }
0xc: {  	s10 =	sadd.s32 s6, s0;
	s6 =	sadd.s32 $0xE6400, s0;
	s9 =	sshrl.u32 s9, $0x3  }
0xd: {  	s31 =	ssub.s32 s7, s11;
	s11 =	simm.s32 $0x5;
	s9 =	sadd.s32 s6, s9  }
0xe: {  	s7 =	sadd.s32 $0x5400, s10;
	s10 =	smax.u32 s31, $0x1;
	s9 =	sadd.s32 $0x26C00, s9  }
.LBB2_1:
0xf: {  	[tilespmem:s2], [sflag:$0x5] =	stream.linear.gather [hbm4b:s7+s2], $0x7530, $0x38;
	[tilespmem:$0x1B580] =	vst v63  }
0x10: {  	_ =	swait.ge [sflag:s11], $0x7530  }
0x11: {  	[sflag:s11] =	ssyncset.done $0x0  }
0x12: {  	[sflag:s11] =	ssyncadd.s32 $0xFFFF8AD0  }
0x13: {  	[tilespmem:s13], [sflag:$0x1] =	stream.indirect.gather [hbm4b:s4+s12], $0x80, s2, s12, $0xb8;
	[tilespmem:$0x1B580] =	vst v63  }
0x14: {  	_ = 	snop  }
0x15: {  	[tilespmem:s14], [sflag:$0x1] =	stream.indirect.gather [hbm4b:s5+s12], $0x80, s12, s12, $0xb8;
	[tilespmem:$0x1B580] =	vst v63  }
0x16: {  	s28 =	simm.s32 $0x0  }
0x17: {  	[tilespmem:s16], [sflag:$0x1] =	stream.indirect.gather [hbm4b:s3+s12], $0x80, s15, s12, $0xb8;
	[tilespmem:$0x1B580] =	vst v63  }
.LBB2_2:
0x18: {  	s29 =	sshllo.u32 s28, $0x1  }
0x19: {  	s0 =	smul.u32 $0x3C0, s29;
	_ =	sdelay $0x1  }
0x1a: {  	s0 =	sshra.s32 s0, $0x2  }
0x1b: {  	[tilespmem:s17], [sflag:$0x2] =	stream.indirect.gather [hbm4b:s4+s12], $0x80, s0, s12, $0xb8;
	[tilespmem:$0x1B580] =	vst v63  }
0x1c: {  	s30 =	sadd.s32 $0x50, s0  }
0x1d: {  	[tilespmem:s18], [sflag:$0x2] =	stream.indirect.gather [hbm4b:s5+s12], $0x80, s30, s12, $0xb8;
	[tilespmem:$0x1B580] =	vst v63  }
0x1e: {  	s0 =	sadd.s32 $0xA0, s0  }
0x1f: {  	[tilespmem:s19], [sflag:$0x2] =	stream.indirect.gather [hbm4b:s3+s12], $0x80, s0, s12, $0xb8;
	[tilespmem:$0x1B580] =	vst v63  }
0x20: {  	_ =	swait.ge [sflag:s20], $0x2800  }
0x21: {  	[sflag:s20] =	ssyncset.done $0x0  }
0x22: {  	[sflag:s20] =	ssyncadd.s32 $0xFFFFD800  }
0x23: {  	_ =	swait.ge [sflag:s20], $0x2800  }
0x24: {  	[sflag:s20] =	ssyncset.done $0x0  }
0x25: {  	[sflag:s20] =	ssyncadd.s32 $0xFFFFD800  }
0x26: {  	_ =	swait.ge [sflag:s20], $0x2800  }
0x27: {  	p0 =	seq.s32 s28, $0x0;
	[sflag:s20] =	ssyncset.done $0x0  }
0x28: {  	s0 =	simm.s32 @!p0 $0x3;
	[sflag:s20] =	ssyncadd.s32 $0xFFFFD800  }
0x29: {  	_ =	swait.ge @!p0 [sflag:s0], $0x2800  }
0x2a: {  	[sflag:s0] =	ssyncset.done @!p0 $0x0  }
0x2b: {  	s30 =	simm.s32 $0x0;
	[sflag:s0] =	ssyncadd.s32 @!p0 $0xFFFFD800  }
0x2c: {  	v0 =	vld [tilespmem:s30+$0x75F0]  }
0x2d: {  	v1 =	vld [tilespmem:s30+$0x9DF0]  }
0x2e: {  	v2 =	vld [tilespmem:s30+$0x7580]  }
0x2f: {  	v3 =	vld [tilespmem:s30+$0xC5F0]  }
0x30: {  	v4 =	vld [tilespmem:s30+$0x9D80]  }
0x31: {  	v5 =	vld [tilespmem:s30+$0x7590]  }
0x32: {  	v6 =	vld [tilespmem:s30+$0x9D90]  }
0x33: {  	v7 =	vld [tilespmem:s30+$0x9DA0]  }
0x34: {  	v9 =	vld [tilespmem:s30+$0x9DB0]  }
0x35: {  	v10 =	vld [tilespmem:s30+$0x75C0]  }
0x36: {  	v11 =	vld [tilespmem:s30+$0x9DC0]  }
0x37: {  	v12 =	vld [tilespmem:s30+$0x75D0]  }
0x38: {  	v13 =	vld [tilespmem:s30+$0x9DD0]  }
0x39: {  	v14 =	vld [tilespmem:s30+$0x75E0]  }
0x3a: {  	v15 =	vld [tilespmem:s30+$0x9DE0]  }
0x3b: {  	v16 =	vld [tilespmem:s30+$0xC580]  }
0x3c: {  	v0 =	vadd.f32 v1, v0;
	v1 =	vld [tilespmem:s30+$0x75A0]  }
0x3d: {  	v17 =	vld [tilespmem:s30+$0xC590]  }
0x3e: {  	v0 =	vadd.f32 v3, v0;
	v3 =	vld [tilespmem:s30+$0x75B0]  }
0x3f: {  	v18 =	vld [tilespmem:s30+$0xC5A0]  }
0x40: {  	v8 =	vld [tilespmem:s30+$0xC5B0];
	v2 =	vadd.f32 v4, v2;
	v19 =	vadd.f32 v6, v5  }
0x41: {  	v5 =	vld [tilespmem:s30+$0xC5C0];
	v4 =	vadd.f32 v13, v12;
	v20 =	vadd.f32 v7, v1  }
0x42: {  	v6 =	vld [tilespmem:s30+$0xC5D0];
	v1 =	vadd.f32 v11, v10;
	v10 =	vadd.f32 v16, v2  }
0x43: {  	s31 =	simm.s32 $0x80;
	[tilespmem:s30+$0x165F0] =	vst v0;
	v7 =	vld [tilespmem:s30+$0xC5E0];
	v0 =	vadd.f32 v9, v3;
	v9 =	vadd.f32 v17, v19  }
0x44: {  	s0 =	simm.s32 $0x400;
	v2 =	vadd.f32 v15, v14;
	v3 =	vld [tilespmem:s31+$0x75F0];
	[tilespmem:s30+$0x16580] =	vst v10;
	v10 =	vadd.f32 v18, v20  }
.LBB2_3:
0x45: {  	p1 =	sne.s32 s0, $0x9E00;
	v11 =	vld [tilespmem:s31+$0x9DF0];
	[tilespmem:s30+$0x16590] =	vst v9;
	v0 =	vadd.f32 v8, v0  }
0x46: {  	v8 =	vld [tilespmem:s31+$0x7580];
	[tilespmem:s30+$0x165A0] =	vst v10;
	v1 =	vadd.f32 v5, v1  }
0x47: {  	v5 =	vld [tilespmem:s31+$0xC5F0];
	[tilespmem:s30+$0x165B0] =	vst v0;
	v0 =	vadd.f32 v6, v4  }
0x48: {  	v4 =	vld [tilespmem:s31+$0x9D80];
	[tilespmem:s30+$0x165C0] =	vst v1;
	v1 =	vadd.f32 v7, v2  }
0x49: {  	v2 =	vld [tilespmem:s31+$0x7590];
	[tilespmem:s30+$0x165D0] =	vst v0  }
0x4a: {  	v0 =	vld [tilespmem:s31+$0x9D90];
	v3 =	vadd.f32 v11, v3;
	[tilespmem:s30+$0x165E0] =	vst v1;
	s30 =	smov.u32 s31  }
0x4b: {  	v1 =	vld [tilespmem:s30+$0x75A0]  }
0x4c: {  	v6 =	vld [tilespmem:s30+$0x9DA0];
	v3 =	vadd.f32 v5, v3  }
0x4d: {  	v7 =	vadd.f32 v4, v8;
	v4 =	vld [tilespmem:s30+$0x75B0]  }
0x4e: {  	v5 =	vld [tilespmem:s30+$0x9DB0];
	[tilespmem:s30+$0x165F0] =	vst v3  }
0x4f: {  	v3 =	vadd.f32 v0, v2;
	v2 =	vld [tilespmem:s30+$0x75C0]  }
0x50: {  	v8 =	vld [tilespmem:s30+$0x9DC0]  }
0x51: {  	v10 =	vadd.f32 v6, v1;
	v6 =	vld [tilespmem:s30+$0x75D0]  }
0x52: {  	v9 =	vld [tilespmem:s30+$0x9DD0]  }
0x53: {  	v0 =	vadd.f32 v5, v4;
	v11 =	vld [tilespmem:s30+$0x75E0]  }
0x54: {  	v12 =	vld [tilespmem:s30+$0x9DE0]  }
0x55: {  	v13 =	vld [tilespmem:s30+$0xC580];
	v1 =	vadd.f32 v8, v2  }
0x56: {  	v14 =	vld [tilespmem:s30+$0xC590]  }
0x57: {  	v15 =	vld [tilespmem:s30+$0xC5A0];
	v4 =	vadd.f32 v9, v6  }
.Ltmp0:
0x58: {  	v8 =	vld [tilespmem:s30+$0xC5B0];
	(pc) =	sbr.rel @p1 .LBB2_3-.Ltmp0, $4  }
0x59: {  	v5 =	vld [tilespmem:s30+$0xC5C0];
	v2 =	vadd.f32 v12, v11  }
0x5a: {  	v11 =	vadd.f32 v13, v7;
	v6 =	vld [tilespmem:s30+$0xC5D0]  }
0x5b: {  	s31 =	sshra.s32 s0, $0x2;
	v9 =	vadd.f32 v14, v3;
	v7 =	vld [tilespmem:s30+$0xC5E0]  }
0x5c: {  	s0 =	sadd.s32 $0x200, s0;
	v3 =	vld [tilespmem:s31+$0x75F0];
	[tilespmem:s30+$0x16580] =	vst v11;
	v10 =	vadd.f32 v15, v10  }
0x5d: {  	v11 =	vld [tilespmem:s31+$0x9DF0];
	[tilespmem:s30+$0x16590] =	vst v9;
	v0 =	vadd.f32 v8, v0  }
0x5e: {  	v9 =	vld [tilespmem:s31+$0x7580];
	[tilespmem:s30+$0x165A0] =	vst v10;
	v1 =	vadd.f32 v5, v1  }
0x5f: {  	v8 =	vld [tilespmem:s31+$0xC5F0];
	[tilespmem:s30+$0x165B0] =	vst v0;
	v4 =	vadd.f32 v6, v4  }
0x60: {  	v0 =	vld [tilespmem:s31+$0x9D80];
	[tilespmem:s30+$0x165C0] =	vst v1;
	v2 =	vadd.f32 v7, v2  }
0x61: {  	v1 =	vld [tilespmem:s31+$0x7590];
	[tilespmem:s30+$0x165D0] =	vst v4  }
0x62: {  	v4 =	vld [tilespmem:s31+$0x9D90];
	[tilespmem:s30+$0x165E0] =	vst v2  }
0x63: {  	v2 =	vadd.f32 v11, v3;
	v3 =	vld [tilespmem:s31+$0x75A0]  }
0x64: {  	v5 =	vld [tilespmem:s31+$0x9DA0]  }
0x65: {  	v6 =	vld [tilespmem:s31+$0x75B0]  }
0x66: {  	v7 =	vld [tilespmem:s31+$0x9DB0]  }
0x67: {  	v10 =	vld [tilespmem:s31+$0x75D0]  }
0x68: {  	v11 =	vld [tilespmem:s31+$0x9DD0]  }
0x69: {  	v12 =	vld [tilespmem:s31+$0x75E0]  }
0x6a: {  	v13 =	vld [tilespmem:s31+$0x9DE0]  }
0x6b: {  	v14 =	vld [tilespmem:s31+$0xC580]  }
0x6c: {  	v15 =	vld [tilespmem:s31+$0xC590]  }
0x6d: {  	v16 =	vld [tilespmem:s31+$0xC5A0];
	v2 =	vadd.f32 v8, v2  }
0x6e: {  	v8 =	vld [tilespmem:s31+$0x9DC0]  }
0x6f: {  	[tilespmem:s31+$0x165F0] =	vst v2;
	v2 =	vld [tilespmem:s31+$0x75C0]  }
0x70: {  	v0 =	vadd.f32 v0, v9;
	v9 =	vld [tilespmem:s31+$0xC5B0]  }
0x71: {  	v1 =	vadd.f32 v4, v1;
	v4 =	vld [tilespmem:s31+$0xC5C0]  }
0x72: {  	v3 =	vadd.f32 v5, v3;
	v0 =	vadd.f32 v14, v0;
	v5 =	vld [tilespmem:s31+$0xC5D0]  }
0x73: {  	v6 =	vadd.f32 v7, v6;
	v7 =	vld [tilespmem:s31+$0xC5E0];
	v1 =	vadd.f32 v15, v1  }
0x74: {  	[tilespmem:s31+$0x16580] =	vst v0;
	v0 =	vadd.f32 v16, v3;
	v2 =	vadd.f32 v8, v2  }
0x75: {  	v3 =	vadd.f32 v11, v10;
	[tilespmem:s31+$0x16590] =	vst v1;
	v1 =	vadd.f32 v9, v6  }
0x76: {  	s0 =	smul.u32 $0xA0, s28;
	v6 =	vadd.f32 v13, v12;
	[tilespmem:s31+$0x165A0] =	vst v0;
	v0 =	vadd.f32 v4, v2  }
0x77: {  	[tilespmem:s31+$0x165B0] =	vst v1;
	v1 =	vadd.f32 v5, v3  }
0x78: {  	s0 =	sadd.s32 s8, s0;
	[tilespmem:s31+$0x165C0] =	vst v0;
	v0 =	vadd.f32 v7, v6  }
0x79: {  	s0 =	sshll.u32 s0, $0x4;
	[tilespmem:s31+$0x165D0] =	vst v1  }
0x7a: {  	s0 =	sadd.s32 s6, s0;
	s30 =	smul.u32 $0x780, s28;
	[tilespmem:s31+$0x165E0] =	vst v0  }
0x7b: {  	[hbm4b:s0+s2] =	stream.linear.scatter [tilespmem:s21], [sflag:$0x3], $0x2800, $0x38;
	[tilespmem:$0x1B580] =	vst v63  }
0x7c: {  	s0 =	sshra.s32 s30, $0x2  }
0x7d: {  	s30 =	sadd.s32 $0x1E0, s0  }
0x7e: {  	[tilespmem:s13], [sflag:$0x1] =	stream.indirect.gather [hbm4b:s4+s12], $0x80, s30, s12, $0xb8;
	[tilespmem:$0x1B580] =	vst v63  }
0x7f: {  	s30 =	sadd.s32 $0x230, s0  }
0x80: {  	[tilespmem:s14], [sflag:$0x1] =	stream.indirect.gather [hbm4b:s5+s12], $0x80, s30, s12, $0xb8;
	[tilespmem:$0x1B580] =	vst v63  }
0x81: {  	s0 =	sadd.s32 $0x280, s0  }
0x82: {  	[tilespmem:s16], [sflag:$0x1] =	stream.indirect.gather [hbm4b:s3+s12], $0x80, s0, s12, $0xb8;
	[tilespmem:$0x1B580] =	vst v63  }
0x83: {  	s0 =	simm.s32 @!p0 $0x4  }
0x84: {  	_ =	swait.ge @!p0 [sflag:s0], $0x2800  }
0x85: {  	[sflag:s0] =	ssyncset.done @!p0 $0x0  }
0x86: {  	[sflag:s0] =	ssyncadd.s32 @!p0 $0xFFFFD800  }
0x87: {  	_ =	swait.ge [sflag:s22], $0x2800  }
0x88: {  	[sflag:s22] =	ssyncset.done $0x0  }
0x89: {  	[sflag:s22] =	ssyncadd.s32 $0xFFFFD800  }
0x8a: {  	_ =	swait.ge [sflag:s22], $0x2800  }
0x8b: {  	[sflag:s22] =	ssyncset.done $0x0  }
0x8c: {  	[sflag:s22] =	ssyncadd.s32 $0xFFFFD800  }
0x8d: {  	_ =	swait.ge [sflag:s22], $0x2800  }
0x8e: {  	[sflag:s22] =	ssyncset.done $0x0  }
0x8f: {  	s30 =	simm.s32 $0x0;
	[sflag:s22] =	ssyncadd.s32 $0xFFFFD800  }
0x90: {  	v0 =	vld [tilespmem:s30+$0xEDF0]  }
0x91: {  	v1 =	vld [tilespmem:s30+$0x115F0]  }
0x92: {  	v2 =	vld [tilespmem:s30+$0xED80]  }
0x93: {  	v3 =	vld [tilespmem:s30+$0x13DF0]  }
0x94: {  	v4 =	vld [tilespmem:s30+$0x11580]  }
0x95: {  	v5 =	vld [tilespmem:s30+$0xED90]  }
0x96: {  	v6 =	vld [tilespmem:s30+$0x11590]  }
0x97: {  	v7 =	vld [tilespmem:s30+$0x115A0]  }
0x98: {  	v9 =	vld [tilespmem:s30+$0x115B0]  }
0x99: {  	v10 =	vld [tilespmem:s30+$0xEDC0]  }
0x9a: {  	v11 =	vld [tilespmem:s30+$0x115C0]  }
0x9b: {  	v59 =	vld [tilespmem:s30+$0xEDD0]  }
0x9c: {  	v60 =	vld [tilespmem:s30+$0x115D0]  }
0x9d: {  	v61 =	vld [tilespmem:s30+$0xEDE0]  }
0x9e: {  	v62 =	vld [tilespmem:s30+$0x115E0]  }
0x9f: {  	v63 =	vld [tilespmem:s30+$0x13D80]  }
0xa0: {  	v0 =	vadd.f32 v1, v0;
	v1 =	vld [tilespmem:s30+$0xEDA0]  }
0xa1: {  	v17 =	vld [tilespmem:s30+$0x13D90]  }
0xa2: {  	v0 =	vadd.f32 v3, v0;
	v3 =	vld [tilespmem:s30+$0xEDB0]  }
0xa3: {  	v18 =	vld [tilespmem:s30+$0x13DA0]  }
0xa4: {  	v8 =	vld [tilespmem:s30+$0x13DB0];
	v2 =	vadd.f32 v4, v2;
	v19 =	vadd.f32 v6, v5  }
0xa5: {  	v5 =	vld [tilespmem:s30+$0x13DC0];
	v4 =	vadd.f32 v60, v59;
	v20 =	vadd.f32 v7, v1  }
0xa6: {  	v6 =	vld [tilespmem:s30+$0x13DD0];
	v1 =	vadd.f32 v11, v10;
	v10 =	vadd.f32 v63, v2  }
0xa7: {  	s31 =	simm.s32 $0x80;
	[tilespmem:s30+$0x18DF0] =	vst v0;
	v7 =	vld [tilespmem:s30+$0x13DE0];
	v0 =	vadd.f32 v9, v3;
	v9 =	vadd.f32 v17, v19  }
0xa8: {  	s0 =	simm.s32 $0x400;
	v2 =	vadd.f32 v62, v61;
	v3 =	vld [tilespmem:s31+$0xEDF0];
	[tilespmem:s30+$0x18D80] =	vst v10;
	v10 =	vadd.f32 v18, v20  }
.LBB2_5:
0xa9: {  	p0 =	sne.s32 s0, $0x9E00;
	v11 =	vld [tilespmem:s31+$0x115F0];
	[tilespmem:s30+$0x18D90] =	vst v9;
	v0 =	vadd.f32 v8, v0  }
0xaa: {  	v8 =	vld [tilespmem:s31+$0xED80];
	[tilespmem:s30+$0x18DA0] =	vst v10;
	v1 =	vadd.f32 v5, v1  }
0xab: {  	v5 =	vld [tilespmem:s31+$0x13DF0];
	[tilespmem:s30+$0x18DB0] =	vst v0;
	v0 =	vadd.f32 v6, v4  }
0xac: {  	v4 =	vld [tilespmem:s31+$0x11580];
	[tilespmem:s30+$0x18DC0] =	vst v1;
	v1 =	vadd.f32 v7, v2  }
0xad: {  	v2 =	vld [tilespmem:s31+$0xED90];
	[tilespmem:s30+$0x18DD0] =	vst v0  }
0xae: {  	v0 =	vld [tilespmem:s31+$0x11590];
	v3 =	vadd.f32 v11, v3;
	[tilespmem:s30+$0x18DE0] =	vst v1;
	s30 =	smov.u32 s31  }
0xaf: {  	v1 =	vld [tilespmem:s30+$0xEDA0]  }
0xb0: {  	v6 =	vld [tilespmem:s30+$0x115A0];
	v3 =	vadd.f32 v5, v3  }
0xb1: {  	v7 =	vadd.f32 v4, v8;
	v4 =	vld [tilespmem:s30+$0xEDB0]  }
0xb2: {  	v5 =	vld [tilespmem:s30+$0x115B0];
	[tilespmem:s30+$0x18DF0] =	vst v3  }
0xb3: {  	v3 =	vadd.f32 v0, v2;
	v2 =	vld [tilespmem:s30+$0xEDC0]  }
0xb4: {  	v8 =	vld [tilespmem:s30+$0x115C0]  }
0xb5: {  	v10 =	vadd.f32 v6, v1;
	v6 =	vld [tilespmem:s30+$0xEDD0]  }
0xb6: {  	v9 =	vld [tilespmem:s30+$0x115D0]  }
0xb7: {  	v0 =	vadd.f32 v5, v4;
	v11 =	vld [tilespmem:s30+$0xEDE0]  }
0xb8: {  	v12 =	vld [tilespmem:s30+$0x115E0]  }
0xb9: {  	v13 =	vld [tilespmem:s30+$0x13D80];
	v1 =	vadd.f32 v8, v2  }
0xba: {  	v14 =	vld [tilespmem:s30+$0x13D90]  }
0xbb: {  	v15 =	vld [tilespmem:s30+$0x13DA0];
	v4 =	vadd.f32 v9, v6  }
.Ltmp1:
0xbc: {  	v8 =	vld [tilespmem:s30+$0x13DB0];
	(pc) =	sbr.rel @p0 .LBB2_5-.Ltmp1, $4  }
0xbd: {  	v5 =	vld [tilespmem:s30+$0x13DC0];
	v2 =	vadd.f32 v12, v11  }
0xbe: {  	v11 =	vadd.f32 v13, v7;
	v6 =	vld [tilespmem:s30+$0x13DD0]  }
0xbf: {  	s31 =	sshra.s32 s0, $0x2;
	v9 =	vadd.f32 v14, v3;
	v7 =	vld [tilespmem:s30+$0x13DE0]  }
0xc0: {  	s0 =	sadd.s32 $0x200, s0;
	v3 =	vld [tilespmem:s31+$0xEDF0];
	[tilespmem:s30+$0x18D80] =	vst v11;
	v10 =	vadd.f32 v15, v10  }
0xc1: {  	v11 =	vld [tilespmem:s31+$0x115F0];
	[tilespmem:s30+$0x18D90] =	vst v9;
	v0 =	vadd.f32 v8, v0  }
0xc2: {  	v9 =	vld [tilespmem:s31+$0xED80];
	[tilespmem:s30+$0x18DA0] =	vst v10;
	v1 =	vadd.f32 v5, v1  }
0xc3: {  	v44 =	vld [tilespmem:s31+$0x13DF0];
	[tilespmem:s30+$0x18DB0] =	vst v0;
	v4 =	vadd.f32 v6, v4  }
0xc4: {  	v0 =	vld [tilespmem:s31+$0x11580];
	[tilespmem:s30+$0x18DC0] =	vst v1;
	v2 =	vadd.f32 v7, v2  }
0xc5: {  	v1 =	vld [tilespmem:s31+$0xED90];
	[tilespmem:s30+$0x18DD0] =	vst v4  }
0xc6: {  	v4 =	vld [tilespmem:s31+$0x11590];
	[tilespmem:s30+$0x18DE0] =	vst v2  }
0xc7: {  	v46 =	vld [tilespmem:s31+$0xEDA0]  }
0xc8: {  	v47 =	vld [tilespmem:s31+$0x115A0]  }
0xc9: {  	v48 =	vld [tilespmem:s31+$0xEDB0]  }
0xca: {  	v49 =	vld [tilespmem:s31+$0x115B0]  }
0xcb: {  	v50 =	vld [tilespmem:s31+$0xEDC0]  }
0xcc: {  	v51 =	vld [tilespmem:s31+$0x115C0]  }
0xcd: {  	v10 =	vld [tilespmem:s31+$0xEDD0]  }
0xce: {  	v52 =	vld [tilespmem:s31+$0x115D0]  }
0xcf: {  	v12 =	vld [tilespmem:s31+$0xEDE0]  }
0xd0: {  	v13 =	vld [tilespmem:s31+$0x115E0]  }
0xd1: {  	v14 =	vld [tilespmem:s31+$0x13D80]  }
0xd2: {  	v15 =	vld [tilespmem:s31+$0x13D90]  }
0xd3: {  	v45 =	vadd.f32 v11, v3;
	v16 =	vld [tilespmem:s31+$0x13DA0]  }
0xd4: {  	v53 =	vld [tilespmem:s31+$0x13DB0];
	v0 =	vadd.f32 v0, v9  }
0xd5: {  	v54 =	vld [tilespmem:s31+$0x13DC0];
	v2 =	vadd.f32 v44, v45;
	v1 =	vadd.f32 v4, v1  }
0xd6: {  	v55 =	vld [tilespmem:s31+$0x13DD0];
	v3 =	vadd.f32 v47, v46;
	v0 =	vadd.f32 v14, v0  }
0xd7: {  	v56 =	vld [tilespmem:s31+$0x13DE0];
	[tilespmem:s31+$0x18DF0] =	vst v2;
	v6 =	vadd.f32 v49, v48;
	v1 =	vadd.f32 v15, v1  }
0xd8: {  	v2 =	vadd.f32 v51, v50;
	[tilespmem:s31+$0x18D80] =	vst v0;
	v57 =	vadd.f32 v16, v3  }
0xd9: {  	s28 =	sadd.s32 $0x1, s28;
	v58 =	vadd.f32 v52, v10;
	v59 =	vadd.f32 v53, v6;
	[tilespmem:s31+$0x18D90] =	vst v1  }
0xda: {  	s0 =	smul.u32 $0x50, s29;
	p0 =	sne.s32 s28, $0x3E;
	v60 =	vadd.f32 v13, v12;
	v61 =	vadd.f32 v54, v2;
	[tilespmem:s31+$0x18DA0] =	vst v57  }
.Ltmp2:
0xdb: {  	v62 =	vadd.f32 v55, v58;
	[tilespmem:s31+$0x18DB0] =	vst v59;
	(pc) =	sbr.rel @p0 .LBB2_2-.Ltmp2, $4  }
0xdc: {  	s0 =	sadd.s32 s8, s0;
	v63 =	vadd.f32 v56, v60;
	[tilespmem:s31+$0x18DC0] =	vst v61  }
0xdd: {  	s0 =	sshll.u32 s0, $0x4;
	[tilespmem:s31+$0x18DD0] =	vst v62  }
0xde: {  	s0 =	sadd.s32 s6, s0;
	[tilespmem:s31+$0x18DE0] =	vst v63  }
0xdf: {  	[hbm4b:s0+s2] =	stream.linear.scatter [tilespmem:s23], [sflag:$0x4], $0x2800, $0x38;
	[tilespmem:$0x1B580] =	vst v63  }
0xe0: {  	_ =	swait.ge [sflag:s20], $0x2800  }
0xe1: {  	[sflag:s20] =	ssyncset.done $0x0  }
0xe2: {  	[sflag:s20] =	ssyncadd.s32 $0xFFFFD800  }
0xe3: {  	_ =	swait.ge [sflag:s20], $0x2800  }
0xe4: {  	[sflag:s20] =	ssyncset.done $0x0  }
0xe5: {  	[sflag:s20] =	ssyncadd.s32 $0xFFFFD800  }
0xe6: {  	_ =	swait.ge [sflag:s20], $0x2800  }
0xe7: {  	[sflag:s20] =	ssyncset.done $0x0  }
0xe8: {  	[sflag:s20] =	ssyncadd.s32 $0xFFFFD800  }
0xe9: {  	_ =	swait.ge [sflag:s24], $0x2800  }
0xea: {  	[sflag:s24] =	ssyncset.done $0x0  }
0xeb: {  	s28 =	simm.s32 $0x0;
	[sflag:s24] =	ssyncadd.s32 $0xFFFFD800  }
0xec: {  	v0 =	vld [tilespmem:s28+$0x75F0]  }
0xed: {  	v1 =	vld [tilespmem:s28+$0x9DF0]  }
0xee: {  	v2 =	vld [tilespmem:s28+$0x7580]  }
0xef: {  	v3 =	vld [tilespmem:s28+$0xC5F0]  }
0xf0: {  	v4 =	vld [tilespmem:s28+$0x9D80]  }
0xf1: {  	v5 =	vld [tilespmem:s28+$0x7590]  }
0xf2: {  	v6 =	vld [tilespmem:s28+$0x9D90]  }
0xf3: {  	v7 =	vld [tilespmem:s28+$0x9DA0]  }
0xf4: {  	v9 =	vld [tilespmem:s28+$0x9DB0]  }
0xf5: {  	v10 =	vld [tilespmem:s28+$0x75C0]  }
0xf6: {  	v11 =	vld [tilespmem:s28+$0x9DC0]  }
0xf7: {  	v12 =	vld [tilespmem:s28+$0x75D0]  }
0xf8: {  	v13 =	vld [tilespmem:s28+$0x9DD0]  }
0xf9: {  	v14 =	vld [tilespmem:s28+$0x75E0]  }
0xfa: {  	v15 =	vld [tilespmem:s28+$0x9DE0]  }
0xfb: {  	v16 =	vld [tilespmem:s28+$0xC580]  }
0xfc: {  	v0 =	vadd.f32 v1, v0;
	v1 =	vld [tilespmem:s28+$0x75A0]  }
0xfd: {  	v17 =	vld [tilespmem:s28+$0xC590]  }
0xfe: {  	v0 =	vadd.f32 v3, v0;
	v3 =	vld [tilespmem:s28+$0x75B0]  }
0xff: {  	v18 =	vld [tilespmem:s28+$0xC5A0]  }
0x100: {  	v8 =	vld [tilespmem:s28+$0xC5B0];
	v2 =	vadd.f32 v4, v2;
	v19 =	vadd.f32 v6, v5  }
0x101: {  	v5 =	vld [tilespmem:s28+$0xC5C0];
	v4 =	vadd.f32 v13, v12;
	v20 =	vadd.f32 v7, v1  }
0x102: {  	v6 =	vld [tilespmem:s28+$0xC5D0];
	v1 =	vadd.f32 v11, v10;
	v10 =	vadd.f32 v16, v2  }
0x103: {  	s29 =	simm.s32 $0x80;
	[tilespmem:s28+$0x165F0] =	vst v0;
	v7 =	vld [tilespmem:s28+$0xC5E0];
	v0 =	vadd.f32 v9, v3;
	v9 =	vadd.f32 v17, v19  }
0x104: {  	s0 =	simm.s32 $0x400;
	v2 =	vadd.f32 v15, v14;
	v3 =	vld [tilespmem:s29+$0x75F0];
	[tilespmem:s28+$0x16580] =	vst v10;
	v10 =	vadd.f32 v18, v20  }
.LBB2_8:
0x105: {  	p0 =	sne.s32 s0, $0x9E00;
	v11 =	vld [tilespmem:s29+$0x9DF0];
	[tilespmem:s28+$0x16590] =	vst v9;
	v0 =	vadd.f32 v8, v0  }
0x106: {  	v8 =	vld [tilespmem:s29+$0x7580];
	[tilespmem:s28+$0x165A0] =	vst v10;
	v1 =	vadd.f32 v5, v1  }
0x107: {  	v5 =	vld [tilespmem:s29+$0xC5F0];
	[tilespmem:s28+$0x165B0] =	vst v0;
	v0 =	vadd.f32 v6, v4  }
0x108: {  	v4 =	vld [tilespmem:s29+$0x9D80];
	[tilespmem:s28+$0x165C0] =	vst v1;
	v1 =	vadd.f32 v7, v2  }
0x109: {  	v2 =	vld [tilespmem:s29+$0x7590];
	[tilespmem:s28+$0x165D0] =	vst v0  }
0x10a: {  	v0 =	vld [tilespmem:s29+$0x9D90];
	v3 =	vadd.f32 v11, v3;
	[tilespmem:s28+$0x165E0] =	vst v1;
	s28 =	smov.u32 s29  }
0x10b: {  	v1 =	vld [tilespmem:s28+$0x75A0]  }
0x10c: {  	v6 =	vld [tilespmem:s28+$0x9DA0];
	v3 =	vadd.f32 v5, v3  }
0x10d: {  	v7 =	vadd.f32 v4, v8;
	v4 =	vld [tilespmem:s28+$0x75B0]  }
0x10e: {  	v5 =	vld [tilespmem:s28+$0x9DB0];
	[tilespmem:s28+$0x165F0] =	vst v3  }
0x10f: {  	v3 =	vadd.f32 v0, v2;
	v2 =	vld [tilespmem:s28+$0x75C0]  }
0x110: {  	v8 =	vld [tilespmem:s28+$0x9DC0]  }
0x111: {  	v10 =	vadd.f32 v6, v1;
	v6 =	vld [tilespmem:s28+$0x75D0]  }
0x112: {  	v9 =	vld [tilespmem:s28+$0x9DD0]  }
0x113: {  	v0 =	vadd.f32 v5, v4;
	v11 =	vld [tilespmem:s28+$0x75E0]  }
0x114: {  	v12 =	vld [tilespmem:s28+$0x9DE0]  }
0x115: {  	v13 =	vld [tilespmem:s28+$0xC580];
	v1 =	vadd.f32 v8, v2  }
0x116: {  	v14 =	vld [tilespmem:s28+$0xC590]  }
0x117: {  	v15 =	vld [tilespmem:s28+$0xC5A0];
	v4 =	vadd.f32 v9, v6  }
.Ltmp3:
0x118: {  	v8 =	vld [tilespmem:s28+$0xC5B0];
	(pc) =	sbr.rel @p0 .LBB2_8-.Ltmp3, $4  }
0x119: {  	v5 =	vld [tilespmem:s28+$0xC5C0];
	v2 =	vadd.f32 v12, v11  }
0x11a: {  	v11 =	vadd.f32 v13, v7;
	v6 =	vld [tilespmem:s28+$0xC5D0]  }
0x11b: {  	s29 =	sshra.s32 s0, $0x2;
	v9 =	vadd.f32 v14, v3;
	v7 =	vld [tilespmem:s28+$0xC5E0]  }
0x11c: {  	s0 =	sadd.s32 $0x200, s0;
	v3 =	vld [tilespmem:s29+$0x75F0];
	[tilespmem:s28+$0x16580] =	vst v11;
	v10 =	vadd.f32 v15, v10  }
0x11d: {  	v11 =	vld [tilespmem:s29+$0x9DF0];
	[tilespmem:s28+$0x16590] =	vst v9;
	v0 =	vadd.f32 v8, v0  }
0x11e: {  	v9 =	vld [tilespmem:s29+$0x7580];
	[tilespmem:s28+$0x165A0] =	vst v10;
	v1 =	vadd.f32 v5, v1  }
0x11f: {  	v44 =	vld [tilespmem:s29+$0xC5F0];
	[tilespmem:s28+$0x165B0] =	vst v0;
	v4 =	vadd.f32 v6, v4  }
0x120: {  	v0 =	vld [tilespmem:s29+$0x9D80];
	[tilespmem:s28+$0x165C0] =	vst v1;
	v2 =	vadd.f32 v7, v2  }
0x121: {  	v1 =	vld [tilespmem:s29+$0x7590];
	[tilespmem:s28+$0x165D0] =	vst v4  }
0x122: {  	v4 =	vld [tilespmem:s29+$0x9D90];
	[tilespmem:s28+$0x165E0] =	vst v2  }
0x123: {  	v46 =	vld [tilespmem:s29+$0x75A0]  }
0x124: {  	v47 =	vld [tilespmem:s29+$0x9DA0]  }
0x125: {  	v48 =	vld [tilespmem:s29+$0x75B0]  }
0x126: {  	v49 =	vld [tilespmem:s29+$0x9DB0]  }
0x127: {  	v50 =	vld [tilespmem:s29+$0x75C0]  }
0x128: {  	v51 =	vld [tilespmem:s29+$0x9DC0]  }
0x129: {  	v10 =	vld [tilespmem:s29+$0x75D0]  }
0x12a: {  	v52 =	vld [tilespmem:s29+$0x9DD0]  }
0x12b: {  	v12 =	vld [tilespmem:s29+$0x75E0]  }
0x12c: {  	v13 =	vld [tilespmem:s29+$0x9DE0]  }
0x12d: {  	v14 =	vld [tilespmem:s29+$0xC580]  }
0x12e: {  	v15 =	vld [tilespmem:s29+$0xC590]  }
0x12f: {  	v45 =	vadd.f32 v11, v3;
	v16 =	vld [tilespmem:s29+$0xC5A0]  }
0x130: {  	v53 =	vld [tilespmem:s29+$0xC5B0];
	v0 =	vadd.f32 v0, v9  }
0x131: {  	v54 =	vld [tilespmem:s29+$0xC5C0];
	v2 =	vadd.f32 v44, v45;
	v1 =	vadd.f32 v4, v1  }
0x132: {  	v55 =	vld [tilespmem:s29+$0xC5D0];
	v3 =	vadd.f32 v47, v46;
	v0 =	vadd.f32 v14, v0  }
0x133: {  	v56 =	vld [tilespmem:s29+$0xC5E0];
	[tilespmem:s29+$0x165F0] =	vst v2;
	v6 =	vadd.f32 v49, v48;
	v1 =	vadd.f32 v15, v1  }
0x134: {  	v2 =	vadd.f32 v51, v50;
	[tilespmem:s29+$0x16580] =	vst v0;
	v57 =	vadd.f32 v16, v3  }
0x135: {  	v58 =	vadd.f32 v52, v10;
	v59 =	vadd.f32 v53, v6;
	[tilespmem:s29+$0x16590] =	vst v1  }
0x136: {  	v60 =	vadd.f32 v13, v12;
	v61 =	vadd.f32 v54, v2;
	[tilespmem:s29+$0x165A0] =	vst v57  }
0x137: {  	v62 =	vadd.f32 v55, v58;
	[tilespmem:s29+$0x165B0] =	vst v59  }
0x138: {  	v63 =	vadd.f32 v56, v60;
	[tilespmem:s29+$0x165C0] =	vst v61  }
0x139: {  	[tilespmem:s29+$0x165D0] =	vst v62  }
0x13a: {  	s26 =	sadd.s32 $0x1, s26;
	[tilespmem:s29+$0x165E0] =	vst v63  }
0x13b: {  	[hbm4b:s9+s2] =	stream.linear.scatter [tilespmem:s21], [sflag:$0x3], $0x2800, $0x38;
	[tilespmem:$0x1B580] =	vst v63  }
0x13c: {  	p0 =	sne.s32 s26, s10;
	_ =	swait.ge [sflag:s24], $0x2800  }
.Ltmp4:
0x13d: {  	[sflag:s24] =	ssyncset.done $0x0;
	(pc) =	sbr.rel @p0 .LBB2_1-.Ltmp4, $4  }
0x13e: {  	[sflag:s24] =	ssyncadd.s32 $0xFFFFD800  }
0x13f: {  	_ =	swait.ge [sflag:s25], $0x2800  }
0x140: {  	[sflag:s25] =	ssyncset.done $0x0  }
0x141: {  	[sflag:s25] =	ssyncadd.s32 $0xFFFFD800  }
0x142: {  	_ =	sfence.sel $0x180000  }
0x143: {  	[bflag:$0x0] =	sbarrier.arrive $0xFFFF  }
0x144: {  	_ =	strace $0x90000047  }
0x145: {  	[bflag:$0x2] =	sbarrier.arrive $0xFFFF  }
0x146: {  	p0 =	sne.s32 s1, $0x0;
	s0 =	rddreg [dreg:$0x1]  }
0x147: {  	s0 =	sadd.s32 @!p0 $0x100000, s0  }
0x148: {  	[sflag:s0] =	ssyncadd.tile.s32 @!p0 $0x1;
	_ =	shalt  }
.Lfunc_end2:
_tile_overlayer_lowered:
.L_overlay_start_2:
0x149: {  	(tag) =	ssettag $0x2  }
0x14a: {  	s0 =	rddreg [dreg:$0x0];
	s2 =	stileid.u32  }
0x14b: {  	s1 =	rddreg [dreg:$0x1];
	p0 =	sne.s32 s2, $0x0  }
0x14c: {  	s3 =	rddreg [dreg:$0x2];
	[bflag:$0x3] =	sbarrier.arrive $0xFFFF;
	s2 =	simm.s32 @!p0 $0x1C05  }
0x14d: {  	[timem:s3], [sflag:s2] =	dma.local @!p0 [hbm:s0], s1  }
0x14e: {  	s0 =	simm.s32 @!p0 $0x5  }
0x14f: {  	_ =	swait.ge @!p0 [sflag:s0], s1  }
0x150: {  	s1 =	ssub.s32 @!p0 $0x0, s1;
	[sflag:s0] =	ssyncset.done @!p0 $0x0  }
0x151: {  	[sflag:s0] =	ssyncadd.s32 @!p0 s1  }
0x152: {  	[bflag:$0x3] =	sbarrier.arrive $0xFFFF  }
0x153: {  	_ =	shalt  }

</sc_bundles>
